<compile_context>
chip_gen: v7x
topology: tpu7x:2x2x1
jax: 0.10.2.dev20260603
libtpu: 0.0.44.dev20260713+nightly
codegen_flags: <defaults>
</compile_context>

<pallas_src>
import functools

import numpy as np

import jax
import jax.numpy as jnp
from jax import lax
from jax.experimental import pallas as pl
from jax.experimental.pallas import tpu as pltpu
from jax.experimental.pallas import tpu_sc as plsc

N_NODES = 10000
D = 128
N_EDGES = 320000

NC = 2
NS = 16
NW = NC * NS
CH = 64
NBUF = 4
HALF = 40
C0_CHUNKS = 320
PADDED_E = NS * C0_CHUNKS * CH
NPAD = 10240
ROWS_PER_TILE = NPAD // NS
DUMMY_DST = N_NODES


def _sc_aggregate(src2d, dst2d, x, zeros):

    mesh = plsc.VectorSubcoreMesh(core_axis_name="c", subcore_axis_name="s")

    @functools.partial(
        pl.kernel,
        mesh=mesh,
        out_type=jax.ShapeDtypeStruct((NPAD, D), jnp.float32),
        scratch_types=[
            pltpu.VMEM((HALF, CH), jnp.int32),
            pltpu.VMEM((HALF, CH), jnp.int32),
            pltpu.VMEM((NBUF, CH, D), jnp.float32),
            pltpu.VMEM_SHARED((NPAD, D), jnp.float32),
        ] + [pltpu.SemaphoreType.DMA] * NBUF,
    )
    def agg(src_hbm, dst_hbm, x_hbm, zeros_hbm, out_hbm,
            src_v, dst_v, rows_v, acc, *gsems):
        c = lax.axis_index("c")
        s = lax.axis_index("s")

        @pl.when(c == 0)
        def _():
            pltpu.sync_copy(zeros_hbm,
                            acc.at[pl.ds(s * ROWS_PER_TILE, ROWS_PER_TILE)])

        plsc.subcore_barrier()

        def fire_gather(buf, chunk):
            pltpu.async_copy(x_hbm.at[src_v.at[chunk]],
                             rows_v.at[buf], gsems[buf])

        def wait_gather(buf):
            pltpu.make_async_copy(x_hbm.at[src_v.at[0]],
                                  rows_v.at[buf], gsems[buf]).wait()

        def scatter(buf, chunk):
            pltpu.sync_copy(rows_v.at[buf], acc.at[dst_v.at[chunk]], add=True)

        def run_half(chunk0):
            pltpu.sync_copy(src_hbm.at[pl.ds(chunk0, HALF)], src_v)
            pltpu.sync_copy(dst_hbm.at[pl.ds(chunk0, HALF)], dst_v)

            for b in range(NBUF):
                fire_gather(b, b)

            def step(g, carry):
                base = NBUF * g
                for b in range(NBUF):
                    wait_gather(b)
                    scatter(b, base + b)
                    fire_gather(b, jnp.minimum(base + NBUF + b, HALF - 1))
                return carry

            lax.fori_loop(0, HALF // NBUF, step, 0)
            for b in range(NBUF):
                wait_gather(b)

        @pl.when(c == 0)
        def _():
            for h in range(C0_CHUNKS // HALF):
                run_half(s * C0_CHUNKS + h * HALF)

        plsc.subcore_barrier()

        @pl.when(c == 0)
        def _():
            pltpu.sync_copy(acc.at[pl.ds(s * ROWS_PER_TILE, ROWS_PER_TILE)],
                            out_hbm.at[pl.ds(s * ROWS_PER_TILE, ROWS_PER_TILE)])

    return agg(src2d, dst2d, x, zeros)


def _tc_finish_body(agg_ref, w_ref, b_ref, o_ref):
    y = jnp.dot(agg_ref[...], w_ref[...], preferred_element_type=jnp.float32)
    o_ref[...] = jnp.maximum(y + b_ref[...], 0.0)


def _tc_finish(partials, W, b):
    rb = 1000
    return pl.pallas_call(
        _tc_finish_body,
        grid=(N_NODES // rb,),
        in_specs=[
            pl.BlockSpec((rb, D), lambda i: (i, 0)),
            pl.BlockSpec((D, D), lambda i: (0, 0)),
            pl.BlockSpec((1, D), lambda i: (0, 0)),
        ],
        out_specs=pl.BlockSpec((rb, D), lambda i: (i, 0)),
        out_shape=jax.ShapeDtypeStruct((N_NODES, D), jnp.float32),
    )(partials, W, b.reshape(1, D))


@jax.jit
def kernel(x, edge_index, W, b):
    src = edge_index[0].astype(jnp.int32)
    dst = edge_index[1].astype(jnp.int32)
    pad = PADDED_E - N_EDGES
    src = jnp.concatenate([src, jnp.zeros((pad,), jnp.int32)])
    dst = jnp.concatenate(
        [dst, DUMMY_DST + jnp.arange(pad, dtype=jnp.int32) % (NPAD - N_NODES)])
    src2d = src.reshape(PADDED_E // CH, CH)
    dst2d = dst.reshape(PADDED_E // CH, CH)
    n_chunks = PADDED_E // CH
    n_real = N_EDGES // CH
    n_dummy = n_chunks - n_real
    dummy_slots = (np.arange(n_dummy) * n_chunks) // n_dummy
    real_slots = np.setdiff1d(np.arange(n_chunks), dummy_slots)
    perm = np.empty(n_chunks, np.int32)
    perm[dummy_slots] = n_real + np.arange(n_dummy)
    perm[real_slots] = np.arange(n_real)
    src2d = jnp.take(src2d, perm, axis=0)
    dst2d = jnp.take(dst2d, perm, axis=0)
    zeros = jnp.zeros((ROWS_PER_TILE, D), jnp.float32)

    partials = _sc_aggregate(src2d, dst2d, x, zeros)
    out = _tc_finish(partials, W, b)
    return (out, edge_index)

# --- scband reference (transcript-rebuilt; emitter-appended) ---
"""Pipeline reference for scband-gcn-layer-42374147342489 (READ-ONLY COPY).

The authoritative reference and input builder live on the scoring server;
editing this copy changes nothing except your own understanding.
"""

import jax, jax.numpy as jnp
import numpy as np
import math

N_NODES = 10000
N_EDGES = 320000
D_IN = 128
D_HID = 128

def setup_inputs(seed: int = 0) -> dict:
    key = jax.random.key(seed)
    k_x, k_e, k_w, k_b = jax.random.split(key, 4)
    x = jax.random.normal(k_x, (N_NODES, D_IN), dtype=jnp.float32)
    edge_index = jax.random.randint(k_e, (2, N_EDGES), 0, N_NODES, dtype=jnp.int64)
    stdv = 1.0 / math.sqrt(D_HID)
    W = jax.random.uniform(k_w, (D_IN, D_HID), dtype=jnp.float32, minval=-stdv, maxval=stdv)
    b = jax.random.uniform(k_b, (D_HID,), dtype=jnp.float32, minval=-stdv, maxval=stdv)
    return {"x": x, "edge_index": edge_index, "W": W, "b": b}

def reference(x, edge_index, W, b):
    # GCN_Layer.forward in eval mode (dropout_prob=0.0 -> identity).
    # adjacent_matrix is the sparse COO adjacency built from edge_index with
    # unit edge values; torch.spmm(A, support) == segment_sum of gathered rows.
    num_of_nodes = x.shape[0]
    support = x @ W                      # torch.mm(in_nodes_features, self.weight)
    src = edge_index[0]
    dst = edge_index[1]
    messages = jnp.take(support, src, axis=0)              # gather
    output = jax.ops.segment_sum(messages, dst, num_segments=num_of_nodes)  # spmm
    output = output + b                  # bias add
    output = jax.nn.relu(output)         # activation
    return (output, edge_index)

if __name__ == "__main__":
    import jax
    _d = setup_inputs()
    print(jax.jit(kernel)(*tuple(_d.values())))

</pallas_src>

<mosaic_0001>
#map = affine_map<(d0, d1) -> (0, 0)>
module attributes {stable_mosaic.version = 14 : i64} {
  func.func @agg(%arg0: i32, %arg1: i32, %arg2: memref<5120x64xi32, #tpu.memory_space<hbm>>, %arg3: memref<5120x64xi32, #tpu.memory_space<hbm>>, %arg4: memref<10000x128xf32, #tpu.memory_space<hbm>>, %arg5: memref<640x128xf32, #tpu.memory_space<hbm>>, %arg6: memref<10240x128xf32, #tpu.memory_space<hbm>>, %arg7: memref<40x64xi32, #tpu.memory_space<vmem>>, %arg8: memref<40x64xi32, #tpu.memory_space<vmem>>, %arg9: memref<4x64x128xf32, #tpu.memory_space<vmem>>, %arg10: memref<10240x128xf32, #tpu.memory_space<vmem_shared>>, %arg11: memref<!tpu.dma_semaphore, #tpu.memory_space<semaphore_mem>>, %arg12: memref<!tpu.dma_semaphore, #tpu.memory_space<semaphore_mem>>, %arg13: memref<!tpu.dma_semaphore, #tpu.memory_space<semaphore_mem>>, %arg14: memref<!tpu.dma_semaphore, #tpu.memory_space<semaphore_mem>>) attributes {dimension_semantics = [#tpu.dimension_semantics<core_parallel>, #tpu.dimension_semantics<subcore_parallel>], iteration_bounds = array<i64: 2, 16>, scalar_prefetch = 0 : i64, scratch_operands = 8 : i64, tpu.core_type = #tpu.core_type<sc_vector_subcore>, window_params = [{transform_indices = #map}, {transform_indices = #map}, {transform_indices = #map}, {transform_indices = #map}, {transform_indices = #map}]} {
    %eq3A = arith.constant 0 : i32
    %eq3A_0 = arith.cmpi eq, %arg0, %eq3A : i32
    %convert_element_type3A = arith.extui %eq3A_0 : i1 to i32
    %cond3A = arith.constant 0 : i32
    %cond3A_1 = arith.cmpi ne, %convert_element_type3A, %cond3A : i32
    scf.if %cond3A_1 {
      %mul3A = arith.constant 640 : i32
      %mul3A_13 = arith.muli %arg1, %mul3A : i32
      "tpu.region"() ({
        %run_scoped3A = tpu.sem_alloc : memref<!tpu.dma_semaphore, #tpu.memory_space<semaphore_mem>>
        %dma_start3A = arith.constant 0 : i32
        %dma_start3A_14 = tpu.memref_slice %arg10[%mul3A_13, %dma_start3A] : memref<10240x128xf32, #tpu.memory_space<vmem_shared>> -> memref<640x128xf32, #tpu.memory_space<vmem_shared>>
        tpu.enqueue_dma source(%arg5 : memref<640x128xf32, #tpu.memory_space<hbm>>) target(%dma_start3A_14 : memref<640x128xf32, #tpu.memory_space<vmem_shared>>) target_semaphore(%run_scoped3A : memref<!tpu.dma_semaphore, #tpu.memory_space<semaphore_mem>>)
        %dma_wait3A = arith.constant 0 : i32
        %dma_wait3A_15 = tpu.memref_slice %arg10[%mul3A_13, %dma_wait3A] : memref<10240x128xf32, #tpu.memory_space<vmem_shared>> -> memref<640x128xf32, #tpu.memory_space<vmem_shared>>
        tpu.wait_dma2 semaphore(%run_scoped3A : memref<!tpu.dma_semaphore, #tpu.memory_space<semaphore_mem>>) src(%arg5 : memref<640x128xf32, #tpu.memory_space<hbm>>) dst(%dma_wait3A_15 : memref<640x128xf32, #tpu.memory_space<vmem_shared>>)
        tpu.yield
      }) : () -> ()
    } else {
    }
    %barrier3A = arith.constant 0 : index
    tpu.barrier barrier_id(%barrier3A)
    %eq3A_2 = arith.constant 0 : i32
    %eq3A_3 = arith.cmpi eq, %arg0, %eq3A_2 : i32
    %convert_element_type3A_4 = arith.extui %eq3A_3 : i1 to i32
    %cond3A_5 = arith.constant 0 : i32
    %cond3A_6 = arith.cmpi ne, %convert_element_type3A_4, %cond3A_5 : i32
    scf.if %cond3A_6 {
      %mul3A = arith.constant 320 : i32
      %mul3A_13 = arith.muli %arg1, %mul3A : i32
      %add3A = arith.constant 0 : i32
      %add3A_14 = arith.addi %mul3A_13, %add3A : i32
      "tpu.region"() ({
        %run_scoped3A = tpu.sem_alloc : memref<!tpu.dma_semaphore, #tpu.memory_space<semaphore_mem>>
        %dma_start3A_856 = arith.constant 0 : i32
        %dma_start3A_857 = tpu.memref_slice %arg2[%add3A_14, %dma_start3A_856] : memref<5120x64xi32, #tpu.memory_space<hbm>> -> memref<40x64xi32, #tpu.memory_space<hbm>>
        %dma_start3A_858 = arith.constant 0 : i32
        %dma_start3A_859 = tpu.memref_slice %arg2[%add3A_14, %dma_start3A_858] : memref<5120x64xi32, #tpu.memory_space<hbm>> -> memref<40x64xi32, #tpu.memory_space<hbm>>
        tpu.enqueue_dma source(%dma_start3A_859 : memref<40x64xi32, #tpu.memory_space<hbm>>) target(%arg7 : memref<40x64xi32, #tpu.memory_space<vmem>>) target_semaphore(%run_scoped3A : memref<!tpu.dma_semaphore, #tpu.memory_space<semaphore_mem>>)
        %dma_wait3A_860 = arith.constant 0 : i32
        %dma_wait3A_861 = tpu.memref_slice %arg2[%add3A_14, %dma_wait3A_860] : memref<5120x64xi32, #tpu.memory_space<hbm>> -> memref<40x64xi32, #tpu.memory_space<hbm>>
        %dma_wait3A_862 = arith.constant 0 : i32
        %dma_wait3A_863 = tpu.memref_slice %arg2[%add3A_14, %dma_wait3A_862] : memref<5120x64xi32, #tpu.memory_space<hbm>> -> memref<40x64xi32, #tpu.memory_space<hbm>>
        tpu.wait_dma2 semaphore(%run_scoped3A : memref<!tpu.dma_semaphore, #tpu.memory_space<semaphore_mem>>) src(%dma_wait3A_863 : memref<40x64xi32, #tpu.memory_space<hbm>>) dst(%arg7 : memref<40x64xi32, #tpu.memory_space<vmem>>)
        tpu.yield
      }) : () -> ()
      "tpu.region"() ({
        %run_scoped3A = tpu.sem_alloc : memref<!tpu.dma_semaphore, #tpu.memory_space<semaphore_mem>>
        %dma_start3A_856 = arith.constant 0 : i32
        %dma_start3A_857 = tpu.memref_slice %arg3[%add3A_14, %dma_start3A_856] : memref<5120x64xi32, #tpu.memory_space<hbm>> -> memref<40x64xi32, #tpu.memory_space<hbm>>
        %dma_start3A_858 = arith.constant 0 : i32
        %dma_start3A_859 = tpu.memref_slice %arg3[%add3A_14, %dma_start3A_858] : memref<5120x64xi32, #tpu.memory_space<hbm>> -> memref<40x64xi32, #tpu.memory_space<hbm>>
        tpu.enqueue_dma source(%dma_start3A_859 : memref<40x64xi32, #tpu.memory_space<hbm>>) target(%arg8 : memref<40x64xi32, #tpu.memory_space<vmem>>) target_semaphore(%run_scoped3A : memref<!tpu.dma_semaphore, #tpu.memory_space<semaphore_mem>>)
        %dma_wait3A_860 = arith.constant 0 : i32
        %dma_wait3A_861 = tpu.memref_slice %arg3[%add3A_14, %dma_wait3A_860] : memref<5120x64xi32, #tpu.memory_space<hbm>> -> memref<40x64xi32, #tpu.memory_space<hbm>>
        %dma_wait3A_862 = arith.constant 0 : i32
        %dma_wait3A_863 = tpu.memref_slice %arg3[%add3A_14, %dma_wait3A_862] : memref<5120x64xi32, #tpu.memory_space<hbm>> -> memref<40x64xi32, #tpu.memory_space<hbm>>
        tpu.wait_dma2 semaphore(%run_scoped3A : memref<!tpu.dma_semaphore, #tpu.memory_space<semaphore_mem>>) src(%dma_wait3A_863 : memref<40x64xi32, #tpu.memory_space<hbm>>) dst(%arg8 : memref<40x64xi32, #tpu.memory_space<vmem>>)
        tpu.yield
      }) : () -> ()
      %dma_start3A = arith.constant 0 : i32
      %dma_start3A_15 = arith.constant 0 : i32
      %dma_start3A_16 = arith.constant 0 : i32
      %dma_start3A_17 = arith.constant 0 : i32
      %dma_start3A_18 = tpu.memref_slice %arg9[%dma_start3A_15, %dma_start3A_16, %dma_start3A_17] : memref<4x64x128xf32, #tpu.memory_space<vmem>> -> memref<1x64x128xf32, #tpu.memory_space<vmem>>
      %dma_start3A_19 = tpu.memref_squeeze %dma_start3A_18 : memref<1x64x128xf32, #tpu.memory_space<vmem>> -> memref<64x128xf32, #tpu.memory_space<vmem>>
      %dma_start3A_20 = arith.constant 0 : i32
      %dma_start3A_21 = tpu.memref_slice %arg7[%dma_start3A, %dma_start3A_20] : memref<40x64xi32, #tpu.memory_space<vmem>> -> memref<1x64xi32, #tpu.memory_space<vmem>>
      %dma_start3A_22 = tpu.memref_squeeze %dma_start3A_21 : memref<1x64xi32, #tpu.memory_space<vmem>> -> memref<64xi32, #tpu.memory_space<vmem>>
      %dma_start3A_23 = arith.constant 0 : i32
      %dma_start3A_24 = arith.constant 0 : i32
      %dma_start3A_25 = tpu.memref_slice %arg4[%dma_start3A_23, %dma_start3A_24] : memref<10000x128xf32, #tpu.memory_space<hbm>> -> memref<10000x128xf32, #tpu.memory_space<hbm>>
      tpu.enqueue_indirect_dma source(%dma_start3A_25 : memref<10000x128xf32, #tpu.memory_space<hbm>>) target(%dma_start3A_19 : memref<64x128xf32, #tpu.memory_space<vmem>>) offsets(%dma_start3A_22 : memref<64xi32, #tpu.memory_space<vmem>>) semaphore(%arg11 : memref<!tpu.dma_semaphore, #tpu.memory_space<semaphore_mem>>)
      %dma_start3A_26 = arith.constant 1 : i32
      %dma_start3A_27 = arith.constant 1 : i32
      %dma_start3A_28 = arith.constant 0 : i32
      %dma_start3A_29 = arith.constant 0 : i32
      %dma_start3A_30 = tpu.memref_slice %arg9[%dma_start3A_27, %dma_start3A_28, %dma_start3A_29] : memref<4x64x128xf32, #tpu.memory_space<vmem>> -> memref<1x64x128xf32, #tpu.memory_space<vmem>>
      %dma_start3A_31 = tpu.memref_squeeze %dma_start3A_30 : memref<1x64x128xf32, #tpu.memory_space<vmem>> -> memref<64x128xf32, #tpu.memory_space<vmem>>
      %dma_start3A_32 = arith.constant 0 : i32
      %dma_start3A_33 = tpu.memref_slice %arg7[%dma_start3A_26, %dma_start3A_32] : memref<40x64xi32, #tpu.memory_space<vmem>> -> memref<1x64xi32, #tpu.memory_space<vmem>>
      %dma_start3A_34 = tpu.memref_squeeze %dma_start3A_33 : memref<1x64xi32, #tpu.memory_space<vmem>> -> memref<64xi32, #tpu.memory_space<vmem>>
      %dma_start3A_35 = arith.constant 0 : i32
      %dma_start3A_36 = arith.constant 0 : i32
      %dma_start3A_37 = tpu.memref_slice %arg4[%dma_start3A_35, %dma_start3A_36] : memref<10000x128xf32, #tpu.memory_space<hbm>> -> memref<10000x128xf32, #tpu.memory_space<hbm>>
      tpu.enqueue_indirect_dma source(%dma_start3A_37 : memref<10000x128xf32, #tpu.memory_space<hbm>>) target(%dma_start3A_31 : memref<64x128xf32, #tpu.memory_space<vmem>>) offsets(%dma_start3A_34 : memref<64xi32, #tpu.memory_space<vmem>>) semaphore(%arg12 : memref<!tpu.dma_semaphore, #tpu.memory_space<semaphore_mem>>)
      %dma_start3A_38 = arith.constant 2 : i32
      %dma_start3A_39 = arith.constant 2 : i32
      %dma_start3A_40 = arith.constant 0 : i32
      %dma_start3A_41 = arith.constant 0 : i32
      %dma_start3A_42 = tpu.memref_slice %arg9[%dma_start3A_39, %dma_start3A_40, %dma_start3A_41] : memref<4x64x128xf32, #tpu.memory_space<vmem>> -> memref<1x64x128xf32, #tpu.memory_space<vmem>>
      %dma_start3A_43 = tpu.memref_squeeze %dma_start3A_42 : memref<1x64x128xf32, #tpu.memory_space<vmem>> -> memref<64x128xf32, #tpu.memory_space<vmem>>
      %dma_start3A_44 = arith.constant 0 : i32
      %dma_start3A_45 = tpu.memref_slice %arg7[%dma_start3A_38, %dma_start3A_44] : memref<40x64xi32, #tpu.memory_space<vmem>> -> memref<1x64xi32, #tpu.memory_space<vmem>>
      %dma_start3A_46 = tpu.memref_squeeze %dma_start3A_45 : memref<1x64xi32, #tpu.memory_space<vmem>> -> memref<64xi32, #tpu.memory_space<vmem>>
      %dma_start3A_47 = arith.constant 0 : i32
      %dma_start3A_48 = arith.constant 0 : i32
      %dma_start3A_49 = tpu.memref_slice %arg4[%dma_start3A_47, %dma_start3A_48] : memref<10000x128xf32, #tpu.memory_space<hbm>> -> memref<10000x128xf32, #tpu.memory_space<hbm>>
      tpu.enqueue_indirect_dma source(%dma_start3A_49 : memref<10000x128xf32, #tpu.memory_space<hbm>>) target(%dma_start3A_43 : memref<64x128xf32, #tpu.memory_space<vmem>>) offsets(%dma_start3A_46 : memref<64xi32, #tpu.memory_space<vmem>>) semaphore(%arg13 : memref<!tpu.dma_semaphore, #tpu.memory_space<semaphore_mem>>)
      %dma_start3A_50 = arith.constant 3 : i32
      %dma_start3A_51 = arith.constant 3 : i32
      %dma_start3A_52 = arith.constant 0 : i32
      %dma_start3A_53 = arith.constant 0 : i32
      %dma_start3A_54 = tpu.memref_slice %arg9[%dma_start3A_51, %dma_start3A_52, %dma_start3A_53] : memref<4x64x128xf32, #tpu.memory_space<vmem>> -> memref<1x64x128xf32, #tpu.memory_space<vmem>>
      %dma_start3A_55 = tpu.memref_squeeze %dma_start3A_54 : memref<1x64x128xf32, #tpu.memory_space<vmem>> -> memref<64x128xf32, #tpu.memory_space<vmem>>
      %dma_start3A_56 = arith.constant 0 : i32
      %dma_start3A_57 = tpu.memref_slice %arg7[%dma_start3A_50, %dma_start3A_56] : memref<40x64xi32, #tpu.memory_space<vmem>> -> memref<1x64xi32, #tpu.memory_space<vmem>>
      %dma_start3A_58 = tpu.memref_squeeze %dma_start3A_57 : memref<1x64xi32, #tpu.memory_space<vmem>> -> memref<64xi32, #tpu.memory_space<vmem>>
      %dma_start3A_59 = arith.constant 0 : i32
      %dma_start3A_60 = arith.constant 0 : i32
      %dma_start3A_61 = tpu.memref_slice %arg4[%dma_start3A_59, %dma_start3A_60] : memref<10000x128xf32, #tpu.memory_space<hbm>> -> memref<10000x128xf32, #tpu.memory_space<hbm>>
      tpu.enqueue_indirect_dma source(%dma_start3A_61 : memref<10000x128xf32, #tpu.memory_space<hbm>>) target(%dma_start3A_55 : memref<64x128xf32, #tpu.memory_space<vmem>>) offsets(%dma_start3A_58 : memref<64xi32, #tpu.memory_space<vmem>>) semaphore(%arg14 : memref<!tpu.dma_semaphore, #tpu.memory_space<semaphore_mem>>)
      %scan3A = arith.constant 0 : i32
      %scan3A_62 = arith.constant 0 : i32
      %scan3A_63 = arith.constant 10 : i32
      %scan3A_64 = arith.addi %scan3A_62, %scan3A_63 : i32
      %scan3A_65 = arith.constant 1 : i32
      scf.for %scan3A_856 = %scan3A_62 to %scan3A_64 step %scan3A_65  : i32 {
        %mul3A_857 = arith.constant 4 : i32
        %mul3A_858 = arith.muli %mul3A_857, %scan3A_856 : i32
        %dma_wait3A_859 = arith.constant 0 : i32
        %dma_wait3A_860 = arith.constant 0 : i32
        %dma_wait3A_861 = arith.constant 0 : i32
        %dma_wait3A_862 = arith.constant 0 : i32
        %dma_wait3A_863 = tpu.memref_slice %arg9[%dma_wait3A_860, %dma_wait3A_861, %dma_wait3A_862] : memref<4x64x128xf32, #tpu.memory_space<vmem>> -> memref<1x64x128xf32, #tpu.memory_space<vmem>>
        %dma_wait3A_864 = tpu.memref_squeeze %dma_wait3A_863 : memref<1x64x128xf32, #tpu.memory_space<vmem>> -> memref<64x128xf32, #tpu.memory_space<vmem>>
        %dma_wait3A_865 = arith.constant 0 : i32
        %dma_wait3A_866 = tpu.memref_slice %arg7[%dma_wait3A_859, %dma_wait3A_865] : memref<40x64xi32, #tpu.memory_space<vmem>> -> memref<1x64xi32, #tpu.memory_space<vmem>>
        %dma_wait3A_867 = tpu.memref_squeeze %dma_wait3A_866 : memref<1x64xi32, #tpu.memory_space<vmem>> -> memref<64xi32, #tpu.memory_space<vmem>>
        %dma_wait3A_868 = arith.constant 0 : i32
        %dma_wait3A_869 = arith.constant 0 : i32
        %dma_wait3A_870 = tpu.memref_slice %arg4[%dma_wait3A_868, %dma_wait3A_869] : memref<10000x128xf32, #tpu.memory_space<hbm>> -> memref<10000x128xf32, #tpu.memory_space<hbm>>
        tpu.wait_indirect_dma semaphore(%arg11 : memref<!tpu.dma_semaphore, #tpu.memory_space<semaphore_mem>>) src(%dma_wait3A_870 : memref<10000x128xf32, #tpu.memory_space<hbm>>) dst(%dma_wait3A_864 : memref<64x128xf32, #tpu.memory_space<vmem>>)
        %add3A_871 = arith.constant 0 : i32
        %add3A_872 = arith.addi %mul3A_858, %add3A_871 : i32
        %run_scoped3A = arith.constant 0 : i32
        "tpu.region"() ({
          %run_scoped3A_985 = tpu.sem_alloc : memref<!tpu.dma_semaphore, #tpu.memory_space<semaphore_mem>>
          %dma_start3A_986 = arith.constant 0 : i32
          %dma_start3A_987 = arith.constant 0 : i32
          %dma_start3A_988 = tpu.memref_slice %arg9[%run_scoped3A, %dma_start3A_986, %dma_start3A_987] : memref<4x64x128xf32, #tpu.memory_space<vmem>> -> memref<1x64x128xf32, #tpu.memory_space<vmem>>
          %dma_start3A_989 = tpu.memref_squeeze %dma_start3A_988 : memref<1x64x128xf32, #tpu.memory_space<vmem>> -> memref<64x128xf32, #tpu.memory_space<vmem>>
          %dma_start3A_990 = arith.constant 0 : i32
          %dma_start3A_991 = tpu.memref_slice %arg8[%add3A_872, %dma_start3A_990] : memref<40x64xi32, #tpu.memory_space<vmem>> -> memref<1x64xi32, #tpu.memory_space<vmem>>
          %dma_start3A_992 = tpu.memref_squeeze %dma_start3A_991 : memref<1x64xi32, #tpu.memory_space<vmem>> -> memref<64xi32, #tpu.memory_space<vmem>>
          %dma_start3A_993 = arith.constant 0 : i32
          %dma_start3A_994 = arith.constant 0 : i32
          %dma_start3A_995 = tpu.memref_slice %arg10[%dma_start3A_993, %dma_start3A_994] : memref<10240x128xf32, #tpu.memory_space<vmem_shared>> -> memref<10240x128xf32, #tpu.memory_space<vmem_shared>>
          tpu.enqueue_indirect_dma source(%dma_start3A_989 : memref<64x128xf32, #tpu.memory_space<vmem>>) target(%dma_start3A_995 : memref<10240x128xf32, #tpu.memory_space<vmem_shared>>) offsets(%dma_start3A_992 : memref<64xi32, #tpu.memory_space<vmem>>) semaphore(%run_scoped3A_985 : memref<!tpu.dma_semaphore, #tpu.memory_space<semaphore_mem>>) {add = true}
          %dma_wait3A_996 = arith.constant 0 : i32
          %dma_wait3A_997 = arith.constant 0 : i32
          %dma_wait3A_998 = tpu.memref_slice %arg9[%run_scoped3A, %dma_wait3A_996, %dma_wait3A_997] : memref<4x64x128xf32, #tpu.memory_space<vmem>> -> memref<1x64x128xf32, #tpu.memory_space<vmem>>
          %dma_wait3A_999 = tpu.memref_squeeze %dma_wait3A_998 : memref<1x64x128xf32, #tpu.memory_space<vmem>> -> memref<64x128xf32, #tpu.memory_space<vmem>>
          %dma_wait3A_1000 = arith.constant 0 : i32
          %dma_wait3A_1001 = tpu.memref_slice %arg8[%add3A_872, %dma_wait3A_1000] : memref<40x64xi32, #tpu.memory_space<vmem>> -> memref<1x64xi32, #tpu.memory_space<vmem>>
          %dma_wait3A_1002 = tpu.memref_squeeze %dma_wait3A_1001 : memref<1x64xi32, #tpu.memory_space<vmem>> -> memref<64xi32, #tpu.memory_space<vmem>>
          %dma_wait3A_1003 = arith.constant 0 : i32
          %dma_wait3A_1004 = arith.constant 0 : i32
          %dma_wait3A_1005 = tpu.memref_slice %arg10[%dma_wait3A_1003, %dma_wait3A_1004] : memref<10240x128xf32, #tpu.memory_space<vmem_shared>> -> memref<10240x128xf32, #tpu.memory_space<vmem_shared>>
          tpu.wait_indirect_dma semaphore(%run_scoped3A_985 : memref<!tpu.dma_semaphore, #tpu.memory_space<semaphore_mem>>) src(%dma_wait3A_999 : memref<64x128xf32, #tpu.memory_space<vmem>>) dst(%dma_wait3A_1005 : memref<10240x128xf32, #tpu.memory_space<vmem_shared>>)
          tpu.yield
        }) : () -> ()
        %add3A_873 = arith.constant 4 : i32
        %add3A_874 = arith.addi %mul3A_858, %add3A_873 : i32
        %add3A_875 = arith.constant 0 : i32
        %add3A_876 = arith.addi %add3A_874, %add3A_875 : i32
        %min3A = arith.constant 39 : i32
        %min3A_877 = arith.minsi %add3A_876, %min3A : i32
        %dma_start3A_878 = arith.constant 0 : i32
        %dma_start3A_879 = arith.constant 0 : i32
        %dma_start3A_880 = arith.constant 0 : i32
        %dma_start3A_881 = tpu.memref_slice %arg9[%dma_start3A_878, %dma_start3A_879, %dma_start3A_880] : memref<4x64x128xf32, #tpu.memory_space<vmem>> -> memref<1x64x128xf32, #tpu.memory_space<vmem>>
        %dma_start3A_882 = tpu.memref_squeeze %dma_start3A_881 : memref<1x64x128xf32, #tpu.memory_space<vmem>> -> memref<64x128xf32, #tpu.memory_space<vmem>>
        %dma_start3A_883 = arith.constant 0 : i32
        %dma_start3A_884 = tpu.memref_slice %arg7[%min3A_877, %dma_start3A_883] : memref<40x64xi32, #tpu.memory_space<vmem>> -> memref<1x64xi32, #tpu.memory_space<vmem>>
        %dma_start3A_885 = tpu.memref_squeeze %dma_start3A_884 : memref<1x64xi32, #tpu.memory_space<vmem>> -> memref<64xi32, #tpu.memory_space<vmem>>
        %dma_start3A_886 = arith.constant 0 : i32
        %dma_start3A_887 = arith.constant 0 : i32
        %dma_start3A_888 = tpu.memref_slice %arg4[%dma_start3A_886, %dma_start3A_887] : memref<10000x128xf32, #tpu.memory_space<hbm>> -> memref<10000x128xf32, #tpu.memory_space<hbm>>
        tpu.enqueue_indirect_dma source(%dma_start3A_888 : memref<10000x128xf32, #tpu.memory_space<hbm>>) target(%dma_start3A_882 : memref<64x128xf32, #tpu.memory_space<vmem>>) offsets(%dma_start3A_885 : memref<64xi32, #tpu.memory_space<vmem>>) semaphore(%arg11 : memref<!tpu.dma_semaphore, #tpu.memory_space<semaphore_mem>>)
        %dma_wait3A_889 = arith.constant 0 : i32
        %dma_wait3A_890 = arith.constant 1 : i32
        %dma_wait3A_891 = arith.constant 0 : i32
        %dma_wait3A_892 = arith.constant 0 : i32
        %dma_wait3A_893 = tpu.memref_slice %arg9[%dma_wait3A_890, %dma_wait3A_891, %dma_wait3A_892] : memref<4x64x128xf32, #tpu.memory_space<vmem>> -> memref<1x64x128xf32, #tpu.memory_space<vmem>>
        %dma_wait3A_894 = tpu.memref_squeeze %dma_wait3A_893 : memref<1x64x128xf32, #tpu.memory_space<vmem>> -> memref<64x128xf32, #tpu.memory_space<vmem>>
        %dma_wait3A_895 = arith.constant 0 : i32
        %dma_wait3A_896 = tpu.memref_slice %arg7[%dma_wait3A_889, %dma_wait3A_895] : memref<40x64xi32, #tpu.memory_space<vmem>> -> memref<1x64xi32, #tpu.memory_space<vmem>>
        %dma_wait3A_897 = tpu.memref_squeeze %dma_wait3A_896 : memref<1x64xi32, #tpu.memory_space<vmem>> -> memref<64xi32, #tpu.memory_space<vmem>>
        %dma_wait3A_898 = arith.constant 0 : i32
        %dma_wait3A_899 = arith.constant 0 : i32
        %dma_wait3A_900 = tpu.memref_slice %arg4[%dma_wait3A_898, %dma_wait3A_899] : memref<10000x128xf32, #tpu.memory_space<hbm>> -> memref<10000x128xf32, #tpu.memory_space<hbm>>
        tpu.wait_indirect_dma semaphore(%arg12 : memref<!tpu.dma_semaphore, #tpu.memory_space<semaphore_mem>>) src(%dma_wait3A_900 : memref<10000x128xf32, #tpu.memory_space<hbm>>) dst(%dma_wait3A_894 : memref<64x128xf32, #tpu.memory_space<vmem>>)
        %add3A_901 = arith.constant 1 : i32
        %add3A_902 = arith.addi %mul3A_858, %add3A_901 : i32
        %run_scoped3A_903 = arith.constant 1 : i32
        "tpu.region"() ({
          %run_scoped3A_985 = tpu.sem_alloc : memref<!tpu.dma_semaphore, #tpu.memory_space<semaphore_mem>>
          %dma_start3A_986 = arith.constant 0 : i32
          %dma_start3A_987 = arith.constant 0 : i32
          %dma_start3A_988 = tpu.memref_slice %arg9[%run_scoped3A_903, %dma_start3A_986, %dma_start3A_987] : memref<4x64x128xf32, #tpu.memory_space<vmem>> -> memref<1x64x128xf32, #tpu.memory_space<vmem>>
          %dma_start3A_989 = tpu.memref_squeeze %dma_start3A_988 : memref<1x64x128xf32, #tpu.memory_space<vmem>> -> memref<64x128xf32, #tpu.memory_space<vmem>>
          %dma_start3A_990 = arith.constant 0 : i32
          %dma_start3A_991 = tpu.memref_slice %arg8[%add3A_902, %dma_start3A_990] : memref<40x64xi32, #tpu.memory_space<vmem>> -> memref<1x64xi32, #tpu.memory_space<vmem>>
          %dma_start3A_992 = tpu.memref_squeeze %dma_start3A_991 : memref<1x64xi32, #tpu.memory_space<vmem>> -> memref<64xi32, #tpu.memory_space<vmem>>
          %dma_start3A_993 = arith.constant 0 : i32
          %dma_start3A_994 = arith.constant 0 : i32
          %dma_start3A_995 = tpu.memref_slice %arg10[%dma_start3A_993, %dma_start3A_994] : memref<10240x128xf32, #tpu.memory_space<vmem_shared>> -> memref<10240x128xf32, #tpu.memory_space<vmem_shared>>
          tpu.enqueue_indirect_dma source(%dma_start3A_989 : memref<64x128xf32, #tpu.memory_space<vmem>>) target(%dma_start3A_995 : memref<10240x128xf32, #tpu.memory_space<vmem_shared>>) offsets(%dma_start3A_992 : memref<64xi32, #tpu.memory_space<vmem>>) semaphore(%run_scoped3A_985 : memref<!tpu.dma_semaphore, #tpu.memory_space<semaphore_mem>>) {add = true}
          %dma_wait3A_996 = arith.constant 0 : i32
          %dma_wait3A_997 = arith.constant 0 : i32
          %dma_wait3A_998 = tpu.memref_slice %arg9[%run_scoped3A_903, %dma_wait3A_996, %dma_wait3A_997] : memref<4x64x128xf32, #tpu.memory_space<vmem>> -> memref<1x64x128xf32, #tpu.memory_space<vmem>>
          %dma_wait3A_999 = tpu.memref_squeeze %dma_wait3A_998 : memref<1x64x128xf32, #tpu.memory_space<vmem>> -> memref<64x128xf32, #tpu.memory_space<vmem>>
          %dma_wait3A_1000 = arith.constant 0 : i32
          %dma_wait3A_1001 = tpu.memref_slice %arg8[%add3A_902, %dma_wait3A_1000] : memref<40x64xi32, #tpu.memory_space<vmem>> -> memref<1x64xi32, #tpu.memory_space<vmem>>
          %dma_wait3A_1002 = tpu.memref_squeeze %dma_wait3A_1001 : memref<1x64xi32, #tpu.memory_space<vmem>> -> memref<64xi32, #tpu.memory_space<vmem>>
          %dma_wait3A_1003 = arith.constant 0 : i32
          %dma_wait3A_1004 = arith.constant 0 : i32
          %dma_wait3A_1005 = tpu.memref_slice %arg10[%dma_wait3A_1003, %dma_wait3A_1004] : memref<10240x128xf32, #tpu.memory_space<vmem_shared>> -> memref<10240x128xf32, #tpu.memory_space<vmem_shared>>
          tpu.wait_indirect_dma semaphore(%run_scoped3A_985 : memref<!tpu.dma_semaphore, #tpu.memory_space<semaphore_mem>>) src(%dma_wait3A_999 : memref<64x128xf32, #tpu.memory_space<vmem>>) dst(%dma_wait3A_1005 : memref<10240x128xf32, #tpu.memory_space<vmem_shared>>)
          tpu.yield
        }) : () -> ()
        %add3A_904 = arith.constant 4 : i32
        %add3A_905 = arith.addi %mul3A_858, %add3A_904 : i32
        %add3A_906 = arith.constant 1 : i32
        %add3A_907 = arith.addi %add3A_905, %add3A_906 : i32
        %min3A_908 = arith.constant 39 : i32
        %min3A_909 = arith.minsi %add3A_907, %min3A_908 : i32
        %dma_start3A_910 = arith.constant 1 : i32
        %dma_start3A_911 = arith.constant 0 : i32
        %dma_start3A_912 = arith.constant 0 : i32
        %dma_start3A_913 = tpu.memref_slice %arg9[%dma_start3A_910, %dma_start3A_911, %dma_start3A_912] : memref<4x64x128xf32, #tpu.memory_space<vmem>> -> memref<1x64x128xf32, #tpu.memory_space<vmem>>
        %dma_start3A_914 = tpu.memref_squeeze %dma_start3A_913 : memref<1x64x128xf32, #tpu.memory_space<vmem>> -> memref<64x128xf32, #tpu.memory_space<vmem>>
        %dma_start3A_915 = arith.constant 0 : i32
        %dma_start3A_916 = tpu.memref_slice %arg7[%min3A_909, %dma_start3A_915] : memref<40x64xi32, #tpu.memory_space<vmem>> -> memref<1x64xi32, #tpu.memory_space<vmem>>
        %dma_start3A_917 = tpu.memref_squeeze %dma_start3A_916 : memref<1x64xi32, #tpu.memory_space<vmem>> -> memref<64xi32, #tpu.memory_space<vmem>>
        %dma_start3A_918 = arith.constant 0 : i32
        %dma_start3A_919 = arith.constant 0 : i32
        %dma_start3A_920 = tpu.memref_slice %arg4[%dma_start3A_918, %dma_start3A_919] : memref<10000x128xf32, #tpu.memory_space<hbm>> -> memref<10000x128xf32, #tpu.memory_space<hbm>>
        tpu.enqueue_indirect_dma source(%dma_start3A_920 : memref<10000x128xf32, #tpu.memory_space<hbm>>) target(%dma_start3A_914 : memref<64x128xf32, #tpu.memory_space<vmem>>) offsets(%dma_start3A_917 : memref<64xi32, #tpu.memory_space<vmem>>) semaphore(%arg12 : memref<!tpu.dma_semaphore, #tpu.memory_space<semaphore_mem>>)
        %dma_wait3A_921 = arith.constant 0 : i32
        %dma_wait3A_922 = arith.constant 2 : i32
        %dma_wait3A_923 = arith.constant 0 : i32
        %dma_wait3A_924 = arith.constant 0 : i32
        %dma_wait3A_925 = tpu.memref_slice %arg9[%dma_wait3A_922, %dma_wait3A_923, %dma_wait3A_924] : memref<4x64x128xf32, #tpu.memory_space<vmem>> -> memref<1x64x128xf32, #tpu.memory_space<vmem>>
        %dma_wait3A_926 = tpu.memref_squeeze %dma_wait3A_925 : memref<1x64x128xf32, #tpu.memory_space<vmem>> -> memref<64x128xf32, #tpu.memory_space<vmem>>
        %dma_wait3A_927 = arith.constant 0 : i32
        %dma_wait3A_928 = tpu.memref_slice %arg7[%dma_wait3A_921, %dma_wait3A_927] : memref<40x64xi32, #tpu.memory_space<vmem>> -> memref<1x64xi32, #tpu.memory_space<vmem>>
        %dma_wait3A_929 = tpu.memref_squeeze %dma_wait3A_928 : memref<1x64xi32, #tpu.memory_space<vmem>> -> memref<64xi32, #tpu.memory_space<vmem>>
        %dma_wait3A_930 = arith.constant 0 : i32
        %dma_wait3A_931 = arith.constant 0 : i32
        %dma_wait3A_932 = tpu.memref_slice %arg4[%dma_wait3A_930, %dma_wait3A_931] : memref<10000x128xf32, #tpu.memory_space<hbm>> -> memref<10000x128xf32, #tpu.memory_space<hbm>>
        tpu.wait_indirect_dma semaphore(%arg13 : memref<!tpu.dma_semaphore, #tpu.memory_space<semaphore_mem>>) src(%dma_wait3A_932 : memref<10000x128xf32, #tpu.memory_space<hbm>>) dst(%dma_wait3A_926 : memref<64x128xf32, #tpu.memory_space<vmem>>)
        %add3A_933 = arith.constant 2 : i32
        %add3A_934 = arith.addi %mul3A_858, %add3A_933 : i32
        %run_scoped3A_935 = arith.constant 2 : i32
        "tpu.region"() ({
          %run_scoped3A_985 = tpu.sem_alloc : memref<!tpu.dma_semaphore, #tpu.memory_space<semaphore_mem>>
          %dma_start3A_986 = arith.constant 0 : i32
          %dma_start3A_987 = arith.constant 0 : i32
          %dma_start3A_988 = tpu.memref_slice %arg9[%run_scoped3A_935, %dma_start3A_986, %dma_start3A_987] : memref<4x64x128xf32, #tpu.memory_space<vmem>> -> memref<1x64x128xf32, #tpu.memory_space<vmem>>
          %dma_start3A_989 = tpu.memref_squeeze %dma_start3A_988 : memref<1x64x128xf32, #tpu.memory_space<vmem>> -> memref<64x128xf32, #tpu.memory_space<vmem>>
          %dma_start3A_990 = arith.constant 0 : i32
          %dma_start3A_991 = tpu.memref_slice %arg8[%add3A_934, %dma_start3A_990] : memref<40x64xi32, #tpu.memory_space<vmem>> -> memref<1x64xi32, #tpu.memory_space<vmem>>
          %dma_start3A_992 = tpu.memref_squeeze %dma_start3A_991 : memref<1x64xi32, #tpu.memory_space<vmem>> -> memref<64xi32, #tpu.memory_space<vmem>>
          %dma_start3A_993 = arith.constant 0 : i32
          %dma_start3A_994 = arith.constant 0 : i32
          %dma_start3A_995 = tpu.memref_slice %arg10[%dma_start3A_993, %dma_start3A_994] : memref<10240x128xf32, #tpu.memory_space<vmem_shared>> -> memref<10240x128xf32, #tpu.memory_space<vmem_shared>>
          tpu.enqueue_indirect_dma source(%dma_start3A_989 : memref<64x128xf32, #tpu.memory_space<vmem>>) target(%dma_start3A_995 : memref<10240x128xf32, #tpu.memory_space<vmem_shared>>) offsets(%dma_start3A_992 : memref<64xi32, #tpu.memory_space<vmem>>) semaphore(%run_scoped3A_985 : memref<!tpu.dma_semaphore, #tpu.memory_space<semaphore_mem>>) {add = true}
          %dma_wait3A_996 = arith.constant 0 : i32
          %dma_wait3A_997 = arith.constant 0 : i32
          %dma_wait3A_998 = tpu.memref_slice %arg9[%run_scoped3A_935, %dma_wait3A_996, %dma_wait3A_997] : memref<4x64x128xf32, #tpu.memory_space<vmem>> -> memref<1x64x128xf32, #tpu.memory_space<vmem>>
          %dma_wait3A_999 = tpu.memref_squeeze %dma_wait3A_998 : memref<1x64x128xf32, #tpu.memory_space<vmem>> -> memref<64x128xf32, #tpu.memory_space<vmem>>
          %dma_wait3A_1000 = arith.constant 0 : i32
          %dma_wait3A_1001 = tpu.memref_slice %arg8[%add3A_934, %dma_wait3A_1000] : memref<40x64xi32, #tpu.memory_space<vmem>> -> memref<1x64xi32, #tpu.memory_space<vmem>>
          %dma_wait3A_1002 = tpu.memref_squeeze %dma_wait3A_1001 : memref<1x64xi32, #tpu.memory_space<vmem>> -> memref<64xi32, #tpu.memory_space<vmem>>
          %dma_wait3A_1003 = arith.constant 0 : i32
          %dma_wait3A_1004 = arith.constant 0 : i32
          %dma_wait3A_1005 = tpu.memref_slice %arg10[%dma_wait3A_1003, %dma_wait3A_1004] : memref<10240x128xf32, #tpu.memory_space<vmem_shared>> -> memref<10240x128xf32, #tpu.memory_space<vmem_shared>>
          tpu.wait_indirect_dma semaphore(%run_scoped3A_985 : memref<!tpu.dma_semaphore, #tpu.memory_space<semaphore_mem>>) src(%dma_wait3A_999 : memref<64x128xf32, #tpu.memory_space<vmem>>) dst(%dma_wait3A_1005 : memref<10240x128xf32, #tpu.memory_space<vmem_shared>>)
          tpu.yield
        }) : () -> ()
        %add3A_936 = arith.constant 4 : i32
        %add3A_937 = arith.addi %mul3A_858, %add3A_936 : i32
        %add3A_938 = arith.constant 2 : i32
        %add3A_939 = arith.addi %add3A_937, %add3A_938 : i32
        %min3A_940 = arith.constant 39 : i32
        %min3A_941 = arith.minsi %add3A_939, %min3A_940 : i32
        %dma_start3A_942 = arith.constant 2 : i32
        %dma_start3A_943 = arith.constant 0 : i32
        %dma_start3A_944 = arith.constant 0 : i32
        %dma_start3A_945 = tpu.memref_slice %arg9[%dma_start3A_942, %dma_start3A_943, %dma_start3A_944] : memref<4x64x128xf32, #tpu.memory_space<vmem>> -> memref<1x64x128xf32, #tpu.memory_space<vmem>>
        %dma_start3A_946 = tpu.memref_squeeze %dma_start3A_945 : memref<1x64x128xf32, #tpu.memory_space<vmem>> -> memref<64x128xf32, #tpu.memory_space<vmem>>
        %dma_start3A_947 = arith.constant 0 : i32
        %dma_start3A_948 = tpu.memref_slice %arg7[%min3A_941, %dma_start3A_947] : memref<40x64xi32, #tpu.memory_space<vmem>> -> memref<1x64xi32, #tpu.memory_space<vmem>>
        %dma_start3A_949 = tpu.memref_squeeze %dma_start3A_948 : memref<1x64xi32, #tpu.memory_space<vmem>> -> memref<64xi32, #tpu.memory_space<vmem>>
        %dma_start3A_950 = arith.constant 0 : i32
        %dma_start3A_951 = arith.constant 0 : i32
        %dma_start3A_952 = tpu.memref_slice %arg4[%dma_start3A_950, %dma_start3A_951] : memref<10000x128xf32, #tpu.memory_space<hbm>> -> memref<10000x128xf32, #tpu.memory_space<hbm>>
        tpu.enqueue_indirect_dma source(%dma_start3A_952 : memref<10000x128xf32, #tpu.memory_space<hbm>>) target(%dma_start3A_946 : memref<64x128xf32, #tpu.memory_space<vmem>>) offsets(%dma_start3A_949 : memref<64xi32, #tpu.memory_space<vmem>>) semaphore(%arg13 : memref<!tpu.dma_semaphore, #tpu.memory_space<semaphore_mem>>)
        %dma_wait3A_953 = arith.constant 0 : i32
        %dma_wait3A_954 = arith.constant 3 : i32
        %dma_wait3A_955 = arith.constant 0 : i32
        %dma_wait3A_956 = arith.constant 0 : i32
        %dma_wait3A_957 = tpu.memref_slice %arg9[%dma_wait3A_954, %dma_wait3A_955, %dma_wait3A_956] : memref<4x64x128xf32, #tpu.memory_space<vmem>> -> memref<1x64x128xf32, #tpu.memory_space<vmem>>
        %dma_wait3A_958 = tpu.memref_squeeze %dma_wait3A_957 : memref<1x64x128xf32, #tpu.memory_space<vmem>> -> memref<64x128xf32, #tpu.memory_space<vmem>>
        %dma_wait3A_959 = arith.constant 0 : i32
        %dma_wait3A_960 = tpu.memref_slice %arg7[%dma_wait3A_953, %dma_wait3A_959] : memref<40x64xi32, #tpu.memory_space<vmem>> -> memref<1x64xi32, #tpu.memory_space<vmem>>
        %dma_wait3A_961 = tpu.memref_squeeze %dma_wait3A_960 : memref<1x64xi32, #tpu.memory_space<vmem>> -> memref<64xi32, #tpu.memory_space<vmem>>
        %dma_wait3A_962 = arith.constant 0 : i32
        %dma_wait3A_963 = arith.constant 0 : i32
        %dma_wait3A_964 = tpu.memref_slice %arg4[%dma_wait3A_962, %dma_wait3A_963] : memref<10000x128xf32, #tpu.memory_space<hbm>> -> memref<10000x128xf32, #tpu.memory_space<hbm>>
        tpu.wait_indirect_dma semaphore(%arg14 : memref<!tpu.dma_semaphore, #tpu.memory_space<semaphore_mem>>) src(%dma_wait3A_964 : memref<10000x128xf32, #tpu.memory_space<hbm>>) dst(%dma_wait3A_958 : memref<64x128xf32, #tpu.memory_space<vmem>>)
        %add3A_965 = arith.constant 3 : i32
        %add3A_966 = arith.addi %mul3A_858, %add3A_965 : i32
        %run_scoped3A_967 = arith.constant 3 : i32
        "tpu.region"() ({
          %run_scoped3A_985 = tpu.sem_alloc : memref<!tpu.dma_semaphore, #tpu.memory_space<semaphore_mem>>
          %dma_start3A_986 = arith.constant 0 : i32
          %dma_start3A_987 = arith.constant 0 : i32
          %dma_start3A_988 = tpu.memref_slice %arg9[%run_scoped3A_967, %dma_start3A_986, %dma_start3A_987] : memref<4x64x128xf32, #tpu.memory_space<vmem>> -> memref<1x64x128xf32, #tpu.memory_space<vmem>>
          %dma_start3A_989 = tpu.memref_squeeze %dma_start3A_988 : memref<1x64x128xf32, #tpu.memory_space<vmem>> -> memref<64x128xf32, #tpu.memory_space<vmem>>
          %dma_start3A_990 = arith.constant 0 : i32
          %dma_start3A_991 = tpu.memref_slice %arg8[%add3A_966, %dma_start3A_990] : memref<40x64xi32, #tpu.memory_space<vmem>> -> memref<1x64xi32, #tpu.memory_space<vmem>>
          %dma_start3A_992 = tpu.memref_squeeze %dma_start3A_991 : memref<1x64xi32, #tpu.memory_space<vmem>> -> memref<64xi32, #tpu.memory_space<vmem>>
          %dma_start3A_993 = arith.constant 0 : i32
          %dma_start3A_994 = arith.constant 0 : i32
          %dma_start3A_995 = tpu.memref_slice %arg10[%dma_start3A_993, %dma_start3A_994] : memref<10240x128xf32, #tpu.memory_space<vmem_shared>> -> memref<10240x128xf32, #tpu.memory_space<vmem_shared>>
          tpu.enqueue_indirect_dma source(%dma_start3A_989 : memref<64x128xf32, #tpu.memory_space<vmem>>) target(%dma_start3A_995 : memref<10240x128xf32, #tpu.memory_space<vmem_shared>>) offsets(%dma_start3A_992 : memref<64xi32, #tpu.memory_space<vmem>>) semaphore(%run_scoped3A_985 : memref<!tpu.dma_semaphore, #tpu.memory_space<semaphore_mem>>) {add = true}
          %dma_wait3A_996 = arith.constant 0 : i32
          %dma_wait3A_997 = arith.constant 0 : i32
          %dma_wait3A_998 = tpu.memref_slice %arg9[%run_scoped3A_967, %dma_wait3A_996, %dma_wait3A_997] : memref<4x64x128xf32, #tpu.memory_space<vmem>> -> memref<1x64x128xf32, #tpu.memory_space<vmem>>
          %dma_wait3A_999 = tpu.memref_squeeze %dma_wait3A_998 : memref<1x64x128xf32, #tpu.memory_space<vmem>> -> memref<64x128xf32, #tpu.memory_space<vmem>>
          %dma_wait3A_1000 = arith.constant 0 : i32
          %dma_wait3A_1001 = tpu.memref_slice %arg8[%add3A_966, %dma_wait3A_1000] : memref<40x64xi32, #tpu.memory_space<vmem>> -> memref<1x64xi32, #tpu.memory_space<vmem>>
          %dma_wait3A_1002 = tpu.memref_squeeze %dma_wait3A_1001 : memref<1x64xi32, #tpu.memory_space<vmem>> -> memref<64xi32, #tpu.memory_space<vmem>>
          %dma_wait3A_1003 = arith.constant 0 : i32
          %dma_wait3A_1004 = arith.constant 0 : i32
          %dma_wait3A_1005 = tpu.memref_slice %arg10[%dma_wait3A_1003, %dma_wait3A_1004] : memref<10240x128xf32, #tpu.memory_space<vmem_shared>> -> memref<10240x128xf32, #tpu.memory_space<vmem_shared>>
          tpu.wait_indirect_dma semaphore(%run_scoped3A_985 : memref<!tpu.dma_semaphore, #tpu.memory_space<semaphore_mem>>) src(%dma_wait3A_999 : memref<64x128xf32, #tpu.memory_space<vmem>>) dst(%dma_wait3A_1005 : memref<10240x128xf32, #tpu.memory_space<vmem_shared>>)
          tpu.yield
        }) : () -> ()
        %add3A_968 = arith.constant 4 : i32
        %add3A_969 = arith.addi %mul3A_858, %add3A_968 : i32
        %add3A_970 = arith.constant 3 : i32
        %add3A_971 = arith.addi %add3A_969, %add3A_970 : i32
        %min3A_972 = arith.constant 39 : i32
        %min3A_973 = arith.minsi %add3A_971, %min3A_972 : i32
        %dma_start3A_974 = arith.constant 3 : i32
        %dma_start3A_975 = arith.constant 0 : i32
        %dma_start3A_976 = arith.constant 0 : i32
        %dma_start3A_977 = tpu.memref_slice %arg9[%dma_start3A_974, %dma_start3A_975, %dma_start3A_976] : memref<4x64x128xf32, #tpu.memory_space<vmem>> -> memref<1x64x128xf32, #tpu.memory_space<vmem>>
        %dma_start3A_978 = tpu.memref_squeeze %dma_start3A_977 : memref<1x64x128xf32, #tpu.memory_space<vmem>> -> memref<64x128xf32, #tpu.memory_space<vmem>>
        %dma_start3A_979 = arith.constant 0 : i32
        %dma_start3A_980 = tpu.memref_slice %arg7[%min3A_973, %dma_start3A_979] : memref<40x64xi32, #tpu.memory_space<vmem>> -> memref<1x64xi32, #tpu.memory_space<vmem>>
        %dma_start3A_981 = tpu.memref_squeeze %dma_start3A_980 : memref<1x64xi32, #tpu.memory_space<vmem>> -> memref<64xi32, #tpu.memory_space<vmem>>
        %dma_start3A_982 = arith.constant 0 : i32
        %dma_start3A_983 = arith.constant 0 : i32
        %dma_start3A_984 = tpu.memref_slice %arg4[%dma_start3A_982, %dma_start3A_983] : memref<10000x128xf32, #tpu.memory_space<hbm>> -> memref<10000x128xf32, #tpu.memory_space<hbm>>
        tpu.enqueue_indirect_dma source(%dma_start3A_984 : memref<10000x128xf32, #tpu.memory_space<hbm>>) target(%dma_start3A_978 : memref<64x128xf32, #tpu.memory_space<vmem>>) offsets(%dma_start3A_981 : memref<64xi32, #tpu.memory_space<vmem>>) semaphore(%arg14 : memref<!tpu.dma_semaphore, #tpu.memory_space<semaphore_mem>>)
      }
      %scan3A_66 = arith.constant 10 : i32
      %dma_wait3A = arith.constant 0 : i32
      %dma_wait3A_67 = arith.constant 0 : i32
      %dma_wait3A_68 = arith.constant 0 : i32
      %dma_wait3A_69 = arith.constant 0 : i32
      %dma_wait3A_70 = tpu.memref_slice %arg9[%dma_wait3A_67, %dma_wait3A_68, %dma_wait3A_69] : memref<4x64x128xf32, #tpu.memory_space<vmem>> -> memref<1x64x128xf32, #tpu.memory_space<vmem>>
      %dma_wait3A_71 = tpu.memref_squeeze %dma_wait3A_70 : memref<1x64x128xf32, #tpu.memory_space<vmem>> -> memref<64x128xf32, #tpu.memory_space<vmem>>
      %dma_wait3A_72 = arith.constant 0 : i32
      %dma_wait3A_73 = tpu.memref_slice %arg7[%dma_wait3A, %dma_wait3A_72] : memref<40x64xi32, #tpu.memory_space<vmem>> -> memref<1x64xi32, #tpu.memory_space<vmem>>
      %dma_wait3A_74 = tpu.memref_squeeze %dma_wait3A_73 : memref<1x64xi32, #tpu.memory_space<vmem>> -> memref<64xi32, #tpu.memory_space<vmem>>
      %dma_wait3A_75 = arith.constant 0 : i32
      %dma_wait3A_76 = arith.constant 0 : i32
      %dma_wait3A_77 = tpu.memref_slice %arg4[%dma_wait3A_75, %dma_wait3A_76] : memref<10000x128xf32, #tpu.memory_space<hbm>> -> memref<10000x128xf32, #tpu.memory_space<hbm>>
      tpu.wait_indirect_dma semaphore(%arg11 : memref<!tpu.dma_semaphore, #tpu.memory_space<semaphore_mem>>) src(%dma_wait3A_77 : memref<10000x128xf32, #tpu.memory_space<hbm>>) dst(%dma_wait3A_71 : memref<64x128xf32, #tpu.memory_space<vmem>>)
      %dma_wait3A_78 = arith.constant 0 : i32
      %dma_wait3A_79 = arith.constant 1 : i32
      %dma_wait3A_80 = arith.constant 0 : i32
      %dma_wait3A_81 = arith.constant 0 : i32
      %dma_wait3A_82 = tpu.memref_slice %arg9[%dma_wait3A_79, %dma_wait3A_80, %dma_wait3A_81] : memref<4x64x128xf32, #tpu.memory_space<vmem>> -> memref<1x64x128xf32, #tpu.memory_space<vmem>>
      %dma_wait3A_83 = tpu.memref_squeeze %dma_wait3A_82 : memref<1x64x128xf32, #tpu.memory_space<vmem>> -> memref<64x128xf32, #tpu.memory_space<vmem>>
      %dma_wait3A_84 = arith.constant 0 : i32
      %dma_wait3A_85 = tpu.memref_slice %arg7[%dma_wait3A_78, %dma_wait3A_84] : memref<40x64xi32, #tpu.memory_space<vmem>> -> memref<1x64xi32, #tpu.memory_space<vmem>>
      %dma_wait3A_86 = tpu.memref_squeeze %dma_wait3A_85 : memref<1x64xi32, #tpu.memory_space<vmem>> -> memref<64xi32, #tpu.memory_space<vmem>>
      %dma_wait3A_87 = arith.constant 0 : i32
      %dma_wait3A_88 = arith.constant 0 : i32
      %dma_wait3A_89 = tpu.memref_slice %arg4[%dma_wait3A_87, %dma_wait3A_88] : memref<10000x128xf32, #tpu.memory_space<hbm>> -> memref<10000x128xf32, #tpu.memory_space<hbm>>
      tpu.wait_indirect_dma semaphore(%arg12 : memref<!tpu.dma_semaphore, #tpu.memory_space<semaphore_mem>>) src(%dma_wait3A_89 : memref<10000x128xf32, #tpu.memory_space<hbm>>) dst(%dma_wait3A_83 : memref<64x128xf32, #tpu.memory_space<vmem>>)
      %dma_wait3A_90 = arith.constant 0 : i32
      %dma_wait3A_91 = arith.constant 2 : i32
      %dma_wait3A_92 = arith.constant 0 : i32
      %dma_wait3A_93 = arith.constant 0 : i32
      %dma_wait3A_94 = tpu.memref_slice %arg9[%dma_wait3A_91, %dma_wait3A_92, %dma_wait3A_93] : memref<4x64x128xf32, #tpu.memory_space<vmem>> -> memref<1x64x128xf32, #tpu.memory_space<vmem>>
      %dma_wait3A_95 = tpu.memref_squeeze %dma_wait3A_94 : memref<1x64x128xf32, #tpu.memory_space<vmem>> -> memref<64x128xf32, #tpu.memory_space<vmem>>
      %dma_wait3A_96 = arith.constant 0 : i32
      %dma_wait3A_97 = tpu.memref_slice %arg7[%dma_wait3A_90, %dma_wait3A_96] : memref<40x64xi32, #tpu.memory_space<vmem>> -> memref<1x64xi32, #tpu.memory_space<vmem>>
      %dma_wait3A_98 = tpu.memref_squeeze %dma_wait3A_97 : memref<1x64xi32, #tpu.memory_space<vmem>> -> memref<64xi32, #tpu.memory_space<vmem>>
      %dma_wait3A_99 = arith.constant 0 : i32
      %dma_wait3A_100 = arith.constant 0 : i32
      %dma_wait3A_101 = tpu.memref_slice %arg4[%dma_wait3A_99, %dma_wait3A_100] : memref<10000x128xf32, #tpu.memory_space<hbm>> -> memref<10000x128xf32, #tpu.memory_space<hbm>>
      tpu.wait_indirect_dma semaphore(%arg13 : memref<!tpu.dma_semaphore, #tpu.memory_space<semaphore_mem>>) src(%dma_wait3A_101 : memref<10000x128xf32, #tpu.memory_space<hbm>>) dst(%dma_wait3A_95 : memref<64x128xf32, #tpu.memory_space<vmem>>)
      %dma_wait3A_102 = arith.constant 0 : i32
      %dma_wait3A_103 = arith.constant 3 : i32
      %dma_wait3A_104 = arith.constant 0 : i32
      %dma_wait3A_105 = arith.constant 0 : i32
      %dma_wait3A_106 = tpu.memref_slice %arg9[%dma_wait3A_103, %dma_wait3A_104, %dma_wait3A_105] : memref<4x64x128xf32, #tpu.memory_space<vmem>> -> memref<1x64x128xf32, #tpu.memory_space<vmem>>
      %dma_wait3A_107 = tpu.memref_squeeze %dma_wait3A_106 : memref<1x64x128xf32, #tpu.memory_space<vmem>> -> memref<64x128xf32, #tpu.memory_space<vmem>>
      %dma_wait3A_108 = arith.constant 0 : i32
      %dma_wait3A_109 = tpu.memref_slice %arg7[%dma_wait3A_102, %dma_wait3A_108] : memref<40x64xi32, #tpu.memory_space<vmem>> -> memref<1x64xi32, #tpu.memory_space<vmem>>
      %dma_wait3A_110 = tpu.memref_squeeze %dma_wait3A_109 : memref<1x64xi32, #tpu.memory_space<vmem>> -> memref<64xi32, #tpu.memory_space<vmem>>
      %dma_wait3A_111 = arith.constant 0 : i32
      %dma_wait3A_112 = arith.constant 0 : i32
      %dma_wait3A_113 = tpu.memref_slice %arg4[%dma_wait3A_111, %dma_wait3A_112] : memref<10000x128xf32, #tpu.memory_space<hbm>> -> memref<10000x128xf32, #tpu.memory_space<hbm>>
      tpu.wait_indirect_dma semaphore(%arg14 : memref<!tpu.dma_semaphore, #tpu.memory_space<semaphore_mem>>) src(%dma_wait3A_113 : memref<10000x128xf32, #tpu.memory_space<hbm>>) dst(%dma_wait3A_107 : memref<64x128xf32, #tpu.memory_space<vmem>>)
      %mul3A_114 = arith.constant 320 : i32
      %mul3A_115 = arith.muli %arg1, %mul3A_114 : i32
      %add3A_116 = arith.constant 40 : i32
      %add3A_117 = arith.addi %mul3A_115, %add3A_116 : i32
      "tpu.region"() ({
        %run_scoped3A = tpu.sem_alloc : memref<!tpu.dma_semaphore, #tpu.memory_space<semaphore_mem>>
        %dma_start3A_856 = arith.constant 0 : i32
        %dma_start3A_857 = tpu.memref_slice %arg2[%add3A_117, %dma_start3A_856] : memref<5120x64xi32, #tpu.memory_space<hbm>> -> memref<40x64xi32, #tpu.memory_space<hbm>>
        %dma_start3A_858 = arith.constant 0 : i32
        %dma_start3A_859 = tpu.memref_slice %arg2[%add3A_117, %dma_start3A_858] : memref<5120x64xi32, #tpu.memory_space<hbm>> -> memref<40x64xi32, #tpu.memory_space<hbm>>
        tpu.enqueue_dma source(%dma_start3A_859 : memref<40x64xi32, #tpu.memory_space<hbm>>) target(%arg7 : memref<40x64xi32, #tpu.memory_space<vmem>>) target_semaphore(%run_scoped3A : memref<!tpu.dma_semaphore, #tpu.memory_space<semaphore_mem>>)
        %dma_wait3A_860 = arith.constant 0 : i32
        %dma_wait3A_861 = tpu.memref_slice %arg2[%add3A_117, %dma_wait3A_860] : memref<5120x64xi32, #tpu.memory_space<hbm>> -> memref<40x64xi32, #tpu.memory_space<hbm>>
        %dma_wait3A_862 = arith.constant 0 : i32
        %dma_wait3A_863 = tpu.memref_slice %arg2[%add3A_117, %dma_wait3A_862] : memref<5120x64xi32, #tpu.memory_space<hbm>> -> memref<40x64xi32, #tpu.memory_space<hbm>>
        tpu.wait_dma2 semaphore(%run_scoped3A : memref<!tpu.dma_semaphore, #tpu.memory_space<semaphore_mem>>) src(%dma_wait3A_863 : memref<40x64xi32, #tpu.memory_space<hbm>>) dst(%arg7 : memref<40x64xi32, #tpu.memory_space<vmem>>)
        tpu.yield
      }) : () -> ()
      "tpu.region"() ({
        %run_scoped3A = tpu.sem_alloc : memref<!tpu.dma_semaphore, #tpu.memory_space<semaphore_mem>>
        %dma_start3A_856 = arith.constant 0 : i32
        %dma_start3A_857 = tpu.memref_slice %arg3[%add3A_117, %dma_start3A_856] : memref<5120x64xi32, #tpu.memory_space<hbm>> -> memref<40x64xi32, #tpu.memory_space<hbm>>
        %dma_start3A_858 = arith.constant 0 : i32
        %dma_start3A_859 = tpu.memref_slice %arg3[%add3A_117, %dma_start3A_858] : memref<5120x64xi32, #tpu.memory_space<hbm>> -> memref<40x64xi32, #tpu.memory_space<hbm>>
        tpu.enqueue_dma source(%dma_start3A_859 : memref<40x64xi32, #tpu.memory_space<hbm>>) target(%arg8 : memref<40x64xi32, #tpu.memory_space<vmem>>) target_semaphore(%run_scoped3A : memref<!tpu.dma_semaphore, #tpu.memory_space<semaphore_mem>>)
        %dma_wait3A_860 = arith.constant 0 : i32
        %dma_wait3A_861 = tpu.memref_slice %arg3[%add3A_117, %dma_wait3A_860] : memref<5120x64xi32, #tpu.memory_space<hbm>> -> memref<40x64xi32, #tpu.memory_space<hbm>>
        %dma_wait3A_862 = arith.constant 0 : i32
        %dma_wait3A_863 = tpu.memref_slice %arg3[%add3A_117, %dma_wait3A_862] : memref<5120x64xi32, #tpu.memory_space<hbm>> -> memref<40x64xi32, #tpu.memory_space<hbm>>
        tpu.wait_dma2 semaphore(%run_scoped3A : memref<!tpu.dma_semaphore, #tpu.memory_space<semaphore_mem>>) src(%dma_wait3A_863 : memref<40x64xi32, #tpu.memory_space<hbm>>) dst(%arg8 : memref<40x64xi32, #tpu.memory_space<vmem>>)
        tpu.yield
      }) : () -> ()
      %dma_start3A_118 = arith.constant 0 : i32
      %dma_start3A_119 = arith.constant 0 : i32
      %dma_start3A_120 = arith.constant 0 : i32
      %dma_start3A_121 = arith.constant 0 : i32
      %dma_start3A_122 = tpu.memref_slice %arg9[%dma_start3A_119, %dma_start3A_120, %dma_start3A_121] : memref<4x64x128xf32, #tpu.memory_space<vmem>> -> memref<1x64x128xf32, #tpu.memory_space<vmem>>
      %dma_start3A_123 = tpu.memref_squeeze %dma_start3A_122 : memref<1x64x128xf32, #tpu.memory_space<vmem>> -> memref<64x128xf32, #tpu.memory_space<vmem>>
      %dma_start3A_124 = arith.constant 0 : i32
      %dma_start3A_125 = tpu.memref_slice %arg7[%dma_start3A_118, %dma_start3A_124] : memref<40x64xi32, #tpu.memory_space<vmem>> -> memref<1x64xi32, #tpu.memory_space<vmem>>
      %dma_start3A_126 = tpu.memref_squeeze %dma_start3A_125 : memref<1x64xi32, #tpu.memory_space<vmem>> -> memref<64xi32, #tpu.memory_space<vmem>>
      %dma_start3A_127 = arith.constant 0 : i32
      %dma_start3A_128 = arith.constant 0 : i32
      %dma_start3A_129 = tpu.memref_slice %arg4[%dma_start3A_127, %dma_start3A_128] : memref<10000x128xf32, #tpu.memory_space<hbm>> -> memref<10000x128xf32, #tpu.memory_space<hbm>>
      tpu.enqueue_indirect_dma source(%dma_start3A_129 : memref<10000x128xf32, #tpu.memory_space<hbm>>) target(%dma_start3A_123 : memref<64x128xf32, #tpu.memory_space<vmem>>) offsets(%dma_start3A_126 : memref<64xi32, #tpu.memory_space<vmem>>) semaphore(%arg11 : memref<!tpu.dma_semaphore, #tpu.memory_space<semaphore_mem>>)
      %dma_start3A_130 = arith.constant 1 : i32
      %dma_start3A_131 = arith.constant 1 : i32
      %dma_start3A_132 = arith.constant 0 : i32
      %dma_start3A_133 = arith.constant 0 : i32
      %dma_start3A_134 = tpu.memref_slice %arg9[%dma_start3A_131, %dma_start3A_132, %dma_start3A_133] : memref<4x64x128xf32, #tpu.memory_space<vmem>> -> memref<1x64x128xf32, #tpu.memory_space<vmem>>
      %dma_start3A_135 = tpu.memref_squeeze %dma_start3A_134 : memref<1x64x128xf32, #tpu.memory_space<vmem>> -> memref<64x128xf32, #tpu.memory_space<vmem>>
      %dma_start3A_136 = arith.constant 0 : i32
      %dma_start3A_137 = tpu.memref_slice %arg7[%dma_start3A_130, %dma_start3A_136] : memref<40x64xi32, #tpu.memory_space<vmem>> -> memref<1x64xi32, #tpu.memory_space<vmem>>
      %dma_start3A_138 = tpu.memref_squeeze %dma_start3A_137 : memref<1x64xi32, #tpu.memory_space<vmem>> -> memref<64xi32, #tpu.memory_space<vmem>>
      %dma_start3A_139 = arith.constant 0 : i32
      %dma_start3A_140 = arith.constant 0 : i32
      %dma_start3A_141 = tpu.memref_slice %arg4[%dma_start3A_139, %dma_start3A_140] : memref<10000x128xf32, #tpu.memory_space<hbm>> -> memref<10000x128xf32, #tpu.memory_space<hbm>>
      tpu.enqueue_indirect_dma source(%dma_start3A_141 : memref<10000x128xf32, #tpu.memory_space<hbm>>) target(%dma_start3A_135 : memref<64x128xf32, #tpu.memory_space<vmem>>) offsets(%dma_start3A_138 : memref<64xi32, #tpu.memory_space<vmem>>) semaphore(%arg12 : memref<!tpu.dma_semaphore, #tpu.memory_space<semaphore_mem>>)
      %dma_start3A_142 = arith.constant 2 : i32
      %dma_start3A_143 = arith.constant 2 : i32
      %dma_start3A_144 = arith.constant 0 : i32
      %dma_start3A_145 = arith.constant 0 : i32
      %dma_start3A_146 = tpu.memref_slice %arg9[%dma_start3A_143, %dma_start3A_144, %dma_start3A_145] : memref<4x64x128xf32, #tpu.memory_space<vmem>> -> memref<1x64x128xf32, #tpu.memory_space<vmem>>
      %dma_start3A_147 = tpu.memref_squeeze %dma_start3A_146 : memref<1x64x128xf32, #tpu.memory_space<vmem>> -> memref<64x128xf32, #tpu.memory_space<vmem>>
      %dma_start3A_148 = arith.constant 0 : i32
      %dma_start3A_149 = tpu.memref_slice %arg7[%dma_start3A_142, %dma_start3A_148] : memref<40x64xi32, #tpu.memory_space<vmem>> -> memref<1x64xi32, #tpu.memory_space<vmem>>
      %dma_start3A_150 = tpu.memref_squeeze %dma_start3A_149 : memref<1x64xi32, #tpu.memory_space<vmem>> -> memref<64xi32, #tpu.memory_space<vmem>>
      %dma_start3A_151 = arith.constant 0 : i32
      %dma_start3A_152 = arith.constant 0 : i32
      %dma_start3A_153 = tpu.memref_slice %arg4[%dma_start3A_151, %dma_start3A_152] : memref<10000x128xf32, #tpu.memory_space<hbm>> -> memref<10000x128xf32, #tpu.memory_space<hbm>>
      tpu.enqueue_indirect_dma source(%dma_start3A_153 : memref<10000x128xf32, #tpu.memory_space<hbm>>) target(%dma_start3A_147 : memref<64x128xf32, #tpu.memory_space<vmem>>) offsets(%dma_start3A_150 : memref<64xi32, #tpu.memory_space<vmem>>) semaphore(%arg13 : memref<!tpu.dma_semaphore, #tpu.memory_space<semaphore_mem>>)
      %dma_start3A_154 = arith.constant 3 : i32
      %dma_start3A_155 = arith.constant 3 : i32
      %dma_start3A_156 = arith.constant 0 : i32
      %dma_start3A_157 = arith.constant 0 : i32
      %dma_start3A_158 = tpu.memref_slice %arg9[%dma_start3A_155, %dma_start3A_156, %dma_start3A_157] : memref<4x64x128xf32, #tpu.memory_space<vmem>> -> memref<1x64x128xf32, #tpu.memory_space<vmem>>
      %dma_start3A_159 = tpu.memref_squeeze %dma_start3A_158 : memref<1x64x128xf32, #tpu.memory_space<vmem>> -> memref<64x128xf32, #tpu.memory_space<vmem>>
      %dma_start3A_160 = arith.constant 0 : i32
      %dma_start3A_161 = tpu.memref_slice %arg7[%dma_start3A_154, %dma_start3A_160] : memref<40x64xi32, #tpu.memory_space<vmem>> -> memref<1x64xi32, #tpu.memory_space<vmem>>
      %dma_start3A_162 = tpu.memref_squeeze %dma_start3A_161 : memref<1x64xi32, #tpu.memory_space<vmem>> -> memref<64xi32, #tpu.memory_space<vmem>>
      %dma_start3A_163 = arith.constant 0 : i32
      %dma_start3A_164 = arith.constant 0 : i32
      %dma_start3A_165 = tpu.memref_slice %arg4[%dma_start3A_163, %dma_start3A_164] : memref<10000x128xf32, #tpu.memory_space<hbm>> -> memref<10000x128xf32, #tpu.memory_space<hbm>>
      tpu.enqueue_indirect_dma source(%dma_start3A_165 : memref<10000x128xf32, #tpu.memory_space<hbm>>) target(%dma_start3A_159 : memref<64x128xf32, #tpu.memory_space<vmem>>) offsets(%dma_start3A_162 : memref<64xi32, #tpu.memory_space<vmem>>) semaphore(%arg14 : memref<!tpu.dma_semaphore, #tpu.memory_space<semaphore_mem>>)
      %scan3A_166 = arith.constant 0 : i32
      %scan3A_167 = arith.constant 0 : i32
      %scan3A_168 = arith.constant 10 : i32
      %scan3A_169 = arith.addi %scan3A_167, %scan3A_168 : i32
      %scan3A_170 = arith.constant 1 : i32
      scf.for %scan3A_856 = %scan3A_167 to %scan3A_169 step %scan3A_170  : i32 {
        %mul3A_857 = arith.constant 4 : i32
        %mul3A_858 = arith.muli %mul3A_857, %scan3A_856 : i32
        %dma_wait3A_859 = arith.constant 0 : i32
        %dma_wait3A_860 = arith.constant 0 : i32
        %dma_wait3A_861 = arith.constant 0 : i32
        %dma_wait3A_862 = arith.constant 0 : i32
        %dma_wait3A_863 = tpu.memref_slice %arg9[%dma_wait3A_860, %dma_wait3A_861, %dma_wait3A_862] : memref<4x64x128xf32, #tpu.memory_space<vmem>> -> memref<1x64x128xf32, #tpu.memory_space<vmem>>
        %dma_wait3A_864 = tpu.memref_squeeze %dma_wait3A_863 : memref<1x64x128xf32, #tpu.memory_space<vmem>> -> memref<64x128xf32, #tpu.memory_space<vmem>>
        %dma_wait3A_865 = arith.constant 0 : i32
        %dma_wait3A_866 = tpu.memref_slice %arg7[%dma_wait3A_859, %dma_wait3A_865] : memref<40x64xi32, #tpu.memory_space<vmem>> -> memref<1x64xi32, #tpu.memory_space<vmem>>
        %dma_wait3A_867 = tpu.memref_squeeze %dma_wait3A_866 : memref<1x64xi32, #tpu.memory_space<vmem>> -> memref<64xi32, #tpu.memory_space<vmem>>
        %dma_wait3A_868 = arith.constant 0 : i32
        %dma_wait3A_869 = arith.constant 0 : i32
        %dma_wait3A_870 = tpu.memref_slice %arg4[%dma_wait3A_868, %dma_wait3A_869] : memref<10000x128xf32, #tpu.memory_space<hbm>> -> memref<10000x128xf32, #tpu.memory_space<hbm>>
        tpu.wait_indirect_dma semaphore(%arg11 : memref<!tpu.dma_semaphore, #tpu.memory_space<semaphore_mem>>) src(%dma_wait3A_870 : memref<10000x128xf32, #tpu.memory_space<hbm>>) dst(%dma_wait3A_864 : memref<64x128xf32, #tpu.memory_space<vmem>>)
        %add3A_871 = arith.constant 0 : i32
        %add3A_872 = arith.addi %mul3A_858, %add3A_871 : i32
        %run_scoped3A = arith.constant 0 : i32
        "tpu.region"() ({
          %run_scoped3A_985 = tpu.sem_alloc : memref<!tpu.dma_semaphore, #tpu.memory_space<semaphore_mem>>
          %dma_start3A_986 = arith.constant 0 : i32
          %dma_start3A_987 = arith.constant 0 : i32
          %dma_start3A_988 = tpu.memref_slice %arg9[%run_scoped3A, %dma_start3A_986, %dma_start3A_987] : memref<4x64x128xf32, #tpu.memory_space<vmem>> -> memref<1x64x128xf32, #tpu.memory_space<vmem>>
          %dma_start3A_989 = tpu.memref_squeeze %dma_start3A_988 : memref<1x64x128xf32, #tpu.memory_space<vmem>> -> memref<64x128xf32, #tpu.memory_space<vmem>>
          %dma_start3A_990 = arith.constant 0 : i32
          %dma_start3A_991 = tpu.memref_slice %arg8[%add3A_872, %dma_start3A_990] : memref<40x64xi32, #tpu.memory_space<vmem>> -> memref<1x64xi32, #tpu.memory_space<vmem>>
          %dma_start3A_992 = tpu.memref_squeeze %dma_start3A_991 : memref<1x64xi32, #tpu.memory_space<vmem>> -> memref<64xi32, #tpu.memory_space<vmem>>
          %dma_start3A_993 = arith.constant 0 : i32
          %dma_start3A_994 = arith.constant 0 : i32
          %dma_start3A_995 = tpu.memref_slice %arg10[%dma_start3A_993, %dma_start3A_994] : memref<10240x128xf32, #tpu.memory_space<vmem_shared>> -> memref<10240x128xf32, #tpu.memory_space<vmem_shared>>
          tpu.enqueue_indirect_dma source(%dma_start3A_989 : memref<64x128xf32, #tpu.memory_space<vmem>>) target(%dma_start3A_995 : memref<10240x128xf32, #tpu.memory_space<vmem_shared>>) offsets(%dma_start3A_992 : memref<64xi32, #tpu.memory_space<vmem>>) semaphore(%run_scoped3A_985 : memref<!tpu.dma_semaphore, #tpu.memory_space<semaphore_mem>>) {add = true}
          %dma_wait3A_996 = arith.constant 0 : i32
          %dma_wait3A_997 = arith.constant 0 : i32
          %dma_wait3A_998 = tpu.memref_slice %arg9[%run_scoped3A, %dma_wait3A_996, %dma_wait3A_997] : memref<4x64x128xf32, #tpu.memory_space<vmem>> -> memref<1x64x128xf32, #tpu.memory_space<vmem>>
          %dma_wait3A_999 = tpu.memref_squeeze %dma_wait3A_998 : memref<1x64x128xf32, #tpu.memory_space<vmem>> -> memref<64x128xf32, #tpu.memory_space<vmem>>
          %dma_wait3A_1000 = arith.constant 0 : i32
          %dma_wait3A_1001 = tpu.memref_slice %arg8[%add3A_872, %dma_wait3A_1000] : memref<40x64xi32, #tpu.memory_space<vmem>> -> memref<1x64xi32, #tpu.memory_space<vmem>>
          %dma_wait3A_1002 = tpu.memref_squeeze %dma_wait3A_1001 : memref<1x64xi32, #tpu.memory_space<vmem>> -> memref<64xi32, #tpu.memory_space<vmem>>
          %dma_wait3A_1003 = arith.constant 0 : i32
          %dma_wait3A_1004 = arith.constant 0 : i32
          %dma_wait3A_1005 = tpu.memref_slice %arg10[%dma_wait3A_1003, %dma_wait3A_1004] : memref<10240x128xf32, #tpu.memory_space<vmem_shared>> -> memref<10240x128xf32, #tpu.memory_space<vmem_shared>>
          tpu.wait_indirect_dma semaphore(%run_scoped3A_985 : memref<!tpu.dma_semaphore, #tpu.memory_space<semaphore_mem>>) src(%dma_wait3A_999 : memref<64x128xf32, #tpu.memory_space<vmem>>) dst(%dma_wait3A_1005 : memref<10240x128xf32, #tpu.memory_space<vmem_shared>>)
          tpu.yield
        }) : () -> ()
        %add3A_873 = arith.constant 4 : i32
        %add3A_874 = arith.addi %mul3A_858, %add3A_873 : i32
        %add3A_875 = arith.constant 0 : i32
        %add3A_876 = arith.addi %add3A_874, %add3A_875 : i32
        %min3A = arith.constant 39 : i32
        %min3A_877 = arith.minsi %add3A_876, %min3A : i32
        %dma_start3A_878 = arith.constant 0 : i32
        %dma_start3A_879 = arith.constant 0 : i32
        %dma_start3A_880 = arith.constant 0 : i32
        %dma_start3A_881 = tpu.memref_slice %arg9[%dma_start3A_878, %dma_start3A_879, %dma_start3A_880] : memref<4x64x128xf32, #tpu.memory_space<vmem>> -> memref<1x64x128xf32, #tpu.memory_space<vmem>>
        %dma_start3A_882 = tpu.memref_squeeze %dma_start3A_881 : memref<1x64x128xf32, #tpu.memory_space<vmem>> -> memref<64x128xf32, #tpu.memory_space<vmem>>
        %dma_start3A_883 = arith.constant 0 : i32
        %dma_start3A_884 = tpu.memref_slice %arg7[%min3A_877, %dma_start3A_883] : memref<40x64xi32, #tpu.memory_space<vmem>> -> memref<1x64xi32, #tpu.memory_space<vmem>>
        %dma_start3A_885 = tpu.memref_squeeze %dma_start3A_884 : memref<1x64xi32, #tpu.memory_space<vmem>> -> memref<64xi32, #tpu.memory_space<vmem>>
        %dma_start3A_886 = arith.constant 0 : i32
        %dma_start3A_887 = arith.constant 0 : i32
        %dma_start3A_888 = tpu.memref_slice %arg4[%dma_start3A_886, %dma_start3A_887] : memref<10000x128xf32, #tpu.memory_space<hbm>> -> memref<10000x128xf32, #tpu.memory_space<hbm>>
        tpu.enqueue_indirect_dma source(%dma_start3A_888 : memref<10000x128xf32, #tpu.memory_space<hbm>>) target(%dma_start3A_882 : memref<64x128xf32, #tpu.memory_space<vmem>>) offsets(%dma_start3A_885 : memref<64xi32, #tpu.memory_space<vmem>>) semaphore(%arg11 : memref<!tpu.dma_semaphore, #tpu.memory_space<semaphore_mem>>)
        %dma_wait3A_889 = arith.constant 0 : i32
        %dma_wait3A_890 = arith.constant 1 : i32
        %dma_wait3A_891 = arith.constant 0 : i32
        %dma_wait3A_892 = arith.constant 0 : i32
        %dma_wait3A_893 = tpu.memref_slice %arg9[%dma_wait3A_890, %dma_wait3A_891, %dma_wait3A_892] : memref<4x64x128xf32, #tpu.memory_space<vmem>> -> memref<1x64x128xf32, #tpu.memory_space<vmem>>
        %dma_wait3A_894 = tpu.memref_squeeze %dma_wait3A_893 : memref<1x64x128xf32, #tpu.memory_space<vmem>> -> memref<64x128xf32, #tpu.memory_space<vmem>>
        %dma_wait3A_895 = arith.constant 0 : i32
        %dma_wait3A_896 = tpu.memref_slice %arg7[%dma_wait3A_889, %dma_wait3A_895] : memref<40x64xi32, #tpu.memory_space<vmem>> -> memref<1x64xi32, #tpu.memory_space<vmem>>
        %dma_wait3A_897 = tpu.memref_squeeze %dma_wait3A_896 : memref<1x64xi32, #tpu.memory_space<vmem>> -> memref<64xi32, #tpu.memory_space<vmem>>
        %dma_wait3A_898 = arith.constant 0 : i32
        %dma_wait3A_899 = arith.constant 0 : i32
        %dma_wait3A_900 = tpu.memref_slice %arg4[%dma_wait3A_898, %dma_wait3A_899] : memref<10000x128xf32, #tpu.memory_space<hbm>> -> memref<10000x128xf32, #tpu.memory_space<hbm>>
        tpu.wait_indirect_dma semaphore(%arg12 : memref<!tpu.dma_semaphore, #tpu.memory_space<semaphore_mem>>) src(%dma_wait3A_900 : memref<10000x128xf32, #tpu.memory_space<hbm>>) dst(%dma_wait3A_894 : memref<64x128xf32, #tpu.memory_space<vmem>>)
        %add3A_901 = arith.constant 1 : i32
        %add3A_902 = arith.addi %mul3A_858, %add3A_901 : i32
        %run_scoped3A_903 = arith.constant 1 : i32
        "tpu.region"() ({
          %run_scoped3A_985 = tpu.sem_alloc : memref<!tpu.dma_semaphore, #tpu.memory_space<semaphore_mem>>
          %dma_start3A_986 = arith.constant 0 : i32
          %dma_start3A_987 = arith.constant 0 : i32
          %dma_start3A_988 = tpu.memref_slice %arg9[%run_scoped3A_903, %dma_start3A_986, %dma_start3A_987] : memref<4x64x128xf32, #tpu.memory_space<vmem>> -> memref<1x64x128xf32, #tpu.memory_space<vmem>>
          %dma_start3A_989 = tpu.memref_squeeze %dma_start3A_988 : memref<1x64x128xf32, #tpu.memory_space<vmem>> -> memref<64x128xf32, #tpu.memory_space<vmem>>
          %dma_start3A_990 = arith.constant 0 : i32
          %dma_start3A_991 = tpu.memref_slice %arg8[%add3A_902, %dma_start3A_990] : memref<40x64xi32, #tpu.memory_space<vmem>> -> memref<1x64xi32, #tpu.memory_space<vmem>>
          %dma_start3A_992 = tpu.memref_squeeze %dma_start3A_991 : memref<1x64xi32, #tpu.memory_space<vmem>> -> memref<64xi32, #tpu.memory_space<vmem>>
          %dma_start3A_993 = arith.constant 0 : i32
          %dma_start3A_994 = arith.constant 0 : i32
          %dma_start3A_995 = tpu.memref_slice %arg10[%dma_start3A_993, %dma_start3A_994] : memref<10240x128xf32, #tpu.memory_space<vmem_shared>> -> memref<10240x128xf32, #tpu.memory_space<vmem_shared>>
          tpu.enqueue_indirect_dma source(%dma_start3A_989 : memref<64x128xf32, #tpu.memory_space<vmem>>) target(%dma_start3A_995 : memref<10240x128xf32, #tpu.memory_space<vmem_shared>>) offsets(%dma_start3A_992 : memref<64xi32, #tpu.memory_space<vmem>>) semaphore(%run_scoped3A_985 : memref<!tpu.dma_semaphore, #tpu.memory_space<semaphore_mem>>) {add = true}
          %dma_wait3A_996 = arith.constant 0 : i32
          %dma_wait3A_997 = arith.constant 0 : i32
          %dma_wait3A_998 = tpu.memref_slice %arg9[%run_scoped3A_903, %dma_wait3A_996, %dma_wait3A_997] : memref<4x64x128xf32, #tpu.memory_space<vmem>> -> memref<1x64x128xf32, #tpu.memory_space<vmem>>
          %dma_wait3A_999 = tpu.memref_squeeze %dma_wait3A_998 : memref<1x64x128xf32, #tpu.memory_space<vmem>> -> memref<64x128xf32, #tpu.memory_space<vmem>>
          %dma_wait3A_1000 = arith.constant 0 : i32
          %dma_wait3A_1001 = tpu.memref_slice %arg8[%add3A_902, %dma_wait3A_1000] : memref<40x64xi32, #tpu.memory_space<vmem>> -> memref<1x64xi32, #tpu.memory_space<vmem>>
          %dma_wait3A_1002 = tpu.memref_squeeze %dma_wait3A_1001 : memref<1x64xi32, #tpu.memory_space<vmem>> -> memref<64xi32, #tpu.memory_space<vmem>>
          %dma_wait3A_1003 = arith.constant 0 : i32
          %dma_wait3A_1004 = arith.constant 0 : i32
          %dma_wait3A_1005 = tpu.memref_slice %arg10[%dma_wait3A_1003, %dma_wait3A_1004] : memref<10240x128xf32, #tpu.memory_space<vmem_shared>> -> memref<10240x128xf32, #tpu.memory_space<vmem_shared>>
          tpu.wait_indirect_dma semaphore(%run_scoped3A_985 : memref<!tpu.dma_semaphore, #tpu.memory_space<semaphore_mem>>) src(%dma_wait3A_999 : memref<64x128xf32, #tpu.memory_space<vmem>>) dst(%dma_wait3A_1005 : memref<10240x128xf32, #tpu.memory_space<vmem_shared>>)
          tpu.yield
        }) : () -> ()
        %add3A_904 = arith.constant 4 : i32
        %add3A_905 = arith.addi %mul3A_858, %add3A_904 : i32
        %add3A_906 = arith.constant 1 : i32
        %add3A_907 = arith.addi %add3A_905, %add3A_906 : i32
        %min3A_908 = arith.constant 39 : i32
        %min3A_909 = arith.minsi %add3A_907, %min3A_908 : i32
        %dma_start3A_910 = arith.constant 1 : i32
        %dma_start3A_911 = arith.constant 0 : i32
        %dma_start3A_912 = arith.constant 0 : i32
        %dma_start3A_913 = tpu.memref_slice %arg9[%dma_start3A_910, %dma_start3A_911, %dma_start3A_912] : memref<4x64x128xf32, #tpu.memory_space<vmem>> -> memref<1x64x128xf32, #tpu.memory_space<vmem>>
        %dma_start3A_914 = tpu.memref_squeeze %dma_start3A_913 : memref<1x64x128xf32, #tpu.memory_space<vmem>> -> memref<64x128xf32, #tpu.memory_space<vmem>>
        %dma_start3A_915 = arith.constant 0 : i32
        %dma_start3A_916 = tpu.memref_slice %arg7[%min3A_909, %dma_start3A_915] : memref<40x64xi32, #tpu.memory_space<vmem>> -> memref<1x64xi32, #tpu.memory_space<vmem>>
        %dma_start3A_917 = tpu.memref_squeeze %dma_start3A_916 : memref<1x64xi32, #tpu.memory_space<vmem>> -> memref<64xi32, #tpu.memory_space<vmem>>
        %dma_start3A_918 = arith.constant 0 : i32
        %dma_start3A_919 = arith.constant 0 : i32
        %dma_start3A_920 = tpu.memref_slice %arg4[%dma_start3A_918, %dma_start3A_919] : memref<10000x128xf32, #tpu.memory_space<hbm>> -> memref<10000x128xf32, #tpu.memory_space<hbm>>
        tpu.enqueue_indirect_dma source(%dma_start3A_920 : memref<10000x128xf32, #tpu.memory_space<hbm>>) target(%dma_start3A_914 : memref<64x128xf32, #tpu.memory_space<vmem>>) offsets(%dma_start3A_917 : memref<64xi32, #tpu.memory_space<vmem>>) semaphore(%arg12 : memref<!tpu.dma_semaphore, #tpu.memory_space<semaphore_mem>>)
        %dma_wait3A_921 = arith.constant 0 : i32
        %dma_wait3A_922 = arith.constant 2 : i32
        %dma_wait3A_923 = arith.constant 0 : i32
        %dma_wait3A_924 = arith.constant 0 : i32
        %dma_wait3A_925 = tpu.memref_slice %arg9[%dma_wait3A_922, %dma_wait3A_923, %dma_wait3A_924] : memref<4x64x128xf32, #tpu.memory_space<vmem>> -> memref<1x64x128xf32, #tpu.memory_space<vmem>>
        %dma_wait3A_926 = tpu.memref_squeeze %dma_wait3A_925 : memref<1x64x128xf32, #tpu.memory_space<vmem>> -> memref<64x128xf32, #tpu.memory_space<vmem>>
        %dma_wait3A_927 = arith.constant 0 : i32
        %dma_wait3A_928 = tpu.memref_slice %arg7[%dma_wait3A_921, %dma_wait3A_927] : memref<40x64xi32, #tpu.memory_space<vmem>> -> memref<1x64xi32, #tpu.memory_space<vmem>>
        %dma_wait3A_929 = tpu.memref_squeeze %dma_wait3A_928 : memref<1x64xi32, #tpu.memory_space<vmem>> -> memref<64xi32, #tpu.memory_space<vmem>>
        %dma_wait3A_930 = arith.constant 0 : i32
        %dma_wait3A_931 = arith.constant 0 : i32
        %dma_wait3A_932 = tpu.memref_slice %arg4[%dma_wait3A_930, %dma_wait3A_931] : memref<10000x128xf32, #tpu.memory_space<hbm>> -> memref<10000x128xf32, #tpu.memory_space<hbm>>
        tpu.wait_indirect_dma semaphore(%arg13 : memref<!tpu.dma_semaphore, #tpu.memory_space<semaphore_mem>>) src(%dma_wait3A_932 : memref<10000x128xf32, #tpu.memory_space<hbm>>) dst(%dma_wait3A_926 : memref<64x128xf32, #tpu.memory_space<vmem>>)
        %add3A_933 = arith.constant 2 : i32
        %add3A_934 = arith.addi %mul3A_858, %add3A_933 : i32
        %run_scoped3A_935 = arith.constant 2 : i32
        "tpu.region"() ({
          %run_scoped3A_985 = tpu.sem_alloc : memref<!tpu.dma_semaphore, #tpu.memory_space<semaphore_mem>>
          %dma_start3A_986 = arith.constant 0 : i32
          %dma_start3A_987 = arith.constant 0 : i32
          %dma_start3A_988 = tpu.memref_slice %arg9[%run_scoped3A_935, %dma_start3A_986, %dma_start3A_987] : memref<4x64x128xf32, #tpu.memory_space<vmem>> -> memref<1x64x128xf32, #tpu.memory_space<vmem>>
          %dma_start3A_989 = tpu.memref_squeeze %dma_start3A_988 : memref<1x64x128xf32, #tpu.memory_space<vmem>> -> memref<64x128xf32, #tpu.memory_space<vmem>>
          %dma_start3A_990 = arith.constant 0 : i32
          %dma_start3A_991 = tpu.memref_slice %arg8[%add3A_934, %dma_start3A_990] : memref<40x64xi32, #tpu.memory_space<vmem>> -> memref<1x64xi32, #tpu.memory_space<vmem>>
          %dma_start3A_992 = tpu.memref_squeeze %dma_start3A_991 : memref<1x64xi32, #tpu.memory_space<vmem>> -> memref<64xi32, #tpu.memory_space<vmem>>
          %dma_start3A_993 = arith.constant 0 : i32
          %dma_start3A_994 = arith.constant 0 : i32
          %dma_start3A_995 = tpu.memref_slice %arg10[%dma_start3A_993, %dma_start3A_994] : memref<10240x128xf32, #tpu.memory_space<vmem_shared>> -> memref<10240x128xf32, #tpu.memory_space<vmem_shared>>
          tpu.enqueue_indirect_dma source(%dma_start3A_989 : memref<64x128xf32, #tpu.memory_space<vmem>>) target(%dma_start3A_995 : memref<10240x128xf32, #tpu.memory_space<vmem_shared>>) offsets(%dma_start3A_992 : memref<64xi32, #tpu.memory_space<vmem>>) semaphore(%run_scoped3A_985 : memref<!tpu.dma_semaphore, #tpu.memory_space<semaphore_mem>>) {add = true}
          %dma_wait3A_996 = arith.constant 0 : i32
          %dma_wait3A_997 = arith.constant 0 : i32
          %dma_wait3A_998 = tpu.memref_slice %arg9[%run_scoped3A_935, %dma_wait3A_996, %dma_wait3A_997] : memref<4x64x128xf32, #tpu.memory_space<vmem>> -> memref<1x64x128xf32, #tpu.memory_space<vmem>>
          %dma_wait3A_999 = tpu.memref_squeeze %dma_wait3A_998 : memref<1x64x128xf32, #tpu.memory_space<vmem>> -> memref<64x128xf32, #tpu.memory_space<vmem>>
          %dma_wait3A_1000 = arith.constant 0 : i32
          %dma_wait3A_1001 = tpu.memref_slice %arg8[%add3A_934, %dma_wait3A_1000] : memref<40x64xi32, #tpu.memory_space<vmem>> -> memref<1x64xi32, #tpu.memory_space<vmem>>
          %dma_wait3A_1002 = tpu.memref_squeeze %dma_wait3A_1001 : memref<1x64xi32, #tpu.memory_space<vmem>> -> memref<64xi32, #tpu.memory_space<vmem>>
          %dma_wait3A_1003 = arith.constant 0 : i32
          %dma_wait3A_1004 = arith.constant 0 : i32
          %dma_wait3A_1005 = tpu.memref_slice %arg10[%dma_wait3A_1003, %dma_wait3A_1004] : memref<10240x128xf32, #tpu.memory_space<vmem_shared>> -> memref<10240x128xf32, #tpu.memory_space<vmem_shared>>
          tpu.wait_indirect_dma semaphore(%run_scoped3A_985 : memref<!tpu.dma_semaphore, #tpu.memory_space<semaphore_mem>>) src(%dma_wait3A_999 : memref<64x128xf32, #tpu.memory_space<vmem>>) dst(%dma_wait3A_1005 : memref<10240x128xf32, #tpu.memory_space<vmem_shared>>)
          tpu.yield
        }) : () -> ()
        %add3A_936 = arith.constant 4 : i32
        %add3A_937 = arith.addi %mul3A_858, %add3A_936 : i32
        %add3A_938 = arith.constant 2 : i32
        %add3A_939 = arith.addi %add3A_937, %add3A_938 : i32
        %min3A_940 = arith.constant 39 : i32
        %min3A_941 = arith.minsi %add3A_939, %min3A_940 : i32
        %dma_start3A_942 = arith.constant 2 : i32
        %dma_start3A_943 = arith.constant 0 : i32
        %dma_start3A_944 = arith.constant 0 : i32
        %dma_start3A_945 = tpu.memref_slice %arg9[%dma_start3A_942, %dma_start3A_943, %dma_start3A_944] : memref<4x64x128xf32, #tpu.memory_space<vmem>> -> memref<1x64x128xf32, #tpu.memory_space<vmem>>
        %dma_start3A_946 = tpu.memref_squeeze %dma_start3A_945 : memref<1x64x128xf32, #tpu.memory_space<vmem>> -> memref<64x128xf32, #tpu.memory_space<vmem>>
        %dma_start3A_947 = arith.constant 0 : i32
        %dma_start3A_948 = tpu.memref_slice %arg7[%min3A_941, %dma_start3A_947] : memref<40x64xi32, #tpu.memory_space<vmem>> -> memref<1x64xi32, #tpu.memory_space<vmem>>
        %dma_start3A_949 = tpu.memref_squeeze %dma_start3A_948 : memref<1x64xi32, #tpu.memory_space<vmem>> -> memref<64xi32, #tpu.memory_space<vmem>>
        %dma_start3A_950 = arith.constant 0 : i32
        %dma_start3A_951 = arith.constant 0 : i32
        %dma_start3A_952 = tpu.memref_slice %arg4[%dma_start3A_950, %dma_start3A_951] : memref<10000x128xf32, #tpu.memory_space<hbm>> -> memref<10000x128xf32, #tpu.memory_space<hbm>>
        tpu.enqueue_indirect_dma source(%dma_start3A_952 : memref<10000x128xf32, #tpu.memory_space<hbm>>) target(%dma_start3A_946 : memref<64x128xf32, #tpu.memory_space<vmem>>) offsets(%dma_start3A_949 : memref<64xi32, #tpu.memory_space<vmem>>) semaphore(%arg13 : memref<!tpu.dma_semaphore, #tpu.memory_space<semaphore_mem>>)
        %dma_wait3A_953 = arith.constant 0 : i32
        %dma_wait3A_954 = arith.constant 3 : i32
        %dma_wait3A_955 = arith.constant 0 : i32
        %dma_wait3A_956 = arith.constant 0 : i32
        %dma_wait3A_957 = tpu.memref_slice %arg9[%dma_wait3A_954, %dma_wait3A_955, %dma_wait3A_956] : memref<4x64x128xf32, #tpu.memory_space<vmem>> -> memref<1x64x128xf32, #tpu.memory_space<vmem>>
        %dma_wait3A_958 = tpu.memref_squeeze %dma_wait3A_957 : memref<1x64x128xf32, #tpu.memory_space<vmem>> -> memref<64x128xf32, #tpu.memory_space<vmem>>
        %dma_wait3A_959 = arith.constant 0 : i32
        %dma_wait3A_960 = tpu.memref_slice %arg7[%dma_wait3A_953, %dma_wait3A_959] : memref<40x64xi32, #tpu.memory_space<vmem>> -> memref<1x64xi32, #tpu.memory_space<vmem>>
        %dma_wait3A_961 = tpu.memref_squeeze %dma_wait3A_960 : memref<1x64xi32, #tpu.memory_space<vmem>> -> memref<64xi32, #tpu.memory_space<vmem>>
        %dma_wait3A_962 = arith.constant 0 : i32
        %dma_wait3A_963 = arith.constant 0 : i32
        %dma_wait3A_964 = tpu.memref_slice %arg4[%dma_wait3A_962, %dma_wait3A_963] : memref<10000x128xf32, #tpu.memory_space<hbm>> -> memref<10000x128xf32, #tpu.memory_space<hbm>>
        tpu.wait_indirect_dma semaphore(%arg14 : memref<!tpu.dma_semaphore, #tpu.memory_space<semaphore_mem>>) src(%dma_wait3A_964 : memref<10000x128xf32, #tpu.memory_space<hbm>>) dst(%dma_wait3A_958 : memref<64x128xf32, #tpu.memory_space<vmem>>)
        %add3A_965 = arith.constant 3 : i32
        %add3A_966 = arith.addi %mul3A_858, %add3A_965 : i32
        %run_scoped3A_967 = arith.constant 3 : i32
        "tpu.region"() ({
          %run_scoped3A_985 = tpu.sem_alloc : memref<!tpu.dma_semaphore, #tpu.memory_space<semaphore_mem>>
          %dma_start3A_986 = arith.constant 0 : i32
          %dma_start3A_987 = arith.constant 0 : i32
          %dma_start3A_988 = tpu.memref_slice %arg9[%run_scoped3A_967, %dma_start3A_986, %dma_start3A_987] : memref<4x64x128xf32, #tpu.memory_space<vmem>> -> memref<1x64x128xf32, #tpu.memory_space<vmem>>
          %dma_start3A_989 = tpu.memref_squeeze %dma_start3A_988 : memref<1x64x128xf32, #tpu.memory_space<vmem>> -> memref<64x128xf32, #tpu.memory_space<vmem>>
          %dma_start3A_990 = arith.constant 0 : i32
          %dma_start3A_991 = tpu.memref_slice %arg8[%add3A_966, %dma_start3A_990] : memref<40x64xi32, #tpu.memory_space<vmem>> -> memref<1x64xi32, #tpu.memory_space<vmem>>
          %dma_start3A_992 = tpu.memref_squeeze %dma_start3A_991 : memref<1x64xi32, #tpu.memory_space<vmem>> -> memref<64xi32, #tpu.memory_space<vmem>>
          %dma_start3A_993 = arith.constant 0 : i32
          %dma_start3A_994 = arith.constant 0 : i32
          %dma_start3A_995 = tpu.memref_slice %arg10[%dma_start3A_993, %dma_start3A_994] : memref<10240x128xf32, #tpu.memory_space<vmem_shared>> -> memref<10240x128xf32, #tpu.memory_space<vmem_shared>>
          tpu.enqueue_indirect_dma source(%dma_start3A_989 : memref<64x128xf32, #tpu.memory_space<vmem>>) target(%dma_start3A_995 : memref<10240x128xf32, #tpu.memory_space<vmem_shared>>) offsets(%dma_start3A_992 : memref<64xi32, #tpu.memory_space<vmem>>) semaphore(%run_scoped3A_985 : memref<!tpu.dma_semaphore, #tpu.memory_space<semaphore_mem>>) {add = true}
          %dma_wait3A_996 = arith.constant 0 : i32
          %dma_wait3A_997 = arith.constant 0 : i32
          %dma_wait3A_998 = tpu.memref_slice %arg9[%run_scoped3A_967, %dma_wait3A_996, %dma_wait3A_997] : memref<4x64x128xf32, #tpu.memory_space<vmem>> -> memref<1x64x128xf32, #tpu.memory_space<vmem>>
          %dma_wait3A_999 = tpu.memref_squeeze %dma_wait3A_998 : memref<1x64x128xf32, #tpu.memory_space<vmem>> -> memref<64x128xf32, #tpu.memory_space<vmem>>
          %dma_wait3A_1000 = arith.constant 0 : i32
          %dma_wait3A_1001 = tpu.memref_slice %arg8[%add3A_966, %dma_wait3A_1000] : memref<40x64xi32, #tpu.memory_space<vmem>> -> memref<1x64xi32, #tpu.memory_space<vmem>>
          %dma_wait3A_1002 = tpu.memref_squeeze %dma_wait3A_1001 : memref<1x64xi32, #tpu.memory_space<vmem>> -> memref<64xi32, #tpu.memory_space<vmem>>
          %dma_wait3A_1003 = arith.constant 0 : i32
          %dma_wait3A_1004 = arith.constant 0 : i32
          %dma_wait3A_1005 = tpu.memref_slice %arg10[%dma_wait3A_1003, %dma_wait3A_1004] : memref<10240x128xf32, #tpu.memory_space<vmem_shared>> -> memref<10240x128xf32, #tpu.memory_space<vmem_shared>>
          tpu.wait_indirect_dma semaphore(%run_scoped3A_985 : memref<!tpu.dma_semaphore, #tpu.memory_space<semaphore_mem>>) src(%dma_wait3A_999 : memref<64x128xf32, #tpu.memory_space<vmem>>) dst(%dma_wait3A_1005 : memref<10240x128xf32, #tpu.memory_space<vmem_shared>>)
          tpu.yield
        }) : () -> ()
        %add3A_968 = arith.constant 4 : i32
        %add3A_969 = arith.addi %mul3A_858, %add3A_968 : i32
        %add3A_970 = arith.constant 3 : i32
        %add3A_971 = arith.addi %add3A_969, %add3A_970 : i32
        %min3A_972 = arith.constant 39 : i32
        %min3A_973 = arith.minsi %add3A_971, %min3A_972 : i32
        %dma_start3A_974 = arith.constant 3 : i32
        %dma_start3A_975 = arith.constant 0 : i32
        %dma_start3A_976 = arith.constant 0 : i32
        %dma_start3A_977 = tpu.memref_slice %arg9[%dma_start3A_974, %dma_start3A_975, %dma_start3A_976] : memref<4x64x128xf32, #tpu.memory_space<vmem>> -> memref<1x64x128xf32, #tpu.memory_space<vmem>>
        %dma_start3A_978 = tpu.memref_squeeze %dma_start3A_977 : memref<1x64x128xf32, #tpu.memory_space<vmem>> -> memref<64x128xf32, #tpu.memory_space<vmem>>
        %dma_start3A_979 = arith.constant 0 : i32
        %dma_start3A_980 = tpu.memref_slice %arg7[%min3A_973, %dma_start3A_979] : memref<40x64xi32, #tpu.memory_space<vmem>> -> memref<1x64xi32, #tpu.memory_space<vmem>>
        %dma_start3A_981 = tpu.memref_squeeze %dma_start3A_980 : memref<1x64xi32, #tpu.memory_space<vmem>> -> memref<64xi32, #tpu.memory_space<vmem>>
        %dma_start3A_982 = arith.constant 0 : i32
        %dma_start3A_983 = arith.constant 0 : i32
        %dma_start3A_984 = tpu.memref_slice %arg4[%dma_start3A_982, %dma_start3A_983] : memref<10000x128xf32, #tpu.memory_space<hbm>> -> memref<10000x128xf32, #tpu.memory_space<hbm>>
        tpu.enqueue_indirect_dma source(%dma_start3A_984 : memref<10000x128xf32, #tpu.memory_space<hbm>>) target(%dma_start3A_978 : memref<64x128xf32, #tpu.memory_space<vmem>>) offsets(%dma_start3A_981 : memref<64xi32, #tpu.memory_space<vmem>>) semaphore(%arg14 : memref<!tpu.dma_semaphore, #tpu.memory_space<semaphore_mem>>)
      }
      %scan3A_171 = arith.constant 10 : i32
      %dma_wait3A_172 = arith.constant 0 : i32
      %dma_wait3A_173 = arith.constant 0 : i32
      %dma_wait3A_174 = arith.constant 0 : i32
      %dma_wait3A_175 = arith.constant 0 : i32
      %dma_wait3A_176 = tpu.memref_slice %arg9[%dma_wait3A_173, %dma_wait3A_174, %dma_wait3A_175] : memref<4x64x128xf32, #tpu.memory_space<vmem>> -> memref<1x64x128xf32, #tpu.memory_space<vmem>>
      %dma_wait3A_177 = tpu.memref_squeeze %dma_wait3A_176 : memref<1x64x128xf32, #tpu.memory_space<vmem>> -> memref<64x128xf32, #tpu.memory_space<vmem>>
      %dma_wait3A_178 = arith.constant 0 : i32
      %dma_wait3A_179 = tpu.memref_slice %arg7[%dma_wait3A_172, %dma_wait3A_178] : memref<40x64xi32, #tpu.memory_space<vmem>> -> memref<1x64xi32, #tpu.memory_space<vmem>>
      %dma_wait3A_180 = tpu.memref_squeeze %dma_wait3A_179 : memref<1x64xi32, #tpu.memory_space<vmem>> -> memref<64xi32, #tpu.memory_space<vmem>>
      %dma_wait3A_181 = arith.constant 0 : i32
      %dma_wait3A_182 = arith.constant 0 : i32
      %dma_wait3A_183 = tpu.memref_slice %arg4[%dma_wait3A_181, %dma_wait3A_182] : memref<10000x128xf32, #tpu.memory_space<hbm>> -> memref<10000x128xf32, #tpu.memory_space<hbm>>
      tpu.wait_indirect_dma semaphore(%arg11 : memref<!tpu.dma_semaphore, #tpu.memory_space<semaphore_mem>>) src(%dma_wait3A_183 : memref<10000x128xf32, #tpu.memory_space<hbm>>) dst(%dma_wait3A_177 : memref<64x128xf32, #tpu.memory_space<vmem>>)
      %dma_wait3A_184 = arith.constant 0 : i32
      %dma_wait3A_185 = arith.constant 1 : i32
      %dma_wait3A_186 = arith.constant 0 : i32
      %dma_wait3A_187 = arith.constant 0 : i32
      %dma_wait3A_188 = tpu.memref_slice %arg9[%dma_wait3A_185, %dma_wait3A_186, %dma_wait3A_187] : memref<4x64x128xf32, #tpu.memory_space<vmem>> -> memref<1x64x128xf32, #tpu.memory_space<vmem>>
      %dma_wait3A_189 = tpu.memref_squeeze %dma_wait3A_188 : memref<1x64x128xf32, #tpu.memory_space<vmem>> -> memref<64x128xf32, #tpu.memory_space<vmem>>
      %dma_wait3A_190 = arith.constant 0 : i32
      %dma_wait3A_191 = tpu.memref_slice %arg7[%dma_wait3A_184, %dma_wait3A_190] : memref<40x64xi32, #tpu.memory_space<vmem>> -> memref<1x64xi32, #tpu.memory_space<vmem>>
      %dma_wait3A_192 = tpu.memref_squeeze %dma_wait3A_191 : memref<1x64xi32, #tpu.memory_space<vmem>> -> memref<64xi32, #tpu.memory_space<vmem>>
      %dma_wait3A_193 = arith.constant 0 : i32
      %dma_wait3A_194 = arith.constant 0 : i32
      %dma_wait3A_195 = tpu.memref_slice %arg4[%dma_wait3A_193, %dma_wait3A_194] : memref<10000x128xf32, #tpu.memory_space<hbm>> -> memref<10000x128xf32, #tpu.memory_space<hbm>>
      tpu.wait_indirect_dma semaphore(%arg12 : memref<!tpu.dma_semaphore, #tpu.memory_space<semaphore_mem>>) src(%dma_wait3A_195 : memref<10000x128xf32, #tpu.memory_space<hbm>>) dst(%dma_wait3A_189 : memref<64x128xf32, #tpu.memory_space<vmem>>)
      %dma_wait3A_196 = arith.constant 0 : i32
      %dma_wait3A_197 = arith.constant 2 : i32
      %dma_wait3A_198 = arith.constant 0 : i32
      %dma_wait3A_199 = arith.constant 0 : i32
      %dma_wait3A_200 = tpu.memref_slice %arg9[%dma_wait3A_197, %dma_wait3A_198, %dma_wait3A_199] : memref<4x64x128xf32, #tpu.memory_space<vmem>> -> memref<1x64x128xf32, #tpu.memory_space<vmem>>
      %dma_wait3A_201 = tpu.memref_squeeze %dma_wait3A_200 : memref<1x64x128xf32, #tpu.memory_space<vmem>> -> memref<64x128xf32, #tpu.memory_space<vmem>>
      %dma_wait3A_202 = arith.constant 0 : i32
      %dma_wait3A_203 = tpu.memref_slice %arg7[%dma_wait3A_196, %dma_wait3A_202] : memref<40x64xi32, #tpu.memory_space<vmem>> -> memref<1x64xi32, #tpu.memory_space<vmem>>
      %dma_wait3A_204 = tpu.memref_squeeze %dma_wait3A_203 : memref<1x64xi32, #tpu.memory_space<vmem>> -> memref<64xi32, #tpu.memory_space<vmem>>
      %dma_wait3A_205 = arith.constant 0 : i32
      %dma_wait3A_206 = arith.constant 0 : i32
      %dma_wait3A_207 = tpu.memref_slice %arg4[%dma_wait3A_205, %dma_wait3A_206] : memref<10000x128xf32, #tpu.memory_space<hbm>> -> memref<10000x128xf32, #tpu.memory_space<hbm>>
      tpu.wait_indirect_dma semaphore(%arg13 : memref<!tpu.dma_semaphore, #tpu.memory_space<semaphore_mem>>) src(%dma_wait3A_207 : memref<10000x128xf32, #tpu.memory_space<hbm>>) dst(%dma_wait3A_201 : memref<64x128xf32, #tpu.memory_space<vmem>>)
      %dma_wait3A_208 = arith.constant 0 : i32
      %dma_wait3A_209 = arith.constant 3 : i32
      %dma_wait3A_210 = arith.constant 0 : i32
      %dma_wait3A_211 = arith.constant 0 : i32
      %dma_wait3A_212 = tpu.memref_slice %arg9[%dma_wait3A_209, %dma_wait3A_210, %dma_wait3A_211] : memref<4x64x128xf32, #tpu.memory_space<vmem>> -> memref<1x64x128xf32, #tpu.memory_space<vmem>>
      %dma_wait3A_213 = tpu.memref_squeeze %dma_wait3A_212 : memref<1x64x128xf32, #tpu.memory_space<vmem>> -> memref<64x128xf32, #tpu.memory_space<vmem>>
      %dma_wait3A_214 = arith.constant 0 : i32
      %dma_wait3A_215 = tpu.memref_slice %arg7[%dma_wait3A_208, %dma_wait3A_214] : memref<40x64xi32, #tpu.memory_space<vmem>> -> memref<1x64xi32, #tpu.memory_space<vmem>>
      %dma_wait3A_216 = tpu.memref_squeeze %dma_wait3A_215 : memref<1x64xi32, #tpu.memory_space<vmem>> -> memref<64xi32, #tpu.memory_space<vmem>>
      %dma_wait3A_217 = arith.constant 0 : i32
      %dma_wait3A_218 = arith.constant 0 : i32
      %dma_wait3A_219 = tpu.memref_slice %arg4[%dma_wait3A_217, %dma_wait3A_218] : memref<10000x128xf32, #tpu.memory_space<hbm>> -> memref<10000x128xf32, #tpu.memory_space<hbm>>
      tpu.wait_indirect_dma semaphore(%arg14 : memref<!tpu.dma_semaphore, #tpu.memory_space<semaphore_mem>>) src(%dma_wait3A_219 : memref<10000x128xf32, #tpu.memory_space<hbm>>) dst(%dma_wait3A_213 : memref<64x128xf32, #tpu.memory_space<vmem>>)
      %mul3A_220 = arith.constant 320 : i32
      %mul3A_221 = arith.muli %arg1, %mul3A_220 : i32
      %add3A_222 = arith.constant 80 : i32
      %add3A_223 = arith.addi %mul3A_221, %add3A_222 : i32
      "tpu.region"() ({
        %run_scoped3A = tpu.sem_alloc : memref<!tpu.dma_semaphore, #tpu.memory_space<semaphore_mem>>
        %dma_start3A_856 = arith.constant 0 : i32
        %dma_start3A_857 = tpu.memref_slice %arg2[%add3A_223, %dma_start3A_856] : memref<5120x64xi32, #tpu.memory_space<hbm>> -> memref<40x64xi32, #tpu.memory_space<hbm>>
        %dma_start3A_858 = arith.constant 0 : i32
        %dma_start3A_859 = tpu.memref_slice %arg2[%add3A_223, %dma_start3A_858] : memref<5120x64xi32, #tpu.memory_space<hbm>> -> memref<40x64xi32, #tpu.memory_space<hbm>>
        tpu.enqueue_dma source(%dma_start3A_859 : memref<40x64xi32, #tpu.memory_space<hbm>>) target(%arg7 : memref<40x64xi32, #tpu.memory_space<vmem>>) target_semaphore(%run_scoped3A : memref<!tpu.dma_semaphore, #tpu.memory_space<semaphore_mem>>)
        %dma_wait3A_860 = arith.constant 0 : i32
        %dma_wait3A_861 = tpu.memref_slice %arg2[%add3A_223, %dma_wait3A_860] : memref<5120x64xi32, #tpu.memory_space<hbm>> -> memref<40x64xi32, #tpu.memory_space<hbm>>
        %dma_wait3A_862 = arith.constant 0 : i32
        %dma_wait3A_863 = tpu.memref_slice %arg2[%add3A_223, %dma_wait3A_862] : memref<5120x64xi32, #tpu.memory_space<hbm>> -> memref<40x64xi32, #tpu.memory_space<hbm>>
        tpu.wait_dma2 semaphore(%run_scoped3A : memref<!tpu.dma_semaphore, #tpu.memory_space<semaphore_mem>>) src(%dma_wait3A_863 : memref<40x64xi32, #tpu.memory_space<hbm>>) dst(%arg7 : memref<40x64xi32, #tpu.memory_space<vmem>>)
        tpu.yield
      }) : () -> ()
      "tpu.region"() ({
        %run_scoped3A = tpu.sem_alloc : memref<!tpu.dma_semaphore, #tpu.memory_space<semaphore_mem>>
        %dma_start3A_856 = arith.constant 0 : i32
        %dma_start3A_857 = tpu.memref_slice %arg3[%add3A_223, %dma_start3A_856] : memref<5120x64xi32, #tpu.memory_space<hbm>> -> memref<40x64xi32, #tpu.memory_space<hbm>>
        %dma_start3A_858 = arith.constant 0 : i32
        %dma_start3A_859 = tpu.memref_slice %arg3[%add3A_223, %dma_start3A_858] : memref<5120x64xi32, #tpu.memory_space<hbm>> -> memref<40x64xi32, #tpu.memory_space<hbm>>
        tpu.enqueue_dma source(%dma_start3A_859 : memref<40x64xi32, #tpu.memory_space<hbm>>) target(%arg8 : memref<40x64xi32, #tpu.memory_space<vmem>>) target_semaphore(%run_scoped3A : memref<!tpu.dma_semaphore, #tpu.memory_space<semaphore_mem>>)
        %dma_wait3A_860 = arith.constant 0 : i32
        %dma_wait3A_861 = tpu.memref_slice %arg3[%add3A_223, %dma_wait3A_860] : memref<5120x64xi32, #tpu.memory_space<hbm>> -> memref<40x64xi32, #tpu.memory_space<hbm>>
        %dma_wait3A_862 = arith.constant 0 : i32
        %dma_wait3A_863 = tpu.memref_slice %arg3[%add3A_223, %dma_wait3A_862] : memref<5120x64xi32, #tpu.memory_space<hbm>> -> memref<40x64xi32, #tpu.memory_space<hbm>>
        tpu.wait_dma2 semaphore(%run_scoped3A : memref<!tpu.dma_semaphore, #tpu.memory_space<semaphore_mem>>) src(%dma_wait3A_863 : memref<40x64xi32, #tpu.memory_space<hbm>>) dst(%arg8 : memref<40x64xi32, #tpu.memory_space<vmem>>)
        tpu.yield
      }) : () -> ()
      %dma_start3A_224 = arith.constant 0 : i32
      %dma_start3A_225 = arith.constant 0 : i32
      %dma_start3A_226 = arith.constant 0 : i32
      %dma_start3A_227 = arith.constant 0 : i32
      %dma_start3A_228 = tpu.memref_slice %arg9[%dma_start3A_225, %dma_start3A_226, %dma_start3A_227] : memref<4x64x128xf32, #tpu.memory_space<vmem>> -> memref<1x64x128xf32, #tpu.memory_space<vmem>>
      %dma_start3A_229 = tpu.memref_squeeze %dma_start3A_228 : memref<1x64x128xf32, #tpu.memory_space<vmem>> -> memref<64x128xf32, #tpu.memory_space<vmem>>
      %dma_start3A_230 = arith.constant 0 : i32
      %dma_start3A_231 = tpu.memref_slice %arg7[%dma_start3A_224, %dma_start3A_230] : memref<40x64xi32, #tpu.memory_space<vmem>> -> memref<1x64xi32, #tpu.memory_space<vmem>>
      %dma_start3A_232 = tpu.memref_squeeze %dma_start3A_231 : memref<1x64xi32, #tpu.memory_space<vmem>> -> memref<64xi32, #tpu.memory_space<vmem>>
      %dma_start3A_233 = arith.constant 0 : i32
      %dma_start3A_234 = arith.constant 0 : i32
      %dma_start3A_235 = tpu.memref_slice %arg4[%dma_start3A_233, %dma_start3A_234] : memref<10000x128xf32, #tpu.memory_space<hbm>> -> memref<10000x128xf32, #tpu.memory_space<hbm>>
      tpu.enqueue_indirect_dma source(%dma_start3A_235 : memref<10000x128xf32, #tpu.memory_space<hbm>>) target(%dma_start3A_229 : memref<64x128xf32, #tpu.memory_space<vmem>>) offsets(%dma_start3A_232 : memref<64xi32, #tpu.memory_space<vmem>>) semaphore(%arg11 : memref<!tpu.dma_semaphore, #tpu.memory_space<semaphore_mem>>)
      %dma_start3A_236 = arith.constant 1 : i32
      %dma_start3A_237 = arith.constant 1 : i32
      %dma_start3A_238 = arith.constant 0 : i32
      %dma_start3A_239 = arith.constant 0 : i32
      %dma_start3A_240 = tpu.memref_slice %arg9[%dma_start3A_237, %dma_start3A_238, %dma_start3A_239] : memref<4x64x128xf32, #tpu.memory_space<vmem>> -> memref<1x64x128xf32, #tpu.memory_space<vmem>>
      %dma_start3A_241 = tpu.memref_squeeze %dma_start3A_240 : memref<1x64x128xf32, #tpu.memory_space<vmem>> -> memref<64x128xf32, #tpu.memory_space<vmem>>
      %dma_start3A_242 = arith.constant 0 : i32
      %dma_start3A_243 = tpu.memref_slice %arg7[%dma_start3A_236, %dma_start3A_242] : memref<40x64xi32, #tpu.memory_space<vmem>> -> memref<1x64xi32, #tpu.memory_space<vmem>>
      %dma_start3A_244 = tpu.memref_squeeze %dma_start3A_243 : memref<1x64xi32, #tpu.memory_space<vmem>> -> memref<64xi32, #tpu.memory_space<vmem>>
      %dma_start3A_245 = arith.constant 0 : i32
      %dma_start3A_246 = arith.constant 0 : i32
      %dma_start3A_247 = tpu.memref_slice %arg4[%dma_start3A_245, %dma_start3A_246] : memref<10000x128xf32, #tpu.memory_space<hbm>> -> memref<10000x128xf32, #tpu.memory_space<hbm>>
      tpu.enqueue_indirect_dma source(%dma_start3A_247 : memref<10000x128xf32, #tpu.memory_space<hbm>>) target(%dma_start3A_241 : memref<64x128xf32, #tpu.memory_space<vmem>>) offsets(%dma_start3A_244 : memref<64xi32, #tpu.memory_space<vmem>>) semaphore(%arg12 : memref<!tpu.dma_semaphore, #tpu.memory_space<semaphore_mem>>)
      %dma_start3A_248 = arith.constant 2 : i32
      %dma_start3A_249 = arith.constant 2 : i32
      %dma_start3A_250 = arith.constant 0 : i32
      %dma_start3A_251 = arith.constant 0 : i32
      %dma_start3A_252 = tpu.memref_slice %arg9[%dma_start3A_249, %dma_start3A_250, %dma_start3A_251] : memref<4x64x128xf32, #tpu.memory_space<vmem>> -> memref<1x64x128xf32, #tpu.memory_space<vmem>>
      %dma_start3A_253 = tpu.memref_squeeze %dma_start3A_252 : memref<1x64x128xf32, #tpu.memory_space<vmem>> -> memref<64x128xf32, #tpu.memory_space<vmem>>
      %dma_start3A_254 = arith.constant 0 : i32
      %dma_start3A_255 = tpu.memref_slice %arg7[%dma_start3A_248, %dma_start3A_254] : memref<40x64xi32, #tpu.memory_space<vmem>> -> memref<1x64xi32, #tpu.memory_space<vmem>>
      %dma_start3A_256 = tpu.memref_squeeze %dma_start3A_255 : memref<1x64xi32, #tpu.memory_space<vmem>> -> memref<64xi32, #tpu.memory_space<vmem>>
      %dma_start3A_257 = arith.constant 0 : i32
      %dma_start3A_258 = arith.constant 0 : i32
      %dma_start3A_259 = tpu.memref_slice %arg4[%dma_start3A_257, %dma_start3A_258] : memref<10000x128xf32, #tpu.memory_space<hbm>> -> memref<10000x128xf32, #tpu.memory_space<hbm>>
      tpu.enqueue_indirect_dma source(%dma_start3A_259 : memref<10000x128xf32, #tpu.memory_space<hbm>>) target(%dma_start3A_253 : memref<64x128xf32, #tpu.memory_space<vmem>>) offsets(%dma_start3A_256 : memref<64xi32, #tpu.memory_space<vmem>>) semaphore(%arg13 : memref<!tpu.dma_semaphore, #tpu.memory_space<semaphore_mem>>)
      %dma_start3A_260 = arith.constant 3 : i32
      %dma_start3A_261 = arith.constant 3 : i32
      %dma_start3A_262 = arith.constant 0 : i32
      %dma_start3A_263 = arith.constant 0 : i32
      %dma_start3A_264 = tpu.memref_slice %arg9[%dma_start3A_261, %dma_start3A_262, %dma_start3A_263] : memref<4x64x128xf32, #tpu.memory_space<vmem>> -> memref<1x64x128xf32, #tpu.memory_space<vmem>>
      %dma_start3A_265 = tpu.memref_squeeze %dma_start3A_264 : memref<1x64x128xf32, #tpu.memory_space<vmem>> -> memref<64x128xf32, #tpu.memory_space<vmem>>
      %dma_start3A_266 = arith.constant 0 : i32
      %dma_start3A_267 = tpu.memref_slice %arg7[%dma_start3A_260, %dma_start3A_266] : memref<40x64xi32, #tpu.memory_space<vmem>> -> memref<1x64xi32, #tpu.memory_space<vmem>>
      %dma_start3A_268 = tpu.memref_squeeze %dma_start3A_267 : memref<1x64xi32, #tpu.memory_space<vmem>> -> memref<64xi32, #tpu.memory_space<vmem>>
      %dma_start3A_269 = arith.constant 0 : i32
      %dma_start3A_270 = arith.constant 0 : i32
      %dma_start3A_271 = tpu.memref_slice %arg4[%dma_start3A_269, %dma_start3A_270] : memref<10000x128xf32, #tpu.memory_space<hbm>> -> memref<10000x128xf32, #tpu.memory_space<hbm>>
      tpu.enqueue_indirect_dma source(%dma_start3A_271 : memref<10000x128xf32, #tpu.memory_space<hbm>>) target(%dma_start3A_265 : memref<64x128xf32, #tpu.memory_space<vmem>>) offsets(%dma_start3A_268 : memref<64xi32, #tpu.memory_space<vmem>>) semaphore(%arg14 : memref<!tpu.dma_semaphore, #tpu.memory_space<semaphore_mem>>)
      %scan3A_272 = arith.constant 0 : i32
      %scan3A_273 = arith.constant 0 : i32
      %scan3A_274 = arith.constant 10 : i32
      %scan3A_275 = arith.addi %scan3A_273, %scan3A_274 : i32
      %scan3A_276 = arith.constant 1 : i32
      scf.for %scan3A_856 = %scan3A_273 to %scan3A_275 step %scan3A_276  : i32 {
        %mul3A_857 = arith.constant 4 : i32
        %mul3A_858 = arith.muli %mul3A_857, %scan3A_856 : i32
        %dma_wait3A_859 = arith.constant 0 : i32
        %dma_wait3A_860 = arith.constant 0 : i32
        %dma_wait3A_861 = arith.constant 0 : i32
        %dma_wait3A_862 = arith.constant 0 : i32
        %dma_wait3A_863 = tpu.memref_slice %arg9[%dma_wait3A_860, %dma_wait3A_861, %dma_wait3A_862] : memref<4x64x128xf32, #tpu.memory_space<vmem>> -> memref<1x64x128xf32, #tpu.memory_space<vmem>>
        %dma_wait3A_864 = tpu.memref_squeeze %dma_wait3A_863 : memref<1x64x128xf32, #tpu.memory_space<vmem>> -> memref<64x128xf32, #tpu.memory_space<vmem>>
        %dma_wait3A_865 = arith.constant 0 : i32
        %dma_wait3A_866 = tpu.memref_slice %arg7[%dma_wait3A_859, %dma_wait3A_865] : memref<40x64xi32, #tpu.memory_space<vmem>> -> memref<1x64xi32, #tpu.memory_space<vmem>>
        %dma_wait3A_867 = tpu.memref_squeeze %dma_wait3A_866 : memref<1x64xi32, #tpu.memory_space<vmem>> -> memref<64xi32, #tpu.memory_space<vmem>>
        %dma_wait3A_868 = arith.constant 0 : i32
        %dma_wait3A_869 = arith.constant 0 : i32
        %dma_wait3A_870 = tpu.memref_slice %arg4[%dma_wait3A_868, %dma_wait3A_869] : memref<10000x128xf32, #tpu.memory_space<hbm>> -> memref<10000x128xf32, #tpu.memory_space<hbm>>
        tpu.wait_indirect_dma semaphore(%arg11 : memref<!tpu.dma_semaphore, #tpu.memory_space<semaphore_mem>>) src(%dma_wait3A_870 : memref<10000x128xf32, #tpu.memory_space<hbm>>) dst(%dma_wait3A_864 : memref<64x128xf32, #tpu.memory_space<vmem>>)
        %add3A_871 = arith.constant 0 : i32
        %add3A_872 = arith.addi %mul3A_858, %add3A_871 : i32
        %run_scoped3A = arith.constant 0 : i32
        "tpu.region"() ({
          %run_scoped3A_985 = tpu.sem_alloc : memref<!tpu.dma_semaphore, #tpu.memory_space<semaphore_mem>>
          %dma_start3A_986 = arith.constant 0 : i32
          %dma_start3A_987 = arith.constant 0 : i32
          %dma_start3A_988 = tpu.memref_slice %arg9[%run_scoped3A, %dma_start3A_986, %dma_start3A_987] : memref<4x64x128xf32, #tpu.memory_space<vmem>> -> memref<1x64x128xf32, #tpu.memory_space<vmem>>
          %dma_start3A_989 = tpu.memref_squeeze %dma_start3A_988 : memref<1x64x128xf32, #tpu.memory_space<vmem>> -> memref<64x128xf32, #tpu.memory_space<vmem>>
          %dma_start3A_990 = arith.constant 0 : i32
          %dma_start3A_991 = tpu.memref_slice %arg8[%add3A_872, %dma_start3A_990] : memref<40x64xi32, #tpu.memory_space<vmem>> -> memref<1x64xi32, #tpu.memory_space<vmem>>
          %dma_start3A_992 = tpu.memref_squeeze %dma_start3A_991 : memref<1x64xi32, #tpu.memory_space<vmem>> -> memref<64xi32, #tpu.memory_space<vmem>>
          %dma_start3A_993 = arith.constant 0 : i32
          %dma_start3A_994 = arith.constant 0 : i32
          %dma_start3A_995 = tpu.memref_slice %arg10[%dma_start3A_993, %dma_start3A_994] : memref<10240x128xf32, #tpu.memory_space<vmem_shared>> -> memref<10240x128xf32, #tpu.memory_space<vmem_shared>>
          tpu.enqueue_indirect_dma source(%dma_start3A_989 : memref<64x128xf32, #tpu.memory_space<vmem>>) target(%dma_start3A_995 : memref<10240x128xf32, #tpu.memory_space<vmem_shared>>) offsets(%dma_start3A_992 : memref<64xi32, #tpu.memory_space<vmem>>) semaphore(%run_scoped3A_985 : memref<!tpu.dma_semaphore, #tpu.memory_space<semaphore_mem>>) {add = true}
          %dma_wait3A_996 = arith.constant 0 : i32
          %dma_wait3A_997 = arith.constant 0 : i32
          %dma_wait3A_998 = tpu.memref_slice %arg9[%run_scoped3A, %dma_wait3A_996, %dma_wait3A_997] : memref<4x64x128xf32, #tpu.memory_space<vmem>> -> memref<1x64x128xf32, #tpu.memory_space<vmem>>
          %dma_wait3A_999 = tpu.memref_squeeze %dma_wait3A_998 : memref<1x64x128xf32, #tpu.memory_space<vmem>> -> memref<64x128xf32, #tpu.memory_space<vmem>>
          %dma_wait3A_1000 = arith.constant 0 : i32
          %dma_wait3A_1001 = tpu.memref_slice %arg8[%add3A_872, %dma_wait3A_1000] : memref<40x64xi32, #tpu.memory_space<vmem>> -> memref<1x64xi32, #tpu.memory_space<vmem>>
          %dma_wait3A_1002 = tpu.memref_squeeze %dma_wait3A_1001 : memref<1x64xi32, #tpu.memory_space<vmem>> -> memref<64xi32, #tpu.memory_space<vmem>>
          %dma_wait3A_1003 = arith.constant 0 : i32
          %dma_wait3A_1004 = arith.constant 0 : i32
          %dma_wait3A_1005 = tpu.memref_slice %arg10[%dma_wait3A_1003, %dma_wait3A_1004] : memref<10240x128xf32, #tpu.memory_space<vmem_shared>> -> memref<10240x128xf32, #tpu.memory_space<vmem_shared>>
          tpu.wait_indirect_dma semaphore(%run_scoped3A_985 : memref<!tpu.dma_semaphore, #tpu.memory_space<semaphore_mem>>) src(%dma_wait3A_999 : memref<64x128xf32, #tpu.memory_space<vmem>>) dst(%dma_wait3A_1005 : memref<10240x128xf32, #tpu.memory_space<vmem_shared>>)
          tpu.yield
        }) : () -> ()
        %add3A_873 = arith.constant 4 : i32
        %add3A_874 = arith.addi %mul3A_858, %add3A_873 : i32
        %add3A_875 = arith.constant 0 : i32
        %add3A_876 = arith.addi %add3A_874, %add3A_875 : i32
        %min3A = arith.constant 39 : i32
        %min3A_877 = arith.minsi %add3A_876, %min3A : i32
        %dma_start3A_878 = arith.constant 0 : i32
        %dma_start3A_879 = arith.constant 0 : i32
        %dma_start3A_880 = arith.constant 0 : i32
        %dma_start3A_881 = tpu.memref_slice %arg9[%dma_start3A_878, %dma_start3A_879, %dma_start3A_880] : memref<4x64x128xf32, #tpu.memory_space<vmem>> -> memref<1x64x128xf32, #tpu.memory_space<vmem>>
        %dma_start3A_882 = tpu.memref_squeeze %dma_start3A_881 : memref<1x64x128xf32, #tpu.memory_space<vmem>> -> memref<64x128xf32, #tpu.memory_space<vmem>>
        %dma_start3A_883 = arith.constant 0 : i32
        %dma_start3A_884 = tpu.memref_slice %arg7[%min3A_877, %dma_start3A_883] : memref<40x64xi32, #tpu.memory_space<vmem>> -> memref<1x64xi32, #tpu.memory_space<vmem>>
        %dma_start3A_885 = tpu.memref_squeeze %dma_start3A_884 : memref<1x64xi32, #tpu.memory_space<vmem>> -> memref<64xi32, #tpu.memory_space<vmem>>
        %dma_start3A_886 = arith.constant 0 : i32
        %dma_start3A_887 = arith.constant 0 : i32
        %dma_start3A_888 = tpu.memref_slice %arg4[%dma_start3A_886, %dma_start3A_887] : memref<10000x128xf32, #tpu.memory_space<hbm>> -> memref<10000x128xf32, #tpu.memory_space<hbm>>
        tpu.enqueue_indirect_dma source(%dma_start3A_888 : memref<10000x128xf32, #tpu.memory_space<hbm>>) target(%dma_start3A_882 : memref<64x128xf32, #tpu.memory_space<vmem>>) offsets(%dma_start3A_885 : memref<64xi32, #tpu.memory_space<vmem>>) semaphore(%arg11 : memref<!tpu.dma_semaphore, #tpu.memory_space<semaphore_mem>>)
        %dma_wait3A_889 = arith.constant 0 : i32
        %dma_wait3A_890 = arith.constant 1 : i32
        %dma_wait3A_891 = arith.constant 0 : i32
        %dma_wait3A_892 = arith.constant 0 : i32
        %dma_wait3A_893 = tpu.memref_slice %arg9[%dma_wait3A_890, %dma_wait3A_891, %dma_wait3A_892] : memref<4x64x128xf32, #tpu.memory_space<vmem>> -> memref<1x64x128xf32, #tpu.memory_space<vmem>>
        %dma_wait3A_894 = tpu.memref_squeeze %dma_wait3A_893 : memref<1x64x128xf32, #tpu.memory_space<vmem>> -> memref<64x128xf32, #tpu.memory_space<vmem>>
        %dma_wait3A_895 = arith.constant 0 : i32
        %dma_wait3A_896 = tpu.memref_slice %arg7[%dma_wait3A_889, %dma_wait3A_895] : memref<40x64xi32, #tpu.memory_space<vmem>> -> memref<1x64xi32, #tpu.memory_space<vmem>>
        %dma_wait3A_897 = tpu.memref_squeeze %dma_wait3A_896 : memref<1x64xi32, #tpu.memory_space<vmem>> -> memref<64xi32, #tpu.memory_space<vmem>>
        %dma_wait3A_898 = arith.constant 0 : i32
        %dma_wait3A_899 = arith.constant 0 : i32
        %dma_wait3A_900 = tpu.memref_slice %arg4[%dma_wait3A_898, %dma_wait3A_899] : memref<10000x128xf32, #tpu.memory_space<hbm>> -> memref<10000x128xf32, #tpu.memory_space<hbm>>
        tpu.wait_indirect_dma semaphore(%arg12 : memref<!tpu.dma_semaphore, #tpu.memory_space<semaphore_mem>>) src(%dma_wait3A_900 : memref<10000x128xf32, #tpu.memory_space<hbm>>) dst(%dma_wait3A_894 : memref<64x128xf32, #tpu.memory_space<vmem>>)
        %add3A_901 = arith.constant 1 : i32
        %add3A_902 = arith.addi %mul3A_858, %add3A_901 : i32
        %run_scoped3A_903 = arith.constant 1 : i32
        "tpu.region"() ({
          %run_scoped3A_985 = tpu.sem_alloc : memref<!tpu.dma_semaphore, #tpu.memory_space<semaphore_mem>>
          %dma_start3A_986 = arith.constant 0 : i32
          %dma_start3A_987 = arith.constant 0 : i32
          %dma_start3A_988 = tpu.memref_slice %arg9[%run_scoped3A_903, %dma_start3A_986, %dma_start3A_987] : memref<4x64x128xf32, #tpu.memory_space<vmem>> -> memref<1x64x128xf32, #tpu.memory_space<vmem>>
          %dma_start3A_989 = tpu.memref_squeeze %dma_start3A_988 : memref<1x64x128xf32, #tpu.memory_space<vmem>> -> memref<64x128xf32, #tpu.memory_space<vmem>>
          %dma_start3A_990 = arith.constant 0 : i32
          %dma_start3A_991 = tpu.memref_slice %arg8[%add3A_902, %dma_start3A_990] : memref<40x64xi32, #tpu.memory_space<vmem>> -> memref<1x64xi32, #tpu.memory_space<vmem>>
          %dma_start3A_992 = tpu.memref_squeeze %dma_start3A_991 : memref<1x64xi32, #tpu.memory_space<vmem>> -> memref<64xi32, #tpu.memory_space<vmem>>
          %dma_start3A_993 = arith.constant 0 : i32
          %dma_start3A_994 = arith.constant 0 : i32
          %dma_start3A_995 = tpu.memref_slice %arg10[%dma_start3A_993, %dma_start3A_994] : memref<10240x128xf32, #tpu.memory_space<vmem_shared>> -> memref<10240x128xf32, #tpu.memory_space<vmem_shared>>
          tpu.enqueue_indirect_dma source(%dma_start3A_989 : memref<64x128xf32, #tpu.memory_space<vmem>>) target(%dma_start3A_995 : memref<10240x128xf32, #tpu.memory_space<vmem_shared>>) offsets(%dma_start3A_992 : memref<64xi32, #tpu.memory_space<vmem>>) semaphore(%run_scoped3A_985 : memref<!tpu.dma_semaphore, #tpu.memory_space<semaphore_mem>>) {add = true}
          %dma_wait3A_996 = arith.constant 0 : i32
          %dma_wait3A_997 = arith.constant 0 : i32
          %dma_wait3A_998 = tpu.memref_slice %arg9[%run_scoped3A_903, %dma_wait3A_996, %dma_wait3A_997] : memref<4x64x128xf32, #tpu.memory_space<vmem>> -> memref<1x64x128xf32, #tpu.memory_space<vmem>>
          %dma_wait3A_999 = tpu.memref_squeeze %dma_wait3A_998 : memref<1x64x128xf32, #tpu.memory_space<vmem>> -> memref<64x128xf32, #tpu.memory_space<vmem>>
          %dma_wait3A_1000 = arith.constant 0 : i32
          %dma_wait3A_1001 = tpu.memref_slice %arg8[%add3A_902, %dma_wait3A_1000] : memref<40x64xi32, #tpu.memory_space<vmem>> -> memref<1x64xi32, #tpu.memory_space<vmem>>
          %dma_wait3A_1002 = tpu.memref_squeeze %dma_wait3A_1001 : memref<1x64xi32, #tpu.memory_space<vmem>> -> memref<64xi32, #tpu.memory_space<vmem>>
          %dma_wait3A_1003 = arith.constant 0 : i32
          %dma_wait3A_1004 = arith.constant 0 : i32
          %dma_wait3A_1005 = tpu.memref_slice %arg10[%dma_wait3A_1003, %dma_wait3A_1004] : memref<10240x128xf32, #tpu.memory_space<vmem_shared>> -> memref<10240x128xf32, #tpu.memory_space<vmem_shared>>
          tpu.wait_indirect_dma semaphore(%run_scoped3A_985 : memref<!tpu.dma_semaphore, #tpu.memory_space<semaphore_mem>>) src(%dma_wait3A_999 : memref<64x128xf32, #tpu.memory_space<vmem>>) dst(%dma_wait3A_1005 : memref<10240x128xf32, #tpu.memory_space<vmem_shared>>)
          tpu.yield
        }) : () -> ()
        %add3A_904 = arith.constant 4 : i32
        %add3A_905 = arith.addi %mul3A_858, %add3A_904 : i32
        %add3A_906 = arith.constant 1 : i32
        %add3A_907 = arith.addi %add3A_905, %add3A_906 : i32
        %min3A_908 = arith.constant 39 : i32
        %min3A_909 = arith.minsi %add3A_907, %min3A_908 : i32
        %dma_start3A_910 = arith.constant 1 : i32
        %dma_start3A_911 = arith.constant 0 : i32
        %dma_start3A_912 = arith.constant 0 : i32
        %dma_start3A_913 = tpu.memref_slice %arg9[%dma_start3A_910, %dma_start3A_911, %dma_start3A_912] : memref<4x64x128xf32, #tpu.memory_space<vmem>> -> memref<1x64x128xf32, #tpu.memory_space<vmem>>
        %dma_start3A_914 = tpu.memref_squeeze %dma_start3A_913 : memref<1x64x128xf32, #tpu.memory_space<vmem>> -> memref<64x128xf32, #tpu.memory_space<vmem>>
        %dma_start3A_915 = arith.constant 0 : i32
        %dma_start3A_916 = tpu.memref_slice %arg7[%min3A_909, %dma_start3A_915] : memref<40x64xi32, #tpu.memory_space<vmem>> -> memref<1x64xi32, #tpu.memory_space<vmem>>
        %dma_start3A_917 = tpu.memref_squeeze %dma_start3A_916 : memref<1x64xi32, #tpu.memory_space<vmem>> -> memref<64xi32, #tpu.memory_space<vmem>>
        %dma_start3A_918 = arith.constant 0 : i32
        %dma_start3A_919 = arith.constant 0 : i32
        %dma_start3A_920 = tpu.memref_slice %arg4[%dma_start3A_918, %dma_start3A_919] : memref<10000x128xf32, #tpu.memory_space<hbm>> -> memref<10000x128xf32, #tpu.memory_space<hbm>>
        tpu.enqueue_indirect_dma source(%dma_start3A_920 : memref<10000x128xf32, #tpu.memory_space<hbm>>) target(%dma_start3A_914 : memref<64x128xf32, #tpu.memory_space<vmem>>) offsets(%dma_start3A_917 : memref<64xi32, #tpu.memory_space<vmem>>) semaphore(%arg12 : memref<!tpu.dma_semaphore, #tpu.memory_space<semaphore_mem>>)
        %dma_wait3A_921 = arith.constant 0 : i32
        %dma_wait3A_922 = arith.constant 2 : i32
        %dma_wait3A_923 = arith.constant 0 : i32
        %dma_wait3A_924 = arith.constant 0 : i32
        %dma_wait3A_925 = tpu.memref_slice %arg9[%dma_wait3A_922, %dma_wait3A_923, %dma_wait3A_924] : memref<4x64x128xf32, #tpu.memory_space<vmem>> -> memref<1x64x128xf32, #tpu.memory_space<vmem>>
        %dma_wait3A_926 = tpu.memref_squeeze %dma_wait3A_925 : memref<1x64x128xf32, #tpu.memory_space<vmem>> -> memref<64x128xf32, #tpu.memory_space<vmem>>
        %dma_wait3A_927 = arith.constant 0 : i32
        %dma_wait3A_928 = tpu.memref_slice %arg7[%dma_wait3A_921, %dma_wait3A_927] : memref<40x64xi32, #tpu.memory_space<vmem>> -> memref<1x64xi32, #tpu.memory_space<vmem>>
        %dma_wait3A_929 = tpu.memref_squeeze %dma_wait3A_928 : memref<1x64xi32, #tpu.memory_space<vmem>> -> memref<64xi32, #tpu.memory_space<vmem>>
        %dma_wait3A_930 = arith.constant 0 : i32
        %dma_wait3A_931 = arith.constant 0 : i32
        %dma_wait3A_932 = tpu.memref_slice %arg4[%dma_wait3A_930, %dma_wait3A_931] : memref<10000x128xf32, #tpu.memory_space<hbm>> -> memref<10000x128xf32, #tpu.memory_space<hbm>>
        tpu.wait_indirect_dma semaphore(%arg13 : memref<!tpu.dma_semaphore, #tpu.memory_space<semaphore_mem>>) src(%dma_wait3A_932 : memref<10000x128xf32, #tpu.memory_space<hbm>>) dst(%dma_wait3A_926 : memref<64x128xf32, #tpu.memory_space<vmem>>)
        %add3A_933 = arith.constant 2 : i32
        %add3A_934 = arith.addi %mul3A_858, %add3A_933 : i32
        %run_scoped3A_935 = arith.constant 2 : i32
        "tpu.region"() ({
          %run_scoped3A_985 = tpu.sem_alloc : memref<!tpu.dma_semaphore, #tpu.memory_space<semaphore_mem>>
          %dma_start3A_986 = arith.constant 0 : i32
          %dma_start3A_987 = arith.constant 0 : i32
          %dma_start3A_988 = tpu.memref_slice %arg9[%run_scoped3A_935, %dma_start3A_986, %dma_start3A_987] : memref<4x64x128xf32, #tpu.memory_space<vmem>> -> memref<1x64x128xf32, #tpu.memory_space<vmem>>
          %dma_start3A_989 = tpu.memref_squeeze %dma_start3A_988 : memref<1x64x128xf32, #tpu.memory_space<vmem>> -> memref<64x128xf32, #tpu.memory_space<vmem>>
          %dma_start3A_990 = arith.constant 0 : i32
          %dma_start3A_991 = tpu.memref_slice %arg8[%add3A_934, %dma_start3A_990] : memref<40x64xi32, #tpu.memory_space<vmem>> -> memref<1x64xi32, #tpu.memory_space<vmem>>
          %dma_start3A_992 = tpu.memref_squeeze %dma_start3A_991 : memref<1x64xi32, #tpu.memory_space<vmem>> -> memref<64xi32, #tpu.memory_space<vmem>>
          %dma_start3A_993 = arith.constant 0 : i32
          %dma_start3A_994 = arith.constant 0 : i32
          %dma_start3A_995 = tpu.memref_slice %arg10[%dma_start3A_993, %dma_start3A_994] : memref<10240x128xf32, #tpu.memory_space<vmem_shared>> -> memref<10240x128xf32, #tpu.memory_space<vmem_shared>>
          tpu.enqueue_indirect_dma source(%dma_start3A_989 : memref<64x128xf32, #tpu.memory_space<vmem>>) target(%dma_start3A_995 : memref<10240x128xf32, #tpu.memory_space<vmem_shared>>) offsets(%dma_start3A_992 : memref<64xi32, #tpu.memory_space<vmem>>) semaphore(%run_scoped3A_985 : memref<!tpu.dma_semaphore, #tpu.memory_space<semaphore_mem>>) {add = true}
          %dma_wait3A_996 = arith.constant 0 : i32
          %dma_wait3A_997 = arith.constant 0 : i32
          %dma_wait3A_998 = tpu.memref_slice %arg9[%run_scoped3A_935, %dma_wait3A_996, %dma_wait3A_997] : memref<4x64x128xf32, #tpu.memory_space<vmem>> -> memref<1x64x128xf32, #tpu.memory_space<vmem>>
          %dma_wait3A_999 = tpu.memref_squeeze %dma_wait3A_998 : memref<1x64x128xf32, #tpu.memory_space<vmem>> -> memref<64x128xf32, #tpu.memory_space<vmem>>
          %dma_wait3A_1000 = arith.constant 0 : i32
          %dma_wait3A_1001 = tpu.memref_slice %arg8[%add3A_934, %dma_wait3A_1000] : memref<40x64xi32, #tpu.memory_space<vmem>> -> memref<1x64xi32, #tpu.memory_space<vmem>>
          %dma_wait3A_1002 = tpu.memref_squeeze %dma_wait3A_1001 : memref<1x64xi32, #tpu.memory_space<vmem>> -> memref<64xi32, #tpu.memory_space<vmem>>
          %dma_wait3A_1003 = arith.constant 0 : i32
          %dma_wait3A_1004 = arith.constant 0 : i32
          %dma_wait3A_1005 = tpu.memref_slice %arg10[%dma_wait3A_1003, %dma_wait3A_1004] : memref<10240x128xf32, #tpu.memory_space<vmem_shared>> -> memref<10240x128xf32, #tpu.memory_space<vmem_shared>>
          tpu.wait_indirect_dma semaphore(%run_scoped3A_985 : memref<!tpu.dma_semaphore, #tpu.memory_space<semaphore_mem>>) src(%dma_wait3A_999 : memref<64x128xf32, #tpu.memory_space<vmem>>) dst(%dma_wait3A_1005 : memref<10240x128xf32, #tpu.memory_space<vmem_shared>>)
          tpu.yield
        }) : () -> ()
        %add3A_936 = arith.constant 4 : i32
        %add3A_937 = arith.addi %mul3A_858, %add3A_936 : i32
        %add3A_938 = arith.constant 2 : i32
        %add3A_939 = arith.addi %add3A_937, %add3A_938 : i32
        %min3A_940 = arith.constant 39 : i32
        %min3A_941 = arith.minsi %add3A_939, %min3A_940 : i32
        %dma_start3A_942 = arith.constant 2 : i32
        %dma_start3A_943 = arith.constant 0 : i32
        %dma_start3A_944 = arith.constant 0 : i32
        %dma_start3A_945 = tpu.memref_slice %arg9[%dma_start3A_942, %dma_start3A_943, %dma_start3A_944] : memref<4x64x128xf32, #tpu.memory_space<vmem>> -> memref<1x64x128xf32, #tpu.memory_space<vmem>>
        %dma_start3A_946 = tpu.memref_squeeze %dma_start3A_945 : memref<1x64x128xf32, #tpu.memory_space<vmem>> -> memref<64x128xf32, #tpu.memory_space<vmem>>
        %dma_start3A_947 = arith.constant 0 : i32
        %dma_start3A_948 = tpu.memref_slice %arg7[%min3A_941, %dma_start3A_947] : memref<40x64xi32, #tpu.memory_space<vmem>> -> memref<1x64xi32, #tpu.memory_space<vmem>>
        %dma_start3A_949 = tpu.memref_squeeze %dma_start3A_948 : memref<1x64xi32, #tpu.memory_space<vmem>> -> memref<64xi32, #tpu.memory_space<vmem>>
        %dma_start3A_950 = arith.constant 0 : i32
        %dma_start3A_951 = arith.constant 0 : i32
        %dma_start3A_952 = tpu.memref_slice %arg4[%dma_start3A_950, %dma_start3A_951] : memref<10000x128xf32, #tpu.memory_space<hbm>> -> memref<10000x128xf32, #tpu.memory_space<hbm>>
        tpu.enqueue_indirect_dma source(%dma_start3A_952 : memref<10000x128xf32, #tpu.memory_space<hbm>>) target(%dma_start3A_946 : memref<64x128xf32, #tpu.memory_space<vmem>>) offsets(%dma_start3A_949 : memref<64xi32, #tpu.memory_space<vmem>>) semaphore(%arg13 : memref<!tpu.dma_semaphore, #tpu.memory_space<semaphore_mem>>)
        %dma_wait3A_953 = arith.constant 0 : i32
        %dma_wait3A_954 = arith.constant 3 : i32
        %dma_wait3A_955 = arith.constant 0 : i32
        %dma_wait3A_956 = arith.constant 0 : i32
        %dma_wait3A_957 = tpu.memref_slice %arg9[%dma_wait3A_954, %dma_wait3A_955, %dma_wait3A_956] : memref<4x64x128xf32, #tpu.memory_space<vmem>> -> memref<1x64x128xf32, #tpu.memory_space<vmem>>
        %dma_wait3A_958 = tpu.memref_squeeze %dma_wait3A_957 : memref<1x64x128xf32, #tpu.memory_space<vmem>> -> memref<64x128xf32, #tpu.memory_space<vmem>>
        %dma_wait3A_959 = arith.constant 0 : i32
        %dma_wait3A_960 = tpu.memref_slice %arg7[%dma_wait3A_953, %dma_wait3A_959] : memref<40x64xi32, #tpu.memory_space<vmem>> -> memref<1x64xi32, #tpu.memory_space<vmem>>
        %dma_wait3A_961 = tpu.memref_squeeze %dma_wait3A_960 : memref<1x64xi32, #tpu.memory_space<vmem>> -> memref<64xi32, #tpu.memory_space<vmem>>
        %dma_wait3A_962 = arith.constant 0 : i32
        %dma_wait3A_963 = arith.constant 0 : i32
        %dma_wait3A_964 = tpu.memref_slice %arg4[%dma_wait3A_962, %dma_wait3A_963] : memref<10000x128xf32, #tpu.memory_space<hbm>> -> memref<10000x128xf32, #tpu.memory_space<hbm>>
        tpu.wait_indirect_dma semaphore(%arg14 : memref<!tpu.dma_semaphore, #tpu.memory_space<semaphore_mem>>) src(%dma_wait3A_964 : memref<10000x128xf32, #tpu.memory_space<hbm>>) dst(%dma_wait3A_958 : memref<64x128xf32, #tpu.memory_space<vmem>>)
        %add3A_965 = arith.constant 3 : i32
        %add3A_966 = arith.addi %mul3A_858, %add3A_965 : i32
        %run_scoped3A_967 = arith.constant 3 : i32
        "tpu.region"() ({
          %run_scoped3A_985 = tpu.sem_alloc : memref<!tpu.dma_semaphore, #tpu.memory_space<semaphore_mem>>
          %dma_start3A_986 = arith.constant 0 : i32
          %dma_start3A_987 = arith.constant 0 : i32
          %dma_start3A_988 = tpu.memref_slice %arg9[%run_scoped3A_967, %dma_start3A_986, %dma_start3A_987] : memref<4x64x128xf32, #tpu.memory_space<vmem>> -> memref<1x64x128xf32, #tpu.memory_space<vmem>>
          %dma_start3A_989 = tpu.memref_squeeze %dma_start3A_988 : memref<1x64x128xf32, #tpu.memory_space<vmem>> -> memref<64x128xf32, #tpu.memory_space<vmem>>
          %dma_start3A_990 = arith.constant 0 : i32
          %dma_start3A_991 = tpu.memref_slice %arg8[%add3A_966, %dma_start3A_990] : memref<40x64xi32, #tpu.memory_space<vmem>> -> memref<1x64xi32, #tpu.memory_space<vmem>>
          %dma_start3A_992 = tpu.memref_squeeze %dma_start3A_991 : memref<1x64xi32, #tpu.memory_space<vmem>> -> memref<64xi32, #tpu.memory_space<vmem>>
          %dma_start3A_993 = arith.constant 0 : i32
          %dma_start3A_994 = arith.constant 0 : i32
          %dma_start3A_995 = tpu.memref_slice %arg10[%dma_start3A_993, %dma_start3A_994] : memref<10240x128xf32, #tpu.memory_space<vmem_shared>> -> memref<10240x128xf32, #tpu.memory_space<vmem_shared>>
          tpu.enqueue_indirect_dma source(%dma_start3A_989 : memref<64x128xf32, #tpu.memory_space<vmem>>) target(%dma_start3A_995 : memref<10240x128xf32, #tpu.memory_space<vmem_shared>>) offsets(%dma_start3A_992 : memref<64xi32, #tpu.memory_space<vmem>>) semaphore(%run_scoped3A_985 : memref<!tpu.dma_semaphore, #tpu.memory_space<semaphore_mem>>) {add = true}
          %dma_wait3A_996 = arith.constant 0 : i32
          %dma_wait3A_997 = arith.constant 0 : i32
          %dma_wait3A_998 = tpu.memref_slice %arg9[%run_scoped3A_967, %dma_wait3A_996, %dma_wait3A_997] : memref<4x64x128xf32, #tpu.memory_space<vmem>> -> memref<1x64x128xf32, #tpu.memory_space<vmem>>
          %dma_wait3A_999 = tpu.memref_squeeze %dma_wait3A_998 : memref<1x64x128xf32, #tpu.memory_space<vmem>> -> memref<64x128xf32, #tpu.memory_space<vmem>>
          %dma_wait3A_1000 = arith.constant 0 : i32
          %dma_wait3A_1001 = tpu.memref_slice %arg8[%add3A_966, %dma_wait3A_1000] : memref<40x64xi32, #tpu.memory_space<vmem>> -> memref<1x64xi32, #tpu.memory_space<vmem>>
          %dma_wait3A_1002 = tpu.memref_squeeze %dma_wait3A_1001 : memref<1x64xi32, #tpu.memory_space<vmem>> -> memref<64xi32, #tpu.memory_space<vmem>>
          %dma_wait3A_1003 = arith.constant 0 : i32
          %dma_wait3A_1004 = arith.constant 0 : i32
          %dma_wait3A_1005 = tpu.memref_slice %arg10[%dma_wait3A_1003, %dma_wait3A_1004] : memref<10240x128xf32, #tpu.memory_space<vmem_shared>> -> memref<10240x128xf32, #tpu.memory_space<vmem_shared>>
          tpu.wait_indirect_dma semaphore(%run_scoped3A_985 : memref<!tpu.dma_semaphore, #tpu.memory_space<semaphore_mem>>) src(%dma_wait3A_999 : memref<64x128xf32, #tpu.memory_space<vmem>>) dst(%dma_wait3A_1005 : memref<10240x128xf32, #tpu.memory_space<vmem_shared>>)
          tpu.yield
        }) : () -> ()
        %add3A_968 = arith.constant 4 : i32
        %add3A_969 = arith.addi %mul3A_858, %add3A_968 : i32
        %add3A_970 = arith.constant 3 : i32
        %add3A_971 = arith.addi %add3A_969, %add3A_970 : i32
        %min3A_972 = arith.constant 39 : i32
        %min3A_973 = arith.minsi %add3A_971, %min3A_972 : i32
        %dma_start3A_974 = arith.constant 3 : i32
        %dma_start3A_975 = arith.constant 0 : i32
        %dma_start3A_976 = arith.constant 0 : i32
        %dma_start3A_977 = tpu.memref_slice %arg9[%dma_start3A_974, %dma_start3A_975, %dma_start3A_976] : memref<4x64x128xf32, #tpu.memory_space<vmem>> -> memref<1x64x128xf32, #tpu.memory_space<vmem>>
        %dma_start3A_978 = tpu.memref_squeeze %dma_start3A_977 : memref<1x64x128xf32, #tpu.memory_space<vmem>> -> memref<64x128xf32, #tpu.memory_space<vmem>>
        %dma_start3A_979 = arith.constant 0 : i32
        %dma_start3A_980 = tpu.memref_slice %arg7[%min3A_973, %dma_start3A_979] : memref<40x64xi32, #tpu.memory_space<vmem>> -> memref<1x64xi32, #tpu.memory_space<vmem>>
        %dma_start3A_981 = tpu.memref_squeeze %dma_start3A_980 : memref<1x64xi32, #tpu.memory_space<vmem>> -> memref<64xi32, #tpu.memory_space<vmem>>
        %dma_start3A_982 = arith.constant 0 : i32
        %dma_start3A_983 = arith.constant 0 : i32
        %dma_start3A_984 = tpu.memref_slice %arg4[%dma_start3A_982, %dma_start3A_983] : memref<10000x128xf32, #tpu.memory_space<hbm>> -> memref<10000x128xf32, #tpu.memory_space<hbm>>
        tpu.enqueue_indirect_dma source(%dma_start3A_984 : memref<10000x128xf32, #tpu.memory_space<hbm>>) target(%dma_start3A_978 : memref<64x128xf32, #tpu.memory_space<vmem>>) offsets(%dma_start3A_981 : memref<64xi32, #tpu.memory_space<vmem>>) semaphore(%arg14 : memref<!tpu.dma_semaphore, #tpu.memory_space<semaphore_mem>>)
      }
      %scan3A_277 = arith.constant 10 : i32
      %dma_wait3A_278 = arith.constant 0 : i32
      %dma_wait3A_279 = arith.constant 0 : i32
      %dma_wait3A_280 = arith.constant 0 : i32
      %dma_wait3A_281 = arith.constant 0 : i32
      %dma_wait3A_282 = tpu.memref_slice %arg9[%dma_wait3A_279, %dma_wait3A_280, %dma_wait3A_281] : memref<4x64x128xf32, #tpu.memory_space<vmem>> -> memref<1x64x128xf32, #tpu.memory_space<vmem>>
      %dma_wait3A_283 = tpu.memref_squeeze %dma_wait3A_282 : memref<1x64x128xf32, #tpu.memory_space<vmem>> -> memref<64x128xf32, #tpu.memory_space<vmem>>
      %dma_wait3A_284 = arith.constant 0 : i32
      %dma_wait3A_285 = tpu.memref_slice %arg7[%dma_wait3A_278, %dma_wait3A_284] : memref<40x64xi32, #tpu.memory_space<vmem>> -> memref<1x64xi32, #tpu.memory_space<vmem>>
      %dma_wait3A_286 = tpu.memref_squeeze %dma_wait3A_285 : memref<1x64xi32, #tpu.memory_space<vmem>> -> memref<64xi32, #tpu.memory_space<vmem>>
      %dma_wait3A_287 = arith.constant 0 : i32
      %dma_wait3A_288 = arith.constant 0 : i32
      %dma_wait3A_289 = tpu.memref_slice %arg4[%dma_wait3A_287, %dma_wait3A_288] : memref<10000x128xf32, #tpu.memory_space<hbm>> -> memref<10000x128xf32, #tpu.memory_space<hbm>>
      tpu.wait_indirect_dma semaphore(%arg11 : memref<!tpu.dma_semaphore, #tpu.memory_space<semaphore_mem>>) src(%dma_wait3A_289 : memref<10000x128xf32, #tpu.memory_space<hbm>>) dst(%dma_wait3A_283 : memref<64x128xf32, #tpu.memory_space<vmem>>)
      %dma_wait3A_290 = arith.constant 0 : i32
      %dma_wait3A_291 = arith.constant 1 : i32
      %dma_wait3A_292 = arith.constant 0 : i32
      %dma_wait3A_293 = arith.constant 0 : i32
      %dma_wait3A_294 = tpu.memref_slice %arg9[%dma_wait3A_291, %dma_wait3A_292, %dma_wait3A_293] : memref<4x64x128xf32, #tpu.memory_space<vmem>> -> memref<1x64x128xf32, #tpu.memory_space<vmem>>
      %dma_wait3A_295 = tpu.memref_squeeze %dma_wait3A_294 : memref<1x64x128xf32, #tpu.memory_space<vmem>> -> memref<64x128xf32, #tpu.memory_space<vmem>>
      %dma_wait3A_296 = arith.constant 0 : i32
      %dma_wait3A_297 = tpu.memref_slice %arg7[%dma_wait3A_290, %dma_wait3A_296] : memref<40x64xi32, #tpu.memory_space<vmem>> -> memref<1x64xi32, #tpu.memory_space<vmem>>
      %dma_wait3A_298 = tpu.memref_squeeze %dma_wait3A_297 : memref<1x64xi32, #tpu.memory_space<vmem>> -> memref<64xi32, #tpu.memory_space<vmem>>
      %dma_wait3A_299 = arith.constant 0 : i32
      %dma_wait3A_300 = arith.constant 0 : i32
      %dma_wait3A_301 = tpu.memref_slice %arg4[%dma_wait3A_299, %dma_wait3A_300] : memref<10000x128xf32, #tpu.memory_space<hbm>> -> memref<10000x128xf32, #tpu.memory_space<hbm>>
      tpu.wait_indirect_dma semaphore(%arg12 : memref<!tpu.dma_semaphore, #tpu.memory_space<semaphore_mem>>) src(%dma_wait3A_301 : memref<10000x128xf32, #tpu.memory_space<hbm>>) dst(%dma_wait3A_295 : memref<64x128xf32, #tpu.memory_space<vmem>>)
      %dma_wait3A_302 = arith.constant 0 : i32
      %dma_wait3A_303 = arith.constant 2 : i32
      %dma_wait3A_304 = arith.constant 0 : i32
      %dma_wait3A_305 = arith.constant 0 : i32
      %dma_wait3A_306 = tpu.memref_slice %arg9[%dma_wait3A_303, %dma_wait3A_304, %dma_wait3A_305] : memref<4x64x128xf32, #tpu.memory_space<vmem>> -> memref<1x64x128xf32, #tpu.memory_space<vmem>>
      %dma_wait3A_307 = tpu.memref_squeeze %dma_wait3A_306 : memref<1x64x128xf32, #tpu.memory_space<vmem>> -> memref<64x128xf32, #tpu.memory_space<vmem>>
      %dma_wait3A_308 = arith.constant 0 : i32
      %dma_wait3A_309 = tpu.memref_slice %arg7[%dma_wait3A_302, %dma_wait3A_308] : memref<40x64xi32, #tpu.memory_space<vmem>> -> memref<1x64xi32, #tpu.memory_space<vmem>>
      %dma_wait3A_310 = tpu.memref_squeeze %dma_wait3A_309 : memref<1x64xi32, #tpu.memory_space<vmem>> -> memref<64xi32, #tpu.memory_space<vmem>>
      %dma_wait3A_311 = arith.constant 0 : i32
      %dma_wait3A_312 = arith.constant 0 : i32
      %dma_wait3A_313 = tpu.memref_slice %arg4[%dma_wait3A_311, %dma_wait3A_312] : memref<10000x128xf32, #tpu.memory_space<hbm>> -> memref<10000x128xf32, #tpu.memory_space<hbm>>
      tpu.wait_indirect_dma semaphore(%arg13 : memref<!tpu.dma_semaphore, #tpu.memory_space<semaphore_mem>>) src(%dma_wait3A_313 : memref<10000x128xf32, #tpu.memory_space<hbm>>) dst(%dma_wait3A_307 : memref<64x128xf32, #tpu.memory_space<vmem>>)
      %dma_wait3A_314 = arith.constant 0 : i32
      %dma_wait3A_315 = arith.constant 3 : i32
      %dma_wait3A_316 = arith.constant 0 : i32
      %dma_wait3A_317 = arith.constant 0 : i32
      %dma_wait3A_318 = tpu.memref_slice %arg9[%dma_wait3A_315, %dma_wait3A_316, %dma_wait3A_317] : memref<4x64x128xf32, #tpu.memory_space<vmem>> -> memref<1x64x128xf32, #tpu.memory_space<vmem>>
      %dma_wait3A_319 = tpu.memref_squeeze %dma_wait3A_318 : memref<1x64x128xf32, #tpu.memory_space<vmem>> -> memref<64x128xf32, #tpu.memory_space<vmem>>
      %dma_wait3A_320 = arith.constant 0 : i32
      %dma_wait3A_321 = tpu.memref_slice %arg7[%dma_wait3A_314, %dma_wait3A_320] : memref<40x64xi32, #tpu.memory_space<vmem>> -> memref<1x64xi32, #tpu.memory_space<vmem>>
      %dma_wait3A_322 = tpu.memref_squeeze %dma_wait3A_321 : memref<1x64xi32, #tpu.memory_space<vmem>> -> memref<64xi32, #tpu.memory_space<vmem>>
      %dma_wait3A_323 = arith.constant 0 : i32
      %dma_wait3A_324 = arith.constant 0 : i32
      %dma_wait3A_325 = tpu.memref_slice %arg4[%dma_wait3A_323, %dma_wait3A_324] : memref<10000x128xf32, #tpu.memory_space<hbm>> -> memref<10000x128xf32, #tpu.memory_space<hbm>>
      tpu.wait_indirect_dma semaphore(%arg14 : memref<!tpu.dma_semaphore, #tpu.memory_space<semaphore_mem>>) src(%dma_wait3A_325 : memref<10000x128xf32, #tpu.memory_space<hbm>>) dst(%dma_wait3A_319 : memref<64x128xf32, #tpu.memory_space<vmem>>)
      %mul3A_326 = arith.constant 320 : i32
      %mul3A_327 = arith.muli %arg1, %mul3A_326 : i32
      %add3A_328 = arith.constant 120 : i32
      %add3A_329 = arith.addi %mul3A_327, %add3A_328 : i32
      "tpu.region"() ({
        %run_scoped3A = tpu.sem_alloc : memref<!tpu.dma_semaphore, #tpu.memory_space<semaphore_mem>>
        %dma_start3A_856 = arith.constant 0 : i32
        %dma_start3A_857 = tpu.memref_slice %arg2[%add3A_329, %dma_start3A_856] : memref<5120x64xi32, #tpu.memory_space<hbm>> -> memref<40x64xi32, #tpu.memory_space<hbm>>
        %dma_start3A_858 = arith.constant 0 : i32
        %dma_start3A_859 = tpu.memref_slice %arg2[%add3A_329, %dma_start3A_858] : memref<5120x64xi32, #tpu.memory_space<hbm>> -> memref<40x64xi32, #tpu.memory_space<hbm>>
        tpu.enqueue_dma source(%dma_start3A_859 : memref<40x64xi32, #tpu.memory_space<hbm>>) target(%arg7 : memref<40x64xi32, #tpu.memory_space<vmem>>) target_semaphore(%run_scoped3A : memref<!tpu.dma_semaphore, #tpu.memory_space<semaphore_mem>>)
        %dma_wait3A_860 = arith.constant 0 : i32
        %dma_wait3A_861 = tpu.memref_slice %arg2[%add3A_329, %dma_wait3A_860] : memref<5120x64xi32, #tpu.memory_space<hbm>> -> memref<40x64xi32, #tpu.memory_space<hbm>>
        %dma_wait3A_862 = arith.constant 0 : i32
        %dma_wait3A_863 = tpu.memref_slice %arg2[%add3A_329, %dma_wait3A_862] : memref<5120x64xi32, #tpu.memory_space<hbm>> -> memref<40x64xi32, #tpu.memory_space<hbm>>
        tpu.wait_dma2 semaphore(%run_scoped3A : memref<!tpu.dma_semaphore, #tpu.memory_space<semaphore_mem>>) src(%dma_wait3A_863 : memref<40x64xi32, #tpu.memory_space<hbm>>) dst(%arg7 : memref<40x64xi32, #tpu.memory_space<vmem>>)
        tpu.yield
      }) : () -> ()
      "tpu.region"() ({
        %run_scoped3A = tpu.sem_alloc : memref<!tpu.dma_semaphore, #tpu.memory_space<semaphore_mem>>
        %dma_start3A_856 = arith.constant 0 : i32
        %dma_start3A_857 = tpu.memref_slice %arg3[%add3A_329, %dma_start3A_856] : memref<5120x64xi32, #tpu.memory_space<hbm>> -> memref<40x64xi32, #tpu.memory_space<hbm>>
        %dma_start3A_858 = arith.constant 0 : i32
        %dma_start3A_859 = tpu.memref_slice %arg3[%add3A_329, %dma_start3A_858] : memref<5120x64xi32, #tpu.memory_space<hbm>> -> memref<40x64xi32, #tpu.memory_space<hbm>>
        tpu.enqueue_dma source(%dma_start3A_859 : memref<40x64xi32, #tpu.memory_space<hbm>>) target(%arg8 : memref<40x64xi32, #tpu.memory_space<vmem>>) target_semaphore(%run_scoped3A : memref<!tpu.dma_semaphore, #tpu.memory_space<semaphore_mem>>)
        %dma_wait3A_860 = arith.constant 0 : i32
        %dma_wait3A_861 = tpu.memref_slice %arg3[%add3A_329, %dma_wait3A_860] : memref<5120x64xi32, #tpu.memory_space<hbm>> -> memref<40x64xi32, #tpu.memory_space<hbm>>
        %dma_wait3A_862 = arith.constant 0 : i32
        %dma_wait3A_863 = tpu.memref_slice %arg3[%add3A_329, %dma_wait3A_862] : memref<5120x64xi32, #tpu.memory_space<hbm>> -> memref<40x64xi32, #tpu.memory_space<hbm>>
        tpu.wait_dma2 semaphore(%run_scoped3A : memref<!tpu.dma_semaphore, #tpu.memory_space<semaphore_mem>>) src(%dma_wait3A_863 : memref<40x64xi32, #tpu.memory_space<hbm>>) dst(%arg8 : memref<40x64xi32, #tpu.memory_space<vmem>>)
        tpu.yield
      }) : () -> ()
      %dma_start3A_330 = arith.constant 0 : i32
      %dma_start3A_331 = arith.constant 0 : i32
      %dma_start3A_332 = arith.constant 0 : i32
      %dma_start3A_333 = arith.constant 0 : i32
      %dma_start3A_334 = tpu.memref_slice %arg9[%dma_start3A_331, %dma_start3A_332, %dma_start3A_333] : memref<4x64x128xf32, #tpu.memory_space<vmem>> -> memref<1x64x128xf32, #tpu.memory_space<vmem>>
      %dma_start3A_335 = tpu.memref_squeeze %dma_start3A_334 : memref<1x64x128xf32, #tpu.memory_space<vmem>> -> memref<64x128xf32, #tpu.memory_space<vmem>>
      %dma_start3A_336 = arith.constant 0 : i32
      %dma_start3A_337 = tpu.memref_slice %arg7[%dma_start3A_330, %dma_start3A_336] : memref<40x64xi32, #tpu.memory_space<vmem>> -> memref<1x64xi32, #tpu.memory_space<vmem>>
      %dma_start3A_338 = tpu.memref_squeeze %dma_start3A_337 : memref<1x64xi32, #tpu.memory_space<vmem>> -> memref<64xi32, #tpu.memory_space<vmem>>
      %dma_start3A_339 = arith.constant 0 : i32
      %dma_start3A_340 = arith.constant 0 : i32
      %dma_start3A_341 = tpu.memref_slice %arg4[%dma_start3A_339, %dma_start3A_340] : memref<10000x128xf32, #tpu.memory_space<hbm>> -> memref<10000x128xf32, #tpu.memory_space<hbm>>
      tpu.enqueue_indirect_dma source(%dma_start3A_341 : memref<10000x128xf32, #tpu.memory_space<hbm>>) target(%dma_start3A_335 : memref<64x128xf32, #tpu.memory_space<vmem>>) offsets(%dma_start3A_338 : memref<64xi32, #tpu.memory_space<vmem>>) semaphore(%arg11 : memref<!tpu.dma_semaphore, #tpu.memory_space<semaphore_mem>>)
      %dma_start3A_342 = arith.constant 1 : i32
      %dma_start3A_343 = arith.constant 1 : i32
      %dma_start3A_344 = arith.constant 0 : i32
      %dma_start3A_345 = arith.constant 0 : i32
      %dma_start3A_346 = tpu.memref_slice %arg9[%dma_start3A_343, %dma_start3A_344, %dma_start3A_345] : memref<4x64x128xf32, #tpu.memory_space<vmem>> -> memref<1x64x128xf32, #tpu.memory_space<vmem>>
      %dma_start3A_347 = tpu.memref_squeeze %dma_start3A_346 : memref<1x64x128xf32, #tpu.memory_space<vmem>> -> memref<64x128xf32, #tpu.memory_space<vmem>>
      %dma_start3A_348 = arith.constant 0 : i32
      %dma_start3A_349 = tpu.memref_slice %arg7[%dma_start3A_342, %dma_start3A_348] : memref<40x64xi32, #tpu.memory_space<vmem>> -> memref<1x64xi32, #tpu.memory_space<vmem>>
      %dma_start3A_350 = tpu.memref_squeeze %dma_start3A_349 : memref<1x64xi32, #tpu.memory_space<vmem>> -> memref<64xi32, #tpu.memory_space<vmem>>
      %dma_start3A_351 = arith.constant 0 : i32
      %dma_start3A_352 = arith.constant 0 : i32
      %dma_start3A_353 = tpu.memref_slice %arg4[%dma_start3A_351, %dma_start3A_352] : memref<10000x128xf32, #tpu.memory_space<hbm>> -> memref<10000x128xf32, #tpu.memory_space<hbm>>
      tpu.enqueue_indirect_dma source(%dma_start3A_353 : memref<10000x128xf32, #tpu.memory_space<hbm>>) target(%dma_start3A_347 : memref<64x128xf32, #tpu.memory_space<vmem>>) offsets(%dma_start3A_350 : memref<64xi32, #tpu.memory_space<vmem>>) semaphore(%arg12 : memref<!tpu.dma_semaphore, #tpu.memory_space<semaphore_mem>>)
      %dma_start3A_354 = arith.constant 2 : i32
      %dma_start3A_355 = arith.constant 2 : i32
      %dma_start3A_356 = arith.constant 0 : i32
      %dma_start3A_357 = arith.constant 0 : i32
      %dma_start3A_358 = tpu.memref_slice %arg9[%dma_start3A_355, %dma_start3A_356, %dma_start3A_357] : memref<4x64x128xf32, #tpu.memory_space<vmem>> -> memref<1x64x128xf32, #tpu.memory_space<vmem>>
      %dma_start3A_359 = tpu.memref_squeeze %dma_start3A_358 : memref<1x64x128xf32, #tpu.memory_space<vmem>> -> memref<64x128xf32, #tpu.memory_space<vmem>>
      %dma_start3A_360 = arith.constant 0 : i32
      %dma_start3A_361 = tpu.memref_slice %arg7[%dma_start3A_354, %dma_start3A_360] : memref<40x64xi32, #tpu.memory_space<vmem>> -> memref<1x64xi32, #tpu.memory_space<vmem>>
      %dma_start3A_362 = tpu.memref_squeeze %dma_start3A_361 : memref<1x64xi32, #tpu.memory_space<vmem>> -> memref<64xi32, #tpu.memory_space<vmem>>
      %dma_start3A_363 = arith.constant 0 : i32
      %dma_start3A_364 = arith.constant 0 : i32
      %dma_start3A_365 = tpu.memref_slice %arg4[%dma_start3A_363, %dma_start3A_364] : memref<10000x128xf32, #tpu.memory_space<hbm>> -> memref<10000x128xf32, #tpu.memory_space<hbm>>
      tpu.enqueue_indirect_dma source(%dma_start3A_365 : memref<10000x128xf32, #tpu.memory_space<hbm>>) target(%dma_start3A_359 : memref<64x128xf32, #tpu.memory_space<vmem>>) offsets(%dma_start3A_362 : memref<64xi32, #tpu.memory_space<vmem>>) semaphore(%arg13 : memref<!tpu.dma_semaphore, #tpu.memory_space<semaphore_mem>>)
      %dma_start3A_366 = arith.constant 3 : i32
      %dma_start3A_367 = arith.constant 3 : i32
      %dma_start3A_368 = arith.constant 0 : i32
      %dma_start3A_369 = arith.constant 0 : i32
      %dma_start3A_370 = tpu.memref_slice %arg9[%dma_start3A_367, %dma_start3A_368, %dma_start3A_369] : memref<4x64x128xf32, #tpu.memory_space<vmem>> -> memref<1x64x128xf32, #tpu.memory_space<vmem>>
      %dma_start3A_371 = tpu.memref_squeeze %dma_start3A_370 : memref<1x64x128xf32, #tpu.memory_space<vmem>> -> memref<64x128xf32, #tpu.memory_space<vmem>>
      %dma_start3A_372 = arith.constant 0 : i32
      %dma_start3A_373 = tpu.memref_slice %arg7[%dma_start3A_366, %dma_start3A_372] : memref<40x64xi32, #tpu.memory_space<vmem>> -> memref<1x64xi32, #tpu.memory_space<vmem>>
      %dma_start3A_374 = tpu.memref_squeeze %dma_start3A_373 : memref<1x64xi32, #tpu.memory_space<vmem>> -> memref<64xi32, #tpu.memory_space<vmem>>
      %dma_start3A_375 = arith.constant 0 : i32
      %dma_start3A_376 = arith.constant 0 : i32
      %dma_start3A_377 = tpu.memref_slice %arg4[%dma_start3A_375, %dma_start3A_376] : memref<10000x128xf32, #tpu.memory_space<hbm>> -> memref<10000x128xf32, #tpu.memory_space<hbm>>
      tpu.enqueue_indirect_dma source(%dma_start3A_377 : memref<10000x128xf32, #tpu.memory_space<hbm>>) target(%dma_start3A_371 : memref<64x128xf32, #tpu.memory_space<vmem>>) offsets(%dma_start3A_374 : memref<64xi32, #tpu.memory_space<vmem>>) semaphore(%arg14 : memref<!tpu.dma_semaphore, #tpu.memory_space<semaphore_mem>>)
      %scan3A_378 = arith.constant 0 : i32
      %scan3A_379 = arith.constant 0 : i32
      %scan3A_380 = arith.constant 10 : i32
      %scan3A_381 = arith.addi %scan3A_379, %scan3A_380 : i32
      %scan3A_382 = arith.constant 1 : i32
      scf.for %scan3A_856 = %scan3A_379 to %scan3A_381 step %scan3A_382  : i32 {
        %mul3A_857 = arith.constant 4 : i32
        %mul3A_858 = arith.muli %mul3A_857, %scan3A_856 : i32
        %dma_wait3A_859 = arith.constant 0 : i32
        %dma_wait3A_860 = arith.constant 0 : i32
        %dma_wait3A_861 = arith.constant 0 : i32
        %dma_wait3A_862 = arith.constant 0 : i32
        %dma_wait3A_863 = tpu.memref_slice %arg9[%dma_wait3A_860, %dma_wait3A_861, %dma_wait3A_862] : memref<4x64x128xf32, #tpu.memory_space<vmem>> -> memref<1x64x128xf32, #tpu.memory_space<vmem>>
        %dma_wait3A_864 = tpu.memref_squeeze %dma_wait3A_863 : memref<1x64x128xf32, #tpu.memory_space<vmem>> -> memref<64x128xf32, #tpu.memory_space<vmem>>
        %dma_wait3A_865 = arith.constant 0 : i32
        %dma_wait3A_866 = tpu.memref_slice %arg7[%dma_wait3A_859, %dma_wait3A_865] : memref<40x64xi32, #tpu.memory_space<vmem>> -> memref<1x64xi32, #tpu.memory_space<vmem>>
        %dma_wait3A_867 = tpu.memref_squeeze %dma_wait3A_866 : memref<1x64xi32, #tpu.memory_space<vmem>> -> memref<64xi32, #tpu.memory_space<vmem>>
        %dma_wait3A_868 = arith.constant 0 : i32
        %dma_wait3A_869 = arith.constant 0 : i32
        %dma_wait3A_870 = tpu.memref_slice %arg4[%dma_wait3A_868, %dma_wait3A_869] : memref<10000x128xf32, #tpu.memory_space<hbm>> -> memref<10000x128xf32, #tpu.memory_space<hbm>>
        tpu.wait_indirect_dma semaphore(%arg11 : memref<!tpu.dma_semaphore, #tpu.memory_space<semaphore_mem>>) src(%dma_wait3A_870 : memref<10000x128xf32, #tpu.memory_space<hbm>>) dst(%dma_wait3A_864 : memref<64x128xf32, #tpu.memory_space<vmem>>)
        %add3A_871 = arith.constant 0 : i32
        %add3A_872 = arith.addi %mul3A_858, %add3A_871 : i32
        %run_scoped3A = arith.constant 0 : i32
        "tpu.region"() ({
          %run_scoped3A_985 = tpu.sem_alloc : memref<!tpu.dma_semaphore, #tpu.memory_space<semaphore_mem>>
          %dma_start3A_986 = arith.constant 0 : i32
          %dma_start3A_987 = arith.constant 0 : i32
          %dma_start3A_988 = tpu.memref_slice %arg9[%run_scoped3A, %dma_start3A_986, %dma_start3A_987] : memref<4x64x128xf32, #tpu.memory_space<vmem>> -> memref<1x64x128xf32, #tpu.memory_space<vmem>>
          %dma_start3A_989 = tpu.memref_squeeze %dma_start3A_988 : memref<1x64x128xf32, #tpu.memory_space<vmem>> -> memref<64x128xf32, #tpu.memory_space<vmem>>
          %dma_start3A_990 = arith.constant 0 : i32
          %dma_start3A_991 = tpu.memref_slice %arg8[%add3A_872, %dma_start3A_990] : memref<40x64xi32, #tpu.memory_space<vmem>> -> memref<1x64xi32, #tpu.memory_space<vmem>>
          %dma_start3A_992 = tpu.memref_squeeze %dma_start3A_991 : memref<1x64xi32, #tpu.memory_space<vmem>> -> memref<64xi32, #tpu.memory_space<vmem>>
          %dma_start3A_993 = arith.constant 0 : i32
          %dma_start3A_994 = arith.constant 0 : i32
          %dma_start3A_995 = tpu.memref_slice %arg10[%dma_start3A_993, %dma_start3A_994] : memref<10240x128xf32, #tpu.memory_space<vmem_shared>> -> memref<10240x128xf32, #tpu.memory_space<vmem_shared>>
          tpu.enqueue_indirect_dma source(%dma_start3A_989 : memref<64x128xf32, #tpu.memory_space<vmem>>) target(%dma_start3A_995 : memref<10240x128xf32, #tpu.memory_space<vmem_shared>>) offsets(%dma_start3A_992 : memref<64xi32, #tpu.memory_space<vmem>>) semaphore(%run_scoped3A_985 : memref<!tpu.dma_semaphore, #tpu.memory_space<semaphore_mem>>) {add = true}
          %dma_wait3A_996 = arith.constant 0 : i32
          %dma_wait3A_997 = arith.constant 0 : i32
          %dma_wait3A_998 = tpu.memref_slice %arg9[%run_scoped3A, %dma_wait3A_996, %dma_wait3A_997] : memref<4x64x128xf32, #tpu.memory_space<vmem>> -> memref<1x64x128xf32, #tpu.memory_space<vmem>>
          %dma_wait3A_999 = tpu.memref_squeeze %dma_wait3A_998 : memref<1x64x128xf32, #tpu.memory_space<vmem>> -> memref<64x128xf32, #tpu.memory_space<vmem>>
          %dma_wait3A_1000 = arith.constant 0 : i32
          %dma_wait3A_1001 = tpu.memref_slice %arg8[%add3A_872, %dma_wait3A_1000] : memref<40x64xi32, #tpu.memory_space<vmem>> -> memref<1x64xi32, #tpu.memory_space<vmem>>
          %dma_wait3A_1002 = tpu.memref_squeeze %dma_wait3A_1001 : memref<1x64xi32, #tpu.memory_space<vmem>> -> memref<64xi32, #tpu.memory_space<vmem>>
          %dma_wait3A_1003 = arith.constant 0 : i32
          %dma_wait3A_1004 = arith.constant 0 : i32
          %dma_wait3A_1005 = tpu.memref_slice %arg10[%dma_wait3A_1003, %dma_wait3A_1004] : memref<10240x128xf32, #tpu.memory_space<vmem_shared>> -> memref<10240x128xf32, #tpu.memory_space<vmem_shared>>
          tpu.wait_indirect_dma semaphore(%run_scoped3A_985 : memref<!tpu.dma_semaphore, #tpu.memory_space<semaphore_mem>>) src(%dma_wait3A_999 : memref<64x128xf32, #tpu.memory_space<vmem>>) dst(%dma_wait3A_1005 : memref<10240x128xf32, #tpu.memory_space<vmem_shared>>)
          tpu.yield
        }) : () -> ()
        %add3A_873 = arith.constant 4 : i32
        %add3A_874 = arith.addi %mul3A_858, %add3A_873 : i32
        %add3A_875 = arith.constant 0 : i32
        %add3A_876 = arith.addi %add3A_874, %add3A_875 : i32
        %min3A = arith.constant 39 : i32
        %min3A_877 = arith.minsi %add3A_876, %min3A : i32
        %dma_start3A_878 = arith.constant 0 : i32
        %dma_start3A_879 = arith.constant 0 : i32
        %dma_start3A_880 = arith.constant 0 : i32
        %dma_start3A_881 = tpu.memref_slice %arg9[%dma_start3A_878, %dma_start3A_879, %dma_start3A_880] : memref<4x64x128xf32, #tpu.memory_space<vmem>> -> memref<1x64x128xf32, #tpu.memory_space<vmem>>
        %dma_start3A_882 = tpu.memref_squeeze %dma_start3A_881 : memref<1x64x128xf32, #tpu.memory_space<vmem>> -> memref<64x128xf32, #tpu.memory_space<vmem>>
        %dma_start3A_883 = arith.constant 0 : i32
        %dma_start3A_884 = tpu.memref_slice %arg7[%min3A_877, %dma_start3A_883] : memref<40x64xi32, #tpu.memory_space<vmem>> -> memref<1x64xi32, #tpu.memory_space<vmem>>
        %dma_start3A_885 = tpu.memref_squeeze %dma_start3A_884 : memref<1x64xi32, #tpu.memory_space<vmem>> -> memref<64xi32, #tpu.memory_space<vmem>>
        %dma_start3A_886 = arith.constant 0 : i32
        %dma_start3A_887 = arith.constant 0 : i32
        %dma_start3A_888 = tpu.memref_slice %arg4[%dma_start3A_886, %dma_start3A_887] : memref<10000x128xf32, #tpu.memory_space<hbm>> -> memref<10000x128xf32, #tpu.memory_space<hbm>>
        tpu.enqueue_indirect_dma source(%dma_start3A_888 : memref<10000x128xf32, #tpu.memory_space<hbm>>) target(%dma_start3A_882 : memref<64x128xf32, #tpu.memory_space<vmem>>) offsets(%dma_start3A_885 : memref<64xi32, #tpu.memory_space<vmem>>) semaphore(%arg11 : memref<!tpu.dma_semaphore, #tpu.memory_space<semaphore_mem>>)
        %dma_wait3A_889 = arith.constant 0 : i32
        %dma_wait3A_890 = arith.constant 1 : i32
        %dma_wait3A_891 = arith.constant 0 : i32
        %dma_wait3A_892 = arith.constant 0 : i32
        %dma_wait3A_893 = tpu.memref_slice %arg9[%dma_wait3A_890, %dma_wait3A_891, %dma_wait3A_892] : memref<4x64x128xf32, #tpu.memory_space<vmem>> -> memref<1x64x128xf32, #tpu.memory_space<vmem>>
        %dma_wait3A_894 = tpu.memref_squeeze %dma_wait3A_893 : memref<1x64x128xf32, #tpu.memory_space<vmem>> -> memref<64x128xf32, #tpu.memory_space<vmem>>
        %dma_wait3A_895 = arith.constant 0 : i32
        %dma_wait3A_896 = tpu.memref_slice %arg7[%dma_wait3A_889, %dma_wait3A_895] : memref<40x64xi32, #tpu.memory_space<vmem>> -> memref<1x64xi32, #tpu.memory_space<vmem>>
        %dma_wait3A_897 = tpu.memref_squeeze %dma_wait3A_896 : memref<1x64xi32, #tpu.memory_space<vmem>> -> memref<64xi32, #tpu.memory_space<vmem>>
        %dma_wait3A_898 = arith.constant 0 : i32
        %dma_wait3A_899 = arith.constant 0 : i32
        %dma_wait3A_900 = tpu.memref_slice %arg4[%dma_wait3A_898, %dma_wait3A_899] : memref<10000x128xf32, #tpu.memory_space<hbm>> -> memref<10000x128xf32, #tpu.memory_space<hbm>>
        tpu.wait_indirect_dma semaphore(%arg12 : memref<!tpu.dma_semaphore, #tpu.memory_space<semaphore_mem>>) src(%dma_wait3A_900 : memref<10000x128xf32, #tpu.memory_space<hbm>>) dst(%dma_wait3A_894 : memref<64x128xf32, #tpu.memory_space<vmem>>)
        %add3A_901 = arith.constant 1 : i32
        %add3A_902 = arith.addi %mul3A_858, %add3A_901 : i32
        %run_scoped3A_903 = arith.constant 1 : i32
        "tpu.region"() ({
          %run_scoped3A_985 = tpu.sem_alloc : memref<!tpu.dma_semaphore, #tpu.memory_space<semaphore_mem>>
          %dma_start3A_986 = arith.constant 0 : i32
          %dma_start3A_987 = arith.constant 0 : i32
          %dma_start3A_988 = tpu.memref_slice %arg9[%run_scoped3A_903, %dma_start3A_986, %dma_start3A_987] : memref<4x64x128xf32, #tpu.memory_space<vmem>> -> memref<1x64x128xf32, #tpu.memory_space<vmem>>
          %dma_start3A_989 = tpu.memref_squeeze %dma_start3A_988 : memref<1x64x128xf32, #tpu.memory_space<vmem>> -> memref<64x128xf32, #tpu.memory_space<vmem>>
          %dma_start3A_990 = arith.constant 0 : i32
          %dma_start3A_991 = tpu.memref_slice %arg8[%add3A_902, %dma_start3A_990] : memref<40x64xi32, #tpu.memory_space<vmem>> -> memref<1x64xi32, #tpu.memory_space<vmem>>
          %dma_start3A_992 = tpu.memref_squeeze %dma_start3A_991 : memref<1x64xi32, #tpu.memory_space<vmem>> -> memref<64xi32, #tpu.memory_space<vmem>>
          %dma_start3A_993 = arith.constant 0 : i32
          %dma_start3A_994 = arith.constant 0 : i32
          %dma_start3A_995 = tpu.memref_slice %arg10[%dma_start3A_993, %dma_start3A_994] : memref<10240x128xf32, #tpu.memory_space<vmem_shared>> -> memref<10240x128xf32, #tpu.memory_space<vmem_shared>>
          tpu.enqueue_indirect_dma source(%dma_start3A_989 : memref<64x128xf32, #tpu.memory_space<vmem>>) target(%dma_start3A_995 : memref<10240x128xf32, #tpu.memory_space<vmem_shared>>) offsets(%dma_start3A_992 : memref<64xi32, #tpu.memory_space<vmem>>) semaphore(%run_scoped3A_985 : memref<!tpu.dma_semaphore, #tpu.memory_space<semaphore_mem>>) {add = true}
          %dma_wait3A_996 = arith.constant 0 : i32
          %dma_wait3A_997 = arith.constant 0 : i32
          %dma_wait3A_998 = tpu.memref_slice %arg9[%run_scoped3A_903, %dma_wait3A_996, %dma_wait3A_997] : memref<4x64x128xf32, #tpu.memory_space<vmem>> -> memref<1x64x128xf32, #tpu.memory_space<vmem>>
          %dma_wait3A_999 = tpu.memref_squeeze %dma_wait3A_998 : memref<1x64x128xf32, #tpu.memory_space<vmem>> -> memref<64x128xf32, #tpu.memory_space<vmem>>
          %dma_wait3A_1000 = arith.constant 0 : i32
          %dma_wait3A_1001 = tpu.memref_slice %arg8[%add3A_902, %dma_wait3A_1000] : memref<40x64xi32, #tpu.memory_space<vmem>> -> memref<1x64xi32, #tpu.memory_space<vmem>>
          %dma_wait3A_1002 = tpu.memref_squeeze %dma_wait3A_1001 : memref<1x64xi32, #tpu.memory_space<vmem>> -> memref<64xi32, #tpu.memory_space<vmem>>
          %dma_wait3A_1003 = arith.constant 0 : i32
          %dma_wait3A_1004 = arith.constant 0 : i32
          %dma_wait3A_1005 = tpu.memref_slice %arg10[%dma_wait3A_1003, %dma_wait3A_1004] : memref<10240x128xf32, #tpu.memory_space<vmem_shared>> -> memref<10240x128xf32, #tpu.memory_space<vmem_shared>>
          tpu.wait_indirect_dma semaphore(%run_scoped3A_985 : memref<!tpu.dma_semaphore, #tpu.memory_space<semaphore_mem>>) src(%dma_wait3A_999 : memref<64x128xf32, #tpu.memory_space<vmem>>) dst(%dma_wait3A_1005 : memref<10240x128xf32, #tpu.memory_space<vmem_shared>>)
          tpu.yield
        }) : () -> ()
        %add3A_904 = arith.constant 4 : i32
        %add3A_905 = arith.addi %mul3A_858, %add3A_904 : i32
        %add3A_906 = arith.constant 1 : i32
        %add3A_907 = arith.addi %add3A_905, %add3A_906 : i32
        %min3A_908 = arith.constant 39 : i32
        %min3A_909 = arith.minsi %add3A_907, %min3A_908 : i32
        %dma_start3A_910 = arith.constant 1 : i32
        %dma_start3A_911 = arith.constant 0 : i32
        %dma_start3A_912 = arith.constant 0 : i32
        %dma_start3A_913 = tpu.memref_slice %arg9[%dma_start3A_910, %dma_start3A_911, %dma_start3A_912] : memref<4x64x128xf32, #tpu.memory_space<vmem>> -> memref<1x64x128xf32, #tpu.memory_space<vmem>>
        %dma_start3A_914 = tpu.memref_squeeze %dma_start3A_913 : memref<1x64x128xf32, #tpu.memory_space<vmem>> -> memref<64x128xf32, #tpu.memory_space<vmem>>
        %dma_start3A_915 = arith.constant 0 : i32
        %dma_start3A_916 = tpu.memref_slice %arg7[%min3A_909, %dma_start3A_915] : memref<40x64xi32, #tpu.memory_space<vmem>> -> memref<1x64xi32, #tpu.memory_space<vmem>>
        %dma_start3A_917 = tpu.memref_squeeze %dma_start3A_916 : memref<1x64xi32, #tpu.memory_space<vmem>> -> memref<64xi32, #tpu.memory_space<vmem>>
        %dma_start3A_918 = arith.constant 0 : i32
        %dma_start3A_919 = arith.constant 0 : i32
        %dma_start3A_920 = tpu.memref_slice %arg4[%dma_start3A_918, %dma_start3A_919] : memref<10000x128xf32, #tpu.memory_space<hbm>> -> memref<10000x128xf32, #tpu.memory_space<hbm>>
        tpu.enqueue_indirect_dma source(%dma_start3A_920 : memref<10000x128xf32, #tpu.memory_space<hbm>>) target(%dma_start3A_914 : memref<64x128xf32, #tpu.memory_space<vmem>>) offsets(%dma_start3A_917 : memref<64xi32, #tpu.memory_space<vmem>>) semaphore(%arg12 : memref<!tpu.dma_semaphore, #tpu.memory_space<semaphore_mem>>)
        %dma_wait3A_921 = arith.constant 0 : i32
        %dma_wait3A_922 = arith.constant 2 : i32
        %dma_wait3A_923 = arith.constant 0 : i32
        %dma_wait3A_924 = arith.constant 0 : i32
        %dma_wait3A_925 = tpu.memref_slice %arg9[%dma_wait3A_922, %dma_wait3A_923, %dma_wait3A_924] : memref<4x64x128xf32, #tpu.memory_space<vmem>> -> memref<1x64x128xf32, #tpu.memory_space<vmem>>
        %dma_wait3A_926 = tpu.memref_squeeze %dma_wait3A_925 : memref<1x64x128xf32, #tpu.memory_space<vmem>> -> memref<64x128xf32, #tpu.memory_space<vmem>>
        %dma_wait3A_927 = arith.constant 0 : i32
        %dma_wait3A_928 = tpu.memref_slice %arg7[%dma_wait3A_921, %dma_wait3A_927] : memref<40x64xi32, #tpu.memory_space<vmem>> -> memref<1x64xi32, #tpu.memory_space<vmem>>
        %dma_wait3A_929 = tpu.memref_squeeze %dma_wait3A_928 : memref<1x64xi32, #tpu.memory_space<vmem>> -> memref<64xi32, #tpu.memory_space<vmem>>
        %dma_wait3A_930 = arith.constant 0 : i32
        %dma_wait3A_931 = arith.constant 0 : i32
        %dma_wait3A_932 = tpu.memref_slice %arg4[%dma_wait3A_930, %dma_wait3A_931] : memref<10000x128xf32, #tpu.memory_space<hbm>> -> memref<10000x128xf32, #tpu.memory_space<hbm>>
        tpu.wait_indirect_dma semaphore(%arg13 : memref<!tpu.dma_semaphore, #tpu.memory_space<semaphore_mem>>) src(%dma_wait3A_932 : memref<10000x128xf32, #tpu.memory_space<hbm>>) dst(%dma_wait3A_926 : memref<64x128xf32, #tpu.memory_space<vmem>>)
        %add3A_933 = arith.constant 2 : i32
        %add3A_934 = arith.addi %mul3A_858, %add3A_933 : i32
        %run_scoped3A_935 = arith.constant 2 : i32
        "tpu.region"() ({
          %run_scoped3A_985 = tpu.sem_alloc : memref<!tpu.dma_semaphore, #tpu.memory_space<semaphore_mem>>
          %dma_start3A_986 = arith.constant 0 : i32
          %dma_start3A_987 = arith.constant 0 : i32
          %dma_start3A_988 = tpu.memref_slice %arg9[%run_scoped3A_935, %dma_start3A_986, %dma_start3A_987] : memref<4x64x128xf32, #tpu.memory_space<vmem>> -> memref<1x64x128xf32, #tpu.memory_space<vmem>>
          %dma_start3A_989 = tpu.memref_squeeze %dma_start3A_988 : memref<1x64x128xf32, #tpu.memory_space<vmem>> -> memref<64x128xf32, #tpu.memory_space<vmem>>
          %dma_start3A_990 = arith.constant 0 : i32
          %dma_start3A_991 = tpu.memref_slice %arg8[%add3A_934, %dma_start3A_990] : memref<40x64xi32, #tpu.memory_space<vmem>> -> memref<1x64xi32, #tpu.memory_space<vmem>>
          %dma_start3A_992 = tpu.memref_squeeze %dma_start3A_991 : memref<1x64xi32, #tpu.memory_space<vmem>> -> memref<64xi32, #tpu.memory_space<vmem>>
          %dma_start3A_993 = arith.constant 0 : i32
          %dma_start3A_994 = arith.constant 0 : i32
          %dma_start3A_995 = tpu.memref_slice %arg10[%dma_start3A_993, %dma_start3A_994] : memref<10240x128xf32, #tpu.memory_space<vmem_shared>> -> memref<10240x128xf32, #tpu.memory_space<vmem_shared>>
          tpu.enqueue_indirect_dma source(%dma_start3A_989 : memref<64x128xf32, #tpu.memory_space<vmem>>) target(%dma_start3A_995 : memref<10240x128xf32, #tpu.memory_space<vmem_shared>>) offsets(%dma_start3A_992 : memref<64xi32, #tpu.memory_space<vmem>>) semaphore(%run_scoped3A_985 : memref<!tpu.dma_semaphore, #tpu.memory_space<semaphore_mem>>) {add = true}
          %dma_wait3A_996 = arith.constant 0 : i32
          %dma_wait3A_997 = arith.constant 0 : i32
          %dma_wait3A_998 = tpu.memref_slice %arg9[%run_scoped3A_935, %dma_wait3A_996, %dma_wait3A_997] : memref<4x64x128xf32, #tpu.memory_space<vmem>> -> memref<1x64x128xf32, #tpu.memory_space<vmem>>
          %dma_wait3A_999 = tpu.memref_squeeze %dma_wait3A_998 : memref<1x64x128xf32, #tpu.memory_space<vmem>> -> memref<64x128xf32, #tpu.memory_space<vmem>>
          %dma_wait3A_1000 = arith.constant 0 : i32
          %dma_wait3A_1001 = tpu.memref_slice %arg8[%add3A_934, %dma_wait3A_1000] : memref<40x64xi32, #tpu.memory_space<vmem>> -> memref<1x64xi32, #tpu.memory_space<vmem>>
          %dma_wait3A_1002 = tpu.memref_squeeze %dma_wait3A_1001 : memref<1x64xi32, #tpu.memory_space<vmem>> -> memref<64xi32, #tpu.memory_space<vmem>>
          %dma_wait3A_1003 = arith.constant 0 : i32
          %dma_wait3A_1004 = arith.constant 0 : i32
          %dma_wait3A_1005 = tpu.memref_slice %arg10[%dma_wait3A_1003, %dma_wait3A_1004] : memref<10240x128xf32, #tpu.memory_space<vmem_shared>> -> memref<10240x128xf32, #tpu.memory_space<vmem_shared>>
          tpu.wait_indirect_dma semaphore(%run_scoped3A_985 : memref<!tpu.dma_semaphore, #tpu.memory_space<semaphore_mem>>) src(%dma_wait3A_999 : memref<64x128xf32, #tpu.memory_space<vmem>>) dst(%dma_wait3A_1005 : memref<10240x128xf32, #tpu.memory_space<vmem_shared>>)
          tpu.yield
        }) : () -> ()
        %add3A_936 = arith.constant 4 : i32
        %add3A_937 = arith.addi %mul3A_858, %add3A_936 : i32
        %add3A_938 = arith.constant 2 : i32
        %add3A_939 = arith.addi %add3A_937, %add3A_938 : i32
        %min3A_940 = arith.constant 39 : i32
        %min3A_941 = arith.minsi %add3A_939, %min3A_940 : i32
        %dma_start3A_942 = arith.constant 2 : i32
        %dma_start3A_943 = arith.constant 0 : i32
        %dma_start3A_944 = arith.constant 0 : i32
        %dma_start3A_945 = tpu.memref_slice %arg9[%dma_start3A_942, %dma_start3A_943, %dma_start3A_944] : memref<4x64x128xf32, #tpu.memory_space<vmem>> -> memref<1x64x128xf32, #tpu.memory_space<vmem>>
        %dma_start3A_946 = tpu.memref_squeeze %dma_start3A_945 : memref<1x64x128xf32, #tpu.memory_space<vmem>> -> memref<64x128xf32, #tpu.memory_space<vmem>>
        %dma_start3A_947 = arith.constant 0 : i32
        %dma_start3A_948 = tpu.memref_slice %arg7[%min3A_941, %dma_start3A_947] : memref<40x64xi32, #tpu.memory_space<vmem>> -> memref<1x64xi32, #tpu.memory_space<vmem>>
        %dma_start3A_949 = tpu.memref_squeeze %dma_start3A_948 : memref<1x64xi32, #tpu.memory_space<vmem>> -> memref<64xi32, #tpu.memory_space<vmem>>
        %dma_start3A_950 = arith.constant 0 : i32
        %dma_start3A_951 = arith.constant 0 : i32
        %dma_start3A_952 = tpu.memref_slice %arg4[%dma_start3A_950, %dma_start3A_951] : memref<10000x128xf32, #tpu.memory_space<hbm>> -> memref<10000x128xf32, #tpu.memory_space<hbm>>
        tpu.enqueue_indirect_dma source(%dma_start3A_952 : memref<10000x128xf32, #tpu.memory_space<hbm>>) target(%dma_start3A_946 : memref<64x128xf32, #tpu.memory_space<vmem>>) offsets(%dma_start3A_949 : memref<64xi32, #tpu.memory_space<vmem>>) semaphore(%arg13 : memref<!tpu.dma_semaphore, #tpu.memory_space<semaphore_mem>>)
        %dma_wait3A_953 = arith.constant 0 : i32
        %dma_wait3A_954 = arith.constant 3 : i32
        %dma_wait3A_955 = arith.constant 0 : i32
        %dma_wait3A_956 = arith.constant 0 : i32
        %dma_wait3A_957 = tpu.memref_slice %arg9[%dma_wait3A_954, %dma_wait3A_955, %dma_wait3A_956] : memref<4x64x128xf32, #tpu.memory_space<vmem>> -> memref<1x64x128xf32, #tpu.memory_space<vmem>>
        %dma_wait3A_958 = tpu.memref_squeeze %dma_wait3A_957 : memref<1x64x128xf32, #tpu.memory_space<vmem>> -> memref<64x128xf32, #tpu.memory_space<vmem>>
        %dma_wait3A_959 = arith.constant 0 : i32
        %dma_wait3A_960 = tpu.memref_slice %arg7[%dma_wait3A_953, %dma_wait3A_959] : memref<40x64xi32, #tpu.memory_space<vmem>> -> memref<1x64xi32, #tpu.memory_space<vmem>>
        %dma_wait3A_961 = tpu.memref_squeeze %dma_wait3A_960 : memref<1x64xi32, #tpu.memory_space<vmem>> -> memref<64xi32, #tpu.memory_space<vmem>>
        %dma_wait3A_962 = arith.constant 0 : i32
        %dma_wait3A_963 = arith.constant 0 : i32
        %dma_wait3A_964 = tpu.memref_slice %arg4[%dma_wait3A_962, %dma_wait3A_963] : memref<10000x128xf32, #tpu.memory_space<hbm>> -> memref<10000x128xf32, #tpu.memory_space<hbm>>
        tpu.wait_indirect_dma semaphore(%arg14 : memref<!tpu.dma_semaphore, #tpu.memory_space<semaphore_mem>>) src(%dma_wait3A_964 : memref<10000x128xf32, #tpu.memory_space<hbm>>) dst(%dma_wait3A_958 : memref<64x128xf32, #tpu.memory_space<vmem>>)
        %add3A_965 = arith.constant 3 : i32
        %add3A_966 = arith.addi %mul3A_858, %add3A_965 : i32
        %run_scoped3A_967 = arith.constant 3 : i32
        "tpu.region"() ({
          %run_scoped3A_985 = tpu.sem_alloc : memref<!tpu.dma_semaphore, #tpu.memory_space<semaphore_mem>>
          %dma_start3A_986 = arith.constant 0 : i32
          %dma_start3A_987 = arith.constant 0 : i32
          %dma_start3A_988 = tpu.memref_slice %arg9[%run_scoped3A_967, %dma_start3A_986, %dma_start3A_987] : memref<4x64x128xf32, #tpu.memory_space<vmem>> -> memref<1x64x128xf32, #tpu.memory_space<vmem>>
          %dma_start3A_989 = tpu.memref_squeeze %dma_start3A_988 : memref<1x64x128xf32, #tpu.memory_space<vmem>> -> memref<64x128xf32, #tpu.memory_space<vmem>>
          %dma_start3A_990 = arith.constant 0 : i32
          %dma_start3A_991 = tpu.memref_slice %arg8[%add3A_966, %dma_start3A_990] : memref<40x64xi32, #tpu.memory_space<vmem>> -> memref<1x64xi32, #tpu.memory_space<vmem>>
          %dma_start3A_992 = tpu.memref_squeeze %dma_start3A_991 : memref<1x64xi32, #tpu.memory_space<vmem>> -> memref<64xi32, #tpu.memory_space<vmem>>
          %dma_start3A_993 = arith.constant 0 : i32
          %dma_start3A_994 = arith.constant 0 : i32
          %dma_start3A_995 = tpu.memref_slice %arg10[%dma_start3A_993, %dma_start3A_994] : memref<10240x128xf32, #tpu.memory_space<vmem_shared>> -> memref<10240x128xf32, #tpu.memory_space<vmem_shared>>
          tpu.enqueue_indirect_dma source(%dma_start3A_989 : memref<64x128xf32, #tpu.memory_space<vmem>>) target(%dma_start3A_995 : memref<10240x128xf32, #tpu.memory_space<vmem_shared>>) offsets(%dma_start3A_992 : memref<64xi32, #tpu.memory_space<vmem>>) semaphore(%run_scoped3A_985 : memref<!tpu.dma_semaphore, #tpu.memory_space<semaphore_mem>>) {add = true}
          %dma_wait3A_996 = arith.constant 0 : i32
          %dma_wait3A_997 = arith.constant 0 : i32
          %dma_wait3A_998 = tpu.memref_slice %arg9[%run_scoped3A_967, %dma_wait3A_996, %dma_wait3A_997] : memref<4x64x128xf32, #tpu.memory_space<vmem>> -> memref<1x64x128xf32, #tpu.memory_space<vmem>>
          %dma_wait3A_999 = tpu.memref_squeeze %dma_wait3A_998 : memref<1x64x128xf32, #tpu.memory_space<vmem>> -> memref<64x128xf32, #tpu.memory_space<vmem>>
          %dma_wait3A_1000 = arith.constant 0 : i32
          %dma_wait3A_1001 = tpu.memref_slice %arg8[%add3A_966, %dma_wait3A_1000] : memref<40x64xi32, #tpu.memory_space<vmem>> -> memref<1x64xi32, #tpu.memory_space<vmem>>
          %dma_wait3A_1002 = tpu.memref_squeeze %dma_wait3A_1001 : memref<1x64xi32, #tpu.memory_space<vmem>> -> memref<64xi32, #tpu.memory_space<vmem>>
          %dma_wait3A_1003 = arith.constant 0 : i32
          %dma_wait3A_1004 = arith.constant 0 : i32
          %dma_wait3A_1005 = tpu.memref_slice %arg10[%dma_wait3A_1003, %dma_wait3A_1004] : memref<10240x128xf32, #tpu.memory_space<vmem_shared>> -> memref<10240x128xf32, #tpu.memory_space<vmem_shared>>
          tpu.wait_indirect_dma semaphore(%run_scoped3A_985 : memref<!tpu.dma_semaphore, #tpu.memory_space<semaphore_mem>>) src(%dma_wait3A_999 : memref<64x128xf32, #tpu.memory_space<vmem>>) dst(%dma_wait3A_1005 : memref<10240x128xf32, #tpu.memory_space<vmem_shared>>)
          tpu.yield
        }) : () -> ()
        %add3A_968 = arith.constant 4 : i32
        %add3A_969 = arith.addi %mul3A_858, %add3A_968 : i32
        %add3A_970 = arith.constant 3 : i32
        %add3A_971 = arith.addi %add3A_969, %add3A_970 : i32
        %min3A_972 = arith.constant 39 : i32
        %min3A_973 = arith.minsi %add3A_971, %min3A_972 : i32
        %dma_start3A_974 = arith.constant 3 : i32
        %dma_start3A_975 = arith.constant 0 : i32
        %dma_start3A_976 = arith.constant 0 : i32
        %dma_start3A_977 = tpu.memref_slice %arg9[%dma_start3A_974, %dma_start3A_975, %dma_start3A_976] : memref<4x64x128xf32, #tpu.memory_space<vmem>> -> memref<1x64x128xf32, #tpu.memory_space<vmem>>
        %dma_start3A_978 = tpu.memref_squeeze %dma_start3A_977 : memref<1x64x128xf32, #tpu.memory_space<vmem>> -> memref<64x128xf32, #tpu.memory_space<vmem>>
        %dma_start3A_979 = arith.constant 0 : i32
        %dma_start3A_980 = tpu.memref_slice %arg7[%min3A_973, %dma_start3A_979] : memref<40x64xi32, #tpu.memory_space<vmem>> -> memref<1x64xi32, #tpu.memory_space<vmem>>
        %dma_start3A_981 = tpu.memref_squeeze %dma_start3A_980 : memref<1x64xi32, #tpu.memory_space<vmem>> -> memref<64xi32, #tpu.memory_space<vmem>>
        %dma_start3A_982 = arith.constant 0 : i32
        %dma_start3A_983 = arith.constant 0 : i32
        %dma_start3A_984 = tpu.memref_slice %arg4[%dma_start3A_982, %dma_start3A_983] : memref<10000x128xf32, #tpu.memory_space<hbm>> -> memref<10000x128xf32, #tpu.memory_space<hbm>>
        tpu.enqueue_indirect_dma source(%dma_start3A_984 : memref<10000x128xf32, #tpu.memory_space<hbm>>) target(%dma_start3A_978 : memref<64x128xf32, #tpu.memory_space<vmem>>) offsets(%dma_start3A_981 : memref<64xi32, #tpu.memory_space<vmem>>) semaphore(%arg14 : memref<!tpu.dma_semaphore, #tpu.memory_space<semaphore_mem>>)
      }
      %scan3A_383 = arith.constant 10 : i32
      %dma_wait3A_384 = arith.constant 0 : i32
      %dma_wait3A_385 = arith.constant 0 : i32
      %dma_wait3A_386 = arith.constant 0 : i32
      %dma_wait3A_387 = arith.constant 0 : i32
      %dma_wait3A_388 = tpu.memref_slice %arg9[%dma_wait3A_385, %dma_wait3A_386, %dma_wait3A_387] : memref<4x64x128xf32, #tpu.memory_space<vmem>> -> memref<1x64x128xf32, #tpu.memory_space<vmem>>
      %dma_wait3A_389 = tpu.memref_squeeze %dma_wait3A_388 : memref<1x64x128xf32, #tpu.memory_space<vmem>> -> memref<64x128xf32, #tpu.memory_space<vmem>>
      %dma_wait3A_390 = arith.constant 0 : i32
      %dma_wait3A_391 = tpu.memref_slice %arg7[%dma_wait3A_384, %dma_wait3A_390] : memref<40x64xi32, #tpu.memory_space<vmem>> -> memref<1x64xi32, #tpu.memory_space<vmem>>
      %dma_wait3A_392 = tpu.memref_squeeze %dma_wait3A_391 : memref<1x64xi32, #tpu.memory_space<vmem>> -> memref<64xi32, #tpu.memory_space<vmem>>
      %dma_wait3A_393 = arith.constant 0 : i32
      %dma_wait3A_394 = arith.constant 0 : i32
      %dma_wait3A_395 = tpu.memref_slice %arg4[%dma_wait3A_393, %dma_wait3A_394] : memref<10000x128xf32, #tpu.memory_space<hbm>> -> memref<10000x128xf32, #tpu.memory_space<hbm>>
      tpu.wait_indirect_dma semaphore(%arg11 : memref<!tpu.dma_semaphore, #tpu.memory_space<semaphore_mem>>) src(%dma_wait3A_395 : memref<10000x128xf32, #tpu.memory_space<hbm>>) dst(%dma_wait3A_389 : memref<64x128xf32, #tpu.memory_space<vmem>>)
      %dma_wait3A_396 = arith.constant 0 : i32
      %dma_wait3A_397 = arith.constant 1 : i32
      %dma_wait3A_398 = arith.constant 0 : i32
      %dma_wait3A_399 = arith.constant 0 : i32
      %dma_wait3A_400 = tpu.memref_slice %arg9[%dma_wait3A_397, %dma_wait3A_398, %dma_wait3A_399] : memref<4x64x128xf32, #tpu.memory_space<vmem>> -> memref<1x64x128xf32, #tpu.memory_space<vmem>>
      %dma_wait3A_401 = tpu.memref_squeeze %dma_wait3A_400 : memref<1x64x128xf32, #tpu.memory_space<vmem>> -> memref<64x128xf32, #tpu.memory_space<vmem>>
      %dma_wait3A_402 = arith.constant 0 : i32
      %dma_wait3A_403 = tpu.memref_slice %arg7[%dma_wait3A_396, %dma_wait3A_402] : memref<40x64xi32, #tpu.memory_space<vmem>> -> memref<1x64xi32, #tpu.memory_space<vmem>>
      %dma_wait3A_404 = tpu.memref_squeeze %dma_wait3A_403 : memref<1x64xi32, #tpu.memory_space<vmem>> -> memref<64xi32, #tpu.memory_space<vmem>>
      %dma_wait3A_405 = arith.constant 0 : i32
      %dma_wait3A_406 = arith.constant 0 : i32
      %dma_wait3A_407 = tpu.memref_slice %arg4[%dma_wait3A_405, %dma_wait3A_406] : memref<10000x128xf32, #tpu.memory_space<hbm>> -> memref<10000x128xf32, #tpu.memory_space<hbm>>
      tpu.wait_indirect_dma semaphore(%arg12 : memref<!tpu.dma_semaphore, #tpu.memory_space<semaphore_mem>>) src(%dma_wait3A_407 : memref<10000x128xf32, #tpu.memory_space<hbm>>) dst(%dma_wait3A_401 : memref<64x128xf32, #tpu.memory_space<vmem>>)
      %dma_wait3A_408 = arith.constant 0 : i32
      %dma_wait3A_409 = arith.constant 2 : i32
      %dma_wait3A_410 = arith.constant 0 : i32
      %dma_wait3A_411 = arith.constant 0 : i32
      %dma_wait3A_412 = tpu.memref_slice %arg9[%dma_wait3A_409, %dma_wait3A_410, %dma_wait3A_411] : memref<4x64x128xf32, #tpu.memory_space<vmem>> -> memref<1x64x128xf32, #tpu.memory_space<vmem>>
      %dma_wait3A_413 = tpu.memref_squeeze %dma_wait3A_412 : memref<1x64x128xf32, #tpu.memory_space<vmem>> -> memref<64x128xf32, #tpu.memory_space<vmem>>
      %dma_wait3A_414 = arith.constant 0 : i32
      %dma_wait3A_415 = tpu.memref_slice %arg7[%dma_wait3A_408, %dma_wait3A_414] : memref<40x64xi32, #tpu.memory_space<vmem>> -> memref<1x64xi32, #tpu.memory_space<vmem>>
      %dma_wait3A_416 = tpu.memref_squeeze %dma_wait3A_415 : memref<1x64xi32, #tpu.memory_space<vmem>> -> memref<64xi32, #tpu.memory_space<vmem>>
      %dma_wait3A_417 = arith.constant 0 : i32
      %dma_wait3A_418 = arith.constant 0 : i32
      %dma_wait3A_419 = tpu.memref_slice %arg4[%dma_wait3A_417, %dma_wait3A_418] : memref<10000x128xf32, #tpu.memory_space<hbm>> -> memref<10000x128xf32, #tpu.memory_space<hbm>>
      tpu.wait_indirect_dma semaphore(%arg13 : memref<!tpu.dma_semaphore, #tpu.memory_space<semaphore_mem>>) src(%dma_wait3A_419 : memref<10000x128xf32, #tpu.memory_space<hbm>>) dst(%dma_wait3A_413 : memref<64x128xf32, #tpu.memory_space<vmem>>)
      %dma_wait3A_420 = arith.constant 0 : i32
      %dma_wait3A_421 = arith.constant 3 : i32
      %dma_wait3A_422 = arith.constant 0 : i32
      %dma_wait3A_423 = arith.constant 0 : i32
      %dma_wait3A_424 = tpu.memref_slice %arg9[%dma_wait3A_421, %dma_wait3A_422, %dma_wait3A_423] : memref<4x64x128xf32, #tpu.memory_space<vmem>> -> memref<1x64x128xf32, #tpu.memory_space<vmem>>
      %dma_wait3A_425 = tpu.memref_squeeze %dma_wait3A_424 : memref<1x64x128xf32, #tpu.memory_space<vmem>> -> memref<64x128xf32, #tpu.memory_space<vmem>>
      %dma_wait3A_426 = arith.constant 0 : i32
      %dma_wait3A_427 = tpu.memref_slice %arg7[%dma_wait3A_420, %dma_wait3A_426] : memref<40x64xi32, #tpu.memory_space<vmem>> -> memref<1x64xi32, #tpu.memory_space<vmem>>
      %dma_wait3A_428 = tpu.memref_squeeze %dma_wait3A_427 : memref<1x64xi32, #tpu.memory_space<vmem>> -> memref<64xi32, #tpu.memory_space<vmem>>
      %dma_wait3A_429 = arith.constant 0 : i32
      %dma_wait3A_430 = arith.constant 0 : i32
      %dma_wait3A_431 = tpu.memref_slice %arg4[%dma_wait3A_429, %dma_wait3A_430] : memref<10000x128xf32, #tpu.memory_space<hbm>> -> memref<10000x128xf32, #tpu.memory_space<hbm>>
      tpu.wait_indirect_dma semaphore(%arg14 : memref<!tpu.dma_semaphore, #tpu.memory_space<semaphore_mem>>) src(%dma_wait3A_431 : memref<10000x128xf32, #tpu.memory_space<hbm>>) dst(%dma_wait3A_425 : memref<64x128xf32, #tpu.memory_space<vmem>>)
      %mul3A_432 = arith.constant 320 : i32
      %mul3A_433 = arith.muli %arg1, %mul3A_432 : i32
      %add3A_434 = arith.constant 160 : i32
      %add3A_435 = arith.addi %mul3A_433, %add3A_434 : i32
      "tpu.region"() ({
        %run_scoped3A = tpu.sem_alloc : memref<!tpu.dma_semaphore, #tpu.memory_space<semaphore_mem>>
        %dma_start3A_856 = arith.constant 0 : i32
        %dma_start3A_857 = tpu.memref_slice %arg2[%add3A_435, %dma_start3A_856] : memref<5120x64xi32, #tpu.memory_space<hbm>> -> memref<40x64xi32, #tpu.memory_space<hbm>>
        %dma_start3A_858 = arith.constant 0 : i32
        %dma_start3A_859 = tpu.memref_slice %arg2[%add3A_435, %dma_start3A_858] : memref<5120x64xi32, #tpu.memory_space<hbm>> -> memref<40x64xi32, #tpu.memory_space<hbm>>
        tpu.enqueue_dma source(%dma_start3A_859 : memref<40x64xi32, #tpu.memory_space<hbm>>) target(%arg7 : memref<40x64xi32, #tpu.memory_space<vmem>>) target_semaphore(%run_scoped3A : memref<!tpu.dma_semaphore, #tpu.memory_space<semaphore_mem>>)
        %dma_wait3A_860 = arith.constant 0 : i32
        %dma_wait3A_861 = tpu.memref_slice %arg2[%add3A_435, %dma_wait3A_860] : memref<5120x64xi32, #tpu.memory_space<hbm>> -> memref<40x64xi32, #tpu.memory_space<hbm>>
        %dma_wait3A_862 = arith.constant 0 : i32
        %dma_wait3A_863 = tpu.memref_slice %arg2[%add3A_435, %dma_wait3A_862] : memref<5120x64xi32, #tpu.memory_space<hbm>> -> memref<40x64xi32, #tpu.memory_space<hbm>>
        tpu.wait_dma2 semaphore(%run_scoped3A : memref<!tpu.dma_semaphore, #tpu.memory_space<semaphore_mem>>) src(%dma_wait3A_863 : memref<40x64xi32, #tpu.memory_space<hbm>>) dst(%arg7 : memref<40x64xi32, #tpu.memory_space<vmem>>)
        tpu.yield
      }) : () -> ()
      "tpu.region"() ({
        %run_scoped3A = tpu.sem_alloc : memref<!tpu.dma_semaphore, #tpu.memory_space<semaphore_mem>>
        %dma_start3A_856 = arith.constant 0 : i32
        %dma_start3A_857 = tpu.memref_slice %arg3[%add3A_435, %dma_start3A_856] : memref<5120x64xi32, #tpu.memory_space<hbm>> -> memref<40x64xi32, #tpu.memory_space<hbm>>
        %dma_start3A_858 = arith.constant 0 : i32
        %dma_start3A_859 = tpu.memref_slice %arg3[%add3A_435, %dma_start3A_858] : memref<5120x64xi32, #tpu.memory_space<hbm>> -> memref<40x64xi32, #tpu.memory_space<hbm>>
        tpu.enqueue_dma source(%dma_start3A_859 : memref<40x64xi32, #tpu.memory_space<hbm>>) target(%arg8 : memref<40x64xi32, #tpu.memory_space<vmem>>) target_semaphore(%run_scoped3A : memref<!tpu.dma_semaphore, #tpu.memory_space<semaphore_mem>>)
        %dma_wait3A_860 = arith.constant 0 : i32
        %dma_wait3A_861 = tpu.memref_slice %arg3[%add3A_435, %dma_wait3A_860] : memref<5120x64xi32, #tpu.memory_space<hbm>> -> memref<40x64xi32, #tpu.memory_space<hbm>>
        %dma_wait3A_862 = arith.constant 0 : i32
        %dma_wait3A_863 = tpu.memref_slice %arg3[%add3A_435, %dma_wait3A_862] : memref<5120x64xi32, #tpu.memory_space<hbm>> -> memref<40x64xi32, #tpu.memory_space<hbm>>
        tpu.wait_dma2 semaphore(%run_scoped3A : memref<!tpu.dma_semaphore, #tpu.memory_space<semaphore_mem>>) src(%dma_wait3A_863 : memref<40x64xi32, #tpu.memory_space<hbm>>) dst(%arg8 : memref<40x64xi32, #tpu.memory_space<vmem>>)
        tpu.yield
      }) : () -> ()
      %dma_start3A_436 = arith.constant 0 : i32
      %dma_start3A_437 = arith.constant 0 : i32
      %dma_start3A_438 = arith.constant 0 : i32
      %dma_start3A_439 = arith.constant 0 : i32
      %dma_start3A_440 = tpu.memref_slice %arg9[%dma_start3A_437, %dma_start3A_438, %dma_start3A_439] : memref<4x64x128xf32, #tpu.memory_space<vmem>> -> memref<1x64x128xf32, #tpu.memory_space<vmem>>
      %dma_start3A_441 = tpu.memref_squeeze %dma_start3A_440 : memref<1x64x128xf32, #tpu.memory_space<vmem>> -> memref<64x128xf32, #tpu.memory_space<vmem>>
      %dma_start3A_442 = arith.constant 0 : i32
      %dma_start3A_443 = tpu.memref_slice %arg7[%dma_start3A_436, %dma_start3A_442] : memref<40x64xi32, #tpu.memory_space<vmem>> -> memref<1x64xi32, #tpu.memory_space<vmem>>
      %dma_start3A_444 = tpu.memref_squeeze %dma_start3A_443 : memref<1x64xi32, #tpu.memory_space<vmem>> -> memref<64xi32, #tpu.memory_space<vmem>>
      %dma_start3A_445 = arith.constant 0 : i32
      %dma_start3A_446 = arith.constant 0 : i32
      %dma_start3A_447 = tpu.memref_slice %arg4[%dma_start3A_445, %dma_start3A_446] : memref<10000x128xf32, #tpu.memory_space<hbm>> -> memref<10000x128xf32, #tpu.memory_space<hbm>>
      tpu.enqueue_indirect_dma source(%dma_start3A_447 : memref<10000x128xf32, #tpu.memory_space<hbm>>) target(%dma_start3A_441 : memref<64x128xf32, #tpu.memory_space<vmem>>) offsets(%dma_start3A_444 : memref<64xi32, #tpu.memory_space<vmem>>) semaphore(%arg11 : memref<!tpu.dma_semaphore, #tpu.memory_space<semaphore_mem>>)
      %dma_start3A_448 = arith.constant 1 : i32
      %dma_start3A_449 = arith.constant 1 : i32
      %dma_start3A_450 = arith.constant 0 : i32
      %dma_start3A_451 = arith.constant 0 : i32
      %dma_start3A_452 = tpu.memref_slice %arg9[%dma_start3A_449, %dma_start3A_450, %dma_start3A_451] : memref<4x64x128xf32, #tpu.memory_space<vmem>> -> memref<1x64x128xf32, #tpu.memory_space<vmem>>
      %dma_start3A_453 = tpu.memref_squeeze %dma_start3A_452 : memref<1x64x128xf32, #tpu.memory_space<vmem>> -> memref<64x128xf32, #tpu.memory_space<vmem>>
      %dma_start3A_454 = arith.constant 0 : i32
      %dma_start3A_455 = tpu.memref_slice %arg7[%dma_start3A_448, %dma_start3A_454] : memref<40x64xi32, #tpu.memory_space<vmem>> -> memref<1x64xi32, #tpu.memory_space<vmem>>
      %dma_start3A_456 = tpu.memref_squeeze %dma_start3A_455 : memref<1x64xi32, #tpu.memory_space<vmem>> -> memref<64xi32, #tpu.memory_space<vmem>>
      %dma_start3A_457 = arith.constant 0 : i32
      %dma_start3A_458 = arith.constant 0 : i32
      %dma_start3A_459 = tpu.memref_slice %arg4[%dma_start3A_457, %dma_start3A_458] : memref<10000x128xf32, #tpu.memory_space<hbm>> -> memref<10000x128xf32, #tpu.memory_space<hbm>>
      tpu.enqueue_indirect_dma source(%dma_start3A_459 : memref<10000x128xf32, #tpu.memory_space<hbm>>) target(%dma_start3A_453 : memref<64x128xf32, #tpu.memory_space<vmem>>) offsets(%dma_start3A_456 : memref<64xi32, #tpu.memory_space<vmem>>) semaphore(%arg12 : memref<!tpu.dma_semaphore, #tpu.memory_space<semaphore_mem>>)
      %dma_start3A_460 = arith.constant 2 : i32
      %dma_start3A_461 = arith.constant 2 : i32
      %dma_start3A_462 = arith.constant 0 : i32
      %dma_start3A_463 = arith.constant 0 : i32
      %dma_start3A_464 = tpu.memref_slice %arg9[%dma_start3A_461, %dma_start3A_462, %dma_start3A_463] : memref<4x64x128xf32, #tpu.memory_space<vmem>> -> memref<1x64x128xf32, #tpu.memory_space<vmem>>
      %dma_start3A_465 = tpu.memref_squeeze %dma_start3A_464 : memref<1x64x128xf32, #tpu.memory_space<vmem>> -> memref<64x128xf32, #tpu.memory_space<vmem>>
      %dma_start3A_466 = arith.constant 0 : i32
      %dma_start3A_467 = tpu.memref_slice %arg7[%dma_start3A_460, %dma_start3A_466] : memref<40x64xi32, #tpu.memory_space<vmem>> -> memref<1x64xi32, #tpu.memory_space<vmem>>
      %dma_start3A_468 = tpu.memref_squeeze %dma_start3A_467 : memref<1x64xi32, #tpu.memory_space<vmem>> -> memref<64xi32, #tpu.memory_space<vmem>>
      %dma_start3A_469 = arith.constant 0 : i32
      %dma_start3A_470 = arith.constant 0 : i32
      %dma_start3A_471 = tpu.memref_slice %arg4[%dma_start3A_469, %dma_start3A_470] : memref<10000x128xf32, #tpu.memory_space<hbm>> -> memref<10000x128xf32, #tpu.memory_space<hbm>>
      tpu.enqueue_indirect_dma source(%dma_start3A_471 : memref<10000x128xf32, #tpu.memory_space<hbm>>) target(%dma_start3A_465 : memref<64x128xf32, #tpu.memory_space<vmem>>) offsets(%dma_start3A_468 : memref<64xi32, #tpu.memory_space<vmem>>) semaphore(%arg13 : memref<!tpu.dma_semaphore, #tpu.memory_space<semaphore_mem>>)
      %dma_start3A_472 = arith.constant 3 : i32
      %dma_start3A_473 = arith.constant 3 : i32
      %dma_start3A_474 = arith.constant 0 : i32
      %dma_start3A_475 = arith.constant 0 : i32
      %dma_start3A_476 = tpu.memref_slice %arg9[%dma_start3A_473, %dma_start3A_474, %dma_start3A_475] : memref<4x64x128xf32, #tpu.memory_space<vmem>> -> memref<1x64x128xf32, #tpu.memory_space<vmem>>
      %dma_start3A_477 = tpu.memref_squeeze %dma_start3A_476 : memref<1x64x128xf32, #tpu.memory_space<vmem>> -> memref<64x128xf32, #tpu.memory_space<vmem>>
      %dma_start3A_478 = arith.constant 0 : i32
      %dma_start3A_479 = tpu.memref_slice %arg7[%dma_start3A_472, %dma_start3A_478] : memref<40x64xi32, #tpu.memory_space<vmem>> -> memref<1x64xi32, #tpu.memory_space<vmem>>
      %dma_start3A_480 = tpu.memref_squeeze %dma_start3A_479 : memref<1x64xi32, #tpu.memory_space<vmem>> -> memref<64xi32, #tpu.memory_space<vmem>>
      %dma_start3A_481 = arith.constant 0 : i32
      %dma_start3A_482 = arith.constant 0 : i32
      %dma_start3A_483 = tpu.memref_slice %arg4[%dma_start3A_481, %dma_start3A_482] : memref<10000x128xf32, #tpu.memory_space<hbm>> -> memref<10000x128xf32, #tpu.memory_space<hbm>>
      tpu.enqueue_indirect_dma source(%dma_start3A_483 : memref<10000x128xf32, #tpu.memory_space<hbm>>) target(%dma_start3A_477 : memref<64x128xf32, #tpu.memory_space<vmem>>) offsets(%dma_start3A_480 : memref<64xi32, #tpu.memory_space<vmem>>) semaphore(%arg14 : memref<!tpu.dma_semaphore, #tpu.memory_space<semaphore_mem>>)
      %scan3A_484 = arith.constant 0 : i32
      %scan3A_485 = arith.constant 0 : i32
      %scan3A_486 = arith.constant 10 : i32
      %scan3A_487 = arith.addi %scan3A_485, %scan3A_486 : i32
      %scan3A_488 = arith.constant 1 : i32
      scf.for %scan3A_856 = %scan3A_485 to %scan3A_487 step %scan3A_488  : i32 {
        %mul3A_857 = arith.constant 4 : i32
        %mul3A_858 = arith.muli %mul3A_857, %scan3A_856 : i32
        %dma_wait3A_859 = arith.constant 0 : i32
        %dma_wait3A_860 = arith.constant 0 : i32
        %dma_wait3A_861 = arith.constant 0 : i32
        %dma_wait3A_862 = arith.constant 0 : i32
        %dma_wait3A_863 = tpu.memref_slice %arg9[%dma_wait3A_860, %dma_wait3A_861, %dma_wait3A_862] : memref<4x64x128xf32, #tpu.memory_space<vmem>> -> memref<1x64x128xf32, #tpu.memory_space<vmem>>
        %dma_wait3A_864 = tpu.memref_squeeze %dma_wait3A_863 : memref<1x64x128xf32, #tpu.memory_space<vmem>> -> memref<64x128xf32, #tpu.memory_space<vmem>>
        %dma_wait3A_865 = arith.constant 0 : i32
        %dma_wait3A_866 = tpu.memref_slice %arg7[%dma_wait3A_859, %dma_wait3A_865] : memref<40x64xi32, #tpu.memory_space<vmem>> -> memref<1x64xi32, #tpu.memory_space<vmem>>
        %dma_wait3A_867 = tpu.memref_squeeze %dma_wait3A_866 : memref<1x64xi32, #tpu.memory_space<vmem>> -> memref<64xi32, #tpu.memory_space<vmem>>
        %dma_wait3A_868 = arith.constant 0 : i32
        %dma_wait3A_869 = arith.constant 0 : i32
        %dma_wait3A_870 = tpu.memref_slice %arg4[%dma_wait3A_868, %dma_wait3A_869] : memref<10000x128xf32, #tpu.memory_space<hbm>> -> memref<10000x128xf32, #tpu.memory_space<hbm>>
        tpu.wait_indirect_dma semaphore(%arg11 : memref<!tpu.dma_semaphore, #tpu.memory_space<semaphore_mem>>) src(%dma_wait3A_870 : memref<10000x128xf32, #tpu.memory_space<hbm>>) dst(%dma_wait3A_864 : memref<64x128xf32, #tpu.memory_space<vmem>>)
        %add3A_871 = arith.constant 0 : i32
        %add3A_872 = arith.addi %mul3A_858, %add3A_871 : i32
        %run_scoped3A = arith.constant 0 : i32
        "tpu.region"() ({
          %run_scoped3A_985 = tpu.sem_alloc : memref<!tpu.dma_semaphore, #tpu.memory_space<semaphore_mem>>
          %dma_start3A_986 = arith.constant 0 : i32
          %dma_start3A_987 = arith.constant 0 : i32
          %dma_start3A_988 = tpu.memref_slice %arg9[%run_scoped3A, %dma_start3A_986, %dma_start3A_987] : memref<4x64x128xf32, #tpu.memory_space<vmem>> -> memref<1x64x128xf32, #tpu.memory_space<vmem>>
          %dma_start3A_989 = tpu.memref_squeeze %dma_start3A_988 : memref<1x64x128xf32, #tpu.memory_space<vmem>> -> memref<64x128xf32, #tpu.memory_space<vmem>>
          %dma_start3A_990 = arith.constant 0 : i32
          %dma_start3A_991 = tpu.memref_slice %arg8[%add3A_872, %dma_start3A_990] : memref<40x64xi32, #tpu.memory_space<vmem>> -> memref<1x64xi32, #tpu.memory_space<vmem>>
          %dma_start3A_992 = tpu.memref_squeeze %dma_start3A_991 : memref<1x64xi32, #tpu.memory_space<vmem>> -> memref<64xi32, #tpu.memory_space<vmem>>
          %dma_start3A_993 = arith.constant 0 : i32
          %dma_start3A_994 = arith.constant 0 : i32
          %dma_start3A_995 = tpu.memref_slice %arg10[%dma_start3A_993, %dma_start3A_994] : memref<10240x128xf32, #tpu.memory_space<vmem_shared>> -> memref<10240x128xf32, #tpu.memory_space<vmem_shared>>
          tpu.enqueue_indirect_dma source(%dma_start3A_989 : memref<64x128xf32, #tpu.memory_space<vmem>>) target(%dma_start3A_995 : memref<10240x128xf32, #tpu.memory_space<vmem_shared>>) offsets(%dma_start3A_992 : memref<64xi32, #tpu.memory_space<vmem>>) semaphore(%run_scoped3A_985 : memref<!tpu.dma_semaphore, #tpu.memory_space<semaphore_mem>>) {add = true}
          %dma_wait3A_996 = arith.constant 0 : i32
          %dma_wait3A_997 = arith.constant 0 : i32
          %dma_wait3A_998 = tpu.memref_slice %arg9[%run_scoped3A, %dma_wait3A_996, %dma_wait3A_997] : memref<4x64x128xf32, #tpu.memory_space<vmem>> -> memref<1x64x128xf32, #tpu.memory_space<vmem>>
          %dma_wait3A_999 = tpu.memref_squeeze %dma_wait3A_998 : memref<1x64x128xf32, #tpu.memory_space<vmem>> -> memref<64x128xf32, #tpu.memory_space<vmem>>
          %dma_wait3A_1000 = arith.constant 0 : i32
          %dma_wait3A_1001 = tpu.memref_slice %arg8[%add3A_872, %dma_wait3A_1000] : memref<40x64xi32, #tpu.memory_space<vmem>> -> memref<1x64xi32, #tpu.memory_space<vmem>>
          %dma_wait3A_1002 = tpu.memref_squeeze %dma_wait3A_1001 : memref<1x64xi32, #tpu.memory_space<vmem>> -> memref<64xi32, #tpu.memory_space<vmem>>
          %dma_wait3A_1003 = arith.constant 0 : i32
          %dma_wait3A_1004 = arith.constant 0 : i32
          %dma_wait3A_1005 = tpu.memref_slice %arg10[%dma_wait3A_1003, %dma_wait3A_1004] : memref<10240x128xf32, #tpu.memory_space<vmem_shared>> -> memref<10240x128xf32, #tpu.memory_space<vmem_shared>>
          tpu.wait_indirect_dma semaphore(%run_scoped3A_985 : memref<!tpu.dma_semaphore, #tpu.memory_space<semaphore_mem>>) src(%dma_wait3A_999 : memref<64x128xf32, #tpu.memory_space<vmem>>) dst(%dma_wait3A_1005 : memref<10240x128xf32, #tpu.memory_space<vmem_shared>>)
          tpu.yield
        }) : () -> ()
        %add3A_873 = arith.constant 4 : i32
        %add3A_874 = arith.addi %mul3A_858, %add3A_873 : i32
        %add3A_875 = arith.constant 0 : i32
        %add3A_876 = arith.addi %add3A_874, %add3A_875 : i32
        %min3A = arith.constant 39 : i32
        %min3A_877 = arith.minsi %add3A_876, %min3A : i32
        %dma_start3A_878 = arith.constant 0 : i32
        %dma_start3A_879 = arith.constant 0 : i32
        %dma_start3A_880 = arith.constant 0 : i32
        %dma_start3A_881 = tpu.memref_slice %arg9[%dma_start3A_878, %dma_start3A_879, %dma_start3A_880] : memref<4x64x128xf32, #tpu.memory_space<vmem>> -> memref<1x64x128xf32, #tpu.memory_space<vmem>>
        %dma_start3A_882 = tpu.memref_squeeze %dma_start3A_881 : memref<1x64x128xf32, #tpu.memory_space<vmem>> -> memref<64x128xf32, #tpu.memory_space<vmem>>
        %dma_start3A_883 = arith.constant 0 : i32
        %dma_start3A_884 = tpu.memref_slice %arg7[%min3A_877, %dma_start3A_883] : memref<40x64xi32, #tpu.memory_space<vmem>> -> memref<1x64xi32, #tpu.memory_space<vmem>>
        %dma_start3A_885 = tpu.memref_squeeze %dma_start3A_884 : memref<1x64xi32, #tpu.memory_space<vmem>> -> memref<64xi32, #tpu.memory_space<vmem>>
        %dma_start3A_886 = arith.constant 0 : i32
        %dma_start3A_887 = arith.constant 0 : i32
        %dma_start3A_888 = tpu.memref_slice %arg4[%dma_start3A_886, %dma_start3A_887] : memref<10000x128xf32, #tpu.memory_space<hbm>> -> memref<10000x128xf32, #tpu.memory_space<hbm>>
        tpu.enqueue_indirect_dma source(%dma_start3A_888 : memref<10000x128xf32, #tpu.memory_space<hbm>>) target(%dma_start3A_882 : memref<64x128xf32, #tpu.memory_space<vmem>>) offsets(%dma_start3A_885 : memref<64xi32, #tpu.memory_space<vmem>>) semaphore(%arg11 : memref<!tpu.dma_semaphore, #tpu.memory_space<semaphore_mem>>)
        %dma_wait3A_889 = arith.constant 0 : i32
        %dma_wait3A_890 = arith.constant 1 : i32
        %dma_wait3A_891 = arith.constant 0 : i32
        %dma_wait3A_892 = arith.constant 0 : i32
        %dma_wait3A_893 = tpu.memref_slice %arg9[%dma_wait3A_890, %dma_wait3A_891, %dma_wait3A_892] : memref<4x64x128xf32, #tpu.memory_space<vmem>> -> memref<1x64x128xf32, #tpu.memory_space<vmem>>
        %dma_wait3A_894 = tpu.memref_squeeze %dma_wait3A_893 : memref<1x64x128xf32, #tpu.memory_space<vmem>> -> memref<64x128xf32, #tpu.memory_space<vmem>>
        %dma_wait3A_895 = arith.constant 0 : i32
        %dma_wait3A_896 = tpu.memref_slice %arg7[%dma_wait3A_889, %dma_wait3A_895] : memref<40x64xi32, #tpu.memory_space<vmem>> -> memref<1x64xi32, #tpu.memory_space<vmem>>
        %dma_wait3A_897 = tpu.memref_squeeze %dma_wait3A_896 : memref<1x64xi32, #tpu.memory_space<vmem>> -> memref<64xi32, #tpu.memory_space<vmem>>
        %dma_wait3A_898 = arith.constant 0 : i32
        %dma_wait3A_899 = arith.constant 0 : i32
        %dma_wait3A_900 = tpu.memref_slice %arg4[%dma_wait3A_898, %dma_wait3A_899] : memref<10000x128xf32, #tpu.memory_space<hbm>> -> memref<10000x128xf32, #tpu.memory_space<hbm>>
        tpu.wait_indirect_dma semaphore(%arg12 : memref<!tpu.dma_semaphore, #tpu.memory_space<semaphore_mem>>) src(%dma_wait3A_900 : memref<10000x128xf32, #tpu.memory_space<hbm>>) dst(%dma_wait3A_894 : memref<64x128xf32, #tpu.memory_space<vmem>>)
        %add3A_901 = arith.constant 1 : i32
        %add3A_902 = arith.addi %mul3A_858, %add3A_901 : i32
        %run_scoped3A_903 = arith.constant 1 : i32
        "tpu.region"() ({
          %run_scoped3A_985 = tpu.sem_alloc : memref<!tpu.dma_semaphore, #tpu.memory_space<semaphore_mem>>
          %dma_start3A_986 = arith.constant 0 : i32
          %dma_start3A_987 = arith.constant 0 : i32
          %dma_start3A_988 = tpu.memref_slice %arg9[%run_scoped3A_903, %dma_start3A_986, %dma_start3A_987] : memref<4x64x128xf32, #tpu.memory_space<vmem>> -> memref<1x64x128xf32, #tpu.memory_space<vmem>>
          %dma_start3A_989 = tpu.memref_squeeze %dma_start3A_988 : memref<1x64x128xf32, #tpu.memory_space<vmem>> -> memref<64x128xf32, #tpu.memory_space<vmem>>
          %dma_start3A_990 = arith.constant 0 : i32
          %dma_start3A_991 = tpu.memref_slice %arg8[%add3A_902, %dma_start3A_990] : memref<40x64xi32, #tpu.memory_space<vmem>> -> memref<1x64xi32, #tpu.memory_space<vmem>>
          %dma_start3A_992 = tpu.memref_squeeze %dma_start3A_991 : memref<1x64xi32, #tpu.memory_space<vmem>> -> memref<64xi32, #tpu.memory_space<vmem>>
          %dma_start3A_993 = arith.constant 0 : i32
          %dma_start3A_994 = arith.constant 0 : i32
          %dma_start3A_995 = tpu.memref_slice %arg10[%dma_start3A_993, %dma_start3A_994] : memref<10240x128xf32, #tpu.memory_space<vmem_shared>> -> memref<10240x128xf32, #tpu.memory_space<vmem_shared>>
          tpu.enqueue_indirect_dma source(%dma_start3A_989 : memref<64x128xf32, #tpu.memory_space<vmem>>) target(%dma_start3A_995 : memref<10240x128xf32, #tpu.memory_space<vmem_shared>>) offsets(%dma_start3A_992 : memref<64xi32, #tpu.memory_space<vmem>>) semaphore(%run_scoped3A_985 : memref<!tpu.dma_semaphore, #tpu.memory_space<semaphore_mem>>) {add = true}
          %dma_wait3A_996 = arith.constant 0 : i32
          %dma_wait3A_997 = arith.constant 0 : i32
          %dma_wait3A_998 = tpu.memref_slice %arg9[%run_scoped3A_903, %dma_wait3A_996, %dma_wait3A_997] : memref<4x64x128xf32, #tpu.memory_space<vmem>> -> memref<1x64x128xf32, #tpu.memory_space<vmem>>
          %dma_wait3A_999 = tpu.memref_squeeze %dma_wait3A_998 : memref<1x64x128xf32, #tpu.memory_space<vmem>> -> memref<64x128xf32, #tpu.memory_space<vmem>>
          %dma_wait3A_1000 = arith.constant 0 : i32
          %dma_wait3A_1001 = tpu.memref_slice %arg8[%add3A_902, %dma_wait3A_1000] : memref<40x64xi32, #tpu.memory_space<vmem>> -> memref<1x64xi32, #tpu.memory_space<vmem>>
          %dma_wait3A_1002 = tpu.memref_squeeze %dma_wait3A_1001 : memref<1x64xi32, #tpu.memory_space<vmem>> -> memref<64xi32, #tpu.memory_space<vmem>>
          %dma_wait3A_1003 = arith.constant 0 : i32
          %dma_wait3A_1004 = arith.constant 0 : i32
          %dma_wait3A_1005 = tpu.memref_slice %arg10[%dma_wait3A_1003, %dma_wait3A_1004] : memref<10240x128xf32, #tpu.memory_space<vmem_shared>> -> memref<10240x128xf32, #tpu.memory_space<vmem_shared>>
          tpu.wait_indirect_dma semaphore(%run_scoped3A_985 : memref<!tpu.dma_semaphore, #tpu.memory_space<semaphore_mem>>) src(%dma_wait3A_999 : memref<64x128xf32, #tpu.memory_space<vmem>>) dst(%dma_wait3A_1005 : memref<10240x128xf32, #tpu.memory_space<vmem_shared>>)
          tpu.yield
        }) : () -> ()
        %add3A_904 = arith.constant 4 : i32
        %add3A_905 = arith.addi %mul3A_858, %add3A_904 : i32
        %add3A_906 = arith.constant 1 : i32
        %add3A_907 = arith.addi %add3A_905, %add3A_906 : i32
        %min3A_908 = arith.constant 39 : i32
        %min3A_909 = arith.minsi %add3A_907, %min3A_908 : i32
        %dma_start3A_910 = arith.constant 1 : i32
        %dma_start3A_911 = arith.constant 0 : i32
        %dma_start3A_912 = arith.constant 0 : i32
        %dma_start3A_913 = tpu.memref_slice %arg9[%dma_start3A_910, %dma_start3A_911, %dma_start3A_912] : memref<4x64x128xf32, #tpu.memory_space<vmem>> -> memref<1x64x128xf32, #tpu.memory_space<vmem>>
        %dma_start3A_914 = tpu.memref_squeeze %dma_start3A_913 : memref<1x64x128xf32, #tpu.memory_space<vmem>> -> memref<64x128xf32, #tpu.memory_space<vmem>>
        %dma_start3A_915 = arith.constant 0 : i32
        %dma_start3A_916 = tpu.memref_slice %arg7[%min3A_909, %dma_start3A_915] : memref<40x64xi32, #tpu.memory_space<vmem>> -> memref<1x64xi32, #tpu.memory_space<vmem>>
        %dma_start3A_917 = tpu.memref_squeeze %dma_start3A_916 : memref<1x64xi32, #tpu.memory_space<vmem>> -> memref<64xi32, #tpu.memory_space<vmem>>
        %dma_start3A_918 = arith.constant 0 : i32
        %dma_start3A_919 = arith.constant 0 : i32
        %dma_start3A_920 = tpu.memref_slice %arg4[%dma_start3A_918, %dma_start3A_919] : memref<10000x128xf32, #tpu.memory_space<hbm>> -> memref<10000x128xf32, #tpu.memory_space<hbm>>
        tpu.enqueue_indirect_dma source(%dma_start3A_920 : memref<10000x128xf32, #tpu.memory_space<hbm>>) target(%dma_start3A_914 : memref<64x128xf32, #tpu.memory_space<vmem>>) offsets(%dma_start3A_917 : memref<64xi32, #tpu.memory_space<vmem>>) semaphore(%arg12 : memref<!tpu.dma_semaphore, #tpu.memory_space<semaphore_mem>>)
        %dma_wait3A_921 = arith.constant 0 : i32
        %dma_wait3A_922 = arith.constant 2 : i32
        %dma_wait3A_923 = arith.constant 0 : i32
        %dma_wait3A_924 = arith.constant 0 : i32
        %dma_wait3A_925 = tpu.memref_slice %arg9[%dma_wait3A_922, %dma_wait3A_923, %dma_wait3A_924] : memref<4x64x128xf32, #tpu.memory_space<vmem>> -> memref<1x64x128xf32, #tpu.memory_space<vmem>>
        %dma_wait3A_926 = tpu.memref_squeeze %dma_wait3A_925 : memref<1x64x128xf32, #tpu.memory_space<vmem>> -> memref<64x128xf32, #tpu.memory_space<vmem>>
        %dma_wait3A_927 = arith.constant 0 : i32
        %dma_wait3A_928 = tpu.memref_slice %arg7[%dma_wait3A_921, %dma_wait3A_927] : memref<40x64xi32, #tpu.memory_space<vmem>> -> memref<1x64xi32, #tpu.memory_space<vmem>>
        %dma_wait3A_929 = tpu.memref_squeeze %dma_wait3A_928 : memref<1x64xi32, #tpu.memory_space<vmem>> -> memref<64xi32, #tpu.memory_space<vmem>>
        %dma_wait3A_930 = arith.constant 0 : i32
        %dma_wait3A_931 = arith.constant 0 : i32
        %dma_wait3A_932 = tpu.memref_slice %arg4[%dma_wait3A_930, %dma_wait3A_931] : memref<10000x128xf32, #tpu.memory_space<hbm>> -> memref<10000x128xf32, #tpu.memory_space<hbm>>
        tpu.wait_indirect_dma semaphore(%arg13 : memref<!tpu.dma_semaphore, #tpu.memory_space<semaphore_mem>>) src(%dma_wait3A_932 : memref<10000x128xf32, #tpu.memory_space<hbm>>) dst(%dma_wait3A_926 : memref<64x128xf32, #tpu.memory_space<vmem>>)
        %add3A_933 = arith.constant 2 : i32
        %add3A_934 = arith.addi %mul3A_858, %add3A_933 : i32
        %run_scoped3A_935 = arith.constant 2 : i32
        "tpu.region"() ({
          %run_scoped3A_985 = tpu.sem_alloc : memref<!tpu.dma_semaphore, #tpu.memory_space<semaphore_mem>>
          %dma_start3A_986 = arith.constant 0 : i32
          %dma_start3A_987 = arith.constant 0 : i32
          %dma_start3A_988 = tpu.memref_slice %arg9[%run_scoped3A_935, %dma_start3A_986, %dma_start3A_987] : memref<4x64x128xf32, #tpu.memory_space<vmem>> -> memref<1x64x128xf32, #tpu.memory_space<vmem>>
          %dma_start3A_989 = tpu.memref_squeeze %dma_start3A_988 : memref<1x64x128xf32, #tpu.memory_space<vmem>> -> memref<64x128xf32, #tpu.memory_space<vmem>>
          %dma_start3A_990 = arith.constant 0 : i32
          %dma_start3A_991 = tpu.memref_slice %arg8[%add3A_934, %dma_start3A_990] : memref<40x64xi32, #tpu.memory_space<vmem>> -> memref<1x64xi32, #tpu.memory_space<vmem>>
          %dma_start3A_992 = tpu.memref_squeeze %dma_start3A_991 : memref<1x64xi32, #tpu.memory_space<vmem>> -> memref<64xi32, #tpu.memory_space<vmem>>
          %dma_start3A_993 = arith.constant 0 : i32
          %dma_start3A_994 = arith.constant 0 : i32
          %dma_start3A_995 = tpu.memref_slice %arg10[%dma_start3A_993, %dma_start3A_994] : memref<10240x128xf32, #tpu.memory_space<vmem_shared>> -> memref<10240x128xf32, #tpu.memory_space<vmem_shared>>
          tpu.enqueue_indirect_dma source(%dma_start3A_989 : memref<64x128xf32, #tpu.memory_space<vmem>>) target(%dma_start3A_995 : memref<10240x128xf32, #tpu.memory_space<vmem_shared>>) offsets(%dma_start3A_992 : memref<64xi32, #tpu.memory_space<vmem>>) semaphore(%run_scoped3A_985 : memref<!tpu.dma_semaphore, #tpu.memory_space<semaphore_mem>>) {add = true}
          %dma_wait3A_996 = arith.constant 0 : i32
          %dma_wait3A_997 = arith.constant 0 : i32
          %dma_wait3A_998 = tpu.memref_slice %arg9[%run_scoped3A_935, %dma_wait3A_996, %dma_wait3A_997] : memref<4x64x128xf32, #tpu.memory_space<vmem>> -> memref<1x64x128xf32, #tpu.memory_space<vmem>>
          %dma_wait3A_999 = tpu.memref_squeeze %dma_wait3A_998 : memref<1x64x128xf32, #tpu.memory_space<vmem>> -> memref<64x128xf32, #tpu.memory_space<vmem>>
          %dma_wait3A_1000 = arith.constant 0 : i32
          %dma_wait3A_1001 = tpu.memref_slice %arg8[%add3A_934, %dma_wait3A_1000] : memref<40x64xi32, #tpu.memory_space<vmem>> -> memref<1x64xi32, #tpu.memory_space<vmem>>
          %dma_wait3A_1002 = tpu.memref_squeeze %dma_wait3A_1001 : memref<1x64xi32, #tpu.memory_space<vmem>> -> memref<64xi32, #tpu.memory_space<vmem>>
          %dma_wait3A_1003 = arith.constant 0 : i32
          %dma_wait3A_1004 = arith.constant 0 : i32
          %dma_wait3A_1005 = tpu.memref_slice %arg10[%dma_wait3A_1003, %dma_wait3A_1004] : memref<10240x128xf32, #tpu.memory_space<vmem_shared>> -> memref<10240x128xf32, #tpu.memory_space<vmem_shared>>
          tpu.wait_indirect_dma semaphore(%run_scoped3A_985 : memref<!tpu.dma_semaphore, #tpu.memory_space<semaphore_mem>>) src(%dma_wait3A_999 : memref<64x128xf32, #tpu.memory_space<vmem>>) dst(%dma_wait3A_1005 : memref<10240x128xf32, #tpu.memory_space<vmem_shared>>)
          tpu.yield
        }) : () -> ()
        %add3A_936 = arith.constant 4 : i32
        %add3A_937 = arith.addi %mul3A_858, %add3A_936 : i32
        %add3A_938 = arith.constant 2 : i32
        %add3A_939 = arith.addi %add3A_937, %add3A_938 : i32
        %min3A_940 = arith.constant 39 : i32
        %min3A_941 = arith.minsi %add3A_939, %min3A_940 : i32
        %dma_start3A_942 = arith.constant 2 : i32
        %dma_start3A_943 = arith.constant 0 : i32
        %dma_start3A_944 = arith.constant 0 : i32
        %dma_start3A_945 = tpu.memref_slice %arg9[%dma_start3A_942, %dma_start3A_943, %dma_start3A_944] : memref<4x64x128xf32, #tpu.memory_space<vmem>> -> memref<1x64x128xf32, #tpu.memory_space<vmem>>
        %dma_start3A_946 = tpu.memref_squeeze %dma_start3A_945 : memref<1x64x128xf32, #tpu.memory_space<vmem>> -> memref<64x128xf32, #tpu.memory_space<vmem>>
        %dma_start3A_947 = arith.constant 0 : i32
        %dma_start3A_948 = tpu.memref_slice %arg7[%min3A_941, %dma_start3A_947] : memref<40x64xi32, #tpu.memory_space<vmem>> -> memref<1x64xi32, #tpu.memory_space<vmem>>
        %dma_start3A_949 = tpu.memref_squeeze %dma_start3A_948 : memref<1x64xi32, #tpu.memory_space<vmem>> -> memref<64xi32, #tpu.memory_space<vmem>>
        %dma_start3A_950 = arith.constant 0 : i32
        %dma_start3A_951 = arith.constant 0 : i32
        %dma_start3A_952 = tpu.memref_slice %arg4[%dma_start3A_950, %dma_start3A_951] : memref<10000x128xf32, #tpu.memory_space<hbm>> -> memref<10000x128xf32, #tpu.memory_space<hbm>>
        tpu.enqueue_indirect_dma source(%dma_start3A_952 : memref<10000x128xf32, #tpu.memory_space<hbm>>) target(%dma_start3A_946 : memref<64x128xf32, #tpu.memory_space<vmem>>) offsets(%dma_start3A_949 : memref<64xi32, #tpu.memory_space<vmem>>) semaphore(%arg13 : memref<!tpu.dma_semaphore, #tpu.memory_space<semaphore_mem>>)
        %dma_wait3A_953 = arith.constant 0 : i32
        %dma_wait3A_954 = arith.constant 3 : i32
        %dma_wait3A_955 = arith.constant 0 : i32
        %dma_wait3A_956 = arith.constant 0 : i32
        %dma_wait3A_957 = tpu.memref_slice %arg9[%dma_wait3A_954, %dma_wait3A_955, %dma_wait3A_956] : memref<4x64x128xf32, #tpu.memory_space<vmem>> -> memref<1x64x128xf32, #tpu.memory_space<vmem>>
        %dma_wait3A_958 = tpu.memref_squeeze %dma_wait3A_957 : memref<1x64x128xf32, #tpu.memory_space<vmem>> -> memref<64x128xf32, #tpu.memory_space<vmem>>
        %dma_wait3A_959 = arith.constant 0 : i32
        %dma_wait3A_960 = tpu.memref_slice %arg7[%dma_wait3A_953, %dma_wait3A_959] : memref<40x64xi32, #tpu.memory_space<vmem>> -> memref<1x64xi32, #tpu.memory_space<vmem>>
        %dma_wait3A_961 = tpu.memref_squeeze %dma_wait3A_960 : memref<1x64xi32, #tpu.memory_space<vmem>> -> memref<64xi32, #tpu.memory_space<vmem>>
        %dma_wait3A_962 = arith.constant 0 : i32
        %dma_wait3A_963 = arith.constant 0 : i32
        %dma_wait3A_964 = tpu.memref_slice %arg4[%dma_wait3A_962, %dma_wait3A_963] : memref<10000x128xf32, #tpu.memory_space<hbm>> -> memref<10000x128xf32, #tpu.memory_space<hbm>>
        tpu.wait_indirect_dma semaphore(%arg14 : memref<!tpu.dma_semaphore, #tpu.memory_space<semaphore_mem>>) src(%dma_wait3A_964 : memref<10000x128xf32, #tpu.memory_space<hbm>>) dst(%dma_wait3A_958 : memref<64x128xf32, #tpu.memory_space<vmem>>)
        %add3A_965 = arith.constant 3 : i32
        %add3A_966 = arith.addi %mul3A_858, %add3A_965 : i32
        %run_scoped3A_967 = arith.constant 3 : i32
        "tpu.region"() ({
          %run_scoped3A_985 = tpu.sem_alloc : memref<!tpu.dma_semaphore, #tpu.memory_space<semaphore_mem>>
          %dma_start3A_986 = arith.constant 0 : i32
          %dma_start3A_987 = arith.constant 0 : i32
          %dma_start3A_988 = tpu.memref_slice %arg9[%run_scoped3A_967, %dma_start3A_986, %dma_start3A_987] : memref<4x64x128xf32, #tpu.memory_space<vmem>> -> memref<1x64x128xf32, #tpu.memory_space<vmem>>
          %dma_start3A_989 = tpu.memref_squeeze %dma_start3A_988 : memref<1x64x128xf32, #tpu.memory_space<vmem>> -> memref<64x128xf32, #tpu.memory_space<vmem>>
          %dma_start3A_990 = arith.constant 0 : i32
          %dma_start3A_991 = tpu.memref_slice %arg8[%add3A_966, %dma_start3A_990] : memref<40x64xi32, #tpu.memory_space<vmem>> -> memref<1x64xi32, #tpu.memory_space<vmem>>
          %dma_start3A_992 = tpu.memref_squeeze %dma_start3A_991 : memref<1x64xi32, #tpu.memory_space<vmem>> -> memref<64xi32, #tpu.memory_space<vmem>>
          %dma_start3A_993 = arith.constant 0 : i32
          %dma_start3A_994 = arith.constant 0 : i32
          %dma_start3A_995 = tpu.memref_slice %arg10[%dma_start3A_993, %dma_start3A_994] : memref<10240x128xf32, #tpu.memory_space<vmem_shared>> -> memref<10240x128xf32, #tpu.memory_space<vmem_shared>>
          tpu.enqueue_indirect_dma source(%dma_start3A_989 : memref<64x128xf32, #tpu.memory_space<vmem>>) target(%dma_start3A_995 : memref<10240x128xf32, #tpu.memory_space<vmem_shared>>) offsets(%dma_start3A_992 : memref<64xi32, #tpu.memory_space<vmem>>) semaphore(%run_scoped3A_985 : memref<!tpu.dma_semaphore, #tpu.memory_space<semaphore_mem>>) {add = true}
          %dma_wait3A_996 = arith.constant 0 : i32
          %dma_wait3A_997 = arith.constant 0 : i32
          %dma_wait3A_998 = tpu.memref_slice %arg9[%run_scoped3A_967, %dma_wait3A_996, %dma_wait3A_997] : memref<4x64x128xf32, #tpu.memory_space<vmem>> -> memref<1x64x128xf32, #tpu.memory_space<vmem>>
          %dma_wait3A_999 = tpu.memref_squeeze %dma_wait3A_998 : memref<1x64x128xf32, #tpu.memory_space<vmem>> -> memref<64x128xf32, #tpu.memory_space<vmem>>
          %dma_wait3A_1000 = arith.constant 0 : i32
          %dma_wait3A_1001 = tpu.memref_slice %arg8[%add3A_966, %dma_wait3A_1000] : memref<40x64xi32, #tpu.memory_space<vmem>> -> memref<1x64xi32, #tpu.memory_space<vmem>>
          %dma_wait3A_1002 = tpu.memref_squeeze %dma_wait3A_1001 : memref<1x64xi32, #tpu.memory_space<vmem>> -> memref<64xi32, #tpu.memory_space<vmem>>
          %dma_wait3A_1003 = arith.constant 0 : i32
          %dma_wait3A_1004 = arith.constant 0 : i32
          %dma_wait3A_1005 = tpu.memref_slice %arg10[%dma_wait3A_1003, %dma_wait3A_1004] : memref<10240x128xf32, #tpu.memory_space<vmem_shared>> -> memref<10240x128xf32, #tpu.memory_space<vmem_shared>>
          tpu.wait_indirect_dma semaphore(%run_scoped3A_985 : memref<!tpu.dma_semaphore, #tpu.memory_space<semaphore_mem>>) src(%dma_wait3A_999 : memref<64x128xf32, #tpu.memory_space<vmem>>) dst(%dma_wait3A_1005 : memref<10240x128xf32, #tpu.memory_space<vmem_shared>>)
          tpu.yield
        }) : () -> ()
        %add3A_968 = arith.constant 4 : i32
        %add3A_969 = arith.addi %mul3A_858, %add3A_968 : i32
        %add3A_970 = arith.constant 3 : i32
        %add3A_971 = arith.addi %add3A_969, %add3A_970 : i32
        %min3A_972 = arith.constant 39 : i32
        %min3A_973 = arith.minsi %add3A_971, %min3A_972 : i32
        %dma_start3A_974 = arith.constant 3 : i32
        %dma_start3A_975 = arith.constant 0 : i32
        %dma_start3A_976 = arith.constant 0 : i32
        %dma_start3A_977 = tpu.memref_slice %arg9[%dma_start3A_974, %dma_start3A_975, %dma_start3A_976] : memref<4x64x128xf32, #tpu.memory_space<vmem>> -> memref<1x64x128xf32, #tpu.memory_space<vmem>>
        %dma_start3A_978 = tpu.memref_squeeze %dma_start3A_977 : memref<1x64x128xf32, #tpu.memory_space<vmem>> -> memref<64x128xf32, #tpu.memory_space<vmem>>
        %dma_start3A_979 = arith.constant 0 : i32
        %dma_start3A_980 = tpu.memref_slice %arg7[%min3A_973, %dma_start3A_979] : memref<40x64xi32, #tpu.memory_space<vmem>> -> memref<1x64xi32, #tpu.memory_space<vmem>>
        %dma_start3A_981 = tpu.memref_squeeze %dma_start3A_980 : memref<1x64xi32, #tpu.memory_space<vmem>> -> memref<64xi32, #tpu.memory_space<vmem>>
        %dma_start3A_982 = arith.constant 0 : i32
        %dma_start3A_983 = arith.constant 0 : i32
        %dma_start3A_984 = tpu.memref_slice %arg4[%dma_start3A_982, %dma_start3A_983] : memref<10000x128xf32, #tpu.memory_space<hbm>> -> memref<10000x128xf32, #tpu.memory_space<hbm>>
        tpu.enqueue_indirect_dma source(%dma_start3A_984 : memref<10000x128xf32, #tpu.memory_space<hbm>>) target(%dma_start3A_978 : memref<64x128xf32, #tpu.memory_space<vmem>>) offsets(%dma_start3A_981 : memref<64xi32, #tpu.memory_space<vmem>>) semaphore(%arg14 : memref<!tpu.dma_semaphore, #tpu.memory_space<semaphore_mem>>)
      }
      %scan3A_489 = arith.constant 10 : i32
      %dma_wait3A_490 = arith.constant 0 : i32
      %dma_wait3A_491 = arith.constant 0 : i32
      %dma_wait3A_492 = arith.constant 0 : i32
      %dma_wait3A_493 = arith.constant 0 : i32
      %dma_wait3A_494 = tpu.memref_slice %arg9[%dma_wait3A_491, %dma_wait3A_492, %dma_wait3A_493] : memref<4x64x128xf32, #tpu.memory_space<vmem>> -> memref<1x64x128xf32, #tpu.memory_space<vmem>>
      %dma_wait3A_495 = tpu.memref_squeeze %dma_wait3A_494 : memref<1x64x128xf32, #tpu.memory_space<vmem>> -> memref<64x128xf32, #tpu.memory_space<vmem>>
      %dma_wait3A_496 = arith.constant 0 : i32
      %dma_wait3A_497 = tpu.memref_slice %arg7[%dma_wait3A_490, %dma_wait3A_496] : memref<40x64xi32, #tpu.memory_space<vmem>> -> memref<1x64xi32, #tpu.memory_space<vmem>>
      %dma_wait3A_498 = tpu.memref_squeeze %dma_wait3A_497 : memref<1x64xi32, #tpu.memory_space<vmem>> -> memref<64xi32, #tpu.memory_space<vmem>>
      %dma_wait3A_499 = arith.constant 0 : i32
      %dma_wait3A_500 = arith.constant 0 : i32
      %dma_wait3A_501 = tpu.memref_slice %arg4[%dma_wait3A_499, %dma_wait3A_500] : memref<10000x128xf32, #tpu.memory_space<hbm>> -> memref<10000x128xf32, #tpu.memory_space<hbm>>
      tpu.wait_indirect_dma semaphore(%arg11 : memref<!tpu.dma_semaphore, #tpu.memory_space<semaphore_mem>>) src(%dma_wait3A_501 : memref<10000x128xf32, #tpu.memory_space<hbm>>) dst(%dma_wait3A_495 : memref<64x128xf32, #tpu.memory_space<vmem>>)
      %dma_wait3A_502 = arith.constant 0 : i32
      %dma_wait3A_503 = arith.constant 1 : i32
      %dma_wait3A_504 = arith.constant 0 : i32
      %dma_wait3A_505 = arith.constant 0 : i32
      %dma_wait3A_506 = tpu.memref_slice %arg9[%dma_wait3A_503, %dma_wait3A_504, %dma_wait3A_505] : memref<4x64x128xf32, #tpu.memory_space<vmem>> -> memref<1x64x128xf32, #tpu.memory_space<vmem>>
      %dma_wait3A_507 = tpu.memref_squeeze %dma_wait3A_506 : memref<1x64x128xf32, #tpu.memory_space<vmem>> -> memref<64x128xf32, #tpu.memory_space<vmem>>
      %dma_wait3A_508 = arith.constant 0 : i32
      %dma_wait3A_509 = tpu.memref_slice %arg7[%dma_wait3A_502, %dma_wait3A_508] : memref<40x64xi32, #tpu.memory_space<vmem>> -> memref<1x64xi32, #tpu.memory_space<vmem>>
      %dma_wait3A_510 = tpu.memref_squeeze %dma_wait3A_509 : memref<1x64xi32, #tpu.memory_space<vmem>> -> memref<64xi32, #tpu.memory_space<vmem>>
      %dma_wait3A_511 = arith.constant 0 : i32
      %dma_wait3A_512 = arith.constant 0 : i32
      %dma_wait3A_513 = tpu.memref_slice %arg4[%dma_wait3A_511, %dma_wait3A_512] : memref<10000x128xf32, #tpu.memory_space<hbm>> -> memref<10000x128xf32, #tpu.memory_space<hbm>>
      tpu.wait_indirect_dma semaphore(%arg12 : memref<!tpu.dma_semaphore, #tpu.memory_space<semaphore_mem>>) src(%dma_wait3A_513 : memref<10000x128xf32, #tpu.memory_space<hbm>>) dst(%dma_wait3A_507 : memref<64x128xf32, #tpu.memory_space<vmem>>)
      %dma_wait3A_514 = arith.constant 0 : i32
      %dma_wait3A_515 = arith.constant 2 : i32
      %dma_wait3A_516 = arith.constant 0 : i32
      %dma_wait3A_517 = arith.constant 0 : i32
      %dma_wait3A_518 = tpu.memref_slice %arg9[%dma_wait3A_515, %dma_wait3A_516, %dma_wait3A_517] : memref<4x64x128xf32, #tpu.memory_space<vmem>> -> memref<1x64x128xf32, #tpu.memory_space<vmem>>
      %dma_wait3A_519 = tpu.memref_squeeze %dma_wait3A_518 : memref<1x64x128xf32, #tpu.memory_space<vmem>> -> memref<64x128xf32, #tpu.memory_space<vmem>>
      %dma_wait3A_520 = arith.constant 0 : i32
      %dma_wait3A_521 = tpu.memref_slice %arg7[%dma_wait3A_514, %dma_wait3A_520] : memref<40x64xi32, #tpu.memory_space<vmem>> -> memref<1x64xi32, #tpu.memory_space<vmem>>
      %dma_wait3A_522 = tpu.memref_squeeze %dma_wait3A_521 : memref<1x64xi32, #tpu.memory_space<vmem>> -> memref<64xi32, #tpu.memory_space<vmem>>
      %dma_wait3A_523 = arith.constant 0 : i32
      %dma_wait3A_524 = arith.constant 0 : i32
      %dma_wait3A_525 = tpu.memref_slice %arg4[%dma_wait3A_523, %dma_wait3A_524] : memref<10000x128xf32, #tpu.memory_space<hbm>> -> memref<10000x128xf32, #tpu.memory_space<hbm>>
      tpu.wait_indirect_dma semaphore(%arg13 : memref<!tpu.dma_semaphore, #tpu.memory_space<semaphore_mem>>) src(%dma_wait3A_525 : memref<10000x128xf32, #tpu.memory_space<hbm>>) dst(%dma_wait3A_519 : memref<64x128xf32, #tpu.memory_space<vmem>>)
      %dma_wait3A_526 = arith.constant 0 : i32
      %dma_wait3A_527 = arith.constant 3 : i32
      %dma_wait3A_528 = arith.constant 0 : i32
      %dma_wait3A_529 = arith.constant 0 : i32
      %dma_wait3A_530 = tpu.memref_slice %arg9[%dma_wait3A_527, %dma_wait3A_528, %dma_wait3A_529] : memref<4x64x128xf32, #tpu.memory_space<vmem>> -> memref<1x64x128xf32, #tpu.memory_space<vmem>>
      %dma_wait3A_531 = tpu.memref_squeeze %dma_wait3A_530 : memref<1x64x128xf32, #tpu.memory_space<vmem>> -> memref<64x128xf32, #tpu.memory_space<vmem>>
      %dma_wait3A_532 = arith.constant 0 : i32
      %dma_wait3A_533 = tpu.memref_slice %arg7[%dma_wait3A_526, %dma_wait3A_532] : memref<40x64xi32, #tpu.memory_space<vmem>> -> memref<1x64xi32, #tpu.memory_space<vmem>>
      %dma_wait3A_534 = tpu.memref_squeeze %dma_wait3A_533 : memref<1x64xi32, #tpu.memory_space<vmem>> -> memref<64xi32, #tpu.memory_space<vmem>>
      %dma_wait3A_535 = arith.constant 0 : i32
      %dma_wait3A_536 = arith.constant 0 : i32
      %dma_wait3A_537 = tpu.memref_slice %arg4[%dma_wait3A_535, %dma_wait3A_536] : memref<10000x128xf32, #tpu.memory_space<hbm>> -> memref<10000x128xf32, #tpu.memory_space<hbm>>
      tpu.wait_indirect_dma semaphore(%arg14 : memref<!tpu.dma_semaphore, #tpu.memory_space<semaphore_mem>>) src(%dma_wait3A_537 : memref<10000x128xf32, #tpu.memory_space<hbm>>) dst(%dma_wait3A_531 : memref<64x128xf32, #tpu.memory_space<vmem>>)
      %mul3A_538 = arith.constant 320 : i32
      %mul3A_539 = arith.muli %arg1, %mul3A_538 : i32
      %add3A_540 = arith.constant 200 : i32
      %add3A_541 = arith.addi %mul3A_539, %add3A_540 : i32
      "tpu.region"() ({
        %run_scoped3A = tpu.sem_alloc : memref<!tpu.dma_semaphore, #tpu.memory_space<semaphore_mem>>
        %dma_start3A_856 = arith.constant 0 : i32
        %dma_start3A_857 = tpu.memref_slice %arg2[%add3A_541, %dma_start3A_856] : memref<5120x64xi32, #tpu.memory_space<hbm>> -> memref<40x64xi32, #tpu.memory_space<hbm>>
        %dma_start3A_858 = arith.constant 0 : i32
        %dma_start3A_859 = tpu.memref_slice %arg2[%add3A_541, %dma_start3A_858] : memref<5120x64xi32, #tpu.memory_space<hbm>> -> memref<40x64xi32, #tpu.memory_space<hbm>>
        tpu.enqueue_dma source(%dma_start3A_859 : memref<40x64xi32, #tpu.memory_space<hbm>>) target(%arg7 : memref<40x64xi32, #tpu.memory_space<vmem>>) target_semaphore(%run_scoped3A : memref<!tpu.dma_semaphore, #tpu.memory_space<semaphore_mem>>)
        %dma_wait3A_860 = arith.constant 0 : i32
        %dma_wait3A_861 = tpu.memref_slice %arg2[%add3A_541, %dma_wait3A_860] : memref<5120x64xi32, #tpu.memory_space<hbm>> -> memref<40x64xi32, #tpu.memory_space<hbm>>
        %dma_wait3A_862 = arith.constant 0 : i32
        %dma_wait3A_863 = tpu.memref_slice %arg2[%add3A_541, %dma_wait3A_862] : memref<5120x64xi32, #tpu.memory_space<hbm>> -> memref<40x64xi32, #tpu.memory_space<hbm>>
        tpu.wait_dma2 semaphore(%run_scoped3A : memref<!tpu.dma_semaphore, #tpu.memory_space<semaphore_mem>>) src(%dma_wait3A_863 : memref<40x64xi32, #tpu.memory_space<hbm>>) dst(%arg7 : memref<40x64xi32, #tpu.memory_space<vmem>>)
        tpu.yield
      }) : () -> ()
      "tpu.region"() ({
        %run_scoped3A = tpu.sem_alloc : memref<!tpu.dma_semaphore, #tpu.memory_space<semaphore_mem>>
        %dma_start3A_856 = arith.constant 0 : i32
        %dma_start3A_857 = tpu.memref_slice %arg3[%add3A_541, %dma_start3A_856] : memref<5120x64xi32, #tpu.memory_space<hbm>> -> memref<40x64xi32, #tpu.memory_space<hbm>>
        %dma_start3A_858 = arith.constant 0 : i32
        %dma_start3A_859 = tpu.memref_slice %arg3[%add3A_541, %dma_start3A_858] : memref<5120x64xi32, #tpu.memory_space<hbm>> -> memref<40x64xi32, #tpu.memory_space<hbm>>
        tpu.enqueue_dma source(%dma_start3A_859 : memref<40x64xi32, #tpu.memory_space<hbm>>) target(%arg8 : memref<40x64xi32, #tpu.memory_space<vmem>>) target_semaphore(%run_scoped3A : memref<!tpu.dma_semaphore, #tpu.memory_space<semaphore_mem>>)
        %dma_wait3A_860 = arith.constant 0 : i32
        %dma_wait3A_861 = tpu.memref_slice %arg3[%add3A_541, %dma_wait3A_860] : memref<5120x64xi32, #tpu.memory_space<hbm>> -> memref<40x64xi32, #tpu.memory_space<hbm>>
        %dma_wait3A_862 = arith.constant 0 : i32
        %dma_wait3A_863 = tpu.memref_slice %arg3[%add3A_541, %dma_wait3A_862] : memref<5120x64xi32, #tpu.memory_space<hbm>> -> memref<40x64xi32, #tpu.memory_space<hbm>>
        tpu.wait_dma2 semaphore(%run_scoped3A : memref<!tpu.dma_semaphore, #tpu.memory_space<semaphore_mem>>) src(%dma_wait3A_863 : memref<40x64xi32, #tpu.memory_space<hbm>>) dst(%arg8 : memref<40x64xi32, #tpu.memory_space<vmem>>)
        tpu.yield
      }) : () -> ()
      %dma_start3A_542 = arith.constant 0 : i32
      %dma_start3A_543 = arith.constant 0 : i32
      %dma_start3A_544 = arith.constant 0 : i32
      %dma_start3A_545 = arith.constant 0 : i32
      %dma_start3A_546 = tpu.memref_slice %arg9[%dma_start3A_543, %dma_start3A_544, %dma_start3A_545] : memref<4x64x128xf32, #tpu.memory_space<vmem>> -> memref<1x64x128xf32, #tpu.memory_space<vmem>>
      %dma_start3A_547 = tpu.memref_squeeze %dma_start3A_546 : memref<1x64x128xf32, #tpu.memory_space<vmem>> -> memref<64x128xf32, #tpu.memory_space<vmem>>
      %dma_start3A_548 = arith.constant 0 : i32
      %dma_start3A_549 = tpu.memref_slice %arg7[%dma_start3A_542, %dma_start3A_548] : memref<40x64xi32, #tpu.memory_space<vmem>> -> memref<1x64xi32, #tpu.memory_space<vmem>>
      %dma_start3A_550 = tpu.memref_squeeze %dma_start3A_549 : memref<1x64xi32, #tpu.memory_space<vmem>> -> memref<64xi32, #tpu.memory_space<vmem>>
      %dma_start3A_551 = arith.constant 0 : i32
      %dma_start3A_552 = arith.constant 0 : i32
      %dma_start3A_553 = tpu.memref_slice %arg4[%dma_start3A_551, %dma_start3A_552] : memref<10000x128xf32, #tpu.memory_space<hbm>> -> memref<10000x128xf32, #tpu.memory_space<hbm>>
      tpu.enqueue_indirect_dma source(%dma_start3A_553 : memref<10000x128xf32, #tpu.memory_space<hbm>>) target(%dma_start3A_547 : memref<64x128xf32, #tpu.memory_space<vmem>>) offsets(%dma_start3A_550 : memref<64xi32, #tpu.memory_space<vmem>>) semaphore(%arg11 : memref<!tpu.dma_semaphore, #tpu.memory_space<semaphore_mem>>)
      %dma_start3A_554 = arith.constant 1 : i32
      %dma_start3A_555 = arith.constant 1 : i32
      %dma_start3A_556 = arith.constant 0 : i32
      %dma_start3A_557 = arith.constant 0 : i32
      %dma_start3A_558 = tpu.memref_slice %arg9[%dma_start3A_555, %dma_start3A_556, %dma_start3A_557] : memref<4x64x128xf32, #tpu.memory_space<vmem>> -> memref<1x64x128xf32, #tpu.memory_space<vmem>>
      %dma_start3A_559 = tpu.memref_squeeze %dma_start3A_558 : memref<1x64x128xf32, #tpu.memory_space<vmem>> -> memref<64x128xf32, #tpu.memory_space<vmem>>
      %dma_start3A_560 = arith.constant 0 : i32
      %dma_start3A_561 = tpu.memref_slice %arg7[%dma_start3A_554, %dma_start3A_560] : memref<40x64xi32, #tpu.memory_space<vmem>> -> memref<1x64xi32, #tpu.memory_space<vmem>>
      %dma_start3A_562 = tpu.memref_squeeze %dma_start3A_561 : memref<1x64xi32, #tpu.memory_space<vmem>> -> memref<64xi32, #tpu.memory_space<vmem>>
      %dma_start3A_563 = arith.constant 0 : i32
      %dma_start3A_564 = arith.constant 0 : i32
      %dma_start3A_565 = tpu.memref_slice %arg4[%dma_start3A_563, %dma_start3A_564] : memref<10000x128xf32, #tpu.memory_space<hbm>> -> memref<10000x128xf32, #tpu.memory_space<hbm>>
      tpu.enqueue_indirect_dma source(%dma_start3A_565 : memref<10000x128xf32, #tpu.memory_space<hbm>>) target(%dma_start3A_559 : memref<64x128xf32, #tpu.memory_space<vmem>>) offsets(%dma_start3A_562 : memref<64xi32, #tpu.memory_space<vmem>>) semaphore(%arg12 : memref<!tpu.dma_semaphore, #tpu.memory_space<semaphore_mem>>)
      %dma_start3A_566 = arith.constant 2 : i32
      %dma_start3A_567 = arith.constant 2 : i32
      %dma_start3A_568 = arith.constant 0 : i32
      %dma_start3A_569 = arith.constant 0 : i32
      %dma_start3A_570 = tpu.memref_slice %arg9[%dma_start3A_567, %dma_start3A_568, %dma_start3A_569] : memref<4x64x128xf32, #tpu.memory_space<vmem>> -> memref<1x64x128xf32, #tpu.memory_space<vmem>>
      %dma_start3A_571 = tpu.memref_squeeze %dma_start3A_570 : memref<1x64x128xf32, #tpu.memory_space<vmem>> -> memref<64x128xf32, #tpu.memory_space<vmem>>
      %dma_start3A_572 = arith.constant 0 : i32
      %dma_start3A_573 = tpu.memref_slice %arg7[%dma_start3A_566, %dma_start3A_572] : memref<40x64xi32, #tpu.memory_space<vmem>> -> memref<1x64xi32, #tpu.memory_space<vmem>>
      %dma_start3A_574 = tpu.memref_squeeze %dma_start3A_573 : memref<1x64xi32, #tpu.memory_space<vmem>> -> memref<64xi32, #tpu.memory_space<vmem>>
      %dma_start3A_575 = arith.constant 0 : i32
      %dma_start3A_576 = arith.constant 0 : i32
      %dma_start3A_577 = tpu.memref_slice %arg4[%dma_start3A_575, %dma_start3A_576] : memref<10000x128xf32, #tpu.memory_space<hbm>> -> memref<10000x128xf32, #tpu.memory_space<hbm>>
      tpu.enqueue_indirect_dma source(%dma_start3A_577 : memref<10000x128xf32, #tpu.memory_space<hbm>>) target(%dma_start3A_571 : memref<64x128xf32, #tpu.memory_space<vmem>>) offsets(%dma_start3A_574 : memref<64xi32, #tpu.memory_space<vmem>>) semaphore(%arg13 : memref<!tpu.dma_semaphore, #tpu.memory_space<semaphore_mem>>)
      %dma_start3A_578 = arith.constant 3 : i32
      %dma_start3A_579 = arith.constant 3 : i32
      %dma_start3A_580 = arith.constant 0 : i32
      %dma_start3A_581 = arith.constant 0 : i32
      %dma_start3A_582 = tpu.memref_slice %arg9[%dma_start3A_579, %dma_start3A_580, %dma_start3A_581] : memref<4x64x128xf32, #tpu.memory_space<vmem>> -> memref<1x64x128xf32, #tpu.memory_space<vmem>>
      %dma_start3A_583 = tpu.memref_squeeze %dma_start3A_582 : memref<1x64x128xf32, #tpu.memory_space<vmem>> -> memref<64x128xf32, #tpu.memory_space<vmem>>
      %dma_start3A_584 = arith.constant 0 : i32
      %dma_start3A_585 = tpu.memref_slice %arg7[%dma_start3A_578, %dma_start3A_584] : memref<40x64xi32, #tpu.memory_space<vmem>> -> memref<1x64xi32, #tpu.memory_space<vmem>>
      %dma_start3A_586 = tpu.memref_squeeze %dma_start3A_585 : memref<1x64xi32, #tpu.memory_space<vmem>> -> memref<64xi32, #tpu.memory_space<vmem>>
      %dma_start3A_587 = arith.constant 0 : i32
      %dma_start3A_588 = arith.constant 0 : i32
      %dma_start3A_589 = tpu.memref_slice %arg4[%dma_start3A_587, %dma_start3A_588] : memref<10000x128xf32, #tpu.memory_space<hbm>> -> memref<10000x128xf32, #tpu.memory_space<hbm>>
      tpu.enqueue_indirect_dma source(%dma_start3A_589 : memref<10000x128xf32, #tpu.memory_space<hbm>>) target(%dma_start3A_583 : memref<64x128xf32, #tpu.memory_space<vmem>>) offsets(%dma_start3A_586 : memref<64xi32, #tpu.memory_space<vmem>>) semaphore(%arg14 : memref<!tpu.dma_semaphore, #tpu.memory_space<semaphore_mem>>)
      %scan3A_590 = arith.constant 0 : i32
      %scan3A_591 = arith.constant 0 : i32
      %scan3A_592 = arith.constant 10 : i32
      %scan3A_593 = arith.addi %scan3A_591, %scan3A_592 : i32
      %scan3A_594 = arith.constant 1 : i32
      scf.for %scan3A_856 = %scan3A_591 to %scan3A_593 step %scan3A_594  : i32 {
        %mul3A_857 = arith.constant 4 : i32
        %mul3A_858 = arith.muli %mul3A_857, %scan3A_856 : i32
        %dma_wait3A_859 = arith.constant 0 : i32
        %dma_wait3A_860 = arith.constant 0 : i32
        %dma_wait3A_861 = arith.constant 0 : i32
        %dma_wait3A_862 = arith.constant 0 : i32
        %dma_wait3A_863 = tpu.memref_slice %arg9[%dma_wait3A_860, %dma_wait3A_861, %dma_wait3A_862] : memref<4x64x128xf32, #tpu.memory_space<vmem>> -> memref<1x64x128xf32, #tpu.memory_space<vmem>>
        %dma_wait3A_864 = tpu.memref_squeeze %dma_wait3A_863 : memref<1x64x128xf32, #tpu.memory_space<vmem>> -> memref<64x128xf32, #tpu.memory_space<vmem>>
        %dma_wait3A_865 = arith.constant 0 : i32
        %dma_wait3A_866 = tpu.memref_slice %arg7[%dma_wait3A_859, %dma_wait3A_865] : memref<40x64xi32, #tpu.memory_space<vmem>> -> memref<1x64xi32, #tpu.memory_space<vmem>>
        %dma_wait3A_867 = tpu.memref_squeeze %dma_wait3A_866 : memref<1x64xi32, #tpu.memory_space<vmem>> -> memref<64xi32, #tpu.memory_space<vmem>>
        %dma_wait3A_868 = arith.constant 0 : i32
        %dma_wait3A_869 = arith.constant 0 : i32
        %dma_wait3A_870 = tpu.memref_slice %arg4[%dma_wait3A_868, %dma_wait3A_869] : memref<10000x128xf32, #tpu.memory_space<hbm>> -> memref<10000x128xf32, #tpu.memory_space<hbm>>
        tpu.wait_indirect_dma semaphore(%arg11 : memref<!tpu.dma_semaphore, #tpu.memory_space<semaphore_mem>>) src(%dma_wait3A_870 : memref<10000x128xf32, #tpu.memory_space<hbm>>) dst(%dma_wait3A_864 : memref<64x128xf32, #tpu.memory_space<vmem>>)
        %add3A_871 = arith.constant 0 : i32
        %add3A_872 = arith.addi %mul3A_858, %add3A_871 : i32
        %run_scoped3A = arith.constant 0 : i32
        "tpu.region"() ({
          %run_scoped3A_985 = tpu.sem_alloc : memref<!tpu.dma_semaphore, #tpu.memory_space<semaphore_mem>>
          %dma_start3A_986 = arith.constant 0 : i32
          %dma_start3A_987 = arith.constant 0 : i32
          %dma_start3A_988 = tpu.memref_slice %arg9[%run_scoped3A, %dma_start3A_986, %dma_start3A_987] : memref<4x64x128xf32, #tpu.memory_space<vmem>> -> memref<1x64x128xf32, #tpu.memory_space<vmem>>
          %dma_start3A_989 = tpu.memref_squeeze %dma_start3A_988 : memref<1x64x128xf32, #tpu.memory_space<vmem>> -> memref<64x128xf32, #tpu.memory_space<vmem>>
          %dma_start3A_990 = arith.constant 0 : i32
          %dma_start3A_991 = tpu.memref_slice %arg8[%add3A_872, %dma_start3A_990] : memref<40x64xi32, #tpu.memory_space<vmem>> -> memref<1x64xi32, #tpu.memory_space<vmem>>
          %dma_start3A_992 = tpu.memref_squeeze %dma_start3A_991 : memref<1x64xi32, #tpu.memory_space<vmem>> -> memref<64xi32, #tpu.memory_space<vmem>>
          %dma_start3A_993 = arith.constant 0 : i32
          %dma_start3A_994 = arith.constant 0 : i32
          %dma_start3A_995 = tpu.memref_slice %arg10[%dma_start3A_993, %dma_start3A_994] : memref<10240x128xf32, #tpu.memory_space<vmem_shared>> -> memref<10240x128xf32, #tpu.memory_space<vmem_shared>>
          tpu.enqueue_indirect_dma source(%dma_start3A_989 : memref<64x128xf32, #tpu.memory_space<vmem>>) target(%dma_start3A_995 : memref<10240x128xf32, #tpu.memory_space<vmem_shared>>) offsets(%dma_start3A_992 : memref<64xi32, #tpu.memory_space<vmem>>) semaphore(%run_scoped3A_985 : memref<!tpu.dma_semaphore, #tpu.memory_space<semaphore_mem>>) {add = true}
          %dma_wait3A_996 = arith.constant 0 : i32
          %dma_wait3A_997 = arith.constant 0 : i32
          %dma_wait3A_998 = tpu.memref_slice %arg9[%run_scoped3A, %dma_wait3A_996, %dma_wait3A_997] : memref<4x64x128xf32, #tpu.memory_space<vmem>> -> memref<1x64x128xf32, #tpu.memory_space<vmem>>
          %dma_wait3A_999 = tpu.memref_squeeze %dma_wait3A_998 : memref<1x64x128xf32, #tpu.memory_space<vmem>> -> memref<64x128xf32, #tpu.memory_space<vmem>>
          %dma_wait3A_1000 = arith.constant 0 : i32
          %dma_wait3A_1001 = tpu.memref_slice %arg8[%add3A_872, %dma_wait3A_1000] : memref<40x64xi32, #tpu.memory_space<vmem>> -> memref<1x64xi32, #tpu.memory_space<vmem>>
          %dma_wait3A_1002 = tpu.memref_squeeze %dma_wait3A_1001 : memref<1x64xi32, #tpu.memory_space<vmem>> -> memref<64xi32, #tpu.memory_space<vmem>>
          %dma_wait3A_1003 = arith.constant 0 : i32
          %dma_wait3A_1004 = arith.constant 0 : i32
          %dma_wait3A_1005 = tpu.memref_slice %arg10[%dma_wait3A_1003, %dma_wait3A_1004] : memref<10240x128xf32, #tpu.memory_space<vmem_shared>> -> memref<10240x128xf32, #tpu.memory_space<vmem_shared>>
          tpu.wait_indirect_dma semaphore(%run_scoped3A_985 : memref<!tpu.dma_semaphore, #tpu.memory_space<semaphore_mem>>) src(%dma_wait3A_999 : memref<64x128xf32, #tpu.memory_space<vmem>>) dst(%dma_wait3A_1005 : memref<10240x128xf32, #tpu.memory_space<vmem_shared>>)
          tpu.yield
        }) : () -> ()
        %add3A_873 = arith.constant 4 : i32
        %add3A_874 = arith.addi %mul3A_858, %add3A_873 : i32
        %add3A_875 = arith.constant 0 : i32
        %add3A_876 = arith.addi %add3A_874, %add3A_875 : i32
        %min3A = arith.constant 39 : i32
        %min3A_877 = arith.minsi %add3A_876, %min3A : i32
        %dma_start3A_878 = arith.constant 0 : i32
        %dma_start3A_879 = arith.constant 0 : i32
        %dma_start3A_880 = arith.constant 0 : i32
        %dma_start3A_881 = tpu.memref_slice %arg9[%dma_start3A_878, %dma_start3A_879, %dma_start3A_880] : memref<4x64x128xf32, #tpu.memory_space<vmem>> -> memref<1x64x128xf32, #tpu.memory_space<vmem>>
        %dma_start3A_882 = tpu.memref_squeeze %dma_start3A_881 : memref<1x64x128xf32, #tpu.memory_space<vmem>> -> memref<64x128xf32, #tpu.memory_space<vmem>>
        %dma_start3A_883 = arith.constant 0 : i32
        %dma_start3A_884 = tpu.memref_slice %arg7[%min3A_877, %dma_start3A_883] : memref<40x64xi32, #tpu.memory_space<vmem>> -> memref<1x64xi32, #tpu.memory_space<vmem>>
        %dma_start3A_885 = tpu.memref_squeeze %dma_start3A_884 : memref<1x64xi32, #tpu.memory_space<vmem>> -> memref<64xi32, #tpu.memory_space<vmem>>
        %dma_start3A_886 = arith.constant 0 : i32
        %dma_start3A_887 = arith.constant 0 : i32
        %dma_start3A_888 = tpu.memref_slice %arg4[%dma_start3A_886, %dma_start3A_887] : memref<10000x128xf32, #tpu.memory_space<hbm>> -> memref<10000x128xf32, #tpu.memory_space<hbm>>
        tpu.enqueue_indirect_dma source(%dma_start3A_888 : memref<10000x128xf32, #tpu.memory_space<hbm>>) target(%dma_start3A_882 : memref<64x128xf32, #tpu.memory_space<vmem>>) offsets(%dma_start3A_885 : memref<64xi32, #tpu.memory_space<vmem>>) semaphore(%arg11 : memref<!tpu.dma_semaphore, #tpu.memory_space<semaphore_mem>>)
        %dma_wait3A_889 = arith.constant 0 : i32
        %dma_wait3A_890 = arith.constant 1 : i32
        %dma_wait3A_891 = arith.constant 0 : i32
        %dma_wait3A_892 = arith.constant 0 : i32
        %dma_wait3A_893 = tpu.memref_slice %arg9[%dma_wait3A_890, %dma_wait3A_891, %dma_wait3A_892] : memref<4x64x128xf32, #tpu.memory_space<vmem>> -> memref<1x64x128xf32, #tpu.memory_space<vmem>>
        %dma_wait3A_894 = tpu.memref_squeeze %dma_wait3A_893 : memref<1x64x128xf32, #tpu.memory_space<vmem>> -> memref<64x128xf32, #tpu.memory_space<vmem>>
        %dma_wait3A_895 = arith.constant 0 : i32
        %dma_wait3A_896 = tpu.memref_slice %arg7[%dma_wait3A_889, %dma_wait3A_895] : memref<40x64xi32, #tpu.memory_space<vmem>> -> memref<1x64xi32, #tpu.memory_space<vmem>>
        %dma_wait3A_897 = tpu.memref_squeeze %dma_wait3A_896 : memref<1x64xi32, #tpu.memory_space<vmem>> -> memref<64xi32, #tpu.memory_space<vmem>>
        %dma_wait3A_898 = arith.constant 0 : i32
        %dma_wait3A_899 = arith.constant 0 : i32
        %dma_wait3A_900 = tpu.memref_slice %arg4[%dma_wait3A_898, %dma_wait3A_899] : memref<10000x128xf32, #tpu.memory_space<hbm>> -> memref<10000x128xf32, #tpu.memory_space<hbm>>
        tpu.wait_indirect_dma semaphore(%arg12 : memref<!tpu.dma_semaphore, #tpu.memory_space<semaphore_mem>>) src(%dma_wait3A_900 : memref<10000x128xf32, #tpu.memory_space<hbm>>) dst(%dma_wait3A_894 : memref<64x128xf32, #tpu.memory_space<vmem>>)
        %add3A_901 = arith.constant 1 : i32
        %add3A_902 = arith.addi %mul3A_858, %add3A_901 : i32
        %run_scoped3A_903 = arith.constant 1 : i32
        "tpu.region"() ({
          %run_scoped3A_985 = tpu.sem_alloc : memref<!tpu.dma_semaphore, #tpu.memory_space<semaphore_mem>>
          %dma_start3A_986 = arith.constant 0 : i32
          %dma_start3A_987 = arith.constant 0 : i32
          %dma_start3A_988 = tpu.memref_slice %arg9[%run_scoped3A_903, %dma_start3A_986, %dma_start3A_987] : memref<4x64x128xf32, #tpu.memory_space<vmem>> -> memref<1x64x128xf32, #tpu.memory_space<vmem>>
          %dma_start3A_989 = tpu.memref_squeeze %dma_start3A_988 : memref<1x64x128xf32, #tpu.memory_space<vmem>> -> memref<64x128xf32, #tpu.memory_space<vmem>>
          %dma_start3A_990 = arith.constant 0 : i32
          %dma_start3A_991 = tpu.memref_slice %arg8[%add3A_902, %dma_start3A_990] : memref<40x64xi32, #tpu.memory_space<vmem>> -> memref<1x64xi32, #tpu.memory_space<vmem>>
          %dma_start3A_992 = tpu.memref_squeeze %dma_start3A_991 : memref<1x64xi32, #tpu.memory_space<vmem>> -> memref<64xi32, #tpu.memory_space<vmem>>
          %dma_start3A_993 = arith.constant 0 : i32
          %dma_start3A_994 = arith.constant 0 : i32
          %dma_start3A_995 = tpu.memref_slice %arg10[%dma_start3A_993, %dma_start3A_994] : memref<10240x128xf32, #tpu.memory_space<vmem_shared>> -> memref<10240x128xf32, #tpu.memory_space<vmem_shared>>
          tpu.enqueue_indirect_dma source(%dma_start3A_989 : memref<64x128xf32, #tpu.memory_space<vmem>>) target(%dma_start3A_995 : memref<10240x128xf32, #tpu.memory_space<vmem_shared>>) offsets(%dma_start3A_992 : memref<64xi32, #tpu.memory_space<vmem>>) semaphore(%run_scoped3A_985 : memref<!tpu.dma_semaphore, #tpu.memory_space<semaphore_mem>>) {add = true}
          %dma_wait3A_996 = arith.constant 0 : i32
          %dma_wait3A_997 = arith.constant 0 : i32
          %dma_wait3A_998 = tpu.memref_slice %arg9[%run_scoped3A_903, %dma_wait3A_996, %dma_wait3A_997] : memref<4x64x128xf32, #tpu.memory_space<vmem>> -> memref<1x64x128xf32, #tpu.memory_space<vmem>>
          %dma_wait3A_999 = tpu.memref_squeeze %dma_wait3A_998 : memref<1x64x128xf32, #tpu.memory_space<vmem>> -> memref<64x128xf32, #tpu.memory_space<vmem>>
          %dma_wait3A_1000 = arith.constant 0 : i32
          %dma_wait3A_1001 = tpu.memref_slice %arg8[%add3A_902, %dma_wait3A_1000] : memref<40x64xi32, #tpu.memory_space<vmem>> -> memref<1x64xi32, #tpu.memory_space<vmem>>
          %dma_wait3A_1002 = tpu.memref_squeeze %dma_wait3A_1001 : memref<1x64xi32, #tpu.memory_space<vmem>> -> memref<64xi32, #tpu.memory_space<vmem>>
          %dma_wait3A_1003 = arith.constant 0 : i32
          %dma_wait3A_1004 = arith.constant 0 : i32
          %dma_wait3A_1005 = tpu.memref_slice %arg10[%dma_wait3A_1003, %dma_wait3A_1004] : memref<10240x128xf32, #tpu.memory_space<vmem_shared>> -> memref<10240x128xf32, #tpu.memory_space<vmem_shared>>
          tpu.wait_indirect_dma semaphore(%run_scoped3A_985 : memref<!tpu.dma_semaphore, #tpu.memory_space<semaphore_mem>>) src(%dma_wait3A_999 : memref<64x128xf32, #tpu.memory_space<vmem>>) dst(%dma_wait3A_1005 : memref<10240x128xf32, #tpu.memory_space<vmem_shared>>)
          tpu.yield
        }) : () -> ()
        %add3A_904 = arith.constant 4 : i32
        %add3A_905 = arith.addi %mul3A_858, %add3A_904 : i32
        %add3A_906 = arith.constant 1 : i32
        %add3A_907 = arith.addi %add3A_905, %add3A_906 : i32
        %min3A_908 = arith.constant 39 : i32
        %min3A_909 = arith.minsi %add3A_907, %min3A_908 : i32
        %dma_start3A_910 = arith.constant 1 : i32
        %dma_start3A_911 = arith.constant 0 : i32
        %dma_start3A_912 = arith.constant 0 : i32
        %dma_start3A_913 = tpu.memref_slice %arg9[%dma_start3A_910, %dma_start3A_911, %dma_start3A_912] : memref<4x64x128xf32, #tpu.memory_space<vmem>> -> memref<1x64x128xf32, #tpu.memory_space<vmem>>
        %dma_start3A_914 = tpu.memref_squeeze %dma_start3A_913 : memref<1x64x128xf32, #tpu.memory_space<vmem>> -> memref<64x128xf32, #tpu.memory_space<vmem>>
        %dma_start3A_915 = arith.constant 0 : i32
        %dma_start3A_916 = tpu.memref_slice %arg7[%min3A_909, %dma_start3A_915] : memref<40x64xi32, #tpu.memory_space<vmem>> -> memref<1x64xi32, #tpu.memory_space<vmem>>
        %dma_start3A_917 = tpu.memref_squeeze %dma_start3A_916 : memref<1x64xi32, #tpu.memory_space<vmem>> -> memref<64xi32, #tpu.memory_space<vmem>>
        %dma_start3A_918 = arith.constant 0 : i32
        %dma_start3A_919 = arith.constant 0 : i32
        %dma_start3A_920 = tpu.memref_slice %arg4[%dma_start3A_918, %dma_start3A_919] : memref<10000x128xf32, #tpu.memory_space<hbm>> -> memref<10000x128xf32, #tpu.memory_space<hbm>>
        tpu.enqueue_indirect_dma source(%dma_start3A_920 : memref<10000x128xf32, #tpu.memory_space<hbm>>) target(%dma_start3A_914 : memref<64x128xf32, #tpu.memory_space<vmem>>) offsets(%dma_start3A_917 : memref<64xi32, #tpu.memory_space<vmem>>) semaphore(%arg12 : memref<!tpu.dma_semaphore, #tpu.memory_space<semaphore_mem>>)
        %dma_wait3A_921 = arith.constant 0 : i32
        %dma_wait3A_922 = arith.constant 2 : i32
        %dma_wait3A_923 = arith.constant 0 : i32
        %dma_wait3A_924 = arith.constant 0 : i32
        %dma_wait3A_925 = tpu.memref_slice %arg9[%dma_wait3A_922, %dma_wait3A_923, %dma_wait3A_924] : memref<4x64x128xf32, #tpu.memory_space<vmem>> -> memref<1x64x128xf32, #tpu.memory_space<vmem>>
        %dma_wait3A_926 = tpu.memref_squeeze %dma_wait3A_925 : memref<1x64x128xf32, #tpu.memory_space<vmem>> -> memref<64x128xf32, #tpu.memory_space<vmem>>
        %dma_wait3A_927 = arith.constant 0 : i32
        %dma_wait3A_928 = tpu.memref_slice %arg7[%dma_wait3A_921, %dma_wait3A_927] : memref<40x64xi32, #tpu.memory_space<vmem>> -> memref<1x64xi32, #tpu.memory_space<vmem>>
        %dma_wait3A_929 = tpu.memref_squeeze %dma_wait3A_928 : memref<1x64xi32, #tpu.memory_space<vmem>> -> memref<64xi32, #tpu.memory_space<vmem>>
        %dma_wait3A_930 = arith.constant 0 : i32
        %dma_wait3A_931 = arith.constant 0 : i32
        %dma_wait3A_932 = tpu.memref_slice %arg4[%dma_wait3A_930, %dma_wait3A_931] : memref<10000x128xf32, #tpu.memory_space<hbm>> -> memref<10000x128xf32, #tpu.memory_space<hbm>>
        tpu.wait_indirect_dma semaphore(%arg13 : memref<!tpu.dma_semaphore, #tpu.memory_space<semaphore_mem>>) src(%dma_wait3A_932 : memref<10000x128xf32, #tpu.memory_space<hbm>>) dst(%dma_wait3A_926 : memref<64x128xf32, #tpu.memory_space<vmem>>)
        %add3A_933 = arith.constant 2 : i32
        %add3A_934 = arith.addi %mul3A_858, %add3A_933 : i32
        %run_scoped3A_935 = arith.constant 2 : i32
        "tpu.region"() ({
          %run_scoped3A_985 = tpu.sem_alloc : memref<!tpu.dma_semaphore, #tpu.memory_space<semaphore_mem>>
          %dma_start3A_986 = arith.constant 0 : i32
          %dma_start3A_987 = arith.constant 0 : i32
          %dma_start3A_988 = tpu.memref_slice %arg9[%run_scoped3A_935, %dma_start3A_986, %dma_start3A_987] : memref<4x64x128xf32, #tpu.memory_space<vmem>> -> memref<1x64x128xf32, #tpu.memory_space<vmem>>
          %dma_start3A_989 = tpu.memref_squeeze %dma_start3A_988 : memref<1x64x128xf32, #tpu.memory_space<vmem>> -> memref<64x128xf32, #tpu.memory_space<vmem>>
          %dma_start3A_990 = arith.constant 0 : i32
          %dma_start3A_991 = tpu.memref_slice %arg8[%add3A_934, %dma_start3A_990] : memref<40x64xi32, #tpu.memory_space<vmem>> -> memref<1x64xi32, #tpu.memory_space<vmem>>
          %dma_start3A_992 = tpu.memref_squeeze %dma_start3A_991 : memref<1x64xi32, #tpu.memory_space<vmem>> -> memref<64xi32, #tpu.memory_space<vmem>>
          %dma_start3A_993 = arith.constant 0 : i32
          %dma_start3A_994 = arith.constant 0 : i32
          %dma_start3A_995 = tpu.memref_slice %arg10[%dma_start3A_993, %dma_start3A_994] : memref<10240x128xf32, #tpu.memory_space<vmem_shared>> -> memref<10240x128xf32, #tpu.memory_space<vmem_shared>>
          tpu.enqueue_indirect_dma source(%dma_start3A_989 : memref<64x128xf32, #tpu.memory_space<vmem>>) target(%dma_start3A_995 : memref<10240x128xf32, #tpu.memory_space<vmem_shared>>) offsets(%dma_start3A_992 : memref<64xi32, #tpu.memory_space<vmem>>) semaphore(%run_scoped3A_985 : memref<!tpu.dma_semaphore, #tpu.memory_space<semaphore_mem>>) {add = true}
          %dma_wait3A_996 = arith.constant 0 : i32
          %dma_wait3A_997 = arith.constant 0 : i32
          %dma_wait3A_998 = tpu.memref_slice %arg9[%run_scoped3A_935, %dma_wait3A_996, %dma_wait3A_997] : memref<4x64x128xf32, #tpu.memory_space<vmem>> -> memref<1x64x128xf32, #tpu.memory_space<vmem>>
          %dma_wait3A_999 = tpu.memref_squeeze %dma_wait3A_998 : memref<1x64x128xf32, #tpu.memory_space<vmem>> -> memref<64x128xf32, #tpu.memory_space<vmem>>
          %dma_wait3A_1000 = arith.constant 0 : i32
          %dma_wait3A_1001 = tpu.memref_slice %arg8[%add3A_934, %dma_wait3A_1000] : memref<40x64xi32, #tpu.memory_space<vmem>> -> memref<1x64xi32, #tpu.memory_space<vmem>>
          %dma_wait3A_1002 = tpu.memref_squeeze %dma_wait3A_1001 : memref<1x64xi32, #tpu.memory_space<vmem>> -> memref<64xi32, #tpu.memory_space<vmem>>
          %dma_wait3A_1003 = arith.constant 0 : i32
          %dma_wait3A_1004 = arith.constant 0 : i32
          %dma_wait3A_1005 = tpu.memref_slice %arg10[%dma_wait3A_1003, %dma_wait3A_1004] : memref<10240x128xf32, #tpu.memory_space<vmem_shared>> -> memref<10240x128xf32, #tpu.memory_space<vmem_shared>>
          tpu.wait_indirect_dma semaphore(%run_scoped3A_985 : memref<!tpu.dma_semaphore, #tpu.memory_space<semaphore_mem>>) src(%dma_wait3A_999 : memref<64x128xf32, #tpu.memory_space<vmem>>) dst(%dma_wait3A_1005 : memref<10240x128xf32, #tpu.memory_space<vmem_shared>>)
          tpu.yield
        }) : () -> ()
        %add3A_936 = arith.constant 4 : i32
        %add3A_937 = arith.addi %mul3A_858, %add3A_936 : i32
        %add3A_938 = arith.constant 2 : i32
        %add3A_939 = arith.addi %add3A_937, %add3A_938 : i32
        %min3A_940 = arith.constant 39 : i32
        %min3A_941 = arith.minsi %add3A_939, %min3A_940 : i32
        %dma_start3A_942 = arith.constant 2 : i32
        %dma_start3A_943 = arith.constant 0 : i32
        %dma_start3A_944 = arith.constant 0 : i32
        %dma_start3A_945 = tpu.memref_slice %arg9[%dma_start3A_942, %dma_start3A_943, %dma_start3A_944] : memref<4x64x128xf32, #tpu.memory_space<vmem>> -> memref<1x64x128xf32, #tpu.memory_space<vmem>>
        %dma_start3A_946 = tpu.memref_squeeze %dma_start3A_945 : memref<1x64x128xf32, #tpu.memory_space<vmem>> -> memref<64x128xf32, #tpu.memory_space<vmem>>
        %dma_start3A_947 = arith.constant 0 : i32
        %dma_start3A_948 = tpu.memref_slice %arg7[%min3A_941, %dma_start3A_947] : memref<40x64xi32, #tpu.memory_space<vmem>> -> memref<1x64xi32, #tpu.memory_space<vmem>>
        %dma_start3A_949 = tpu.memref_squeeze %dma_start3A_948 : memref<1x64xi32, #tpu.memory_space<vmem>> -> memref<64xi32, #tpu.memory_space<vmem>>
        %dma_start3A_950 = arith.constant 0 : i32
        %dma_start3A_951 = arith.constant 0 : i32
        %dma_start3A_952 = tpu.memref_slice %arg4[%dma_start3A_950, %dma_start3A_951] : memref<10000x128xf32, #tpu.memory_space<hbm>> -> memref<10000x128xf32, #tpu.memory_space<hbm>>
        tpu.enqueue_indirect_dma source(%dma_start3A_952 : memref<10000x128xf32, #tpu.memory_space<hbm>>) target(%dma_start3A_946 : memref<64x128xf32, #tpu.memory_space<vmem>>) offsets(%dma_start3A_949 : memref<64xi32, #tpu.memory_space<vmem>>) semaphore(%arg13 : memref<!tpu.dma_semaphore, #tpu.memory_space<semaphore_mem>>)
        %dma_wait3A_953 = arith.constant 0 : i32
        %dma_wait3A_954 = arith.constant 3 : i32
        %dma_wait3A_955 = arith.constant 0 : i32
        %dma_wait3A_956 = arith.constant 0 : i32
        %dma_wait3A_957 = tpu.memref_slice %arg9[%dma_wait3A_954, %dma_wait3A_955, %dma_wait3A_956] : memref<4x64x128xf32, #tpu.memory_space<vmem>> -> memref<1x64x128xf32, #tpu.memory_space<vmem>>
        %dma_wait3A_958 = tpu.memref_squeeze %dma_wait3A_957 : memref<1x64x128xf32, #tpu.memory_space<vmem>> -> memref<64x128xf32, #tpu.memory_space<vmem>>
        %dma_wait3A_959 = arith.constant 0 : i32
        %dma_wait3A_960 = tpu.memref_slice %arg7[%dma_wait3A_953, %dma_wait3A_959] : memref<40x64xi32, #tpu.memory_space<vmem>> -> memref<1x64xi32, #tpu.memory_space<vmem>>
        %dma_wait3A_961 = tpu.memref_squeeze %dma_wait3A_960 : memref<1x64xi32, #tpu.memory_space<vmem>> -> memref<64xi32, #tpu.memory_space<vmem>>
        %dma_wait3A_962 = arith.constant 0 : i32
        %dma_wait3A_963 = arith.constant 0 : i32
        %dma_wait3A_964 = tpu.memref_slice %arg4[%dma_wait3A_962, %dma_wait3A_963] : memref<10000x128xf32, #tpu.memory_space<hbm>> -> memref<10000x128xf32, #tpu.memory_space<hbm>>
        tpu.wait_indirect_dma semaphore(%arg14 : memref<!tpu.dma_semaphore, #tpu.memory_space<semaphore_mem>>) src(%dma_wait3A_964 : memref<10000x128xf32, #tpu.memory_space<hbm>>) dst(%dma_wait3A_958 : memref<64x128xf32, #tpu.memory_space<vmem>>)
        %add3A_965 = arith.constant 3 : i32
        %add3A_966 = arith.addi %mul3A_858, %add3A_965 : i32
        %run_scoped3A_967 = arith.constant 3 : i32
        "tpu.region"() ({
          %run_scoped3A_985 = tpu.sem_alloc : memref<!tpu.dma_semaphore, #tpu.memory_space<semaphore_mem>>
          %dma_start3A_986 = arith.constant 0 : i32
          %dma_start3A_987 = arith.constant 0 : i32
          %dma_start3A_988 = tpu.memref_slice %arg9[%run_scoped3A_967, %dma_start3A_986, %dma_start3A_987] : memref<4x64x128xf32, #tpu.memory_space<vmem>> -> memref<1x64x128xf32, #tpu.memory_space<vmem>>
          %dma_start3A_989 = tpu.memref_squeeze %dma_start3A_988 : memref<1x64x128xf32, #tpu.memory_space<vmem>> -> memref<64x128xf32, #tpu.memory_space<vmem>>
          %dma_start3A_990 = arith.constant 0 : i32
          %dma_start3A_991 = tpu.memref_slice %arg8[%add3A_966, %dma_start3A_990] : memref<40x64xi32, #tpu.memory_space<vmem>> -> memref<1x64xi32, #tpu.memory_space<vmem>>
          %dma_start3A_992 = tpu.memref_squeeze %dma_start3A_991 : memref<1x64xi32, #tpu.memory_space<vmem>> -> memref<64xi32, #tpu.memory_space<vmem>>
          %dma_start3A_993 = arith.constant 0 : i32
          %dma_start3A_994 = arith.constant 0 : i32
          %dma_start3A_995 = tpu.memref_slice %arg10[%dma_start3A_993, %dma_start3A_994] : memref<10240x128xf32, #tpu.memory_space<vmem_shared>> -> memref<10240x128xf32, #tpu.memory_space<vmem_shared>>
          tpu.enqueue_indirect_dma source(%dma_start3A_989 : memref<64x128xf32, #tpu.memory_space<vmem>>) target(%dma_start3A_995 : memref<10240x128xf32, #tpu.memory_space<vmem_shared>>) offsets(%dma_start3A_992 : memref<64xi32, #tpu.memory_space<vmem>>) semaphore(%run_scoped3A_985 : memref<!tpu.dma_semaphore, #tpu.memory_space<semaphore_mem>>) {add = true}
          %dma_wait3A_996 = arith.constant 0 : i32
          %dma_wait3A_997 = arith.constant 0 : i32
          %dma_wait3A_998 = tpu.memref_slice %arg9[%run_scoped3A_967, %dma_wait3A_996, %dma_wait3A_997] : memref<4x64x128xf32, #tpu.memory_space<vmem>> -> memref<1x64x128xf32, #tpu.memory_space<vmem>>
          %dma_wait3A_999 = tpu.memref_squeeze %dma_wait3A_998 : memref<1x64x128xf32, #tpu.memory_space<vmem>> -> memref<64x128xf32, #tpu.memory_space<vmem>>
          %dma_wait3A_1000 = arith.constant 0 : i32
          %dma_wait3A_1001 = tpu.memref_slice %arg8[%add3A_966, %dma_wait3A_1000] : memref<40x64xi32, #tpu.memory_space<vmem>> -> memref<1x64xi32, #tpu.memory_space<vmem>>
          %dma_wait3A_1002 = tpu.memref_squeeze %dma_wait3A_1001 : memref<1x64xi32, #tpu.memory_space<vmem>> -> memref<64xi32, #tpu.memory_space<vmem>>
          %dma_wait3A_1003 = arith.constant 0 : i32
          %dma_wait3A_1004 = arith.constant 0 : i32
          %dma_wait3A_1005 = tpu.memref_slice %arg10[%dma_wait3A_1003, %dma_wait3A_1004] : memref<10240x128xf32, #tpu.memory_space<vmem_shared>> -> memref<10240x128xf32, #tpu.memory_space<vmem_shared>>
          tpu.wait_indirect_dma semaphore(%run_scoped3A_985 : memref<!tpu.dma_semaphore, #tpu.memory_space<semaphore_mem>>) src(%dma_wait3A_999 : memref<64x128xf32, #tpu.memory_space<vmem>>) dst(%dma_wait3A_1005 : memref<10240x128xf32, #tpu.memory_space<vmem_shared>>)
          tpu.yield
        }) : () -> ()
        %add3A_968 = arith.constant 4 : i32
        %add3A_969 = arith.addi %mul3A_858, %add3A_968 : i32
        %add3A_970 = arith.constant 3 : i32
        %add3A_971 = arith.addi %add3A_969, %add3A_970 : i32
        %min3A_972 = arith.constant 39 : i32
        %min3A_973 = arith.minsi %add3A_971, %min3A_972 : i32
        %dma_start3A_974 = arith.constant 3 : i32
        %dma_start3A_975 = arith.constant 0 : i32
        %dma_start3A_976 = arith.constant 0 : i32
        %dma_start3A_977 = tpu.memref_slice %arg9[%dma_start3A_974, %dma_start3A_975, %dma_start3A_976] : memref<4x64x128xf32, #tpu.memory_space<vmem>> -> memref<1x64x128xf32, #tpu.memory_space<vmem>>
        %dma_start3A_978 = tpu.memref_squeeze %dma_start3A_977 : memref<1x64x128xf32, #tpu.memory_space<vmem>> -> memref<64x128xf32, #tpu.memory_space<vmem>>
        %dma_start3A_979 = arith.constant 0 : i32
        %dma_start3A_980 = tpu.memref_slice %arg7[%min3A_973, %dma_start3A_979] : memref<40x64xi32, #tpu.memory_space<vmem>> -> memref<1x64xi32, #tpu.memory_space<vmem>>
        %dma_start3A_981 = tpu.memref_squeeze %dma_start3A_980 : memref<1x64xi32, #tpu.memory_space<vmem>> -> memref<64xi32, #tpu.memory_space<vmem>>
        %dma_start3A_982 = arith.constant 0 : i32
        %dma_start3A_983 = arith.constant 0 : i32
        %dma_start3A_984 = tpu.memref_slice %arg4[%dma_start3A_982, %dma_start3A_983] : memref<10000x128xf32, #tpu.memory_space<hbm>> -> memref<10000x128xf32, #tpu.memory_space<hbm>>
        tpu.enqueue_indirect_dma source(%dma_start3A_984 : memref<10000x128xf32, #tpu.memory_space<hbm>>) target(%dma_start3A_978 : memref<64x128xf32, #tpu.memory_space<vmem>>) offsets(%dma_start3A_981 : memref<64xi32, #tpu.memory_space<vmem>>) semaphore(%arg14 : memref<!tpu.dma_semaphore, #tpu.memory_space<semaphore_mem>>)
      }
      %scan3A_595 = arith.constant 10 : i32
      %dma_wait3A_596 = arith.constant 0 : i32
      %dma_wait3A_597 = arith.constant 0 : i32
      %dma_wait3A_598 = arith.constant 0 : i32
      %dma_wait3A_599 = arith.constant 0 : i32
      %dma_wait3A_600 = tpu.memref_slice %arg9[%dma_wait3A_597, %dma_wait3A_598, %dma_wait3A_599] : memref<4x64x128xf32, #tpu.memory_space<vmem>> -> memref<1x64x128xf32, #tpu.memory_space<vmem>>
      %dma_wait3A_601 = tpu.memref_squeeze %dma_wait3A_600 : memref<1x64x128xf32, #tpu.memory_space<vmem>> -> memref<64x128xf32, #tpu.memory_space<vmem>>
      %dma_wait3A_602 = arith.constant 0 : i32
      %dma_wait3A_603 = tpu.memref_slice %arg7[%dma_wait3A_596, %dma_wait3A_602] : memref<40x64xi32, #tpu.memory_space<vmem>> -> memref<1x64xi32, #tpu.memory_space<vmem>>
      %dma_wait3A_604 = tpu.memref_squeeze %dma_wait3A_603 : memref<1x64xi32, #tpu.memory_space<vmem>> -> memref<64xi32, #tpu.memory_space<vmem>>
      %dma_wait3A_605 = arith.constant 0 : i32
      %dma_wait3A_606 = arith.constant 0 : i32
      %dma_wait3A_607 = tpu.memref_slice %arg4[%dma_wait3A_605, %dma_wait3A_606] : memref<10000x128xf32, #tpu.memory_space<hbm>> -> memref<10000x128xf32, #tpu.memory_space<hbm>>
      tpu.wait_indirect_dma semaphore(%arg11 : memref<!tpu.dma_semaphore, #tpu.memory_space<semaphore_mem>>) src(%dma_wait3A_607 : memref<10000x128xf32, #tpu.memory_space<hbm>>) dst(%dma_wait3A_601 : memref<64x128xf32, #tpu.memory_space<vmem>>)
      %dma_wait3A_608 = arith.constant 0 : i32
      %dma_wait3A_609 = arith.constant 1 : i32
      %dma_wait3A_610 = arith.constant 0 : i32
      %dma_wait3A_611 = arith.constant 0 : i32
      %dma_wait3A_612 = tpu.memref_slice %arg9[%dma_wait3A_609, %dma_wait3A_610, %dma_wait3A_611] : memref<4x64x128xf32, #tpu.memory_space<vmem>> -> memref<1x64x128xf32, #tpu.memory_space<vmem>>
      %dma_wait3A_613 = tpu.memref_squeeze %dma_wait3A_612 : memref<1x64x128xf32, #tpu.memory_space<vmem>> -> memref<64x128xf32, #tpu.memory_space<vmem>>
      %dma_wait3A_614 = arith.constant 0 : i32
      %dma_wait3A_615 = tpu.memref_slice %arg7[%dma_wait3A_608, %dma_wait3A_614] : memref<40x64xi32, #tpu.memory_space<vmem>> -> memref<1x64xi32, #tpu.memory_space<vmem>>
      %dma_wait3A_616 = tpu.memref_squeeze %dma_wait3A_615 : memref<1x64xi32, #tpu.memory_space<vmem>> -> memref<64xi32, #tpu.memory_space<vmem>>
      %dma_wait3A_617 = arith.constant 0 : i32
      %dma_wait3A_618 = arith.constant 0 : i32
      %dma_wait3A_619 = tpu.memref_slice %arg4[%dma_wait3A_617, %dma_wait3A_618] : memref<10000x128xf32, #tpu.memory_space<hbm>> -> memref<10000x128xf32, #tpu.memory_space<hbm>>
      tpu.wait_indirect_dma semaphore(%arg12 : memref<!tpu.dma_semaphore, #tpu.memory_space<semaphore_mem>>) src(%dma_wait3A_619 : memref<10000x128xf32, #tpu.memory_space<hbm>>) dst(%dma_wait3A_613 : memref<64x128xf32, #tpu.memory_space<vmem>>)
      %dma_wait3A_620 = arith.constant 0 : i32
      %dma_wait3A_621 = arith.constant 2 : i32
      %dma_wait3A_622 = arith.constant 0 : i32
      %dma_wait3A_623 = arith.constant 0 : i32
      %dma_wait3A_624 = tpu.memref_slice %arg9[%dma_wait3A_621, %dma_wait3A_622, %dma_wait3A_623] : memref<4x64x128xf32, #tpu.memory_space<vmem>> -> memref<1x64x128xf32, #tpu.memory_space<vmem>>
      %dma_wait3A_625 = tpu.memref_squeeze %dma_wait3A_624 : memref<1x64x128xf32, #tpu.memory_space<vmem>> -> memref<64x128xf32, #tpu.memory_space<vmem>>
      %dma_wait3A_626 = arith.constant 0 : i32
      %dma_wait3A_627 = tpu.memref_slice %arg7[%dma_wait3A_620, %dma_wait3A_626] : memref<40x64xi32, #tpu.memory_space<vmem>> -> memref<1x64xi32, #tpu.memory_space<vmem>>
      %dma_wait3A_628 = tpu.memref_squeeze %dma_wait3A_627 : memref<1x64xi32, #tpu.memory_space<vmem>> -> memref<64xi32, #tpu.memory_space<vmem>>
      %dma_wait3A_629 = arith.constant 0 : i32
      %dma_wait3A_630 = arith.constant 0 : i32
      %dma_wait3A_631 = tpu.memref_slice %arg4[%dma_wait3A_629, %dma_wait3A_630] : memref<10000x128xf32, #tpu.memory_space<hbm>> -> memref<10000x128xf32, #tpu.memory_space<hbm>>
      tpu.wait_indirect_dma semaphore(%arg13 : memref<!tpu.dma_semaphore, #tpu.memory_space<semaphore_mem>>) src(%dma_wait3A_631 : memref<10000x128xf32, #tpu.memory_space<hbm>>) dst(%dma_wait3A_625 : memref<64x128xf32, #tpu.memory_space<vmem>>)
      %dma_wait3A_632 = arith.constant 0 : i32
      %dma_wait3A_633 = arith.constant 3 : i32
      %dma_wait3A_634 = arith.constant 0 : i32
      %dma_wait3A_635 = arith.constant 0 : i32
      %dma_wait3A_636 = tpu.memref_slice %arg9[%dma_wait3A_633, %dma_wait3A_634, %dma_wait3A_635] : memref<4x64x128xf32, #tpu.memory_space<vmem>> -> memref<1x64x128xf32, #tpu.memory_space<vmem>>
      %dma_wait3A_637 = tpu.memref_squeeze %dma_wait3A_636 : memref<1x64x128xf32, #tpu.memory_space<vmem>> -> memref<64x128xf32, #tpu.memory_space<vmem>>
      %dma_wait3A_638 = arith.constant 0 : i32
      %dma_wait3A_639 = tpu.memref_slice %arg7[%dma_wait3A_632, %dma_wait3A_638] : memref<40x64xi32, #tpu.memory_space<vmem>> -> memref<1x64xi32, #tpu.memory_space<vmem>>
      %dma_wait3A_640 = tpu.memref_squeeze %dma_wait3A_639 : memref<1x64xi32, #tpu.memory_space<vmem>> -> memref<64xi32, #tpu.memory_space<vmem>>
      %dma_wait3A_641 = arith.constant 0 : i32
      %dma_wait3A_642 = arith.constant 0 : i32
      %dma_wait3A_643 = tpu.memref_slice %arg4[%dma_wait3A_641, %dma_wait3A_642] : memref<10000x128xf32, #tpu.memory_space<hbm>> -> memref<10000x128xf32, #tpu.memory_space<hbm>>
      tpu.wait_indirect_dma semaphore(%arg14 : memref<!tpu.dma_semaphore, #tpu.memory_space<semaphore_mem>>) src(%dma_wait3A_643 : memref<10000x128xf32, #tpu.memory_space<hbm>>) dst(%dma_wait3A_637 : memref<64x128xf32, #tpu.memory_space<vmem>>)
      %mul3A_644 = arith.constant 320 : i32
      %mul3A_645 = arith.muli %arg1, %mul3A_644 : i32
      %add3A_646 = arith.constant 240 : i32
      %add3A_647 = arith.addi %mul3A_645, %add3A_646 : i32
      "tpu.region"() ({
        %run_scoped3A = tpu.sem_alloc : memref<!tpu.dma_semaphore, #tpu.memory_space<semaphore_mem>>
        %dma_start3A_856 = arith.constant 0 : i32
        %dma_start3A_857 = tpu.memref_slice %arg2[%add3A_647, %dma_start3A_856] : memref<5120x64xi32, #tpu.memory_space<hbm>> -> memref<40x64xi32, #tpu.memory_space<hbm>>
        %dma_start3A_858 = arith.constant 0 : i32
        %dma_start3A_859 = tpu.memref_slice %arg2[%add3A_647, %dma_start3A_858] : memref<5120x64xi32, #tpu.memory_space<hbm>> -> memref<40x64xi32, #tpu.memory_space<hbm>>
        tpu.enqueue_dma source(%dma_start3A_859 : memref<40x64xi32, #tpu.memory_space<hbm>>) target(%arg7 : memref<40x64xi32, #tpu.memory_space<vmem>>) target_semaphore(%run_scoped3A : memref<!tpu.dma_semaphore, #tpu.memory_space<semaphore_mem>>)
        %dma_wait3A_860 = arith.constant 0 : i32
        %dma_wait3A_861 = tpu.memref_slice %arg2[%add3A_647, %dma_wait3A_860] : memref<5120x64xi32, #tpu.memory_space<hbm>> -> memref<40x64xi32, #tpu.memory_space<hbm>>
        %dma_wait3A_862 = arith.constant 0 : i32
        %dma_wait3A_863 = tpu.memref_slice %arg2[%add3A_647, %dma_wait3A_862] : memref<5120x64xi32, #tpu.memory_space<hbm>> -> memref<40x64xi32, #tpu.memory_space<hbm>>
        tpu.wait_dma2 semaphore(%run_scoped3A : memref<!tpu.dma_semaphore, #tpu.memory_space<semaphore_mem>>) src(%dma_wait3A_863 : memref<40x64xi32, #tpu.memory_space<hbm>>) dst(%arg7 : memref<40x64xi32, #tpu.memory_space<vmem>>)
        tpu.yield
      }) : () -> ()
      "tpu.region"() ({
        %run_scoped3A = tpu.sem_alloc : memref<!tpu.dma_semaphore, #tpu.memory_space<semaphore_mem>>
        %dma_start3A_856 = arith.constant 0 : i32
        %dma_start3A_857 = tpu.memref_slice %arg3[%add3A_647, %dma_start3A_856] : memref<5120x64xi32, #tpu.memory_space<hbm>> -> memref<40x64xi32, #tpu.memory_space<hbm>>
        %dma_start3A_858 = arith.constant 0 : i32
        %dma_start3A_859 = tpu.memref_slice %arg3[%add3A_647, %dma_start3A_858] : memref<5120x64xi32, #tpu.memory_space<hbm>> -> memref<40x64xi32, #tpu.memory_space<hbm>>
        tpu.enqueue_dma source(%dma_start3A_859 : memref<40x64xi32, #tpu.memory_space<hbm>>) target(%arg8 : memref<40x64xi32, #tpu.memory_space<vmem>>) target_semaphore(%run_scoped3A : memref<!tpu.dma_semaphore, #tpu.memory_space<semaphore_mem>>)
        %dma_wait3A_860 = arith.constant 0 : i32
        %dma_wait3A_861 = tpu.memref_slice %arg3[%add3A_647, %dma_wait3A_860] : memref<5120x64xi32, #tpu.memory_space<hbm>> -> memref<40x64xi32, #tpu.memory_space<hbm>>
        %dma_wait3A_862 = arith.constant 0 : i32
        %dma_wait3A_863 = tpu.memref_slice %arg3[%add3A_647, %dma_wait3A_862] : memref<5120x64xi32, #tpu.memory_space<hbm>> -> memref<40x64xi32, #tpu.memory_space<hbm>>
        tpu.wait_dma2 semaphore(%run_scoped3A : memref<!tpu.dma_semaphore, #tpu.memory_space<semaphore_mem>>) src(%dma_wait3A_863 : memref<40x64xi32, #tpu.memory_space<hbm>>) dst(%arg8 : memref<40x64xi32, #tpu.memory_space<vmem>>)
        tpu.yield
      }) : () -> ()
      %dma_start3A_648 = arith.constant 0 : i32
      %dma_start3A_649 = arith.constant 0 : i32
      %dma_start3A_650 = arith.constant 0 : i32
      %dma_start3A_651 = arith.constant 0 : i32
      %dma_start3A_652 = tpu.memref_slice %arg9[%dma_start3A_649, %dma_start3A_650, %dma_start3A_651] : memref<4x64x128xf32, #tpu.memory_space<vmem>> -> memref<1x64x128xf32, #tpu.memory_space<vmem>>
      %dma_start3A_653 = tpu.memref_squeeze %dma_start3A_652 : memref<1x64x128xf32, #tpu.memory_space<vmem>> -> memref<64x128xf32, #tpu.memory_space<vmem>>
      %dma_start3A_654 = arith.constant 0 : i32
      %dma_start3A_655 = tpu.memref_slice %arg7[%dma_start3A_648, %dma_start3A_654] : memref<40x64xi32, #tpu.memory_space<vmem>> -> memref<1x64xi32, #tpu.memory_space<vmem>>
      %dma_start3A_656 = tpu.memref_squeeze %dma_start3A_655 : memref<1x64xi32, #tpu.memory_space<vmem>> -> memref<64xi32, #tpu.memory_space<vmem>>
      %dma_start3A_657 = arith.constant 0 : i32
      %dma_start3A_658 = arith.constant 0 : i32
      %dma_start3A_659 = tpu.memref_slice %arg4[%dma_start3A_657, %dma_start3A_658] : memref<10000x128xf32, #tpu.memory_space<hbm>> -> memref<10000x128xf32, #tpu.memory_space<hbm>>
      tpu.enqueue_indirect_dma source(%dma_start3A_659 : memref<10000x128xf32, #tpu.memory_space<hbm>>) target(%dma_start3A_653 : memref<64x128xf32, #tpu.memory_space<vmem>>) offsets(%dma_start3A_656 : memref<64xi32, #tpu.memory_space<vmem>>) semaphore(%arg11 : memref<!tpu.dma_semaphore, #tpu.memory_space<semaphore_mem>>)
      %dma_start3A_660 = arith.constant 1 : i32
      %dma_start3A_661 = arith.constant 1 : i32
      %dma_start3A_662 = arith.constant 0 : i32
      %dma_start3A_663 = arith.constant 0 : i32
      %dma_start3A_664 = tpu.memref_slice %arg9[%dma_start3A_661, %dma_start3A_662, %dma_start3A_663] : memref<4x64x128xf32, #tpu.memory_space<vmem>> -> memref<1x64x128xf32, #tpu.memory_space<vmem>>
      %dma_start3A_665 = tpu.memref_squeeze %dma_start3A_664 : memref<1x64x128xf32, #tpu.memory_space<vmem>> -> memref<64x128xf32, #tpu.memory_space<vmem>>
      %dma_start3A_666 = arith.constant 0 : i32
      %dma_start3A_667 = tpu.memref_slice %arg7[%dma_start3A_660, %dma_start3A_666] : memref<40x64xi32, #tpu.memory_space<vmem>> -> memref<1x64xi32, #tpu.memory_space<vmem>>
      %dma_start3A_668 = tpu.memref_squeeze %dma_start3A_667 : memref<1x64xi32, #tpu.memory_space<vmem>> -> memref<64xi32, #tpu.memory_space<vmem>>
      %dma_start3A_669 = arith.constant 0 : i32
      %dma_start3A_670 = arith.constant 0 : i32
      %dma_start3A_671 = tpu.memref_slice %arg4[%dma_start3A_669, %dma_start3A_670] : memref<10000x128xf32, #tpu.memory_space<hbm>> -> memref<10000x128xf32, #tpu.memory_space<hbm>>
      tpu.enqueue_indirect_dma source(%dma_start3A_671 : memref<10000x128xf32, #tpu.memory_space<hbm>>) target(%dma_start3A_665 : memref<64x128xf32, #tpu.memory_space<vmem>>) offsets(%dma_start3A_668 : memref<64xi32, #tpu.memory_space<vmem>>) semaphore(%arg12 : memref<!tpu.dma_semaphore, #tpu.memory_space<semaphore_mem>>)
      %dma_start3A_672 = arith.constant 2 : i32
      %dma_start3A_673 = arith.constant 2 : i32
      %dma_start3A_674 = arith.constant 0 : i32
      %dma_start3A_675 = arith.constant 0 : i32
      %dma_start3A_676 = tpu.memref_slice %arg9[%dma_start3A_673, %dma_start3A_674, %dma_start3A_675] : memref<4x64x128xf32, #tpu.memory_space<vmem>> -> memref<1x64x128xf32, #tpu.memory_space<vmem>>
      %dma_start3A_677 = tpu.memref_squeeze %dma_start3A_676 : memref<1x64x128xf32, #tpu.memory_space<vmem>> -> memref<64x128xf32, #tpu.memory_space<vmem>>
      %dma_start3A_678 = arith.constant 0 : i32
      %dma_start3A_679 = tpu.memref_slice %arg7[%dma_start3A_672, %dma_start3A_678] : memref<40x64xi32, #tpu.memory_space<vmem>> -> memref<1x64xi32, #tpu.memory_space<vmem>>
      %dma_start3A_680 = tpu.memref_squeeze %dma_start3A_679 : memref<1x64xi32, #tpu.memory_space<vmem>> -> memref<64xi32, #tpu.memory_space<vmem>>
      %dma_start3A_681 = arith.constant 0 : i32
      %dma_start3A_682 = arith.constant 0 : i32
      %dma_start3A_683 = tpu.memref_slice %arg4[%dma_start3A_681, %dma_start3A_682] : memref<10000x128xf32, #tpu.memory_space<hbm>> -> memref<10000x128xf32, #tpu.memory_space<hbm>>
      tpu.enqueue_indirect_dma source(%dma_start3A_683 : memref<10000x128xf32, #tpu.memory_space<hbm>>) target(%dma_start3A_677 : memref<64x128xf32, #tpu.memory_space<vmem>>) offsets(%dma_start3A_680 : memref<64xi32, #tpu.memory_space<vmem>>) semaphore(%arg13 : memref<!tpu.dma_semaphore, #tpu.memory_space<semaphore_mem>>)
      %dma_start3A_684 = arith.constant 3 : i32
      %dma_start3A_685 = arith.constant 3 : i32
      %dma_start3A_686 = arith.constant 0 : i32
      %dma_start3A_687 = arith.constant 0 : i32
      %dma_start3A_688 = tpu.memref_slice %arg9[%dma_start3A_685, %dma_start3A_686, %dma_start3A_687] : memref<4x64x128xf32, #tpu.memory_space<vmem>> -> memref<1x64x128xf32, #tpu.memory_space<vmem>>
      %dma_start3A_689 = tpu.memref_squeeze %dma_start3A_688 : memref<1x64x128xf32, #tpu.memory_space<vmem>> -> memref<64x128xf32, #tpu.memory_space<vmem>>
      %dma_start3A_690 = arith.constant 0 : i32
      %dma_start3A_691 = tpu.memref_slice %arg7[%dma_start3A_684, %dma_start3A_690] : memref<40x64xi32, #tpu.memory_space<vmem>> -> memref<1x64xi32, #tpu.memory_space<vmem>>
      %dma_start3A_692 = tpu.memref_squeeze %dma_start3A_691 : memref<1x64xi32, #tpu.memory_space<vmem>> -> memref<64xi32, #tpu.memory_space<vmem>>
      %dma_start3A_693 = arith.constant 0 : i32
      %dma_start3A_694 = arith.constant 0 : i32
      %dma_start3A_695 = tpu.memref_slice %arg4[%dma_start3A_693, %dma_start3A_694] : memref<10000x128xf32, #tpu.memory_space<hbm>> -> memref<10000x128xf32, #tpu.memory_space<hbm>>
      tpu.enqueue_indirect_dma source(%dma_start3A_695 : memref<10000x128xf32, #tpu.memory_space<hbm>>) target(%dma_start3A_689 : memref<64x128xf32, #tpu.memory_space<vmem>>) offsets(%dma_start3A_692 : memref<64xi32, #tpu.memory_space<vmem>>) semaphore(%arg14 : memref<!tpu.dma_semaphore, #tpu.memory_space<semaphore_mem>>)
      %scan3A_696 = arith.constant 0 : i32
      %scan3A_697 = arith.constant 0 : i32
      %scan3A_698 = arith.constant 10 : i32
      %scan3A_699 = arith.addi %scan3A_697, %scan3A_698 : i32
      %scan3A_700 = arith.constant 1 : i32
      scf.for %scan3A_856 = %scan3A_697 to %scan3A_699 step %scan3A_700  : i32 {
        %mul3A_857 = arith.constant 4 : i32
        %mul3A_858 = arith.muli %mul3A_857, %scan3A_856 : i32
        %dma_wait3A_859 = arith.constant 0 : i32
        %dma_wait3A_860 = arith.constant 0 : i32
        %dma_wait3A_861 = arith.constant 0 : i32
        %dma_wait3A_862 = arith.constant 0 : i32
        %dma_wait3A_863 = tpu.memref_slice %arg9[%dma_wait3A_860, %dma_wait3A_861, %dma_wait3A_862] : memref<4x64x128xf32, #tpu.memory_space<vmem>> -> memref<1x64x128xf32, #tpu.memory_space<vmem>>
        %dma_wait3A_864 = tpu.memref_squeeze %dma_wait3A_863 : memref<1x64x128xf32, #tpu.memory_space<vmem>> -> memref<64x128xf32, #tpu.memory_space<vmem>>
        %dma_wait3A_865 = arith.constant 0 : i32
        %dma_wait3A_866 = tpu.memref_slice %arg7[%dma_wait3A_859, %dma_wait3A_865] : memref<40x64xi32, #tpu.memory_space<vmem>> -> memref<1x64xi32, #tpu.memory_space<vmem>>
        %dma_wait3A_867 = tpu.memref_squeeze %dma_wait3A_866 : memref<1x64xi32, #tpu.memory_space<vmem>> -> memref<64xi32, #tpu.memory_space<vmem>>
        %dma_wait3A_868 = arith.constant 0 : i32
        %dma_wait3A_869 = arith.constant 0 : i32
        %dma_wait3A_870 = tpu.memref_slice %arg4[%dma_wait3A_868, %dma_wait3A_869] : memref<10000x128xf32, #tpu.memory_space<hbm>> -> memref<10000x128xf32, #tpu.memory_space<hbm>>
        tpu.wait_indirect_dma semaphore(%arg11 : memref<!tpu.dma_semaphore, #tpu.memory_space<semaphore_mem>>) src(%dma_wait3A_870 : memref<10000x128xf32, #tpu.memory_space<hbm>>) dst(%dma_wait3A_864 : memref<64x128xf32, #tpu.memory_space<vmem>>)
        %add3A_871 = arith.constant 0 : i32
        %add3A_872 = arith.addi %mul3A_858, %add3A_871 : i32
        %run_scoped3A = arith.constant 0 : i32
        "tpu.region"() ({
          %run_scoped3A_985 = tpu.sem_alloc : memref<!tpu.dma_semaphore, #tpu.memory_space<semaphore_mem>>
          %dma_start3A_986 = arith.constant 0 : i32
          %dma_start3A_987 = arith.constant 0 : i32
          %dma_start3A_988 = tpu.memref_slice %arg9[%run_scoped3A, %dma_start3A_986, %dma_start3A_987] : memref<4x64x128xf32, #tpu.memory_space<vmem>> -> memref<1x64x128xf32, #tpu.memory_space<vmem>>
          %dma_start3A_989 = tpu.memref_squeeze %dma_start3A_988 : memref<1x64x128xf32, #tpu.memory_space<vmem>> -> memref<64x128xf32, #tpu.memory_space<vmem>>
          %dma_start3A_990 = arith.constant 0 : i32
          %dma_start3A_991 = tpu.memref_slice %arg8[%add3A_872, %dma_start3A_990] : memref<40x64xi32, #tpu.memory_space<vmem>> -> memref<1x64xi32, #tpu.memory_space<vmem>>
          %dma_start3A_992 = tpu.memref_squeeze %dma_start3A_991 : memref<1x64xi32, #tpu.memory_space<vmem>> -> memref<64xi32, #tpu.memory_space<vmem>>
          %dma_start3A_993 = arith.constant 0 : i32
          %dma_start3A_994 = arith.constant 0 : i32
          %dma_start3A_995 = tpu.memref_slice %arg10[%dma_start3A_993, %dma_start3A_994] : memref<10240x128xf32, #tpu.memory_space<vmem_shared>> -> memref<10240x128xf32, #tpu.memory_space<vmem_shared>>
          tpu.enqueue_indirect_dma source(%dma_start3A_989 : memref<64x128xf32, #tpu.memory_space<vmem>>) target(%dma_start3A_995 : memref<10240x128xf32, #tpu.memory_space<vmem_shared>>) offsets(%dma_start3A_992 : memref<64xi32, #tpu.memory_space<vmem>>) semaphore(%run_scoped3A_985 : memref<!tpu.dma_semaphore, #tpu.memory_space<semaphore_mem>>) {add = true}
          %dma_wait3A_996 = arith.constant 0 : i32
          %dma_wait3A_997 = arith.constant 0 : i32
          %dma_wait3A_998 = tpu.memref_slice %arg9[%run_scoped3A, %dma_wait3A_996, %dma_wait3A_997] : memref<4x64x128xf32, #tpu.memory_space<vmem>> -> memref<1x64x128xf32, #tpu.memory_space<vmem>>
          %dma_wait3A_999 = tpu.memref_squeeze %dma_wait3A_998 : memref<1x64x128xf32, #tpu.memory_space<vmem>> -> memref<64x128xf32, #tpu.memory_space<vmem>>
          %dma_wait3A_1000 = arith.constant 0 : i32
          %dma_wait3A_1001 = tpu.memref_slice %arg8[%add3A_872, %dma_wait3A_1000] : memref<40x64xi32, #tpu.memory_space<vmem>> -> memref<1x64xi32, #tpu.memory_space<vmem>>
          %dma_wait3A_1002 = tpu.memref_squeeze %dma_wait3A_1001 : memref<1x64xi32, #tpu.memory_space<vmem>> -> memref<64xi32, #tpu.memory_space<vmem>>
          %dma_wait3A_1003 = arith.constant 0 : i32
          %dma_wait3A_1004 = arith.constant 0 : i32
          %dma_wait3A_1005 = tpu.memref_slice %arg10[%dma_wait3A_1003, %dma_wait3A_1004] : memref<10240x128xf32, #tpu.memory_space<vmem_shared>> -> memref<10240x128xf32, #tpu.memory_space<vmem_shared>>
          tpu.wait_indirect_dma semaphore(%run_scoped3A_985 : memref<!tpu.dma_semaphore, #tpu.memory_space<semaphore_mem>>) src(%dma_wait3A_999 : memref<64x128xf32, #tpu.memory_space<vmem>>) dst(%dma_wait3A_1005 : memref<10240x128xf32, #tpu.memory_space<vmem_shared>>)
          tpu.yield
        }) : () -> ()
        %add3A_873 = arith.constant 4 : i32
        %add3A_874 = arith.addi %mul3A_858, %add3A_873 : i32
        %add3A_875 = arith.constant 0 : i32
        %add3A_876 = arith.addi %add3A_874, %add3A_875 : i32
        %min3A = arith.constant 39 : i32
        %min3A_877 = arith.minsi %add3A_876, %min3A : i32
        %dma_start3A_878 = arith.constant 0 : i32
        %dma_start3A_879 = arith.constant 0 : i32
        %dma_start3A_880 = arith.constant 0 : i32
        %dma_start3A_881 = tpu.memref_slice %arg9[%dma_start3A_878, %dma_start3A_879, %dma_start3A_880] : memref<4x64x128xf32, #tpu.memory_space<vmem>> -> memref<1x64x128xf32, #tpu.memory_space<vmem>>
        %dma_start3A_882 = tpu.memref_squeeze %dma_start3A_881 : memref<1x64x128xf32, #tpu.memory_space<vmem>> -> memref<64x128xf32, #tpu.memory_space<vmem>>
        %dma_start3A_883 = arith.constant 0 : i32
        %dma_start3A_884 = tpu.memref_slice %arg7[%min3A_877, %dma_start3A_883] : memref<40x64xi32, #tpu.memory_space<vmem>> -> memref<1x64xi32, #tpu.memory_space<vmem>>
        %dma_start3A_885 = tpu.memref_squeeze %dma_start3A_884 : memref<1x64xi32, #tpu.memory_space<vmem>> -> memref<64xi32, #tpu.memory_space<vmem>>
        %dma_start3A_886 = arith.constant 0 : i32
        %dma_start3A_887 = arith.constant 0 : i32
        %dma_start3A_888 = tpu.memref_slice %arg4[%dma_start3A_886, %dma_start3A_887] : memref<10000x128xf32, #tpu.memory_space<hbm>> -> memref<10000x128xf32, #tpu.memory_space<hbm>>
        tpu.enqueue_indirect_dma source(%dma_start3A_888 : memref<10000x128xf32, #tpu.memory_space<hbm>>) target(%dma_start3A_882 : memref<64x128xf32, #tpu.memory_space<vmem>>) offsets(%dma_start3A_885 : memref<64xi32, #tpu.memory_space<vmem>>) semaphore(%arg11 : memref<!tpu.dma_semaphore, #tpu.memory_space<semaphore_mem>>)
        %dma_wait3A_889 = arith.constant 0 : i32
        %dma_wait3A_890 = arith.constant 1 : i32
        %dma_wait3A_891 = arith.constant 0 : i32
        %dma_wait3A_892 = arith.constant 0 : i32
        %dma_wait3A_893 = tpu.memref_slice %arg9[%dma_wait3A_890, %dma_wait3A_891, %dma_wait3A_892] : memref<4x64x128xf32, #tpu.memory_space<vmem>> -> memref<1x64x128xf32, #tpu.memory_space<vmem>>
        %dma_wait3A_894 = tpu.memref_squeeze %dma_wait3A_893 : memref<1x64x128xf32, #tpu.memory_space<vmem>> -> memref<64x128xf32, #tpu.memory_space<vmem>>
        %dma_wait3A_895 = arith.constant 0 : i32
        %dma_wait3A_896 = tpu.memref_slice %arg7[%dma_wait3A_889, %dma_wait3A_895] : memref<40x64xi32, #tpu.memory_space<vmem>> -> memref<1x64xi32, #tpu.memory_space<vmem>>
        %dma_wait3A_897 = tpu.memref_squeeze %dma_wait3A_896 : memref<1x64xi32, #tpu.memory_space<vmem>> -> memref<64xi32, #tpu.memory_space<vmem>>
        %dma_wait3A_898 = arith.constant 0 : i32
        %dma_wait3A_899 = arith.constant 0 : i32
        %dma_wait3A_900 = tpu.memref_slice %arg4[%dma_wait3A_898, %dma_wait3A_899] : memref<10000x128xf32, #tpu.memory_space<hbm>> -> memref<10000x128xf32, #tpu.memory_space<hbm>>
        tpu.wait_indirect_dma semaphore(%arg12 : memref<!tpu.dma_semaphore, #tpu.memory_space<semaphore_mem>>) src(%dma_wait3A_900 : memref<10000x128xf32, #tpu.memory_space<hbm>>) dst(%dma_wait3A_894 : memref<64x128xf32, #tpu.memory_space<vmem>>)
        %add3A_901 = arith.constant 1 : i32
        %add3A_902 = arith.addi %mul3A_858, %add3A_901 : i32
        %run_scoped3A_903 = arith.constant 1 : i32
        "tpu.region"() ({
          %run_scoped3A_985 = tpu.sem_alloc : memref<!tpu.dma_semaphore, #tpu.memory_space<semaphore_mem>>
          %dma_start3A_986 = arith.constant 0 : i32
          %dma_start3A_987 = arith.constant 0 : i32
          %dma_start3A_988 = tpu.memref_slice %arg9[%run_scoped3A_903, %dma_start3A_986, %dma_start3A_987] : memref<4x64x128xf32, #tpu.memory_space<vmem>> -> memref<1x64x128xf32, #tpu.memory_space<vmem>>
          %dma_start3A_989 = tpu.memref_squeeze %dma_start3A_988 : memref<1x64x128xf32, #tpu.memory_space<vmem>> -> memref<64x128xf32, #tpu.memory_space<vmem>>
          %dma_start3A_990 = arith.constant 0 : i32
          %dma_start3A_991 = tpu.memref_slice %arg8[%add3A_902, %dma_start3A_990] : memref<40x64xi32, #tpu.memory_space<vmem>> -> memref<1x64xi32, #tpu.memory_space<vmem>>
          %dma_start3A_992 = tpu.memref_squeeze %dma_start3A_991 : memref<1x64xi32, #tpu.memory_space<vmem>> -> memref<64xi32, #tpu.memory_space<vmem>>
          %dma_start3A_993 = arith.constant 0 : i32
          %dma_start3A_994 = arith.constant 0 : i32
          %dma_start3A_995 = tpu.memref_slice %arg10[%dma_start3A_993, %dma_start3A_994] : memref<10240x128xf32, #tpu.memory_space<vmem_shared>> -> memref<10240x128xf32, #tpu.memory_space<vmem_shared>>
          tpu.enqueue_indirect_dma source(%dma_start3A_989 : memref<64x128xf32, #tpu.memory_space<vmem>>) target(%dma_start3A_995 : memref<10240x128xf32, #tpu.memory_space<vmem_shared>>) offsets(%dma_start3A_992 : memref<64xi32, #tpu.memory_space<vmem>>) semaphore(%run_scoped3A_985 : memref<!tpu.dma_semaphore, #tpu.memory_space<semaphore_mem>>) {add = true}
          %dma_wait3A_996 = arith.constant 0 : i32
          %dma_wait3A_997 = arith.constant 0 : i32
          %dma_wait3A_998 = tpu.memref_slice %arg9[%run_scoped3A_903, %dma_wait3A_996, %dma_wait3A_997] : memref<4x64x128xf32, #tpu.memory_space<vmem>> -> memref<1x64x128xf32, #tpu.memory_space<vmem>>
          %dma_wait3A_999 = tpu.memref_squeeze %dma_wait3A_998 : memref<1x64x128xf32, #tpu.memory_space<vmem>> -> memref<64x128xf32, #tpu.memory_space<vmem>>
          %dma_wait3A_1000 = arith.constant 0 : i32
          %dma_wait3A_1001 = tpu.memref_slice %arg8[%add3A_902, %dma_wait3A_1000] : memref<40x64xi32, #tpu.memory_space<vmem>> -> memref<1x64xi32, #tpu.memory_space<vmem>>
          %dma_wait3A_1002 = tpu.memref_squeeze %dma_wait3A_1001 : memref<1x64xi32, #tpu.memory_space<vmem>> -> memref<64xi32, #tpu.memory_space<vmem>>
          %dma_wait3A_1003 = arith.constant 0 : i32
          %dma_wait3A_1004 = arith.constant 0 : i32
          %dma_wait3A_1005 = tpu.memref_slice %arg10[%dma_wait3A_1003, %dma_wait3A_1004] : memref<10240x128xf32, #tpu.memory_space<vmem_shared>> -> memref<10240x128xf32, #tpu.memory_space<vmem_shared>>
          tpu.wait_indirect_dma semaphore(%run_scoped3A_985 : memref<!tpu.dma_semaphore, #tpu.memory_space<semaphore_mem>>) src(%dma_wait3A_999 : memref<64x128xf32, #tpu.memory_space<vmem>>) dst(%dma_wait3A_1005 : memref<10240x128xf32, #tpu.memory_space<vmem_shared>>)
          tpu.yield
        }) : () -> ()
        %add3A_904 = arith.constant 4 : i32
        %add3A_905 = arith.addi %mul3A_858, %add3A_904 : i32
        %add3A_906 = arith.constant 1 : i32
        %add3A_907 = arith.addi %add3A_905, %add3A_906 : i32
        %min3A_908 = arith.constant 39 : i32
        %min3A_909 = arith.minsi %add3A_907, %min3A_908 : i32
        %dma_start3A_910 = arith.constant 1 : i32
        %dma_start3A_911 = arith.constant 0 : i32
        %dma_start3A_912 = arith.constant 0 : i32
        %dma_start3A_913 = tpu.memref_slice %arg9[%dma_start3A_910, %dma_start3A_911, %dma_start3A_912] : memref<4x64x128xf32, #tpu.memory_space<vmem>> -> memref<1x64x128xf32, #tpu.memory_space<vmem>>
        %dma_start3A_914 = tpu.memref_squeeze %dma_start3A_913 : memref<1x64x128xf32, #tpu.memory_space<vmem>> -> memref<64x128xf32, #tpu.memory_space<vmem>>
        %dma_start3A_915 = arith.constant 0 : i32
        %dma_start3A_916 = tpu.memref_slice %arg7[%min3A_909, %dma_start3A_915] : memref<40x64xi32, #tpu.memory_space<vmem>> -> memref<1x64xi32, #tpu.memory_space<vmem>>
        %dma_start3A_917 = tpu.memref_squeeze %dma_start3A_916 : memref<1x64xi32, #tpu.memory_space<vmem>> -> memref<64xi32, #tpu.memory_space<vmem>>
        %dma_start3A_918 = arith.constant 0 : i32
        %dma_start3A_919 = arith.constant 0 : i32
        %dma_start3A_920 = tpu.memref_slice %arg4[%dma_start3A_918, %dma_start3A_919] : memref<10000x128xf32, #tpu.memory_space<hbm>> -> memref<10000x128xf32, #tpu.memory_space<hbm>>
        tpu.enqueue_indirect_dma source(%dma_start3A_920 : memref<10000x128xf32, #tpu.memory_space<hbm>>) target(%dma_start3A_914 : memref<64x128xf32, #tpu.memory_space<vmem>>) offsets(%dma_start3A_917 : memref<64xi32, #tpu.memory_space<vmem>>) semaphore(%arg12 : memref<!tpu.dma_semaphore, #tpu.memory_space<semaphore_mem>>)
        %dma_wait3A_921 = arith.constant 0 : i32
        %dma_wait3A_922 = arith.constant 2 : i32
        %dma_wait3A_923 = arith.constant 0 : i32
        %dma_wait3A_924 = arith.constant 0 : i32
        %dma_wait3A_925 = tpu.memref_slice %arg9[%dma_wait3A_922, %dma_wait3A_923, %dma_wait3A_924] : memref<4x64x128xf32, #tpu.memory_space<vmem>> -> memref<1x64x128xf32, #tpu.memory_space<vmem>>
        %dma_wait3A_926 = tpu.memref_squeeze %dma_wait3A_925 : memref<1x64x128xf32, #tpu.memory_space<vmem>> -> memref<64x128xf32, #tpu.memory_space<vmem>>
        %dma_wait3A_927 = arith.constant 0 : i32
        %dma_wait3A_928 = tpu.memref_slice %arg7[%dma_wait3A_921, %dma_wait3A_927] : memref<40x64xi32, #tpu.memory_space<vmem>> -> memref<1x64xi32, #tpu.memory_space<vmem>>
        %dma_wait3A_929 = tpu.memref_squeeze %dma_wait3A_928 : memref<1x64xi32, #tpu.memory_space<vmem>> -> memref<64xi32, #tpu.memory_space<vmem>>
        %dma_wait3A_930 = arith.constant 0 : i32
        %dma_wait3A_931 = arith.constant 0 : i32
        %dma_wait3A_932 = tpu.memref_slice %arg4[%dma_wait3A_930, %dma_wait3A_931] : memref<10000x128xf32, #tpu.memory_space<hbm>> -> memref<10000x128xf32, #tpu.memory_space<hbm>>
        tpu.wait_indirect_dma semaphore(%arg13 : memref<!tpu.dma_semaphore, #tpu.memory_space<semaphore_mem>>) src(%dma_wait3A_932 : memref<10000x128xf32, #tpu.memory_space<hbm>>) dst(%dma_wait3A_926 : memref<64x128xf32, #tpu.memory_space<vmem>>)
        %add3A_933 = arith.constant 2 : i32
        %add3A_934 = arith.addi %mul3A_858, %add3A_933 : i32
        %run_scoped3A_935 = arith.constant 2 : i32
        "tpu.region"() ({
          %run_scoped3A_985 = tpu.sem_alloc : memref<!tpu.dma_semaphore, #tpu.memory_space<semaphore_mem>>
          %dma_start3A_986 = arith.constant 0 : i32
          %dma_start3A_987 = arith.constant 0 : i32
          %dma_start3A_988 = tpu.memref_slice %arg9[%run_scoped3A_935, %dma_start3A_986, %dma_start3A_987] : memref<4x64x128xf32, #tpu.memory_space<vmem>> -> memref<1x64x128xf32, #tpu.memory_space<vmem>>
          %dma_start3A_989 = tpu.memref_squeeze %dma_start3A_988 : memref<1x64x128xf32, #tpu.memory_space<vmem>> -> memref<64x128xf32, #tpu.memory_space<vmem>>
          %dma_start3A_990 = arith.constant 0 : i32
          %dma_start3A_991 = tpu.memref_slice %arg8[%add3A_934, %dma_start3A_990] : memref<40x64xi32, #tpu.memory_space<vmem>> -> memref<1x64xi32, #tpu.memory_space<vmem>>
          %dma_start3A_992 = tpu.memref_squeeze %dma_start3A_991 : memref<1x64xi32, #tpu.memory_space<vmem>> -> memref<64xi32, #tpu.memory_space<vmem>>
          %dma_start3A_993 = arith.constant 0 : i32
          %dma_start3A_994 = arith.constant 0 : i32
          %dma_start3A_995 = tpu.memref_slice %arg10[%dma_start3A_993, %dma_start3A_994] : memref<10240x128xf32, #tpu.memory_space<vmem_shared>> -> memref<10240x128xf32, #tpu.memory_space<vmem_shared>>
          tpu.enqueue_indirect_dma source(%dma_start3A_989 : memref<64x128xf32, #tpu.memory_space<vmem>>) target(%dma_start3A_995 : memref<10240x128xf32, #tpu.memory_space<vmem_shared>>) offsets(%dma_start3A_992 : memref<64xi32, #tpu.memory_space<vmem>>) semaphore(%run_scoped3A_985 : memref<!tpu.dma_semaphore, #tpu.memory_space<semaphore_mem>>) {add = true}
          %dma_wait3A_996 = arith.constant 0 : i32
          %dma_wait3A_997 = arith.constant 0 : i32
          %dma_wait3A_998 = tpu.memref_slice %arg9[%run_scoped3A_935, %dma_wait3A_996, %dma_wait3A_997] : memref<4x64x128xf32, #tpu.memory_space<vmem>> -> memref<1x64x128xf32, #tpu.memory_space<vmem>>
          %dma_wait3A_999 = tpu.memref_squeeze %dma_wait3A_998 : memref<1x64x128xf32, #tpu.memory_space<vmem>> -> memref<64x128xf32, #tpu.memory_space<vmem>>
          %dma_wait3A_1000 = arith.constant 0 : i32
          %dma_wait3A_1001 = tpu.memref_slice %arg8[%add3A_934, %dma_wait3A_1000] : memref<40x64xi32, #tpu.memory_space<vmem>> -> memref<1x64xi32, #tpu.memory_space<vmem>>
          %dma_wait3A_1002 = tpu.memref_squeeze %dma_wait3A_1001 : memref<1x64xi32, #tpu.memory_space<vmem>> -> memref<64xi32, #tpu.memory_space<vmem>>
          %dma_wait3A_1003 = arith.constant 0 : i32
          %dma_wait3A_1004 = arith.constant 0 : i32
          %dma_wait3A_1005 = tpu.memref_slice %arg10[%dma_wait3A_1003, %dma_wait3A_1004] : memref<10240x128xf32, #tpu.memory_space<vmem_shared>> -> memref<10240x128xf32, #tpu.memory_space<vmem_shared>>
          tpu.wait_indirect_dma semaphore(%run_scoped3A_985 : memref<!tpu.dma_semaphore, #tpu.memory_space<semaphore_mem>>) src(%dma_wait3A_999 : memref<64x128xf32, #tpu.memory_space<vmem>>) dst(%dma_wait3A_1005 : memref<10240x128xf32, #tpu.memory_space<vmem_shared>>)
          tpu.yield
        }) : () -> ()
        %add3A_936 = arith.constant 4 : i32
        %add3A_937 = arith.addi %mul3A_858, %add3A_936 : i32
        %add3A_938 = arith.constant 2 : i32
        %add3A_939 = arith.addi %add3A_937, %add3A_938 : i32
        %min3A_940 = arith.constant 39 : i32
        %min3A_941 = arith.minsi %add3A_939, %min3A_940 : i32
        %dma_start3A_942 = arith.constant 2 : i32
        %dma_start3A_943 = arith.constant 0 : i32
        %dma_start3A_944 = arith.constant 0 : i32
        %dma_start3A_945 = tpu.memref_slice %arg9[%dma_start3A_942, %dma_start3A_943, %dma_start3A_944] : memref<4x64x128xf32, #tpu.memory_space<vmem>> -> memref<1x64x128xf32, #tpu.memory_space<vmem>>
        %dma_start3A_946 = tpu.memref_squeeze %dma_start3A_945 : memref<1x64x128xf32, #tpu.memory_space<vmem>> -> memref<64x128xf32, #tpu.memory_space<vmem>>
        %dma_start3A_947 = arith.constant 0 : i32
        %dma_start3A_948 = tpu.memref_slice %arg7[%min3A_941, %dma_start3A_947] : memref<40x64xi32, #tpu.memory_space<vmem>> -> memref<1x64xi32, #tpu.memory_space<vmem>>
        %dma_start3A_949 = tpu.memref_squeeze %dma_start3A_948 : memref<1x64xi32, #tpu.memory_space<vmem>> -> memref<64xi32, #tpu.memory_space<vmem>>
        %dma_start3A_950 = arith.constant 0 : i32
        %dma_start3A_951 = arith.constant 0 : i32
        %dma_start3A_952 = tpu.memref_slice %arg4[%dma_start3A_950, %dma_start3A_951] : memref<10000x128xf32, #tpu.memory_space<hbm>> -> memref<10000x128xf32, #tpu.memory_space<hbm>>
        tpu.enqueue_indirect_dma source(%dma_start3A_952 : memref<10000x128xf32, #tpu.memory_space<hbm>>) target(%dma_start3A_946 : memref<64x128xf32, #tpu.memory_space<vmem>>) offsets(%dma_start3A_949 : memref<64xi32, #tpu.memory_space<vmem>>) semaphore(%arg13 : memref<!tpu.dma_semaphore, #tpu.memory_space<semaphore_mem>>)
        %dma_wait3A_953 = arith.constant 0 : i32
        %dma_wait3A_954 = arith.constant 3 : i32
        %dma_wait3A_955 = arith.constant 0 : i32
        %dma_wait3A_956 = arith.constant 0 : i32
        %dma_wait3A_957 = tpu.memref_slice %arg9[%dma_wait3A_954, %dma_wait3A_955, %dma_wait3A_956] : memref<4x64x128xf32, #tpu.memory_space<vmem>> -> memref<1x64x128xf32, #tpu.memory_space<vmem>>
        %dma_wait3A_958 = tpu.memref_squeeze %dma_wait3A_957 : memref<1x64x128xf32, #tpu.memory_space<vmem>> -> memref<64x128xf32, #tpu.memory_space<vmem>>
        %dma_wait3A_959 = arith.constant 0 : i32
        %dma_wait3A_960 = tpu.memref_slice %arg7[%dma_wait3A_953, %dma_wait3A_959] : memref<40x64xi32, #tpu.memory_space<vmem>> -> memref<1x64xi32, #tpu.memory_space<vmem>>
        %dma_wait3A_961 = tpu.memref_squeeze %dma_wait3A_960 : memref<1x64xi32, #tpu.memory_space<vmem>> -> memref<64xi32, #tpu.memory_space<vmem>>
        %dma_wait3A_962 = arith.constant 0 : i32
        %dma_wait3A_963 = arith.constant 0 : i32
        %dma_wait3A_964 = tpu.memref_slice %arg4[%dma_wait3A_962, %dma_wait3A_963] : memref<10000x128xf32, #tpu.memory_space<hbm>> -> memref<10000x128xf32, #tpu.memory_space<hbm>>
        tpu.wait_indirect_dma semaphore(%arg14 : memref<!tpu.dma_semaphore, #tpu.memory_space<semaphore_mem>>) src(%dma_wait3A_964 : memref<10000x128xf32, #tpu.memory_space<hbm>>) dst(%dma_wait3A_958 : memref<64x128xf32, #tpu.memory_space<vmem>>)
        %add3A_965 = arith.constant 3 : i32
        %add3A_966 = arith.addi %mul3A_858, %add3A_965 : i32
        %run_scoped3A_967 = arith.constant 3 : i32
        "tpu.region"() ({
          %run_scoped3A_985 = tpu.sem_alloc : memref<!tpu.dma_semaphore, #tpu.memory_space<semaphore_mem>>
          %dma_start3A_986 = arith.constant 0 : i32
          %dma_start3A_987 = arith.constant 0 : i32
          %dma_start3A_988 = tpu.memref_slice %arg9[%run_scoped3A_967, %dma_start3A_986, %dma_start3A_987] : memref<4x64x128xf32, #tpu.memory_space<vmem>> -> memref<1x64x128xf32, #tpu.memory_space<vmem>>
          %dma_start3A_989 = tpu.memref_squeeze %dma_start3A_988 : memref<1x64x128xf32, #tpu.memory_space<vmem>> -> memref<64x128xf32, #tpu.memory_space<vmem>>
          %dma_start3A_990 = arith.constant 0 : i32
          %dma_start3A_991 = tpu.memref_slice %arg8[%add3A_966, %dma_start3A_990] : memref<40x64xi32, #tpu.memory_space<vmem>> -> memref<1x64xi32, #tpu.memory_space<vmem>>
          %dma_start3A_992 = tpu.memref_squeeze %dma_start3A_991 : memref<1x64xi32, #tpu.memory_space<vmem>> -> memref<64xi32, #tpu.memory_space<vmem>>
          %dma_start3A_993 = arith.constant 0 : i32
          %dma_start3A_994 = arith.constant 0 : i32
          %dma_start3A_995 = tpu.memref_slice %arg10[%dma_start3A_993, %dma_start3A_994] : memref<10240x128xf32, #tpu.memory_space<vmem_shared>> -> memref<10240x128xf32, #tpu.memory_space<vmem_shared>>
          tpu.enqueue_indirect_dma source(%dma_start3A_989 : memref<64x128xf32, #tpu.memory_space<vmem>>) target(%dma_start3A_995 : memref<10240x128xf32, #tpu.memory_space<vmem_shared>>) offsets(%dma_start3A_992 : memref<64xi32, #tpu.memory_space<vmem>>) semaphore(%run_scoped3A_985 : memref<!tpu.dma_semaphore, #tpu.memory_space<semaphore_mem>>) {add = true}
          %dma_wait3A_996 = arith.constant 0 : i32
          %dma_wait3A_997 = arith.constant 0 : i32
          %dma_wait3A_998 = tpu.memref_slice %arg9[%run_scoped3A_967, %dma_wait3A_996, %dma_wait3A_997] : memref<4x64x128xf32, #tpu.memory_space<vmem>> -> memref<1x64x128xf32, #tpu.memory_space<vmem>>
          %dma_wait3A_999 = tpu.memref_squeeze %dma_wait3A_998 : memref<1x64x128xf32, #tpu.memory_space<vmem>> -> memref<64x128xf32, #tpu.memory_space<vmem>>
          %dma_wait3A_1000 = arith.constant 0 : i32
          %dma_wait3A_1001 = tpu.memref_slice %arg8[%add3A_966, %dma_wait3A_1000] : memref<40x64xi32, #tpu.memory_space<vmem>> -> memref<1x64xi32, #tpu.memory_space<vmem>>
          %dma_wait3A_1002 = tpu.memref_squeeze %dma_wait3A_1001 : memref<1x64xi32, #tpu.memory_space<vmem>> -> memref<64xi32, #tpu.memory_space<vmem>>
          %dma_wait3A_1003 = arith.constant 0 : i32
          %dma_wait3A_1004 = arith.constant 0 : i32
          %dma_wait3A_1005 = tpu.memref_slice %arg10[%dma_wait3A_1003, %dma_wait3A_1004] : memref<10240x128xf32, #tpu.memory_space<vmem_shared>> -> memref<10240x128xf32, #tpu.memory_space<vmem_shared>>
          tpu.wait_indirect_dma semaphore(%run_scoped3A_985 : memref<!tpu.dma_semaphore, #tpu.memory_space<semaphore_mem>>) src(%dma_wait3A_999 : memref<64x128xf32, #tpu.memory_space<vmem>>) dst(%dma_wait3A_1005 : memref<10240x128xf32, #tpu.memory_space<vmem_shared>>)
          tpu.yield
        }) : () -> ()
        %add3A_968 = arith.constant 4 : i32
        %add3A_969 = arith.addi %mul3A_858, %add3A_968 : i32
        %add3A_970 = arith.constant 3 : i32
        %add3A_971 = arith.addi %add3A_969, %add3A_970 : i32
        %min3A_972 = arith.constant 39 : i32
        %min3A_973 = arith.minsi %add3A_971, %min3A_972 : i32
        %dma_start3A_974 = arith.constant 3 : i32
        %dma_start3A_975 = arith.constant 0 : i32
        %dma_start3A_976 = arith.constant 0 : i32
        %dma_start3A_977 = tpu.memref_slice %arg9[%dma_start3A_974, %dma_start3A_975, %dma_start3A_976] : memref<4x64x128xf32, #tpu.memory_space<vmem>> -> memref<1x64x128xf32, #tpu.memory_space<vmem>>
        %dma_start3A_978 = tpu.memref_squeeze %dma_start3A_977 : memref<1x64x128xf32, #tpu.memory_space<vmem>> -> memref<64x128xf32, #tpu.memory_space<vmem>>
        %dma_start3A_979 = arith.constant 0 : i32
        %dma_start3A_980 = tpu.memref_slice %arg7[%min3A_973, %dma_start3A_979] : memref<40x64xi32, #tpu.memory_space<vmem>> -> memref<1x64xi32, #tpu.memory_space<vmem>>
        %dma_start3A_981 = tpu.memref_squeeze %dma_start3A_980 : memref<1x64xi32, #tpu.memory_space<vmem>> -> memref<64xi32, #tpu.memory_space<vmem>>
        %dma_start3A_982 = arith.constant 0 : i32
        %dma_start3A_983 = arith.constant 0 : i32
        %dma_start3A_984 = tpu.memref_slice %arg4[%dma_start3A_982, %dma_start3A_983] : memref<10000x128xf32, #tpu.memory_space<hbm>> -> memref<10000x128xf32, #tpu.memory_space<hbm>>
        tpu.enqueue_indirect_dma source(%dma_start3A_984 : memref<10000x128xf32, #tpu.memory_space<hbm>>) target(%dma_start3A_978 : memref<64x128xf32, #tpu.memory_space<vmem>>) offsets(%dma_start3A_981 : memref<64xi32, #tpu.memory_space<vmem>>) semaphore(%arg14 : memref<!tpu.dma_semaphore, #tpu.memory_space<semaphore_mem>>)
      }
      %scan3A_701 = arith.constant 10 : i32
      %dma_wait3A_702 = arith.constant 0 : i32
      %dma_wait3A_703 = arith.constant 0 : i32
      %dma_wait3A_704 = arith.constant 0 : i32
      %dma_wait3A_705 = arith.constant 0 : i32
      %dma_wait3A_706 = tpu.memref_slice %arg9[%dma_wait3A_703, %dma_wait3A_704, %dma_wait3A_705] : memref<4x64x128xf32, #tpu.memory_space<vmem>> -> memref<1x64x128xf32, #tpu.memory_space<vmem>>
      %dma_wait3A_707 = tpu.memref_squeeze %dma_wait3A_706 : memref<1x64x128xf32, #tpu.memory_space<vmem>> -> memref<64x128xf32, #tpu.memory_space<vmem>>
      %dma_wait3A_708 = arith.constant 0 : i32
      %dma_wait3A_709 = tpu.memref_slice %arg7[%dma_wait3A_702, %dma_wait3A_708] : memref<40x64xi32, #tpu.memory_space<vmem>> -> memref<1x64xi32, #tpu.memory_space<vmem>>
      %dma_wait3A_710 = tpu.memref_squeeze %dma_wait3A_709 : memref<1x64xi32, #tpu.memory_space<vmem>> -> memref<64xi32, #tpu.memory_space<vmem>>
      %dma_wait3A_711 = arith.constant 0 : i32
      %dma_wait3A_712 = arith.constant 0 : i32
      %dma_wait3A_713 = tpu.memref_slice %arg4[%dma_wait3A_711, %dma_wait3A_712] : memref<10000x128xf32, #tpu.memory_space<hbm>> -> memref<10000x128xf32, #tpu.memory_space<hbm>>
      tpu.wait_indirect_dma semaphore(%arg11 : memref<!tpu.dma_semaphore, #tpu.memory_space<semaphore_mem>>) src(%dma_wait3A_713 : memref<10000x128xf32, #tpu.memory_space<hbm>>) dst(%dma_wait3A_707 : memref<64x128xf32, #tpu.memory_space<vmem>>)
      %dma_wait3A_714 = arith.constant 0 : i32
      %dma_wait3A_715 = arith.constant 1 : i32
      %dma_wait3A_716 = arith.constant 0 : i32
      %dma_wait3A_717 = arith.constant 0 : i32
      %dma_wait3A_718 = tpu.memref_slice %arg9[%dma_wait3A_715, %dma_wait3A_716, %dma_wait3A_717] : memref<4x64x128xf32, #tpu.memory_space<vmem>> -> memref<1x64x128xf32, #tpu.memory_space<vmem>>
      %dma_wait3A_719 = tpu.memref_squeeze %dma_wait3A_718 : memref<1x64x128xf32, #tpu.memory_space<vmem>> -> memref<64x128xf32, #tpu.memory_space<vmem>>
      %dma_wait3A_720 = arith.constant 0 : i32
      %dma_wait3A_721 = tpu.memref_slice %arg7[%dma_wait3A_714, %dma_wait3A_720] : memref<40x64xi32, #tpu.memory_space<vmem>> -> memref<1x64xi32, #tpu.memory_space<vmem>>
      %dma_wait3A_722 = tpu.memref_squeeze %dma_wait3A_721 : memref<1x64xi32, #tpu.memory_space<vmem>> -> memref<64xi32, #tpu.memory_space<vmem>>
      %dma_wait3A_723 = arith.constant 0 : i32
      %dma_wait3A_724 = arith.constant 0 : i32
      %dma_wait3A_725 = tpu.memref_slice %arg4[%dma_wait3A_723, %dma_wait3A_724] : memref<10000x128xf32, #tpu.memory_space<hbm>> -> memref<10000x128xf32, #tpu.memory_space<hbm>>
      tpu.wait_indirect_dma semaphore(%arg12 : memref<!tpu.dma_semaphore, #tpu.memory_space<semaphore_mem>>) src(%dma_wait3A_725 : memref<10000x128xf32, #tpu.memory_space<hbm>>) dst(%dma_wait3A_719 : memref<64x128xf32, #tpu.memory_space<vmem>>)
      %dma_wait3A_726 = arith.constant 0 : i32
      %dma_wait3A_727 = arith.constant 2 : i32
      %dma_wait3A_728 = arith.constant 0 : i32
      %dma_wait3A_729 = arith.constant 0 : i32
      %dma_wait3A_730 = tpu.memref_slice %arg9[%dma_wait3A_727, %dma_wait3A_728, %dma_wait3A_729] : memref<4x64x128xf32, #tpu.memory_space<vmem>> -> memref<1x64x128xf32, #tpu.memory_space<vmem>>
      %dma_wait3A_731 = tpu.memref_squeeze %dma_wait3A_730 : memref<1x64x128xf32, #tpu.memory_space<vmem>> -> memref<64x128xf32, #tpu.memory_space<vmem>>
      %dma_wait3A_732 = arith.constant 0 : i32
      %dma_wait3A_733 = tpu.memref_slice %arg7[%dma_wait3A_726, %dma_wait3A_732] : memref<40x64xi32, #tpu.memory_space<vmem>> -> memref<1x64xi32, #tpu.memory_space<vmem>>
      %dma_wait3A_734 = tpu.memref_squeeze %dma_wait3A_733 : memref<1x64xi32, #tpu.memory_space<vmem>> -> memref<64xi32, #tpu.memory_space<vmem>>
      %dma_wait3A_735 = arith.constant 0 : i32
      %dma_wait3A_736 = arith.constant 0 : i32
      %dma_wait3A_737 = tpu.memref_slice %arg4[%dma_wait3A_735, %dma_wait3A_736] : memref<10000x128xf32, #tpu.memory_space<hbm>> -> memref<10000x128xf32, #tpu.memory_space<hbm>>
      tpu.wait_indirect_dma semaphore(%arg13 : memref<!tpu.dma_semaphore, #tpu.memory_space<semaphore_mem>>) src(%dma_wait3A_737 : memref<10000x128xf32, #tpu.memory_space<hbm>>) dst(%dma_wait3A_731 : memref<64x128xf32, #tpu.memory_space<vmem>>)
      %dma_wait3A_738 = arith.constant 0 : i32
      %dma_wait3A_739 = arith.constant 3 : i32
      %dma_wait3A_740 = arith.constant 0 : i32
      %dma_wait3A_741 = arith.constant 0 : i32
      %dma_wait3A_742 = tpu.memref_slice %arg9[%dma_wait3A_739, %dma_wait3A_740, %dma_wait3A_741] : memref<4x64x128xf32, #tpu.memory_space<vmem>> -> memref<1x64x128xf32, #tpu.memory_space<vmem>>
      %dma_wait3A_743 = tpu.memref_squeeze %dma_wait3A_742 : memref<1x64x128xf32, #tpu.memory_space<vmem>> -> memref<64x128xf32, #tpu.memory_space<vmem>>
      %dma_wait3A_744 = arith.constant 0 : i32
      %dma_wait3A_745 = tpu.memref_slice %arg7[%dma_wait3A_738, %dma_wait3A_744] : memref<40x64xi32, #tpu.memory_space<vmem>> -> memref<1x64xi32, #tpu.memory_space<vmem>>
      %dma_wait3A_746 = tpu.memref_squeeze %dma_wait3A_745 : memref<1x64xi32, #tpu.memory_space<vmem>> -> memref<64xi32, #tpu.memory_space<vmem>>
      %dma_wait3A_747 = arith.constant 0 : i32
      %dma_wait3A_748 = arith.constant 0 : i32
      %dma_wait3A_749 = tpu.memref_slice %arg4[%dma_wait3A_747, %dma_wait3A_748] : memref<10000x128xf32, #tpu.memory_space<hbm>> -> memref<10000x128xf32, #tpu.memory_space<hbm>>
      tpu.wait_indirect_dma semaphore(%arg14 : memref<!tpu.dma_semaphore, #tpu.memory_space<semaphore_mem>>) src(%dma_wait3A_749 : memref<10000x128xf32, #tpu.memory_space<hbm>>) dst(%dma_wait3A_743 : memref<64x128xf32, #tpu.memory_space<vmem>>)
      %mul3A_750 = arith.constant 320 : i32
      %mul3A_751 = arith.muli %arg1, %mul3A_750 : i32
      %add3A_752 = arith.constant 280 : i32
      %add3A_753 = arith.addi %mul3A_751, %add3A_752 : i32
      "tpu.region"() ({
        %run_scoped3A = tpu.sem_alloc : memref<!tpu.dma_semaphore, #tpu.memory_space<semaphore_mem>>
        %dma_start3A_856 = arith.constant 0 : i32
        %dma_start3A_857 = tpu.memref_slice %arg2[%add3A_753, %dma_start3A_856] : memref<5120x64xi32, #tpu.memory_space<hbm>> -> memref<40x64xi32, #tpu.memory_space<hbm>>
        %dma_start3A_858 = arith.constant 0 : i32
        %dma_start3A_859 = tpu.memref_slice %arg2[%add3A_753, %dma_start3A_858] : memref<5120x64xi32, #tpu.memory_space<hbm>> -> memref<40x64xi32, #tpu.memory_space<hbm>>
        tpu.enqueue_dma source(%dma_start3A_859 : memref<40x64xi32, #tpu.memory_space<hbm>>) target(%arg7 : memref<40x64xi32, #tpu.memory_space<vmem>>) target_semaphore(%run_scoped3A : memref<!tpu.dma_semaphore, #tpu.memory_space<semaphore_mem>>)
        %dma_wait3A_860 = arith.constant 0 : i32
        %dma_wait3A_861 = tpu.memref_slice %arg2[%add3A_753, %dma_wait3A_860] : memref<5120x64xi32, #tpu.memory_space<hbm>> -> memref<40x64xi32, #tpu.memory_space<hbm>>
        %dma_wait3A_862 = arith.constant 0 : i32
        %dma_wait3A_863 = tpu.memref_slice %arg2[%add3A_753, %dma_wait3A_862] : memref<5120x64xi32, #tpu.memory_space<hbm>> -> memref<40x64xi32, #tpu.memory_space<hbm>>
        tpu.wait_dma2 semaphore(%run_scoped3A : memref<!tpu.dma_semaphore, #tpu.memory_space<semaphore_mem>>) src(%dma_wait3A_863 : memref<40x64xi32, #tpu.memory_space<hbm>>) dst(%arg7 : memref<40x64xi32, #tpu.memory_space<vmem>>)
        tpu.yield
      }) : () -> ()
      "tpu.region"() ({
        %run_scoped3A = tpu.sem_alloc : memref<!tpu.dma_semaphore, #tpu.memory_space<semaphore_mem>>
        %dma_start3A_856 = arith.constant 0 : i32
        %dma_start3A_857 = tpu.memref_slice %arg3[%add3A_753, %dma_start3A_856] : memref<5120x64xi32, #tpu.memory_space<hbm>> -> memref<40x64xi32, #tpu.memory_space<hbm>>
        %dma_start3A_858 = arith.constant 0 : i32
        %dma_start3A_859 = tpu.memref_slice %arg3[%add3A_753, %dma_start3A_858] : memref<5120x64xi32, #tpu.memory_space<hbm>> -> memref<40x64xi32, #tpu.memory_space<hbm>>
        tpu.enqueue_dma source(%dma_start3A_859 : memref<40x64xi32, #tpu.memory_space<hbm>>) target(%arg8 : memref<40x64xi32, #tpu.memory_space<vmem>>) target_semaphore(%run_scoped3A : memref<!tpu.dma_semaphore, #tpu.memory_space<semaphore_mem>>)
        %dma_wait3A_860 = arith.constant 0 : i32
        %dma_wait3A_861 = tpu.memref_slice %arg3[%add3A_753, %dma_wait3A_860] : memref<5120x64xi32, #tpu.memory_space<hbm>> -> memref<40x64xi32, #tpu.memory_space<hbm>>
        %dma_wait3A_862 = arith.constant 0 : i32
        %dma_wait3A_863 = tpu.memref_slice %arg3[%add3A_753, %dma_wait3A_862] : memref<5120x64xi32, #tpu.memory_space<hbm>> -> memref<40x64xi32, #tpu.memory_space<hbm>>
        tpu.wait_dma2 semaphore(%run_scoped3A : memref<!tpu.dma_semaphore, #tpu.memory_space<semaphore_mem>>) src(%dma_wait3A_863 : memref<40x64xi32, #tpu.memory_space<hbm>>) dst(%arg8 : memref<40x64xi32, #tpu.memory_space<vmem>>)
        tpu.yield
      }) : () -> ()
      %dma_start3A_754 = arith.constant 0 : i32
      %dma_start3A_755 = arith.constant 0 : i32
      %dma_start3A_756 = arith.constant 0 : i32
      %dma_start3A_757 = arith.constant 0 : i32
      %dma_start3A_758 = tpu.memref_slice %arg9[%dma_start3A_755, %dma_start3A_756, %dma_start3A_757] : memref<4x64x128xf32, #tpu.memory_space<vmem>> -> memref<1x64x128xf32, #tpu.memory_space<vmem>>
      %dma_start3A_759 = tpu.memref_squeeze %dma_start3A_758 : memref<1x64x128xf32, #tpu.memory_space<vmem>> -> memref<64x128xf32, #tpu.memory_space<vmem>>
      %dma_start3A_760 = arith.constant 0 : i32
      %dma_start3A_761 = tpu.memref_slice %arg7[%dma_start3A_754, %dma_start3A_760] : memref<40x64xi32, #tpu.memory_space<vmem>> -> memref<1x64xi32, #tpu.memory_space<vmem>>
      %dma_start3A_762 = tpu.memref_squeeze %dma_start3A_761 : memref<1x64xi32, #tpu.memory_space<vmem>> -> memref<64xi32, #tpu.memory_space<vmem>>
      %dma_start3A_763 = arith.constant 0 : i32
      %dma_start3A_764 = arith.constant 0 : i32
      %dma_start3A_765 = tpu.memref_slice %arg4[%dma_start3A_763, %dma_start3A_764] : memref<10000x128xf32, #tpu.memory_space<hbm>> -> memref<10000x128xf32, #tpu.memory_space<hbm>>
      tpu.enqueue_indirect_dma source(%dma_start3A_765 : memref<10000x128xf32, #tpu.memory_space<hbm>>) target(%dma_start3A_759 : memref<64x128xf32, #tpu.memory_space<vmem>>) offsets(%dma_start3A_762 : memref<64xi32, #tpu.memory_space<vmem>>) semaphore(%arg11 : memref<!tpu.dma_semaphore, #tpu.memory_space<semaphore_mem>>)
      %dma_start3A_766 = arith.constant 1 : i32
      %dma_start3A_767 = arith.constant 1 : i32
      %dma_start3A_768 = arith.constant 0 : i32
      %dma_start3A_769 = arith.constant 0 : i32
      %dma_start3A_770 = tpu.memref_slice %arg9[%dma_start3A_767, %dma_start3A_768, %dma_start3A_769] : memref<4x64x128xf32, #tpu.memory_space<vmem>> -> memref<1x64x128xf32, #tpu.memory_space<vmem>>
      %dma_start3A_771 = tpu.memref_squeeze %dma_start3A_770 : memref<1x64x128xf32, #tpu.memory_space<vmem>> -> memref<64x128xf32, #tpu.memory_space<vmem>>
      %dma_start3A_772 = arith.constant 0 : i32
      %dma_start3A_773 = tpu.memref_slice %arg7[%dma_start3A_766, %dma_start3A_772] : memref<40x64xi32, #tpu.memory_space<vmem>> -> memref<1x64xi32, #tpu.memory_space<vmem>>
      %dma_start3A_774 = tpu.memref_squeeze %dma_start3A_773 : memref<1x64xi32, #tpu.memory_space<vmem>> -> memref<64xi32, #tpu.memory_space<vmem>>
      %dma_start3A_775 = arith.constant 0 : i32
      %dma_start3A_776 = arith.constant 0 : i32
      %dma_start3A_777 = tpu.memref_slice %arg4[%dma_start3A_775, %dma_start3A_776] : memref<10000x128xf32, #tpu.memory_space<hbm>> -> memref<10000x128xf32, #tpu.memory_space<hbm>>
      tpu.enqueue_indirect_dma source(%dma_start3A_777 : memref<10000x128xf32, #tpu.memory_space<hbm>>) target(%dma_start3A_771 : memref<64x128xf32, #tpu.memory_space<vmem>>) offsets(%dma_start3A_774 : memref<64xi32, #tpu.memory_space<vmem>>) semaphore(%arg12 : memref<!tpu.dma_semaphore, #tpu.memory_space<semaphore_mem>>)
      %dma_start3A_778 = arith.constant 2 : i32
      %dma_start3A_779 = arith.constant 2 : i32
      %dma_start3A_780 = arith.constant 0 : i32
      %dma_start3A_781 = arith.constant 0 : i32
      %dma_start3A_782 = tpu.memref_slice %arg9[%dma_start3A_779, %dma_start3A_780, %dma_start3A_781] : memref<4x64x128xf32, #tpu.memory_space<vmem>> -> memref<1x64x128xf32, #tpu.memory_space<vmem>>
      %dma_start3A_783 = tpu.memref_squeeze %dma_start3A_782 : memref<1x64x128xf32, #tpu.memory_space<vmem>> -> memref<64x128xf32, #tpu.memory_space<vmem>>
      %dma_start3A_784 = arith.constant 0 : i32
      %dma_start3A_785 = tpu.memref_slice %arg7[%dma_start3A_778, %dma_start3A_784] : memref<40x64xi32, #tpu.memory_space<vmem>> -> memref<1x64xi32, #tpu.memory_space<vmem>>
      %dma_start3A_786 = tpu.memref_squeeze %dma_start3A_785 : memref<1x64xi32, #tpu.memory_space<vmem>> -> memref<64xi32, #tpu.memory_space<vmem>>
      %dma_start3A_787 = arith.constant 0 : i32
      %dma_start3A_788 = arith.constant 0 : i32
      %dma_start3A_789 = tpu.memref_slice %arg4[%dma_start3A_787, %dma_start3A_788] : memref<10000x128xf32, #tpu.memory_space<hbm>> -> memref<10000x128xf32, #tpu.memory_space<hbm>>
      tpu.enqueue_indirect_dma source(%dma_start3A_789 : memref<10000x128xf32, #tpu.memory_space<hbm>>) target(%dma_start3A_783 : memref<64x128xf32, #tpu.memory_space<vmem>>) offsets(%dma_start3A_786 : memref<64xi32, #tpu.memory_space<vmem>>) semaphore(%arg13 : memref<!tpu.dma_semaphore, #tpu.memory_space<semaphore_mem>>)
      %dma_start3A_790 = arith.constant 3 : i32
      %dma_start3A_791 = arith.constant 3 : i32
      %dma_start3A_792 = arith.constant 0 : i32
      %dma_start3A_793 = arith.constant 0 : i32
      %dma_start3A_794 = tpu.memref_slice %arg9[%dma_start3A_791, %dma_start3A_792, %dma_start3A_793] : memref<4x64x128xf32, #tpu.memory_space<vmem>> -> memref<1x64x128xf32, #tpu.memory_space<vmem>>
      %dma_start3A_795 = tpu.memref_squeeze %dma_start3A_794 : memref<1x64x128xf32, #tpu.memory_space<vmem>> -> memref<64x128xf32, #tpu.memory_space<vmem>>
      %dma_start3A_796 = arith.constant 0 : i32
      %dma_start3A_797 = tpu.memref_slice %arg7[%dma_start3A_790, %dma_start3A_796] : memref<40x64xi32, #tpu.memory_space<vmem>> -> memref<1x64xi32, #tpu.memory_space<vmem>>
      %dma_start3A_798 = tpu.memref_squeeze %dma_start3A_797 : memref<1x64xi32, #tpu.memory_space<vmem>> -> memref<64xi32, #tpu.memory_space<vmem>>
      %dma_start3A_799 = arith.constant 0 : i32
      %dma_start3A_800 = arith.constant 0 : i32
      %dma_start3A_801 = tpu.memref_slice %arg4[%dma_start3A_799, %dma_start3A_800] : memref<10000x128xf32, #tpu.memory_space<hbm>> -> memref<10000x128xf32, #tpu.memory_space<hbm>>
      tpu.enqueue_indirect_dma source(%dma_start3A_801 : memref<10000x128xf32, #tpu.memory_space<hbm>>) target(%dma_start3A_795 : memref<64x128xf32, #tpu.memory_space<vmem>>) offsets(%dma_start3A_798 : memref<64xi32, #tpu.memory_space<vmem>>) semaphore(%arg14 : memref<!tpu.dma_semaphore, #tpu.memory_space<semaphore_mem>>)
      %scan3A_802 = arith.constant 0 : i32
      %scan3A_803 = arith.constant 0 : i32
      %scan3A_804 = arith.constant 10 : i32
      %scan3A_805 = arith.addi %scan3A_803, %scan3A_804 : i32
      %scan3A_806 = arith.constant 1 : i32
      scf.for %scan3A_856 = %scan3A_803 to %scan3A_805 step %scan3A_806  : i32 {
        %mul3A_857 = arith.constant 4 : i32
        %mul3A_858 = arith.muli %mul3A_857, %scan3A_856 : i32
        %dma_wait3A_859 = arith.constant 0 : i32
        %dma_wait3A_860 = arith.constant 0 : i32
        %dma_wait3A_861 = arith.constant 0 : i32
        %dma_wait3A_862 = arith.constant 0 : i32
        %dma_wait3A_863 = tpu.memref_slice %arg9[%dma_wait3A_860, %dma_wait3A_861, %dma_wait3A_862] : memref<4x64x128xf32, #tpu.memory_space<vmem>> -> memref<1x64x128xf32, #tpu.memory_space<vmem>>
        %dma_wait3A_864 = tpu.memref_squeeze %dma_wait3A_863 : memref<1x64x128xf32, #tpu.memory_space<vmem>> -> memref<64x128xf32, #tpu.memory_space<vmem>>
        %dma_wait3A_865 = arith.constant 0 : i32
        %dma_wait3A_866 = tpu.memref_slice %arg7[%dma_wait3A_859, %dma_wait3A_865] : memref<40x64xi32, #tpu.memory_space<vmem>> -> memref<1x64xi32, #tpu.memory_space<vmem>>
        %dma_wait3A_867 = tpu.memref_squeeze %dma_wait3A_866 : memref<1x64xi32, #tpu.memory_space<vmem>> -> memref<64xi32, #tpu.memory_space<vmem>>
        %dma_wait3A_868 = arith.constant 0 : i32
        %dma_wait3A_869 = arith.constant 0 : i32
        %dma_wait3A_870 = tpu.memref_slice %arg4[%dma_wait3A_868, %dma_wait3A_869] : memref<10000x128xf32, #tpu.memory_space<hbm>> -> memref<10000x128xf32, #tpu.memory_space<hbm>>
        tpu.wait_indirect_dma semaphore(%arg11 : memref<!tpu.dma_semaphore, #tpu.memory_space<semaphore_mem>>) src(%dma_wait3A_870 : memref<10000x128xf32, #tpu.memory_space<hbm>>) dst(%dma_wait3A_864 : memref<64x128xf32, #tpu.memory_space<vmem>>)
        %add3A_871 = arith.constant 0 : i32
        %add3A_872 = arith.addi %mul3A_858, %add3A_871 : i32
        %run_scoped3A = arith.constant 0 : i32
        "tpu.region"() ({
          %run_scoped3A_985 = tpu.sem_alloc : memref<!tpu.dma_semaphore, #tpu.memory_space<semaphore_mem>>
          %dma_start3A_986 = arith.constant 0 : i32
          %dma_start3A_987 = arith.constant 0 : i32
          %dma_start3A_988 = tpu.memref_slice %arg9[%run_scoped3A, %dma_start3A_986, %dma_start3A_987] : memref<4x64x128xf32, #tpu.memory_space<vmem>> -> memref<1x64x128xf32, #tpu.memory_space<vmem>>
          %dma_start3A_989 = tpu.memref_squeeze %dma_start3A_988 : memref<1x64x128xf32, #tpu.memory_space<vmem>> -> memref<64x128xf32, #tpu.memory_space<vmem>>
          %dma_start3A_990 = arith.constant 0 : i32
          %dma_start3A_991 = tpu.memref_slice %arg8[%add3A_872, %dma_start3A_990] : memref<40x64xi32, #tpu.memory_space<vmem>> -> memref<1x64xi32, #tpu.memory_space<vmem>>
          %dma_start3A_992 = tpu.memref_squeeze %dma_start3A_991 : memref<1x64xi32, #tpu.memory_space<vmem>> -> memref<64xi32, #tpu.memory_space<vmem>>
          %dma_start3A_993 = arith.constant 0 : i32
          %dma_start3A_994 = arith.constant 0 : i32
          %dma_start3A_995 = tpu.memref_slice %arg10[%dma_start3A_993, %dma_start3A_994] : memref<10240x128xf32, #tpu.memory_space<vmem_shared>> -> memref<10240x128xf32, #tpu.memory_space<vmem_shared>>
          tpu.enqueue_indirect_dma source(%dma_start3A_989 : memref<64x128xf32, #tpu.memory_space<vmem>>) target(%dma_start3A_995 : memref<10240x128xf32, #tpu.memory_space<vmem_shared>>) offsets(%dma_start3A_992 : memref<64xi32, #tpu.memory_space<vmem>>) semaphore(%run_scoped3A_985 : memref<!tpu.dma_semaphore, #tpu.memory_space<semaphore_mem>>) {add = true}
          %dma_wait3A_996 = arith.constant 0 : i32
          %dma_wait3A_997 = arith.constant 0 : i32
          %dma_wait3A_998 = tpu.memref_slice %arg9[%run_scoped3A, %dma_wait3A_996, %dma_wait3A_997] : memref<4x64x128xf32, #tpu.memory_space<vmem>> -> memref<1x64x128xf32, #tpu.memory_space<vmem>>
          %dma_wait3A_999 = tpu.memref_squeeze %dma_wait3A_998 : memref<1x64x128xf32, #tpu.memory_space<vmem>> -> memref<64x128xf32, #tpu.memory_space<vmem>>
          %dma_wait3A_1000 = arith.constant 0 : i32
          %dma_wait3A_1001 = tpu.memref_slice %arg8[%add3A_872, %dma_wait3A_1000] : memref<40x64xi32, #tpu.memory_space<vmem>> -> memref<1x64xi32, #tpu.memory_space<vmem>>
          %dma_wait3A_1002 = tpu.memref_squeeze %dma_wait3A_1001 : memref<1x64xi32, #tpu.memory_space<vmem>> -> memref<64xi32, #tpu.memory_space<vmem>>
          %dma_wait3A_1003 = arith.constant 0 : i32
          %dma_wait3A_1004 = arith.constant 0 : i32
          %dma_wait3A_1005 = tpu.memref_slice %arg10[%dma_wait3A_1003, %dma_wait3A_1004] : memref<10240x128xf32, #tpu.memory_space<vmem_shared>> -> memref<10240x128xf32, #tpu.memory_space<vmem_shared>>
          tpu.wait_indirect_dma semaphore(%run_scoped3A_985 : memref<!tpu.dma_semaphore, #tpu.memory_space<semaphore_mem>>) src(%dma_wait3A_999 : memref<64x128xf32, #tpu.memory_space<vmem>>) dst(%dma_wait3A_1005 : memref<10240x128xf32, #tpu.memory_space<vmem_shared>>)
          tpu.yield
        }) : () -> ()
        %add3A_873 = arith.constant 4 : i32
        %add3A_874 = arith.addi %mul3A_858, %add3A_873 : i32
        %add3A_875 = arith.constant 0 : i32
        %add3A_876 = arith.addi %add3A_874, %add3A_875 : i32
        %min3A = arith.constant 39 : i32
        %min3A_877 = arith.minsi %add3A_876, %min3A : i32
        %dma_start3A_878 = arith.constant 0 : i32
        %dma_start3A_879 = arith.constant 0 : i32
        %dma_start3A_880 = arith.constant 0 : i32
        %dma_start3A_881 = tpu.memref_slice %arg9[%dma_start3A_878, %dma_start3A_879, %dma_start3A_880] : memref<4x64x128xf32, #tpu.memory_space<vmem>> -> memref<1x64x128xf32, #tpu.memory_space<vmem>>
        %dma_start3A_882 = tpu.memref_squeeze %dma_start3A_881 : memref<1x64x128xf32, #tpu.memory_space<vmem>> -> memref<64x128xf32, #tpu.memory_space<vmem>>
        %dma_start3A_883 = arith.constant 0 : i32
        %dma_start3A_884 = tpu.memref_slice %arg7[%min3A_877, %dma_start3A_883] : memref<40x64xi32, #tpu.memory_space<vmem>> -> memref<1x64xi32, #tpu.memory_space<vmem>>
        %dma_start3A_885 = tpu.memref_squeeze %dma_start3A_884 : memref<1x64xi32, #tpu.memory_space<vmem>> -> memref<64xi32, #tpu.memory_space<vmem>>
        %dma_start3A_886 = arith.constant 0 : i32
        %dma_start3A_887 = arith.constant 0 : i32
        %dma_start3A_888 = tpu.memref_slice %arg4[%dma_start3A_886, %dma_start3A_887] : memref<10000x128xf32, #tpu.memory_space<hbm>> -> memref<10000x128xf32, #tpu.memory_space<hbm>>
        tpu.enqueue_indirect_dma source(%dma_start3A_888 : memref<10000x128xf32, #tpu.memory_space<hbm>>) target(%dma_start3A_882 : memref<64x128xf32, #tpu.memory_space<vmem>>) offsets(%dma_start3A_885 : memref<64xi32, #tpu.memory_space<vmem>>) semaphore(%arg11 : memref<!tpu.dma_semaphore, #tpu.memory_space<semaphore_mem>>)
        %dma_wait3A_889 = arith.constant 0 : i32
        %dma_wait3A_890 = arith.constant 1 : i32
        %dma_wait3A_891 = arith.constant 0 : i32
        %dma_wait3A_892 = arith.constant 0 : i32
        %dma_wait3A_893 = tpu.memref_slice %arg9[%dma_wait3A_890, %dma_wait3A_891, %dma_wait3A_892] : memref<4x64x128xf32, #tpu.memory_space<vmem>> -> memref<1x64x128xf32, #tpu.memory_space<vmem>>
        %dma_wait3A_894 = tpu.memref_squeeze %dma_wait3A_893 : memref<1x64x128xf32, #tpu.memory_space<vmem>> -> memref<64x128xf32, #tpu.memory_space<vmem>>
        %dma_wait3A_895 = arith.constant 0 : i32
        %dma_wait3A_896 = tpu.memref_slice %arg7[%dma_wait3A_889, %dma_wait3A_895] : memref<40x64xi32, #tpu.memory_space<vmem>> -> memref<1x64xi32, #tpu.memory_space<vmem>>
        %dma_wait3A_897 = tpu.memref_squeeze %dma_wait3A_896 : memref<1x64xi32, #tpu.memory_space<vmem>> -> memref<64xi32, #tpu.memory_space<vmem>>
        %dma_wait3A_898 = arith.constant 0 : i32
        %dma_wait3A_899 = arith.constant 0 : i32
        %dma_wait3A_900 = tpu.memref_slice %arg4[%dma_wait3A_898, %dma_wait3A_899] : memref<10000x128xf32, #tpu.memory_space<hbm>> -> memref<10000x128xf32, #tpu.memory_space<hbm>>
        tpu.wait_indirect_dma semaphore(%arg12 : memref<!tpu.dma_semaphore, #tpu.memory_space<semaphore_mem>>) src(%dma_wait3A_900 : memref<10000x128xf32, #tpu.memory_space<hbm>>) dst(%dma_wait3A_894 : memref<64x128xf32, #tpu.memory_space<vmem>>)
        %add3A_901 = arith.constant 1 : i32
        %add3A_902 = arith.addi %mul3A_858, %add3A_901 : i32
        %run_scoped3A_903 = arith.constant 1 : i32
        "tpu.region"() ({
          %run_scoped3A_985 = tpu.sem_alloc : memref<!tpu.dma_semaphore, #tpu.memory_space<semaphore_mem>>
          %dma_start3A_986 = arith.constant 0 : i32
          %dma_start3A_987 = arith.constant 0 : i32
          %dma_start3A_988 = tpu.memref_slice %arg9[%run_scoped3A_903, %dma_start3A_986, %dma_start3A_987] : memref<4x64x128xf32, #tpu.memory_space<vmem>> -> memref<1x64x128xf32, #tpu.memory_space<vmem>>
          %dma_start3A_989 = tpu.memref_squeeze %dma_start3A_988 : memref<1x64x128xf32, #tpu.memory_space<vmem>> -> memref<64x128xf32, #tpu.memory_space<vmem>>
          %dma_start3A_990 = arith.constant 0 : i32
          %dma_start3A_991 = tpu.memref_slice %arg8[%add3A_902, %dma_start3A_990] : memref<40x64xi32, #tpu.memory_space<vmem>> -> memref<1x64xi32, #tpu.memory_space<vmem>>
          %dma_start3A_992 = tpu.memref_squeeze %dma_start3A_991 : memref<1x64xi32, #tpu.memory_space<vmem>> -> memref<64xi32, #tpu.memory_space<vmem>>
          %dma_start3A_993 = arith.constant 0 : i32
          %dma_start3A_994 = arith.constant 0 : i32
          %dma_start3A_995 = tpu.memref_slice %arg10[%dma_start3A_993, %dma_start3A_994] : memref<10240x128xf32, #tpu.memory_space<vmem_shared>> -> memref<10240x128xf32, #tpu.memory_space<vmem_shared>>
          tpu.enqueue_indirect_dma source(%dma_start3A_989 : memref<64x128xf32, #tpu.memory_space<vmem>>) target(%dma_start3A_995 : memref<10240x128xf32, #tpu.memory_space<vmem_shared>>) offsets(%dma_start3A_992 : memref<64xi32, #tpu.memory_space<vmem>>) semaphore(%run_scoped3A_985 : memref<!tpu.dma_semaphore, #tpu.memory_space<semaphore_mem>>) {add = true}
          %dma_wait3A_996 = arith.constant 0 : i32
          %dma_wait3A_997 = arith.constant 0 : i32
          %dma_wait3A_998 = tpu.memref_slice %arg9[%run_scoped3A_903, %dma_wait3A_996, %dma_wait3A_997] : memref<4x64x128xf32, #tpu.memory_space<vmem>> -> memref<1x64x128xf32, #tpu.memory_space<vmem>>
          %dma_wait3A_999 = tpu.memref_squeeze %dma_wait3A_998 : memref<1x64x128xf32, #tpu.memory_space<vmem>> -> memref<64x128xf32, #tpu.memory_space<vmem>>
          %dma_wait3A_1000 = arith.constant 0 : i32
          %dma_wait3A_1001 = tpu.memref_slice %arg8[%add3A_902, %dma_wait3A_1000] : memref<40x64xi32, #tpu.memory_space<vmem>> -> memref<1x64xi32, #tpu.memory_space<vmem>>
          %dma_wait3A_1002 = tpu.memref_squeeze %dma_wait3A_1001 : memref<1x64xi32, #tpu.memory_space<vmem>> -> memref<64xi32, #tpu.memory_space<vmem>>
          %dma_wait3A_1003 = arith.constant 0 : i32
          %dma_wait3A_1004 = arith.constant 0 : i32
          %dma_wait3A_1005 = tpu.memref_slice %arg10[%dma_wait3A_1003, %dma_wait3A_1004] : memref<10240x128xf32, #tpu.memory_space<vmem_shared>> -> memref<10240x128xf32, #tpu.memory_space<vmem_shared>>
          tpu.wait_indirect_dma semaphore(%run_scoped3A_985 : memref<!tpu.dma_semaphore, #tpu.memory_space<semaphore_mem>>) src(%dma_wait3A_999 : memref<64x128xf32, #tpu.memory_space<vmem>>) dst(%dma_wait3A_1005 : memref<10240x128xf32, #tpu.memory_space<vmem_shared>>)
          tpu.yield
        }) : () -> ()
        %add3A_904 = arith.constant 4 : i32
        %add3A_905 = arith.addi %mul3A_858, %add3A_904 : i32
        %add3A_906 = arith.constant 1 : i32
        %add3A_907 = arith.addi %add3A_905, %add3A_906 : i32
        %min3A_908 = arith.constant 39 : i32
        %min3A_909 = arith.minsi %add3A_907, %min3A_908 : i32
        %dma_start3A_910 = arith.constant 1 : i32
        %dma_start3A_911 = arith.constant 0 : i32
        %dma_start3A_912 = arith.constant 0 : i32
        %dma_start3A_913 = tpu.memref_slice %arg9[%dma_start3A_910, %dma_start3A_911, %dma_start3A_912] : memref<4x64x128xf32, #tpu.memory_space<vmem>> -> memref<1x64x128xf32, #tpu.memory_space<vmem>>
        %dma_start3A_914 = tpu.memref_squeeze %dma_start3A_913 : memref<1x64x128xf32, #tpu.memory_space<vmem>> -> memref<64x128xf32, #tpu.memory_space<vmem>>
        %dma_start3A_915 = arith.constant 0 : i32
        %dma_start3A_916 = tpu.memref_slice %arg7[%min3A_909, %dma_start3A_915] : memref<40x64xi32, #tpu.memory_space<vmem>> -> memref<1x64xi32, #tpu.memory_space<vmem>>
        %dma_start3A_917 = tpu.memref_squeeze %dma_start3A_916 : memref<1x64xi32, #tpu.memory_space<vmem>> -> memref<64xi32, #tpu.memory_space<vmem>>
        %dma_start3A_918 = arith.constant 0 : i32
        %dma_start3A_919 = arith.constant 0 : i32
        %dma_start3A_920 = tpu.memref_slice %arg4[%dma_start3A_918, %dma_start3A_919] : memref<10000x128xf32, #tpu.memory_space<hbm>> -> memref<10000x128xf32, #tpu.memory_space<hbm>>
        tpu.enqueue_indirect_dma source(%dma_start3A_920 : memref<10000x128xf32, #tpu.memory_space<hbm>>) target(%dma_start3A_914 : memref<64x128xf32, #tpu.memory_space<vmem>>) offsets(%dma_start3A_917 : memref<64xi32, #tpu.memory_space<vmem>>) semaphore(%arg12 : memref<!tpu.dma_semaphore, #tpu.memory_space<semaphore_mem>>)
        %dma_wait3A_921 = arith.constant 0 : i32
        %dma_wait3A_922 = arith.constant 2 : i32
        %dma_wait3A_923 = arith.constant 0 : i32
        %dma_wait3A_924 = arith.constant 0 : i32
        %dma_wait3A_925 = tpu.memref_slice %arg9[%dma_wait3A_922, %dma_wait3A_923, %dma_wait3A_924] : memref<4x64x128xf32, #tpu.memory_space<vmem>> -> memref<1x64x128xf32, #tpu.memory_space<vmem>>
        %dma_wait3A_926 = tpu.memref_squeeze %dma_wait3A_925 : memref<1x64x128xf32, #tpu.memory_space<vmem>> -> memref<64x128xf32, #tpu.memory_space<vmem>>
        %dma_wait3A_927 = arith.constant 0 : i32
        %dma_wait3A_928 = tpu.memref_slice %arg7[%dma_wait3A_921, %dma_wait3A_927] : memref<40x64xi32, #tpu.memory_space<vmem>> -> memref<1x64xi32, #tpu.memory_space<vmem>>
        %dma_wait3A_929 = tpu.memref_squeeze %dma_wait3A_928 : memref<1x64xi32, #tpu.memory_space<vmem>> -> memref<64xi32, #tpu.memory_space<vmem>>
        %dma_wait3A_930 = arith.constant 0 : i32
        %dma_wait3A_931 = arith.constant 0 : i32
        %dma_wait3A_932 = tpu.memref_slice %arg4[%dma_wait3A_930, %dma_wait3A_931] : memref<10000x128xf32, #tpu.memory_space<hbm>> -> memref<10000x128xf32, #tpu.memory_space<hbm>>
        tpu.wait_indirect_dma semaphore(%arg13 : memref<!tpu.dma_semaphore, #tpu.memory_space<semaphore_mem>>) src(%dma_wait3A_932 : memref<10000x128xf32, #tpu.memory_space<hbm>>) dst(%dma_wait3A_926 : memref<64x128xf32, #tpu.memory_space<vmem>>)
        %add3A_933 = arith.constant 2 : i32
        %add3A_934 = arith.addi %mul3A_858, %add3A_933 : i32
        %run_scoped3A_935 = arith.constant 2 : i32
        "tpu.region"() ({
          %run_scoped3A_985 = tpu.sem_alloc : memref<!tpu.dma_semaphore, #tpu.memory_space<semaphore_mem>>
          %dma_start3A_986 = arith.constant 0 : i32
          %dma_start3A_987 = arith.constant 0 : i32
          %dma_start3A_988 = tpu.memref_slice %arg9[%run_scoped3A_935, %dma_start3A_986, %dma_start3A_987] : memref<4x64x128xf32, #tpu.memory_space<vmem>> -> memref<1x64x128xf32, #tpu.memory_space<vmem>>
          %dma_start3A_989 = tpu.memref_squeeze %dma_start3A_988 : memref<1x64x128xf32, #tpu.memory_space<vmem>> -> memref<64x128xf32, #tpu.memory_space<vmem>>
          %dma_start3A_990 = arith.constant 0 : i32
          %dma_start3A_991 = tpu.memref_slice %arg8[%add3A_934, %dma_start3A_990] : memref<40x64xi32, #tpu.memory_space<vmem>> -> memref<1x64xi32, #tpu.memory_space<vmem>>
          %dma_start3A_992 = tpu.memref_squeeze %dma_start3A_991 : memref<1x64xi32, #tpu.memory_space<vmem>> -> memref<64xi32, #tpu.memory_space<vmem>>
          %dma_start3A_993 = arith.constant 0 : i32
          %dma_start3A_994 = arith.constant 0 : i32
          %dma_start3A_995 = tpu.memref_slice %arg10[%dma_start3A_993, %dma_start3A_994] : memref<10240x128xf32, #tpu.memory_space<vmem_shared>> -> memref<10240x128xf32, #tpu.memory_space<vmem_shared>>
          tpu.enqueue_indirect_dma source(%dma_start3A_989 : memref<64x128xf32, #tpu.memory_space<vmem>>) target(%dma_start3A_995 : memref<10240x128xf32, #tpu.memory_space<vmem_shared>>) offsets(%dma_start3A_992 : memref<64xi32, #tpu.memory_space<vmem>>) semaphore(%run_scoped3A_985 : memref<!tpu.dma_semaphore, #tpu.memory_space<semaphore_mem>>) {add = true}
          %dma_wait3A_996 = arith.constant 0 : i32
          %dma_wait3A_997 = arith.constant 0 : i32
          %dma_wait3A_998 = tpu.memref_slice %arg9[%run_scoped3A_935, %dma_wait3A_996, %dma_wait3A_997] : memref<4x64x128xf32, #tpu.memory_space<vmem>> -> memref<1x64x128xf32, #tpu.memory_space<vmem>>
          %dma_wait3A_999 = tpu.memref_squeeze %dma_wait3A_998 : memref<1x64x128xf32, #tpu.memory_space<vmem>> -> memref<64x128xf32, #tpu.memory_space<vmem>>
          %dma_wait3A_1000 = arith.constant 0 : i32
          %dma_wait3A_1001 = tpu.memref_slice %arg8[%add3A_934, %dma_wait3A_1000] : memref<40x64xi32, #tpu.memory_space<vmem>> -> memref<1x64xi32, #tpu.memory_space<vmem>>
          %dma_wait3A_1002 = tpu.memref_squeeze %dma_wait3A_1001 : memref<1x64xi32, #tpu.memory_space<vmem>> -> memref<64xi32, #tpu.memory_space<vmem>>
          %dma_wait3A_1003 = arith.constant 0 : i32
          %dma_wait3A_1004 = arith.constant 0 : i32
          %dma_wait3A_1005 = tpu.memref_slice %arg10[%dma_wait3A_1003, %dma_wait3A_1004] : memref<10240x128xf32, #tpu.memory_space<vmem_shared>> -> memref<10240x128xf32, #tpu.memory_space<vmem_shared>>
          tpu.wait_indirect_dma semaphore(%run_scoped3A_985 : memref<!tpu.dma_semaphore, #tpu.memory_space<semaphore_mem>>) src(%dma_wait3A_999 : memref<64x128xf32, #tpu.memory_space<vmem>>) dst(%dma_wait3A_1005 : memref<10240x128xf32, #tpu.memory_space<vmem_shared>>)
          tpu.yield
        }) : () -> ()
        %add3A_936 = arith.constant 4 : i32
        %add3A_937 = arith.addi %mul3A_858, %add3A_936 : i32
        %add3A_938 = arith.constant 2 : i32
        %add3A_939 = arith.addi %add3A_937, %add3A_938 : i32
        %min3A_940 = arith.constant 39 : i32
        %min3A_941 = arith.minsi %add3A_939, %min3A_940 : i32
        %dma_start3A_942 = arith.constant 2 : i32
        %dma_start3A_943 = arith.constant 0 : i32
        %dma_start3A_944 = arith.constant 0 : i32
        %dma_start3A_945 = tpu.memref_slice %arg9[%dma_start3A_942, %dma_start3A_943, %dma_start3A_944] : memref<4x64x128xf32, #tpu.memory_space<vmem>> -> memref<1x64x128xf32, #tpu.memory_space<vmem>>
        %dma_start3A_946 = tpu.memref_squeeze %dma_start3A_945 : memref<1x64x128xf32, #tpu.memory_space<vmem>> -> memref<64x128xf32, #tpu.memory_space<vmem>>
        %dma_start3A_947 = arith.constant 0 : i32
        %dma_start3A_948 = tpu.memref_slice %arg7[%min3A_941, %dma_start3A_947] : memref<40x64xi32, #tpu.memory_space<vmem>> -> memref<1x64xi32, #tpu.memory_space<vmem>>
        %dma_start3A_949 = tpu.memref_squeeze %dma_start3A_948 : memref<1x64xi32, #tpu.memory_space<vmem>> -> memref<64xi32, #tpu.memory_space<vmem>>
        %dma_start3A_950 = arith.constant 0 : i32
        %dma_start3A_951 = arith.constant 0 : i32
        %dma_start3A_952 = tpu.memref_slice %arg4[%dma_start3A_950, %dma_start3A_951] : memref<10000x128xf32, #tpu.memory_space<hbm>> -> memref<10000x128xf32, #tpu.memory_space<hbm>>
        tpu.enqueue_indirect_dma source(%dma_start3A_952 : memref<10000x128xf32, #tpu.memory_space<hbm>>) target(%dma_start3A_946 : memref<64x128xf32, #tpu.memory_space<vmem>>) offsets(%dma_start3A_949 : memref<64xi32, #tpu.memory_space<vmem>>) semaphore(%arg13 : memref<!tpu.dma_semaphore, #tpu.memory_space<semaphore_mem>>)
        %dma_wait3A_953 = arith.constant 0 : i32
        %dma_wait3A_954 = arith.constant 3 : i32
        %dma_wait3A_955 = arith.constant 0 : i32
        %dma_wait3A_956 = arith.constant 0 : i32
        %dma_wait3A_957 = tpu.memref_slice %arg9[%dma_wait3A_954, %dma_wait3A_955, %dma_wait3A_956] : memref<4x64x128xf32, #tpu.memory_space<vmem>> -> memref<1x64x128xf32, #tpu.memory_space<vmem>>
        %dma_wait3A_958 = tpu.memref_squeeze %dma_wait3A_957 : memref<1x64x128xf32, #tpu.memory_space<vmem>> -> memref<64x128xf32, #tpu.memory_space<vmem>>
        %dma_wait3A_959 = arith.constant 0 : i32
        %dma_wait3A_960 = tpu.memref_slice %arg7[%dma_wait3A_953, %dma_wait3A_959] : memref<40x64xi32, #tpu.memory_space<vmem>> -> memref<1x64xi32, #tpu.memory_space<vmem>>
        %dma_wait3A_961 = tpu.memref_squeeze %dma_wait3A_960 : memref<1x64xi32, #tpu.memory_space<vmem>> -> memref<64xi32, #tpu.memory_space<vmem>>
        %dma_wait3A_962 = arith.constant 0 : i32
        %dma_wait3A_963 = arith.constant 0 : i32
        %dma_wait3A_964 = tpu.memref_slice %arg4[%dma_wait3A_962, %dma_wait3A_963] : memref<10000x128xf32, #tpu.memory_space<hbm>> -> memref<10000x128xf32, #tpu.memory_space<hbm>>
        tpu.wait_indirect_dma semaphore(%arg14 : memref<!tpu.dma_semaphore, #tpu.memory_space<semaphore_mem>>) src(%dma_wait3A_964 : memref<10000x128xf32, #tpu.memory_space<hbm>>) dst(%dma_wait3A_958 : memref<64x128xf32, #tpu.memory_space<vmem>>)
        %add3A_965 = arith.constant 3 : i32
        %add3A_966 = arith.addi %mul3A_858, %add3A_965 : i32
        %run_scoped3A_967 = arith.constant 3 : i32
        "tpu.region"() ({
          %run_scoped3A_985 = tpu.sem_alloc : memref<!tpu.dma_semaphore, #tpu.memory_space<semaphore_mem>>
          %dma_start3A_986 = arith.constant 0 : i32
          %dma_start3A_987 = arith.constant 0 : i32
          %dma_start3A_988 = tpu.memref_slice %arg9[%run_scoped3A_967, %dma_start3A_986, %dma_start3A_987] : memref<4x64x128xf32, #tpu.memory_space<vmem>> -> memref<1x64x128xf32, #tpu.memory_space<vmem>>
          %dma_start3A_989 = tpu.memref_squeeze %dma_start3A_988 : memref<1x64x128xf32, #tpu.memory_space<vmem>> -> memref<64x128xf32, #tpu.memory_space<vmem>>
          %dma_start3A_990 = arith.constant 0 : i32
          %dma_start3A_991 = tpu.memref_slice %arg8[%add3A_966, %dma_start3A_990] : memref<40x64xi32, #tpu.memory_space<vmem>> -> memref<1x64xi32, #tpu.memory_space<vmem>>
          %dma_start3A_992 = tpu.memref_squeeze %dma_start3A_991 : memref<1x64xi32, #tpu.memory_space<vmem>> -> memref<64xi32, #tpu.memory_space<vmem>>
          %dma_start3A_993 = arith.constant 0 : i32
          %dma_start3A_994 = arith.constant 0 : i32
          %dma_start3A_995 = tpu.memref_slice %arg10[%dma_start3A_993, %dma_start3A_994] : memref<10240x128xf32, #tpu.memory_space<vmem_shared>> -> memref<10240x128xf32, #tpu.memory_space<vmem_shared>>
          tpu.enqueue_indirect_dma source(%dma_start3A_989 : memref<64x128xf32, #tpu.memory_space<vmem>>) target(%dma_start3A_995 : memref<10240x128xf32, #tpu.memory_space<vmem_shared>>) offsets(%dma_start3A_992 : memref<64xi32, #tpu.memory_space<vmem>>) semaphore(%run_scoped3A_985 : memref<!tpu.dma_semaphore, #tpu.memory_space<semaphore_mem>>) {add = true}
          %dma_wait3A_996 = arith.constant 0 : i32
          %dma_wait3A_997 = arith.constant 0 : i32
          %dma_wait3A_998 = tpu.memref_slice %arg9[%run_scoped3A_967, %dma_wait3A_996, %dma_wait3A_997] : memref<4x64x128xf32, #tpu.memory_space<vmem>> -> memref<1x64x128xf32, #tpu.memory_space<vmem>>
          %dma_wait3A_999 = tpu.memref_squeeze %dma_wait3A_998 : memref<1x64x128xf32, #tpu.memory_space<vmem>> -> memref<64x128xf32, #tpu.memory_space<vmem>>
          %dma_wait3A_1000 = arith.constant 0 : i32
          %dma_wait3A_1001 = tpu.memref_slice %arg8[%add3A_966, %dma_wait3A_1000] : memref<40x64xi32, #tpu.memory_space<vmem>> -> memref<1x64xi32, #tpu.memory_space<vmem>>
          %dma_wait3A_1002 = tpu.memref_squeeze %dma_wait3A_1001 : memref<1x64xi32, #tpu.memory_space<vmem>> -> memref<64xi32, #tpu.memory_space<vmem>>
          %dma_wait3A_1003 = arith.constant 0 : i32
          %dma_wait3A_1004 = arith.constant 0 : i32
          %dma_wait3A_1005 = tpu.memref_slice %arg10[%dma_wait3A_1003, %dma_wait3A_1004] : memref<10240x128xf32, #tpu.memory_space<vmem_shared>> -> memref<10240x128xf32, #tpu.memory_space<vmem_shared>>
          tpu.wait_indirect_dma semaphore(%run_scoped3A_985 : memref<!tpu.dma_semaphore, #tpu.memory_space<semaphore_mem>>) src(%dma_wait3A_999 : memref<64x128xf32, #tpu.memory_space<vmem>>) dst(%dma_wait3A_1005 : memref<10240x128xf32, #tpu.memory_space<vmem_shared>>)
          tpu.yield
        }) : () -> ()
        %add3A_968 = arith.constant 4 : i32
        %add3A_969 = arith.addi %mul3A_858, %add3A_968 : i32
        %add3A_970 = arith.constant 3 : i32
        %add3A_971 = arith.addi %add3A_969, %add3A_970 : i32
        %min3A_972 = arith.constant 39 : i32
        %min3A_973 = arith.minsi %add3A_971, %min3A_972 : i32
        %dma_start3A_974 = arith.constant 3 : i32
        %dma_start3A_975 = arith.constant 0 : i32
        %dma_start3A_976 = arith.constant 0 : i32
        %dma_start3A_977 = tpu.memref_slice %arg9[%dma_start3A_974, %dma_start3A_975, %dma_start3A_976] : memref<4x64x128xf32, #tpu.memory_space<vmem>> -> memref<1x64x128xf32, #tpu.memory_space<vmem>>
        %dma_start3A_978 = tpu.memref_squeeze %dma_start3A_977 : memref<1x64x128xf32, #tpu.memory_space<vmem>> -> memref<64x128xf32, #tpu.memory_space<vmem>>
        %dma_start3A_979 = arith.constant 0 : i32
        %dma_start3A_980 = tpu.memref_slice %arg7[%min3A_973, %dma_start3A_979] : memref<40x64xi32, #tpu.memory_space<vmem>> -> memref<1x64xi32, #tpu.memory_space<vmem>>
        %dma_start3A_981 = tpu.memref_squeeze %dma_start3A_980 : memref<1x64xi32, #tpu.memory_space<vmem>> -> memref<64xi32, #tpu.memory_space<vmem>>
        %dma_start3A_982 = arith.constant 0 : i32
        %dma_start3A_983 = arith.constant 0 : i32
        %dma_start3A_984 = tpu.memref_slice %arg4[%dma_start3A_982, %dma_start3A_983] : memref<10000x128xf32, #tpu.memory_space<hbm>> -> memref<10000x128xf32, #tpu.memory_space<hbm>>
        tpu.enqueue_indirect_dma source(%dma_start3A_984 : memref<10000x128xf32, #tpu.memory_space<hbm>>) target(%dma_start3A_978 : memref<64x128xf32, #tpu.memory_space<vmem>>) offsets(%dma_start3A_981 : memref<64xi32, #tpu.memory_space<vmem>>) semaphore(%arg14 : memref<!tpu.dma_semaphore, #tpu.memory_space<semaphore_mem>>)
      }
      %scan3A_807 = arith.constant 10 : i32
      %dma_wait3A_808 = arith.constant 0 : i32
      %dma_wait3A_809 = arith.constant 0 : i32
      %dma_wait3A_810 = arith.constant 0 : i32
      %dma_wait3A_811 = arith.constant 0 : i32
      %dma_wait3A_812 = tpu.memref_slice %arg9[%dma_wait3A_809, %dma_wait3A_810, %dma_wait3A_811] : memref<4x64x128xf32, #tpu.memory_space<vmem>> -> memref<1x64x128xf32, #tpu.memory_space<vmem>>
      %dma_wait3A_813 = tpu.memref_squeeze %dma_wait3A_812 : memref<1x64x128xf32, #tpu.memory_space<vmem>> -> memref<64x128xf32, #tpu.memory_space<vmem>>
      %dma_wait3A_814 = arith.constant 0 : i32
      %dma_wait3A_815 = tpu.memref_slice %arg7[%dma_wait3A_808, %dma_wait3A_814] : memref<40x64xi32, #tpu.memory_space<vmem>> -> memref<1x64xi32, #tpu.memory_space<vmem>>
      %dma_wait3A_816 = tpu.memref_squeeze %dma_wait3A_815 : memref<1x64xi32, #tpu.memory_space<vmem>> -> memref<64xi32, #tpu.memory_space<vmem>>
      %dma_wait3A_817 = arith.constant 0 : i32
      %dma_wait3A_818 = arith.constant 0 : i32
      %dma_wait3A_819 = tpu.memref_slice %arg4[%dma_wait3A_817, %dma_wait3A_818] : memref<10000x128xf32, #tpu.memory_space<hbm>> -> memref<10000x128xf32, #tpu.memory_space<hbm>>
      tpu.wait_indirect_dma semaphore(%arg11 : memref<!tpu.dma_semaphore, #tpu.memory_space<semaphore_mem>>) src(%dma_wait3A_819 : memref<10000x128xf32, #tpu.memory_space<hbm>>) dst(%dma_wait3A_813 : memref<64x128xf32, #tpu.memory_space<vmem>>)
      %dma_wait3A_820 = arith.constant 0 : i32
      %dma_wait3A_821 = arith.constant 1 : i32
      %dma_wait3A_822 = arith.constant 0 : i32
      %dma_wait3A_823 = arith.constant 0 : i32
      %dma_wait3A_824 = tpu.memref_slice %arg9[%dma_wait3A_821, %dma_wait3A_822, %dma_wait3A_823] : memref<4x64x128xf32, #tpu.memory_space<vmem>> -> memref<1x64x128xf32, #tpu.memory_space<vmem>>
      %dma_wait3A_825 = tpu.memref_squeeze %dma_wait3A_824 : memref<1x64x128xf32, #tpu.memory_space<vmem>> -> memref<64x128xf32, #tpu.memory_space<vmem>>
      %dma_wait3A_826 = arith.constant 0 : i32
      %dma_wait3A_827 = tpu.memref_slice %arg7[%dma_wait3A_820, %dma_wait3A_826] : memref<40x64xi32, #tpu.memory_space<vmem>> -> memref<1x64xi32, #tpu.memory_space<vmem>>
      %dma_wait3A_828 = tpu.memref_squeeze %dma_wait3A_827 : memref<1x64xi32, #tpu.memory_space<vmem>> -> memref<64xi32, #tpu.memory_space<vmem>>
      %dma_wait3A_829 = arith.constant 0 : i32
      %dma_wait3A_830 = arith.constant 0 : i32
      %dma_wait3A_831 = tpu.memref_slice %arg4[%dma_wait3A_829, %dma_wait3A_830] : memref<10000x128xf32, #tpu.memory_space<hbm>> -> memref<10000x128xf32, #tpu.memory_space<hbm>>
      tpu.wait_indirect_dma semaphore(%arg12 : memref<!tpu.dma_semaphore, #tpu.memory_space<semaphore_mem>>) src(%dma_wait3A_831 : memref<10000x128xf32, #tpu.memory_space<hbm>>) dst(%dma_wait3A_825 : memref<64x128xf32, #tpu.memory_space<vmem>>)
      %dma_wait3A_832 = arith.constant 0 : i32
      %dma_wait3A_833 = arith.constant 2 : i32
      %dma_wait3A_834 = arith.constant 0 : i32
      %dma_wait3A_835 = arith.constant 0 : i32
      %dma_wait3A_836 = tpu.memref_slice %arg9[%dma_wait3A_833, %dma_wait3A_834, %dma_wait3A_835] : memref<4x64x128xf32, #tpu.memory_space<vmem>> -> memref<1x64x128xf32, #tpu.memory_space<vmem>>
      %dma_wait3A_837 = tpu.memref_squeeze %dma_wait3A_836 : memref<1x64x128xf32, #tpu.memory_space<vmem>> -> memref<64x128xf32, #tpu.memory_space<vmem>>
      %dma_wait3A_838 = arith.constant 0 : i32
      %dma_wait3A_839 = tpu.memref_slice %arg7[%dma_wait3A_832, %dma_wait3A_838] : memref<40x64xi32, #tpu.memory_space<vmem>> -> memref<1x64xi32, #tpu.memory_space<vmem>>
      %dma_wait3A_840 = tpu.memref_squeeze %dma_wait3A_839 : memref<1x64xi32, #tpu.memory_space<vmem>> -> memref<64xi32, #tpu.memory_space<vmem>>
      %dma_wait3A_841 = arith.constant 0 : i32
      %dma_wait3A_842 = arith.constant 0 : i32
      %dma_wait3A_843 = tpu.memref_slice %arg4[%dma_wait3A_841, %dma_wait3A_842] : memref<10000x128xf32, #tpu.memory_space<hbm>> -> memref<10000x128xf32, #tpu.memory_space<hbm>>
      tpu.wait_indirect_dma semaphore(%arg13 : memref<!tpu.dma_semaphore, #tpu.memory_space<semaphore_mem>>) src(%dma_wait3A_843 : memref<10000x128xf32, #tpu.memory_space<hbm>>) dst(%dma_wait3A_837 : memref<64x128xf32, #tpu.memory_space<vmem>>)
      %dma_wait3A_844 = arith.constant 0 : i32
      %dma_wait3A_845 = arith.constant 3 : i32
      %dma_wait3A_846 = arith.constant 0 : i32
      %dma_wait3A_847 = arith.constant 0 : i32
      %dma_wait3A_848 = tpu.memref_slice %arg9[%dma_wait3A_845, %dma_wait3A_846, %dma_wait3A_847] : memref<4x64x128xf32, #tpu.memory_space<vmem>> -> memref<1x64x128xf32, #tpu.memory_space<vmem>>
      %dma_wait3A_849 = tpu.memref_squeeze %dma_wait3A_848 : memref<1x64x128xf32, #tpu.memory_space<vmem>> -> memref<64x128xf32, #tpu.memory_space<vmem>>
      %dma_wait3A_850 = arith.constant 0 : i32
      %dma_wait3A_851 = tpu.memref_slice %arg7[%dma_wait3A_844, %dma_wait3A_850] : memref<40x64xi32, #tpu.memory_space<vmem>> -> memref<1x64xi32, #tpu.memory_space<vmem>>
      %dma_wait3A_852 = tpu.memref_squeeze %dma_wait3A_851 : memref<1x64xi32, #tpu.memory_space<vmem>> -> memref<64xi32, #tpu.memory_space<vmem>>
      %dma_wait3A_853 = arith.constant 0 : i32
      %dma_wait3A_854 = arith.constant 0 : i32
      %dma_wait3A_855 = tpu.memref_slice %arg4[%dma_wait3A_853, %dma_wait3A_854] : memref<10000x128xf32, #tpu.memory_space<hbm>> -> memref<10000x128xf32, #tpu.memory_space<hbm>>
      tpu.wait_indirect_dma semaphore(%arg14 : memref<!tpu.dma_semaphore, #tpu.memory_space<semaphore_mem>>) src(%dma_wait3A_855 : memref<10000x128xf32, #tpu.memory_space<hbm>>) dst(%dma_wait3A_849 : memref<64x128xf32, #tpu.memory_space<vmem>>)
    } else {
    }
    %barrier3A_7 = arith.constant 0 : index
    tpu.barrier barrier_id(%barrier3A_7)
    %eq3A_8 = arith.constant 0 : i32
    %eq3A_9 = arith.cmpi eq, %arg0, %eq3A_8 : i32
    %convert_element_type3A_10 = arith.extui %eq3A_9 : i1 to i32
    %cond3A_11 = arith.constant 0 : i32
    %cond3A_12 = arith.cmpi ne, %convert_element_type3A_10, %cond3A_11 : i32
    scf.if %cond3A_12 {
      %mul3A = arith.constant 640 : i32
      %mul3A_13 = arith.muli %arg1, %mul3A : i32
      %mul3A_14 = arith.constant 640 : i32
      %mul3A_15 = arith.muli %arg1, %mul3A_14 : i32
      "tpu.region"() ({
        %run_scoped3A = tpu.sem_alloc : memref<!tpu.dma_semaphore, #tpu.memory_space<semaphore_mem>>
        %dma_start3A = arith.constant 0 : i32
        %dma_start3A_16 = tpu.memref_slice %arg6[%mul3A_15, %dma_start3A] : memref<10240x128xf32, #tpu.memory_space<hbm>> -> memref<640x128xf32, #tpu.memory_space<hbm>>
        %dma_start3A_17 = arith.constant 0 : i32
        %dma_start3A_18 = tpu.memref_slice %arg10[%mul3A_13, %dma_start3A_17] : memref<10240x128xf32, #tpu.memory_space<vmem_shared>> -> memref<640x128xf32, #tpu.memory_space<vmem_shared>>
        tpu.enqueue_dma source(%dma_start3A_18 : memref<640x128xf32, #tpu.memory_space<vmem_shared>>) target(%dma_start3A_16 : memref<640x128xf32, #tpu.memory_space<hbm>>) target_semaphore(%run_scoped3A : memref<!tpu.dma_semaphore, #tpu.memory_space<semaphore_mem>>)
        %dma_wait3A = arith.constant 0 : i32
        %dma_wait3A_19 = tpu.memref_slice %arg6[%mul3A_15, %dma_wait3A] : memref<10240x128xf32, #tpu.memory_space<hbm>> -> memref<640x128xf32, #tpu.memory_space<hbm>>
        %dma_wait3A_20 = arith.constant 0 : i32
        %dma_wait3A_21 = tpu.memref_slice %arg10[%mul3A_13, %dma_wait3A_20] : memref<10240x128xf32, #tpu.memory_space<vmem_shared>> -> memref<640x128xf32, #tpu.memory_space<vmem_shared>>
        tpu.wait_dma2 semaphore(%run_scoped3A : memref<!tpu.dma_semaphore, #tpu.memory_space<semaphore_mem>>) src(%dma_wait3A_21 : memref<640x128xf32, #tpu.memory_space<vmem_shared>>) dst(%dma_wait3A_19 : memref<640x128xf32, #tpu.memory_space<hbm>>)
        tpu.yield
      }) : () -> ()
    } else {
    }
    return
  }
}

module attributes {stable_mosaic.version = 14 : i64} {
  func.func @_tc_finish_body(%arg0: i32, %arg1: memref<1000x128xf32, #tpu.memory_space<vmem>>, %arg2: memref<128x128xf32, #tpu.memory_space<vmem>>, %arg3: memref<1x128xf32, #tpu.memory_space<vmem>>, %arg4: memref<1000x128xf32, #tpu.memory_space<vmem>>) attributes {dimension_semantics = [#tpu.dimension_semantics<arbitrary>], iteration_bounds = array<i64: 10>, scalar_prefetch = 0 : i64, scratch_operands = 0 : i64, tpu.core_type = #tpu.core_type<tc>, window_params = [{transform_indices = @transform_0, window_bounds = array<i64: 1000, 128>}, {pipeline_mode = #tpu.pipeline_mode<synchronous>, transform_indices = @transform_1, window_bounds = array<i64: 128, 128>}, {pipeline_mode = #tpu.pipeline_mode<synchronous>, transform_indices = @transform_2, window_bounds = array<i64: 1, 128>}, {transform_indices = @transform_3, window_bounds = array<i64: 1000, 128>}]} {
    %get3A = arith.constant 0 : index
    %get3A_0 = arith.constant 0 : index
    %get3A_1 = vector.load %arg1[%get3A, %get3A_0] : memref<1000x128xf32, #tpu.memory_space<vmem>>, vector<1000x128xf32>
    %get3A_2 = arith.constant 0 : index
    %get3A_3 = arith.constant 0 : index
    %get3A_4 = vector.load %arg2[%get3A_2, %get3A_3] : memref<128x128xf32, #tpu.memory_space<vmem>>, vector<128x128xf32>
    %dot_general3A = arith.constant dense<0.000000e+00> : vector<1000x128xf32>
    %dot_general3A_5 = tpu.matmul %get3A_1, %get3A_4, %dot_general3A {dimension_numbers = #tpu.dot_dimension_numbers<[1], [0], [0], [1], [0, 0, 1, 1], [], []>, transpose_lhs_hint = false} : vector<1000x128xf32>, vector<128x128xf32>, vector<1000x128xf32> -> vector<1000x128xf32>
    %get3A_6 = arith.constant 0 : index
    %get3A_7 = arith.constant 0 : index
    %get3A_8 = vector.load %arg3[%get3A_6, %get3A_7] : memref<1x128xf32, #tpu.memory_space<vmem>>, vector<1x128xf32>
    %add3A = vector.broadcast %get3A_8 : vector<1x128xf32> to vector<1000x128xf32>
    %add3A_9 = arith.addf %dot_general3A_5, %add3A : vector<1000x128xf32>
    %max3A = arith.constant 0.000000e+00 : f32
    %max3A_10 = vector.broadcast %max3A : f32 to vector<1000x128xf32>
    %max3A_11 = arith.maximumf %add3A_9, %max3A_10 : vector<1000x128xf32>
    %swap3A = arith.constant 0 : index
    %swap3A_12 = arith.constant 0 : index
    %swap3A_13 = vector.load %arg4[%swap3A, %swap3A_12] : memref<1000x128xf32, #tpu.memory_space<vmem>>, vector<1000x128xf32>
    tpu.vector_store %arg4[%swap3A, %swap3A_12], %max3A_11 {strides = array<i32>} : memref<1000x128xf32, #tpu.memory_space<vmem>>, vector<1000x128xf32>,
    return
  }
  func.func @transform_0(%arg0: i32) -> (i32, i32) {
    %c0_i32 = arith.constant 0 : i32
    %c0_i32_0 = arith.constant 0 : i32
    return %arg0, %c0_i32 : i32, i32
  }
  func.func @transform_1(%arg0: i32) -> (i32, i32) {
    %c0_i32 = arith.constant 0 : i32
    %c0_i32_0 = arith.constant 0 : i32
    %c0_i32_1 = arith.constant 0 : i32
    return %c0_i32, %c0_i32_0 : i32, i32
  }
  func.func @transform_2(%arg0: i32) -> (i32, i32) {
    %c0_i32 = arith.constant 0 : i32
    %c0_i32_0 = arith.constant 0 : i32
    %c0_i32_1 = arith.constant 0 : i32
    return %c0_i32, %c0_i32_0 : i32, i32
  }
  func.func @transform_3(%arg0: i32) -> (i32, i32) {
    %c0_i32 = arith.constant 0 : i32
    %c0_i32_0 = arith.constant 0 : i32
    return %arg0, %c0_i32 : i32, i32
  }
}

</mosaic_0001>

<sc_bundles>
// kernel: gather_offload_async_start.1
scs
__scs_entry_jumppad:
0x0: {  	(pc) =	sbr.rel $0x88, $3  }
0x1: {  	(tag) =	ssettag $0x0;
	lr =	simm.s32 $0x1  }
0x2: {  	[smem:$0x3F9D] =	sst lr;
	_ =	strace $0xD0000000  }
0x3: {  	_ = 	snop  }
0x4: {  	_ = 	snop  }
0x5: {  	_ = 	snop  }
0x6: {  	_ = 	snop  }
0x7: {  	_ = 	snop  }
__scs_overlays_trampoline_lowered:
0x8: {  	[smem:$0x3FAC] =	sst s0  }
0x9: {  	[smem:$0x3FAD] =	sst s1  }
0xa: {  	[smem:$0x3FAE] =	sst s2  }
0xb: {  	[smem:$0x3FAF] =	sst s3  }
0xc: {  	[smem:$0x3FB0] =	sst s4  }
0xd: {  	[smem:$0x3FB1] =	sst s5  }
0xe: {  	[smem:$0x3FB2] =	sst s6  }
0xf: {  	[smem:$0x3FB3] =	sst s7  }
0x10: {  	[smem:$0x3FB4] =	sst s8  }
0x11: {  	[smem:$0x3FB5] =	sst s9;
	s0 =	simm.s32 @!p0 $0x0  }
0x12: {  	s1 =	sld [smem:$0x3F9B];
	s0 =	simm.s32 @p0 $0x1  }
0x13: {  	[smem:$0x3FB6] =	sst s0;
	s0 =	simm.s32 @!p1 $0x0  }
0x14: {  	s2 =	sld [smem:$0x3F9A];
	s0 =	simm.s32 @p1 $0x1  }
0x15: {  	[smem:$0x3FB7] =	sst s0;
	s0 =	simm.s32 @!p2 $0x0  }
0x16: {  	s3 =	sld [smem:$0x3FDB];
	s0 =	simm.s32 @p2 $0x1  }
0x17: {  	s4 =	simm.s32 $0x1BF5;
	[smem:$0x3FB9] =	sst s0  }
0x18: {  	s0 =	sld [smem:$0x3F9C];
	_ =	swait.ge [sflag:s4], $0x0  }
0x19: {  	s7 =	sld [smem:$0x3F9D]  }
0x1a: {  	s8 =	sadd.s32 $0xFFFFE003, lr  }
0x1b: {  	s9 =	sadd.s32 $0xFFFFFEF7, lr;
	s5 =	simm.s32 $0xFFFFFFFF;
	p2 =	slt.u32 s8, $0xFFFFF086  }
0x1c: {  	p1 =	slt.u32 s9, $0xF7A;
	s5 =	simm.s32 @!p2 $0x0  }
0x1d: {  	s5 =	simm.s32 @p1 $0x1;
	p0 =	seq.s32 s7, s2  }
0x1e: {  	s7 =	smul.u32 @!p0 $0xF7A, s2;
	p2 =	seq.s32 @!p0 s5, $0x0  }
0x1f: {  	s9 =	smul.u32 $0xF7A, s1;
	s8 =	simm.s32 @!p0 $0x1BF5;
	p2 =	por !p2, p0  }
0x20: {  	[sflag:s8] =	ssyncset.s32 @!p0 $0xFFFFF086;
	s6 =	sadd.s32 @!p0 s3, s7;
	s7 =	simm.s32 @!p0 $0x108  }
0x21: {  	s3 =	sadd.s32 s3, s9;
	s6 =	sadd.s32 @!p0 $0x88, s6;
	s7 =	simm.s32 @p2 $0x1082  }
0x22: {  	[simem:s7], [sflag:s8] =	dma.local @!p0 [hbm:s6], $0xF7A  }
0x23: {  	s9 =	sor.u32 $0xD0000000, s2;
	s6 =	simm.s32 $0x108;
	_ =	swait.ge @!p0 [sflag:s8], $0x0  }
0x24: {  	s3 =	sadd.s32 $0x88, s3;
	s6 =	simm.s32 @!p1 $0x1082;
	[sflag:s4] =	ssyncset.s32 $0xFFFFF086  }
0x25: {  	[simem:s6], [sflag:s4] =	dma.local [hbm:s3], $0xF7A  }
0x26: {  	[smem:$0x3F9D] =	sst s1;
	(tag) =	ssettag s2;
	_ =	strace s9  }
0x27: {  	s1 =	sld [smem:$0x3FAD]  }
0x28: {  	s2 =	sld [smem:$0x3FAE]  }
0x29: {  	s4 =	sld [smem:$0x3FB0]  }
0x2a: {  	p0 =	seq.s32 s5, $0x0;
	s5 =	sld [smem:$0x3FB1]  }
0x2b: {  	s6 =	sld [smem:$0x3FB2]  }
0x2c: {  	s7 =	sld [smem:$0x3FB3]  }
0x2d: {  	s3 =	simm.s32 $0x108;
	s8 =	sld [smem:$0x3FB4]  }
0x2e: {  	s3 =	simm.s32 @!p0 $0x1082;
	s9 =	sld [smem:$0x3FB5]  }
0x2f: {  	lr =	sadd.s32 s0, s3;
	s0 =	sld [smem:$0x3FAC]  }
0x30: {  	s3 =	sld [smem:$0x3FAF]  }
0x31: {  	[smem:$0x3FB8] =	sst s10  }
0x32: {  	s10 =	sld [smem:$0x3FB6];
	_ =	sdelay $0x3  }
0x33: {  	p0 =	seq.s32 s10, $0x1;
	s10 =	sld [smem:$0x3FB8];
	_ =	sdelay $0x3  }
0x34: {  	[smem:$0x3FB8] =	sst s10  }
0x35: {  	s10 =	sld [smem:$0x3FB7];
	_ =	sdelay $0x3  }
0x36: {  	p1 =	seq.s32 s10, $0x1;
	s10 =	sld [smem:$0x3FB8];
	_ =	sdelay $0x3  }
0x37: {  	[smem:$0x3FB8] =	sst s10  }
0x38: {  	s10 =	sld [smem:$0x3FB9]  }
0x39: {  	_ = 	snop;
	(pc) =	sbr.ind lr, $3  }
0x3a: {  	_ = 	snop  }
0x3b: {  	_ = 	snop  }
0x3c: {  	p2 =	seq.s32 s10, $0x1;
	s10 =	sld [smem:$0x3FB8]  }
0x3d: {  	_ =	shalt  }
0x3e: {  	_ =	shalt  }
0x3f: {  	_ =	shalt  }
0x40: {  	_ =	shalt  }
0x41: {  	_ =	shalt  }
0x42: {  	_ =	shalt  }
0x43: {  	_ =	shalt  }
0x44: {  	_ =	shalt  }
0x45: {  	_ =	shalt  }
0x46: {  	_ =	shalt  }
0x47: {  	_ =	shalt  }
0x48: {  	_ =	shalt  }
0x49: {  	_ =	shalt  }
0x4a: {  	_ =	shalt  }
0x4b: {  	_ =	shalt  }
0x4c: {  	_ =	shalt  }
0x4d: {  	_ =	shalt  }
0x4e: {  	_ =	shalt  }
0x4f: {  	_ =	shalt  }
0x50: {  	_ =	shalt  }
0x51: {  	_ =	shalt  }
0x52: {  	_ =	shalt  }
0x53: {  	_ =	shalt  }
0x54: {  	_ =	shalt  }
0x55: {  	_ =	shalt  }
0x56: {  	_ =	shalt  }
0x57: {  	_ =	shalt  }
0x58: {  	_ =	shalt  }
0x59: {  	_ =	shalt  }
0x5a: {  	_ =	shalt  }
0x5b: {  	_ =	shalt  }
0x5c: {  	_ =	shalt  }
0x5d: {  	_ =	shalt  }
0x5e: {  	_ =	shalt  }
0x5f: {  	_ =	shalt  }
0x60: {  	_ =	shalt  }
0x61: {  	_ =	shalt  }
0x62: {  	_ =	shalt  }
0x63: {  	_ =	shalt  }
0x64: {  	_ =	shalt  }
0x65: {  	_ =	shalt  }
0x66: {  	_ =	shalt  }
0x67: {  	_ =	shalt  }
0x68: {  	_ =	shalt  }
0x69: {  	_ =	shalt  }
0x6a: {  	_ =	shalt  }
0x6b: {  	_ =	shalt  }
0x6c: {  	_ =	shalt  }
0x6d: {  	_ =	shalt  }
0x6e: {  	_ =	shalt  }
0x6f: {  	_ =	shalt  }
0x70: {  	_ =	shalt  }
0x71: {  	_ =	shalt  }
0x72: {  	_ =	shalt  }
0x73: {  	_ =	shalt  }
0x74: {  	_ =	shalt  }
0x75: {  	_ =	shalt  }
0x76: {  	_ =	shalt  }
0x77: {  	_ =	shalt  }
0x78: {  	_ =	shalt  }
0x79: {  	_ =	shalt  }
0x7a: {  	_ =	shalt  }
0x7b: {  	_ =	shalt  }
0x7c: {  	_ =	shalt  }
0x7d: {  	_ =	shalt  }
0x7e: {  	_ =	shalt  }
0x7f: {  	_ =	shalt  }
0x80: {  	_ =	shalt  }
0x81: {  	_ =	shalt  }
0x82: {  	_ =	shalt  }
0x83: {  	_ =	shalt  }
0x84: {  	_ =	shalt  }
0x85: {  	_ =	shalt  }
0x86: {  	_ =	shalt  }
0x87: {  	_ =	shalt  }
.Lfunc_end0:
.L_simem_size_0:
called_computation.1_lowered:
.L_overlay_start_0:
0x88: {  	s2 =	sld [smem:$0x3FD9]  }
0x89: {  	s3 =	sld [smem:$0x3FFE];
	_ =	sdelay $0x1  }
0x8a: {  	s1 =	srdreg.scid  }
0x8b: {  	s0 =	sand.u32 $0x1, s1  }
0x8c: {  	s14 =	sshll.u32 s0, $0xA;
	s2 =	sadd.s32 s3, s2  }
0x8d: {  	s2 =	sadd.s32 s2, s14  }
0x8e: {  	[smem:$0x3FC4] =	sst s2  }
0x8f: {  	_ = 	snop  }
0x90: {  	s2 =	sld [smem:$0x3FD0];
	_ =	sdelay $0x2  }
0x91: {  	s15 =	simm.s32 $0xB;
	s4 =	simm.s32 $0x10  }
0x92: {  	[smem:s4], [sflag:s15] =	dma.local [hbm:s2], $0x1  }
0x93: {  	_ =	swait.eq [sflag:s15], $0x1  }
0x94: {  	[sflag:s15] =	ssyncset.done $0x0  }
0x95: {  	[sflag:s15] =	ssyncadd.s32 $0xFFFFFFFF  }
0x96: {  	s16 =	sld [smem:$0x11];
	(tm) =	ssettm $0x1  }
0x97: {  	s17 =	sld [smem:$0x3FFB];
	_ =	sdelay $0x3  }
0x98: {  	_ =	strace s17  }
0x99: {  	s3 =	sld [smem:$0x3FFC];
	_ =	sdelay $0x3  }
0x9a: {  	_ =	strace s3  }
0x9b: {  	s3 =	sld [smem:$0x3FFD];
	_ =	sdelay $0x3  }
0x9c: {  	_ =	strace s3  }
0x9d: {  	_ =	strace $0x8FFFFFFF  }
0x9e: {  	s18 =	sld [smem:$0x3FDB];
	_ =	sdelay $0x1  }
0x9f: {  	s19 =	simm.s32 $_scs_section_size  }
0xa0: {  	s5 =	simm.s32 $_size__tile_overlayer_lowered;
	s6 =	simm.s32 $_tile_overlayer_lowered  }
0xa1: {  	s22 =	simm.s32 $0x1BFF;
	s21 =	sshll.u32 s6, $0x1;
	s3 =	sadd.s32 s19, s18  }
0xa2: {  	s7 =	simm.s32 $0x0;
	s20 =	sshll.u32 s5, $0x1;
	s5 =	sadd.s32 s21, s3  }
0xa3: {  	[timem:s7], [sflag:s22] =	dma.local [hbm:s5], s20  }
0xa4: {  	_ =	swait.ge [sflag:s22], s20  }
0xa5: {  	s4 =	ssub.s32 $0x0, s20;
	[sflag:s22] =	ssyncset.done $0x0  }
0xa6: {  	[sflag:s22] =	ssyncadd.s32 s4;
	_ =	sdelay $0x1  }
0xa7: {  	s23 =	simm.s32 $0x1B8B  }
0xa8: {  	_ =	swait.ge [sflag:s23], $0x1  }
0xa9: {  	[sflag:s23] =	ssyncset.done $0x0  }
0xaa: {  	s25 =	simm.s32 $0x1B8E;
	s24 =	sld [smem:$0x3FFE];
	[sflag:s23] =	ssyncadd.s32 $0xFFFFFFFF  }
0xab: {  	s26 =	simm.s32 $execute0_lowered;
	[smem:$0x3FD2] =	sst s25  }
0xac: {  	s5 =	sshll.u32 s26, $0x1;
	_ =	strace $0x80000046;
	[dreg:$0x1] =	wrdreg $0xFFFFFFFF  }
0xad: {  	s28 =	simm.s32 $_size_execute0_lowered;
	s3 =	sadd.s32 s3, s5;
	[dreg:$0x0] =	wrdreg $0x0  }
0xae: {  	s5 =	sshll.u32 s28, $0x1;
	[dreg:$0x2] =	wrdreg s3  }
0xaf: {  	[dreg:$0x3] =	wrdreg s5  }
0xb0: {  	[dreg:$0x4] =	wrdreg $0xC0  }
0xb1: {  	_ =	task [dreg:s7], $0x5FFFF  }
0xb2: {  	[dreg:$0x1] =	wrdreg $0xFFFFFFFF  }
0xb3: {  	[dreg:$0x0] =	wrdreg $0x60  }
0xb4: {  	[dreg:$0x2] =	wrdreg s24  }
0xb5: {  	[dreg:$0x3] =	wrdreg s16  }
0xb6: {  	[dreg:$0x4] =	wrdreg $0xA  }
0xb7: {  	_ =	task.clear_ibuf [dreg:s7], $0x5FFFF;
	_ =	strace $0x90000046  }
0xb8: {  	s29 =	simm.s32 $0xA;
	_ =	strace $0x80000048  }
0xb9: {  	_ =	swait.ge [sflag:s29], $0x1  }
0xba: {  	[sflag:s29] =	ssyncadd.s32 $0xFFFFFFFF  }
0xbb: {  	_ =	strace $0x90000048  }
0xbc: {  	_ =	sfence  }
0xbd: {  	s30 =	sld [smem:$0x0];
	_ =	sdelay $0x2  }
0xbe: {  	s31 =	sshll.u32 s1, $0xD;
	s1 =	sshrl.u32 s1, $0x2  }
0xbf: {  	s3 =	sand.u32 $0x4000, s31;
	s1 =	sadd.s32 s1, s30  }
0xc0: {  	s0 =	sor.u32 s3, s0;
	s1 =	sshll.u32 s1, $0x11  }
0xc1: {  	s0 =	sor.u32 s1, s0  }
0xc2: {  	s0 =	sadd.s32 $0x8F2B, s0  }
0xc3: {  	[sflag:s0] =	ssyncadd.remote.s32 $0x1  }
0xc4: {  	_ =	sfence.sel $0xFFFF  }
0xc5: {  	[dreg:$0x0] =	wrdreg $0xFFFFFFFF;
	(pc) =	sbr.abs _section_cstart, $3  }
0xc6: {  	[dreg:$0x1] =	wrdreg $0xFFFFFFFF  }
0xc7: {  	_ =	task.clear_ibuf [dreg:s7], $0x2FFFF;
	_ =	strace $0x9FFFFFFF  }
0xc8: {  	(tm) =	ssettm $0x7FFFFFFF  }
0xc9: {  	_ =	shalt  }
tec
execute0_lowered:
.L_overlay_start_1:
0x0: {  	(tag) =	ssettag $0x1  }
0x1: {  	s0 =	srdreg.scid  }
0x2: {  	s1 =	sshll.u32 s0, $0x4  }
0x3: {  	s0 =	stileid.u32;
	s1 =	sand.u32 $0x10, s1  }
0x4: {  	s9 =	rddreg [dreg:$0x0];
	s1 =	sor.u32 s0, s1  }
0x5: {  	s3 =	rddreg [dreg:$0x1];
	s2 =	smin.u32 s1, $0x8  }
0x6: {  	p0 =	slt.u32 s1, $0x8;
	s2 =	sadd.s32 s1, s2;
	s1 =	simm.s32 $0x100  }
0x7: {  	s6 =	simm.s32 $0x1;
	s2 =	sshll.u32 s2, $0x7;
	s1 =	simm.s32 @!p0 $0x80  }
0x8: {  	s7 =	simm.s32 $0x2;
	s10 =	simm.s32 $0x3;
	s4 =	sadd.s32 s1, s2  }
0x9: {  	s13 =	simm.s32 $0x0;
	s12 =	simm.s32 $0x0;
	s4 =	smin.u32 s4, $0x1400  }
.Ltmp0:
0xa: {  	s5 =	sadd.s32 $0xE00, s9;
	s8 =	ssub.s32 s4, s2;
	(pc) =	sbr.rel .LBB2_1-.Ltmp0, $4  }
0xb: {  	s1 =	rddreg [dreg:$0x2];
	_ =	strace $0x80000047;
	p0 =	sgt.s32 s8, $0x0  }
0xc: {  	s9 =	sadd.s32 $0x14E00, s9;
	[sflag:s6] =	ssyncpa.u1 $0x0;
	s8 =	simm.s32 @!p0 $0x0  }
0xd: {  	s11 =	smov.u32 s2;
	[sflag:s7] =	ssyncpa.u1 $0x0;
	s8 =	sshrl.u32 s8, $0x7  }
0xe: {  	vm0 =	vmmov $0xff;
	vm1 =	vcmask $0x3F20;
	[sflag:s10] =	ssyncpa.u1 $0x0;
	p0 =	por $0x0, $0x0;
	s10 =	sadd.s32 $0x1, s8  }
.LBB2_6:
0xf: {  	[hbm:s17] =	stream.linear.scatter [tilespmem:s14], [sflag:$0x3], $0x400, $0x38;
	[tilespmem:$0x8100] =	vst v63  }
.LBB2_7:
0x10: {  	s13 =	sadd.s32 $0x80, s11  }
0x11: {  	s15 =	smov.u32 s2;
	p2 =	slt.s32 s13, s4  }
0x12: {  	s15 =	smov.u32 @p2 s13;
	p2 =	sne.s32 s12, s10  }
.Ltmp1:
0x13: {  	p1 =	slt.u32 s12, $0x2;
	(pc) =	sbr.rel @!p2 .LBB2_8-.Ltmp1, $4  }
0x14: {  	s14 =	simm.s32 @!p1 $0x3  }
0x15: {  	s16 =	sadd.s32 $0x1, s12;
	_ =	swait.ge @!p1 [sflag:s14], $0x4000  }
0x16: {  	p0 =	por !p0, !p0;
	s13 =	smov.u32 s11;
	[sflag:s14] =	ssyncset.done @!p1 $0x0  }
0x17: {  	s12 =	smov.u32 s16;
	s11 =	smov.u32 s15;
	[sflag:s14] =	ssyncadd.s32 @!p1 $0xFFFFC000  }
.LBB2_1:
0x18: {  	p1 =	sge.u32 s12, s8  }
0x19: {  	s14 =	sxor.u32 @!p1 $0xFFFFFFFF, s12  }
0x1a: {  	s31 =	sadd.s32 $0xFFFFFFFF, s12;
	s15 =	sshrl.u32 @!p1 s11, $0x3;
	s14 =	sshll.u32 @!p1 s14, $0x7  }
0x1b: {  	s16 =	sand.u32 @!p1 $0x7, s11;
	s15 =	sadd.s32 @!p1 s3, s15;
	s14 =	sand.u32 @!p1 $0x80, s14  }
0x1c: {  	[tilespmem:s14], [sflag:$0x2] =	stream.linear.gather @!p1 [hbm4b:s15+s16], $0x80, $0x38;
	[tilespmem:$0x8100] =	vst v63  }
0x1d: {  	p1 =	sge.u32 s31, s8  }
.Ltmp2:
0x1e: {  	_ = 	snop;
	(pc) =	sbr.rel @p1 .LBB2_7-.Ltmp2, $1  }
0x1f: {  	_ =	sdelay $0x3  }
0x20: {  	s14 =	simm.s32 $0x1  }
0x21: {  	_ =	swait.ge [sflag:s7], $0x80;
	s14 =	simm.s32 @!p0 $0x0  }
0x22: {  	[sflag:s7] =	ssyncset.done $0x0;
	s16 =	sshll.u32 s14, $0x7  }
0x23: {  	[sflag:s7] =	ssyncadd.s32 $0xFFFFFF80;
	s15 =	sadd.s32 $0x0, s16  }
0x24: {  	v0 =	vld.msk [tilespmem:s15+$0x0 ss:$0x1], $0xffff;
	_ =	sdelay $0x4  }
0x25: {  	vm2 =	vgt.s32 v0, $0x0  }
0x26: {  	v0 =	vnsel vm2, $0x0, v0  }
0x27: {  	v0 =	vmin.u32 v0, $0x13FF  }
0x28: {  	v0 =	vshll.u32 v0, $0x4;
	_ =	sdelay $0x2  }
0x29: {  	s14 =	sshll.u32 s14, $0xE  }
0x2a: {  	s14 =	sor.u32 $0x100, s14  }
0x2b: {  	[tilespmem:s14], [sflag:$0x1] =	stream.indirect_vreg.gather [hbm:s5], $0x80, v0, vm0, $0x38;
	[tilespmem:$0x8100] =	vst v63  }
0x2c: {  	s17 =	sadd.s32 $0x10, s16;
	s15 =	sadd.s32 $0x400, s14  }
0x2d: {  	[tilespmem:s15], [sflag:$0x1] =	stream.indirect_vreg.gather [hbm:s5], $0x80, v0, vm1, $0x38;
	[tilespmem:$0x8100] =	vst v63  }
0x2e: {  	s18 =	simm.s32 $0x80;
	v0 =	vld.msk [tilespmem:s17+$0x0 ss:$0x1], $0xffff;
	s17 =	smov.u32 s14  }
.LBB2_3:
0x2f: {  	p1 =	sne.s32 s18, $0x1C0;
	_ =	sdelay $0x4  }
0x30: {  	vm2 =	vgt.s32 v0, $0x0  }
0x31: {  	v0 =	vnsel vm2, $0x0, v0  }
0x32: {  	v0 =	vmin.u32 v0, $0x13FF  }
0x33: {  	v0 =	vshll.u32 v0, $0x4;
	_ =	sdelay $0x3  }
.Ltmp3:
0x34: {  	s19 =	sshra.s32 s18, $0x2;
	s17 =	sadd.s32 $0x800, s17;
	(pc) =	sbr.rel @p1 .LBB2_3-.Ltmp3, $4  }
0x35: {  	[tilespmem:s17], [sflag:$0x1] =	stream.indirect_vreg.gather [hbm:s5], $0x80, v0, vm0, $0x38;
	[tilespmem:$0x8100] =	vst v63  }
0x36: {  	s19 =	sadd.s32 s19, s16;
	s20 =	sadd.s32 $0x400, s17  }
0x37: {  	[tilespmem:s20], [sflag:$0x1] =	stream.indirect_vreg.gather [hbm:s5], $0x80, v0, vm1, $0x38;
	[tilespmem:$0x8100] =	vst v63  }
0x38: {  	s18 =	sadd.s32 $0x40, s18;
	v0 =	vld.msk [tilespmem:s19+$0x0 ss:$0x1], $0xffff  }
0x39: {  	_ =	sdelay $0x3  }
0x3a: {  	vm2 =	vgt.s32 v0, $0x0  }
0x3b: {  	v0 =	vnsel vm2, $0x0, v0  }
0x3c: {  	v0 =	vmin.u32 v0, $0x13FF  }
0x3d: {  	v0 =	vshll.u32 v0, $0x4;
	_ =	sdelay $0x3  }
0x3e: {  	s16 =	sadd.s32 $0x800, s17  }
0x3f: {  	[tilespmem:s16], [sflag:$0x1] =	stream.indirect_vreg.gather [hbm:s5], $0x80, v0, vm0, $0x38;
	[tilespmem:$0x8100] =	vst v63  }
0x40: {  	s16 =	sadd.s32 $0x400, s16  }
0x41: {  	[tilespmem:s16], [sflag:$0x1] =	stream.indirect_vreg.gather [hbm:s5], $0x80, v0, vm1, $0x38;
	[tilespmem:$0x8100] =	vst v63  }
0x42: {  	s13 =	sshll.u32 s13, $0x4;
	_ =	swait.ge [sflag:s6], $0x4000  }
0x43: {  	s13 =	sadd.s32 s13, s9;
	[sflag:s6] =	ssyncset.done $0x0  }
0x44: {  	s17 =	sadd.s32 $0x0, s13;
	s16 =	simm.s32 $0x80;
	[sflag:s6] =	ssyncadd.s32 $0xFFFFC000  }
.LBB2_5:
0x45: {  	[hbm:s17] =	stream.linear.scatter [tilespmem:s14], [sflag:$0x3], $0x400, $0x38;
	[tilespmem:$0x8100] =	vst v63  }
0x46: {  	s17 =	smov.u32 s16;
	s14 =	smov.u32 s15;
	p1 =	sne.s32 s16, $0x780  }
.Ltmp4:
0x47: {  	s16 =	sadd.s32 $0x80, s16;
	(pc) =	sbr.rel @p1 .LBB2_5-.Ltmp4, $2  }
0x48: {  	_ =	sdelay $0x2  }
0x49: {  	s15 =	sadd.s32 $0x400, s15;
	s17 =	sadd.s32 s17, s13  }
.Ltmp5:
0x4a: {  	_ = 	snop;
	(pc) =	sbr.rel .LBB2_6-.Ltmp5, $1  }
0x4b: {  	_ =	sdelay $0x3  }
.LBB2_8:
0x4c: {  	_ =	sfence.sel $0x180000  }
0x4d: {  	s2 =	simm.s32 $0x2;
	[bflag:$0x0] =	sbarrier.arrive $0xFFFF  }
0x4e: {  	s30 =	simm.s32 $0x3;
	[sflag:s2] =	ssyncpa.u1 $0x1  }
0x4f: {  	s31 =	simm.s32 $0x1;
	[sflag:s30] =	ssyncpa.u1 $0x1  }
0x50: {  	[sflag:s31] =	ssyncpa.u1 $0x1  }
0x51: {  	p0 =	sne.s32 s0, $0x0;
	_ =	strace $0x90000047  }
0x52: {  	s0 =	sadd.s32 @!p0 $0x100000, s1;
	[bflag:$0x2] =	sbarrier.arrive $0xFFFF  }
0x53: {  	[sflag:s0] =	ssyncadd.tile.s32 @!p0 $0x1;
	_ =	shalt  }
.Lfunc_end2:
_tile_overlayer_lowered:
.L_overlay_start_2:
0x54: {  	(tag) =	ssettag $0x2  }
0x55: {  	s0 =	rddreg [dreg:$0x0];
	s2 =	stileid.u32  }
0x56: {  	s1 =	rddreg [dreg:$0x1];
	p0 =	sne.s32 s2, $0x0  }
0x57: {  	s3 =	rddreg [dreg:$0x2];
	[bflag:$0x3] =	sbarrier.arrive $0xFFFF;
	s2 =	simm.s32 @!p0 $0x1C01  }
0x58: {  	[timem:s3], [sflag:s2] =	dma.local @!p0 [hbm:s0], s1  }
0x59: {  	s0 =	simm.s32 @!p0 $0x1  }
0x5a: {  	_ =	swait.ge @!p0 [sflag:s0], s1  }
0x5b: {  	s1 =	ssub.s32 @!p0 $0x0, s1;
	[sflag:s0] =	ssyncset.done @!p0 $0x0  }
0x5c: {  	[sflag:s0] =	ssyncadd.s32 @!p0 s1  }
0x5d: {  	[bflag:$0x3] =	sbarrier.arrive $0xFFFF  }
0x5e: {  	_ =	shalt  }

// kernel: gather_offload_async_start
scs
__scs_entry_jumppad:
0x0: {  	(pc) =	sbr.rel $0x88, $3  }
0x1: {  	(tag) =	ssettag $0x0;
	lr =	simm.s32 $0x1  }
0x2: {  	[smem:$0x3F9D] =	sst lr;
	_ =	strace $0xD0000000  }
0x3: {  	_ = 	snop  }
0x4: {  	_ = 	snop  }
0x5: {  	_ = 	snop  }
0x6: {  	_ = 	snop  }
0x7: {  	_ = 	snop  }
__scs_overlays_trampoline_lowered:
0x8: {  	[smem:$0x3FAC] =	sst s0  }
0x9: {  	[smem:$0x3FAD] =	sst s1  }
0xa: {  	[smem:$0x3FAE] =	sst s2  }
0xb: {  	[smem:$0x3FAF] =	sst s3  }
0xc: {  	[smem:$0x3FB0] =	sst s4  }
0xd: {  	[smem:$0x3FB1] =	sst s5  }
0xe: {  	[smem:$0x3FB2] =	sst s6  }
0xf: {  	[smem:$0x3FB3] =	sst s7  }
0x10: {  	[smem:$0x3FB4] =	sst s8  }
0x11: {  	[smem:$0x3FB5] =	sst s9;
	s0 =	simm.s32 @!p0 $0x0  }
0x12: {  	s1 =	sld [smem:$0x3F9B];
	s0 =	simm.s32 @p0 $0x1  }
0x13: {  	[smem:$0x3FB6] =	sst s0;
	s0 =	simm.s32 @!p1 $0x0  }
0x14: {  	s2 =	sld [smem:$0x3F9A];
	s0 =	simm.s32 @p1 $0x1  }
0x15: {  	[smem:$0x3FB7] =	sst s0;
	s0 =	simm.s32 @!p2 $0x0  }
0x16: {  	s3 =	sld [smem:$0x3FDB];
	s0 =	simm.s32 @p2 $0x1  }
0x17: {  	s4 =	simm.s32 $0x1BF5;
	[smem:$0x3FB9] =	sst s0  }
0x18: {  	s0 =	sld [smem:$0x3F9C];
	_ =	swait.ge [sflag:s4], $0x0  }
0x19: {  	s7 =	sld [smem:$0x3F9D]  }
0x1a: {  	s8 =	sadd.s32 $0xFFFFE003, lr  }
0x1b: {  	s9 =	sadd.s32 $0xFFFFFEF7, lr;
	s5 =	simm.s32 $0xFFFFFFFF;
	p2 =	slt.u32 s8, $0xFFFFF086  }
0x1c: {  	p1 =	slt.u32 s9, $0xF7A;
	s5 =	simm.s32 @!p2 $0x0  }
0x1d: {  	s5 =	simm.s32 @p1 $0x1;
	p0 =	seq.s32 s7, s2  }
0x1e: {  	s7 =	smul.u32 @!p0 $0xF7A, s2;
	p2 =	seq.s32 @!p0 s5, $0x0  }
0x1f: {  	s9 =	smul.u32 $0xF7A, s1;
	s8 =	simm.s32 @!p0 $0x1BF5;
	p2 =	por !p2, p0  }
0x20: {  	[sflag:s8] =	ssyncset.s32 @!p0 $0xFFFFF086;
	s6 =	sadd.s32 @!p0 s3, s7;
	s7 =	simm.s32 @!p0 $0x108  }
0x21: {  	s3 =	sadd.s32 s3, s9;
	s6 =	sadd.s32 @!p0 $0x88, s6;
	s7 =	simm.s32 @p2 $0x1082  }
0x22: {  	[simem:s7], [sflag:s8] =	dma.local @!p0 [hbm:s6], $0xF7A  }
0x23: {  	s9 =	sor.u32 $0xD0000000, s2;
	s6 =	simm.s32 $0x108;
	_ =	swait.ge @!p0 [sflag:s8], $0x0  }
0x24: {  	s3 =	sadd.s32 $0x88, s3;
	s6 =	simm.s32 @!p1 $0x1082;
	[sflag:s4] =	ssyncset.s32 $0xFFFFF086  }
0x25: {  	[simem:s6], [sflag:s4] =	dma.local [hbm:s3], $0xF7A  }
0x26: {  	[smem:$0x3F9D] =	sst s1;
	(tag) =	ssettag s2;
	_ =	strace s9  }
0x27: {  	s1 =	sld [smem:$0x3FAD]  }
0x28: {  	s2 =	sld [smem:$0x3FAE]  }
0x29: {  	s4 =	sld [smem:$0x3FB0]  }
0x2a: {  	p0 =	seq.s32 s5, $0x0;
	s5 =	sld [smem:$0x3FB1]  }
0x2b: {  	s6 =	sld [smem:$0x3FB2]  }
0x2c: {  	s7 =	sld [smem:$0x3FB3]  }
0x2d: {  	s3 =	simm.s32 $0x108;
	s8 =	sld [smem:$0x3FB4]  }
0x2e: {  	s3 =	simm.s32 @!p0 $0x1082;
	s9 =	sld [smem:$0x3FB5]  }
0x2f: {  	lr =	sadd.s32 s0, s3;
	s0 =	sld [smem:$0x3FAC]  }
0x30: {  	s3 =	sld [smem:$0x3FAF]  }
0x31: {  	[smem:$0x3FB8] =	sst s10  }
0x32: {  	s10 =	sld [smem:$0x3FB6];
	_ =	sdelay $0x3  }
0x33: {  	p0 =	seq.s32 s10, $0x1;
	s10 =	sld [smem:$0x3FB8];
	_ =	sdelay $0x3  }
0x34: {  	[smem:$0x3FB8] =	sst s10  }
0x35: {  	s10 =	sld [smem:$0x3FB7];
	_ =	sdelay $0x3  }
0x36: {  	p1 =	seq.s32 s10, $0x1;
	s10 =	sld [smem:$0x3FB8];
	_ =	sdelay $0x3  }
0x37: {  	[smem:$0x3FB8] =	sst s10  }
0x38: {  	s10 =	sld [smem:$0x3FB9]  }
0x39: {  	_ = 	snop;
	(pc) =	sbr.ind lr, $3  }
0x3a: {  	_ = 	snop  }
0x3b: {  	_ = 	snop  }
0x3c: {  	p2 =	seq.s32 s10, $0x1;
	s10 =	sld [smem:$0x3FB8]  }
0x3d: {  	_ =	shalt  }
0x3e: {  	_ =	shalt  }
0x3f: {  	_ =	shalt  }
0x40: {  	_ =	shalt  }
0x41: {  	_ =	shalt  }
0x42: {  	_ =	shalt  }
0x43: {  	_ =	shalt  }
0x44: {  	_ =	shalt  }
0x45: {  	_ =	shalt  }
0x46: {  	_ =	shalt  }
0x47: {  	_ =	shalt  }
0x48: {  	_ =	shalt  }
0x49: {  	_ =	shalt  }
0x4a: {  	_ =	shalt  }
0x4b: {  	_ =	shalt  }
0x4c: {  	_ =	shalt  }
0x4d: {  	_ =	shalt  }
0x4e: {  	_ =	shalt  }
0x4f: {  	_ =	shalt  }
0x50: {  	_ =	shalt  }
0x51: {  	_ =	shalt  }
0x52: {  	_ =	shalt  }
0x53: {  	_ =	shalt  }
0x54: {  	_ =	shalt  }
0x55: {  	_ =	shalt  }
0x56: {  	_ =	shalt  }
0x57: {  	_ =	shalt  }
0x58: {  	_ =	shalt  }
0x59: {  	_ =	shalt  }
0x5a: {  	_ =	shalt  }
0x5b: {  	_ =	shalt  }
0x5c: {  	_ =	shalt  }
0x5d: {  	_ =	shalt  }
0x5e: {  	_ =	shalt  }
0x5f: {  	_ =	shalt  }
0x60: {  	_ =	shalt  }
0x61: {  	_ =	shalt  }
0x62: {  	_ =	shalt  }
0x63: {  	_ =	shalt  }
0x64: {  	_ =	shalt  }
0x65: {  	_ =	shalt  }
0x66: {  	_ =	shalt  }
0x67: {  	_ =	shalt  }
0x68: {  	_ =	shalt  }
0x69: {  	_ =	shalt  }
0x6a: {  	_ =	shalt  }
0x6b: {  	_ =	shalt  }
0x6c: {  	_ =	shalt  }
0x6d: {  	_ =	shalt  }
0x6e: {  	_ =	shalt  }
0x6f: {  	_ =	shalt  }
0x70: {  	_ =	shalt  }
0x71: {  	_ =	shalt  }
0x72: {  	_ =	shalt  }
0x73: {  	_ =	shalt  }
0x74: {  	_ =	shalt  }
0x75: {  	_ =	shalt  }
0x76: {  	_ =	shalt  }
0x77: {  	_ =	shalt  }
0x78: {  	_ =	shalt  }
0x79: {  	_ =	shalt  }
0x7a: {  	_ =	shalt  }
0x7b: {  	_ =	shalt  }
0x7c: {  	_ =	shalt  }
0x7d: {  	_ =	shalt  }
0x7e: {  	_ =	shalt  }
0x7f: {  	_ =	shalt  }
0x80: {  	_ =	shalt  }
0x81: {  	_ =	shalt  }
0x82: {  	_ =	shalt  }
0x83: {  	_ =	shalt  }
0x84: {  	_ =	shalt  }
0x85: {  	_ =	shalt  }
0x86: {  	_ =	shalt  }
0x87: {  	_ =	shalt  }
.Lfunc_end0:
.L_simem_size_0:
called_computation_lowered:
.L_overlay_start_0:
0x88: {  	s2 =	sld [smem:$0x3FD9]  }
0x89: {  	s3 =	sld [smem:$0x3FFE];
	_ =	sdelay $0x1  }
0x8a: {  	s1 =	srdreg.scid  }
0x8b: {  	s0 =	sand.u32 $0x1, s1  }
0x8c: {  	s15 =	sshll.u32 s0, $0xA;
	s2 =	sadd.s32 s3, s2  }
0x8d: {  	s2 =	sadd.s32 s2, s15  }
0x8e: {  	[smem:$0x3FC4] =	sst s2  }
0x8f: {  	_ = 	snop  }
0x90: {  	s2 =	sld [smem:$0x3FD0];
	_ =	sdelay $0x2  }
0x91: {  	s4 =	simm.s32 $0xB;
	s16 =	simm.s32 $0x10  }
0x92: {  	[smem:s16], [sflag:s4] =	dma.local [hbm:s2], $0x1  }
0x93: {  	_ =	swait.eq [sflag:s4], $0x1  }
0x94: {  	[sflag:s4] =	ssyncset.done $0x0  }
0x95: {  	s17 =	sld [smem:$0x10];
	[sflag:s4] =	ssyncadd.s32 $0xFFFFFFFF  }
0x96: {  	s18 =	sld [smem:$0x11];
	(tm) =	ssettm $0x1  }
0x97: {  	s19 =	sld [smem:$0x3FFB];
	_ =	sdelay $0x3  }
0x98: {  	_ =	strace s19  }
0x99: {  	s2 =	sld [smem:$0x3FFC];
	_ =	sdelay $0x3  }
0x9a: {  	_ =	strace s2  }
0x9b: {  	s2 =	sld [smem:$0x3FFD];
	_ =	sdelay $0x3  }
0x9c: {  	_ =	strace s2  }
0x9d: {  	_ =	strace $0x8FFFFFFF  }
0x9e: {  	s20 =	sld [smem:$0x3FDB];
	_ =	sdelay $0x1  }
0x9f: {  	s5 =	simm.s32 $_scs_section_size  }
0xa0: {  	s6 =	simm.s32 $_size__tile_overlayer_lowered;
	s7 =	simm.s32 $_tile_overlayer_lowered  }
0xa1: {  	s8 =	simm.s32 $0x1BFF;
	s21 =	sshll.u32 s7, $0x1;
	s5 =	sadd.s32 s5, s20  }
0xa2: {  	s22 =	simm.s32 $0x0;
	s6 =	sshll.u32 s6, $0x1;
	s7 =	sadd.s32 s21, s5  }
0xa3: {  	[timem:s22], [sflag:s8] =	dma.local [hbm:s7], s6  }
0xa4: {  	_ =	swait.ge [sflag:s8], s6  }
0xa5: {  	s6 =	ssub.s32 $0x0, s6;
	[sflag:s8] =	ssyncset.done $0x0  }
0xa6: {  	[sflag:s8] =	ssyncadd.s32 s6;
	_ =	sdelay $0x1  }
0xa7: {  	s23 =	simm.s32 $0x1B8B  }
0xa8: {  	_ =	swait.ge [sflag:s23], $0x1  }
0xa9: {  	[sflag:s23] =	ssyncset.done $0x0  }
0xaa: {  	[sflag:s23] =	ssyncadd.s32 $0xFFFFFFFF  }
0xab: {  	s6 =	sld [smem:$0x0]  }
0xac: {  	s7 =	sand.u32 $0xFFFFFFFE, s1  }
0xad: {  	p0 =	sne.s32 s1, s7  }
0xae: {  	s7 =	sshll.u32 @p0 s7, $0xE  }
0xaf: {  	s7 =	sadd.s32 @p0 $0x11B8D, s7;
	s8 =	sshll.u32 @p0 s6, $0x11  }
0xb0: {  	s7 =	sor.u32 @p0 s8, s7  }
0xb1: {  	[sflag:s7] =	ssyncadd.remote.s32 @p0 $0x1;
	_ =	sdelay $0x1  }
0xb2: {  	s7 =	simm.s32 @p0 $0x1B8D  }
0xb3: {  	_ =	swait.eq @p0 [sflag:s7], $0x1  }
0xb4: {  	[sflag:s7] =	ssyncadd.s32 @p0 $0xFFFFFFFF  }
0xb5: {  	s8 =	sshll.u32 @!p0 s1, $0xE  }
0xb6: {  	s8 =	sor.u32 @!p0 $0x4000, s8;
	s7 =	simm.s32 @!p0 $0x1B8D  }
0xb7: {  	s6 =	sshll.u32 @!p0 s6, $0x11;
	s8 =	sadd.s32 @!p0 $0x11B8D, s8;
	_ =	swait.eq @!p0 [sflag:s7], $0x1  }
0xb8: {  	s6 =	sor.u32 @!p0 s6, s8;
	[sflag:s7] =	ssyncadd.s32 @!p0 $0xFFFFFFFF  }
0xb9: {  	s25 =	simm.s32 $0x1B8E;
	s24 =	sld [smem:$0x3FFE];
	[sflag:s6] =	ssyncadd.remote.s32 @!p0 $0x1  }
0xba: {  	s26 =	simm.s32 $execute0_lowered;
	[smem:$0x3FD2] =	sst s25  }
0xbb: {  	s7 =	sshll.u32 s26, $0x1;
	_ =	strace $0x80000049;
	[dreg:$0x1] =	wrdreg $0xFFFFFFFF  }
0xbc: {  	s28 =	simm.s32 $_size_execute0_lowered;
	s5 =	sadd.s32 s5, s7;
	[dreg:$0x0] =	wrdreg $0x0  }
0xbd: {  	s7 =	sshll.u32 s28, $0x1;
	[dreg:$0x2] =	wrdreg s5  }
0xbe: {  	[dreg:$0x3] =	wrdreg s7  }
0xbf: {  	[dreg:$0x4] =	wrdreg $0xC0  }
0xc0: {  	_ =	task [dreg:s22], $0x5FFFF  }
0xc1: {  	[dreg:$0x1] =	wrdreg $0xFFFFFFFF  }
0xc2: {  	[dreg:$0x0] =	wrdreg $0x60  }
0xc3: {  	[dreg:$0x2] =	wrdreg s17  }
0xc4: {  	[dreg:$0x3] =	wrdreg s18  }
0xc5: {  	[dreg:$0x4] =	wrdreg s24  }
0xc6: {  	[dreg:$0x5] =	wrdreg $0x9  }
0xc7: {  	_ =	task.clear_ibuf [dreg:s22], $0x6FFFF;
	_ =	strace $0x90000049  }
0xc8: {  	s29 =	simm.s32 $0x9;
	_ =	strace $0x8000004B  }
0xc9: {  	_ =	swait.ge [sflag:s29], $0x1  }
0xca: {  	[sflag:s29] =	ssyncadd.s32 $0xFFFFFFFF  }
0xcb: {  	_ =	strace $0x9000004B  }
0xcc: {  	_ =	sfence  }
0xcd: {  	s30 =	sld [smem:$0x0];
	_ =	sdelay $0x2  }
0xce: {  	s31 =	sshll.u32 s1, $0xD;
	s1 =	sshrl.u32 s1, $0x2  }
0xcf: {  	s4 =	sand.u32 $0x4000, s31;
	s1 =	sadd.s32 s1, s30  }
0xd0: {  	s0 =	sor.u32 s4, s0;
	s1 =	sshll.u32 s1, $0x11  }
0xd1: {  	s0 =	sor.u32 s1, s0  }
0xd2: {  	s0 =	sadd.s32 $0x8F2B, s0  }
0xd3: {  	[sflag:s0] =	ssyncadd.remote.s32 $0x1  }
0xd4: {  	_ =	sfence.sel $0xFFFF  }
0xd5: {  	[dreg:$0x0] =	wrdreg $0xFFFFFFFF;
	(pc) =	sbr.abs _section_cstart, $3  }
0xd6: {  	[dreg:$0x1] =	wrdreg $0xFFFFFFFF  }
0xd7: {  	_ =	task.clear_ibuf [dreg:s22], $0x2FFFF;
	_ =	strace $0x9FFFFFFF  }
0xd8: {  	(tm) =	ssettm $0x7FFFFFFF  }
0xd9: {  	_ =	shalt  }
tec
execute0_lowered:
.L_overlay_start_1:
0x0: {  	(tag) =	ssettag $0x1  }
0x1: {  	s0 =	srdreg.scid  }
0x2: {  	s1 =	sshll.u32 s0, $0x4  }
0x3: {  	s0 =	stileid.u32;
	s1 =	sand.u32 $0x10, s1  }
0x4: {  	s4 =	rddreg [dreg:$0x1];
	s1 =	sor.u32 s0, s1  }
0x5: {  	s9 =	rddreg [dreg:$0x2];
	s2 =	smin.u32 s1, $0x8  }
0x6: {  	p0 =	slt.u32 s1, $0x8;
	s3 =	sadd.s32 s1, s2;
	s1 =	simm.s32 $0x100  }
0x7: {  	s6 =	simm.s32 $0x1;
	s3 =	sshll.u32 s3, $0x7;
	s1 =	simm.s32 @!p0 $0x80  }
0x8: {  	s7 =	simm.s32 $0x2;
	s10 =	simm.s32 $0x3;
	s1 =	sadd.s32 s1, s3  }
0x9: {  	s13 =	simm.s32 $0x0;
	s12 =	simm.s32 $0x0;
	s5 =	smin.u32 s1, $0x1400  }
.Ltmp0:
0xa: {  	s2 =	rddreg [dreg:$0x0];
	s8 =	ssub.s32 s5, s3;
	(pc) =	sbr.rel .LBB2_1-.Ltmp0, $4  }
0xb: {  	s1 =	rddreg [dreg:$0x3];
	_ =	strace $0x8000004A;
	p0 =	sgt.s32 s8, $0x0  }
0xc: {  	s9 =	sadd.s32 $0x28E00, s9;
	[sflag:s6] =	ssyncpa.u1 $0x0;
	s8 =	simm.s32 @!p0 $0x0  }
0xd: {  	s11 =	smov.u32 s3;
	[sflag:s7] =	ssyncpa.u1 $0x0;
	s8 =	sshrl.u32 s8, $0x7  }
0xe: {  	vm0 =	vmmov $0xff;
	vm1 =	vcmask $0x3F20;
	[sflag:s10] =	ssyncpa.u1 $0x0;
	p0 =	por $0x0, $0x0;
	s10 =	sadd.s32 $0x1, s8  }
.LBB2_6:
0xf: {  	[hbm:s17] =	stream.linear.scatter [tilespmem:s14], [sflag:$0x3], $0x400, $0x38;
	[tilespmem:$0x8100] =	vst v63  }
.LBB2_7:
0x10: {  	s13 =	sadd.s32 $0x80, s11  }
0x11: {  	s15 =	smov.u32 s3;
	p2 =	slt.s32 s13, s5  }
0x12: {  	s15 =	smov.u32 @p2 s13;
	p2 =	sne.s32 s12, s10  }
.Ltmp1:
0x13: {  	p1 =	slt.u32 s12, $0x2;
	(pc) =	sbr.rel @!p2 .LBB2_8-.Ltmp1, $4  }
0x14: {  	s14 =	simm.s32 @!p1 $0x3  }
0x15: {  	s16 =	sadd.s32 $0x1, s12;
	_ =	swait.ge @!p1 [sflag:s14], $0x4000  }
0x16: {  	p0 =	por !p0, !p0;
	s13 =	smov.u32 s11;
	[sflag:s14] =	ssyncset.done @!p1 $0x0  }
0x17: {  	s12 =	smov.u32 s16;
	s11 =	smov.u32 s15;
	[sflag:s14] =	ssyncadd.s32 @!p1 $0xFFFFC000  }
.LBB2_1:
0x18: {  	p1 =	sge.u32 s12, s8  }
0x19: {  	s14 =	sxor.u32 @!p1 $0xFFFFFFFF, s12  }
0x1a: {  	s31 =	sadd.s32 $0xFFFFFFFF, s12;
	s15 =	sshrl.u32 @!p1 s11, $0x3;
	s14 =	sshll.u32 @!p1 s14, $0x7  }
0x1b: {  	s16 =	sand.u32 @!p1 $0x7, s11;
	s15 =	sadd.s32 @!p1 s4, s15;
	s14 =	sand.u32 @!p1 $0x80, s14  }
0x1c: {  	[tilespmem:s14], [sflag:$0x2] =	stream.linear.gather @!p1 [hbm4b:s15+s16], $0x80, $0x38;
	[tilespmem:$0x8100] =	vst v63  }
0x1d: {  	p1 =	sge.u32 s31, s8  }
.Ltmp2:
0x1e: {  	_ = 	snop;
	(pc) =	sbr.rel @p1 .LBB2_7-.Ltmp2, $1  }
0x1f: {  	_ =	sdelay $0x3  }
0x20: {  	s14 =	simm.s32 $0x1  }
0x21: {  	_ =	swait.ge [sflag:s7], $0x80;
	s14 =	simm.s32 @!p0 $0x0  }
0x22: {  	[sflag:s7] =	ssyncset.done $0x0;
	s16 =	sshll.u32 s14, $0x7  }
0x23: {  	[sflag:s7] =	ssyncadd.s32 $0xFFFFFF80;
	s15 =	sadd.s32 $0x0, s16  }
0x24: {  	v0 =	vld.msk [tilespmem:s15+$0x0 ss:$0x1], $0xffff;
	_ =	sdelay $0x4  }
0x25: {  	vm2 =	vgt.s32 v0, $0x0  }
0x26: {  	v0 =	vnsel vm2, $0x0, v0  }
0x27: {  	v0 =	vmin.u32 v0, $0x13FF  }
0x28: {  	v0 =	vshll.u32 v0, $0x4;
	_ =	sdelay $0x2  }
0x29: {  	s14 =	sshll.u32 s14, $0xE  }
0x2a: {  	s14 =	sor.u32 $0x100, s14  }
0x2b: {  	[tilespmem:s14], [sflag:$0x1] =	stream.indirect_vreg.gather [hbm:s2], $0x80, v0, vm0, $0x38;
	[tilespmem:$0x8100] =	vst v63  }
0x2c: {  	s17 =	sadd.s32 $0x10, s16;
	s15 =	sadd.s32 $0x400, s14  }
0x2d: {  	[tilespmem:s15], [sflag:$0x1] =	stream.indirect_vreg.gather [hbm:s2], $0x80, v0, vm1, $0x38;
	[tilespmem:$0x8100] =	vst v63  }
0x2e: {  	s18 =	simm.s32 $0x80;
	v0 =	vld.msk [tilespmem:s17+$0x0 ss:$0x1], $0xffff;
	s17 =	smov.u32 s14  }
.LBB2_3:
0x2f: {  	p1 =	sne.s32 s18, $0x1C0;
	_ =	sdelay $0x4  }
0x30: {  	vm2 =	vgt.s32 v0, $0x0  }
0x31: {  	v0 =	vnsel vm2, $0x0, v0  }
0x32: {  	v0 =	vmin.u32 v0, $0x13FF  }
0x33: {  	v0 =	vshll.u32 v0, $0x4;
	_ =	sdelay $0x3  }
.Ltmp3:
0x34: {  	s19 =	sshra.s32 s18, $0x2;
	s17 =	sadd.s32 $0x800, s17;
	(pc) =	sbr.rel @p1 .LBB2_3-.Ltmp3, $4  }
0x35: {  	[tilespmem:s17], [sflag:$0x1] =	stream.indirect_vreg.gather [hbm:s2], $0x80, v0, vm0, $0x38;
	[tilespmem:$0x8100] =	vst v63  }
0x36: {  	s19 =	sadd.s32 s19, s16;
	s20 =	sadd.s32 $0x400, s17  }
0x37: {  	[tilespmem:s20], [sflag:$0x1] =	stream.indirect_vreg.gather [hbm:s2], $0x80, v0, vm1, $0x38;
	[tilespmem:$0x8100] =	vst v63  }
0x38: {  	s18 =	sadd.s32 $0x40, s18;
	v0 =	vld.msk [tilespmem:s19+$0x0 ss:$0x1], $0xffff  }
0x39: {  	_ =	sdelay $0x3  }
0x3a: {  	vm2 =	vgt.s32 v0, $0x0  }
0x3b: {  	v0 =	vnsel vm2, $0x0, v0  }
0x3c: {  	v0 =	vmin.u32 v0, $0x13FF  }
0x3d: {  	v0 =	vshll.u32 v0, $0x4;
	_ =	sdelay $0x3  }
0x3e: {  	s16 =	sadd.s32 $0x800, s17  }
0x3f: {  	[tilespmem:s16], [sflag:$0x1] =	stream.indirect_vreg.gather [hbm:s2], $0x80, v0, vm0, $0x38;
	[tilespmem:$0x8100] =	vst v63  }
0x40: {  	s16 =	sadd.s32 $0x400, s16  }
0x41: {  	[tilespmem:s16], [sflag:$0x1] =	stream.indirect_vreg.gather [hbm:s2], $0x80, v0, vm1, $0x38;
	[tilespmem:$0x8100] =	vst v63  }
0x42: {  	s13 =	sshll.u32 s13, $0x4;
	_ =	swait.ge [sflag:s6], $0x4000  }
0x43: {  	s13 =	sadd.s32 s13, s9;
	[sflag:s6] =	ssyncset.done $0x0  }
0x44: {  	s17 =	sadd.s32 $0x0, s13;
	s16 =	simm.s32 $0x80;
	[sflag:s6] =	ssyncadd.s32 $0xFFFFC000  }
.LBB2_5:
0x45: {  	[hbm:s17] =	stream.linear.scatter [tilespmem:s14], [sflag:$0x3], $0x400, $0x38;
	[tilespmem:$0x8100] =	vst v63  }
0x46: {  	s17 =	smov.u32 s16;
	s14 =	smov.u32 s15;
	p1 =	sne.s32 s16, $0x780  }
.Ltmp4:
0x47: {  	s16 =	sadd.s32 $0x80, s16;
	(pc) =	sbr.rel @p1 .LBB2_5-.Ltmp4, $2  }
0x48: {  	_ =	sdelay $0x2  }
0x49: {  	s15 =	sadd.s32 $0x400, s15;
	s17 =	sadd.s32 s17, s13  }
.Ltmp5:
0x4a: {  	_ = 	snop;
	(pc) =	sbr.rel .LBB2_6-.Ltmp5, $1  }
0x4b: {  	_ =	sdelay $0x3  }
.LBB2_8:
0x4c: {  	_ =	sfence.sel $0x180000  }
0x4d: {  	s2 =	simm.s32 $0x2;
	[bflag:$0x0] =	sbarrier.arrive $0xFFFF  }
0x4e: {  	s30 =	simm.s32 $0x3;
	[sflag:s2] =	ssyncpa.u1 $0x1  }
0x4f: {  	s31 =	simm.s32 $0x1;
	[sflag:s30] =	ssyncpa.u1 $0x1  }
0x50: {  	[sflag:s31] =	ssyncpa.u1 $0x1  }
0x51: {  	p0 =	sne.s32 s0, $0x0;
	_ =	strace $0x9000004A  }
0x52: {  	s0 =	sadd.s32 @!p0 $0x100000, s1;
	[bflag:$0x2] =	sbarrier.arrive $0xFFFF  }
0x53: {  	[sflag:s0] =	ssyncadd.tile.s32 @!p0 $0x1;
	_ =	shalt  }
.Lfunc_end2:
_tile_overlayer_lowered:
.L_overlay_start_2:
0x54: {  	(tag) =	ssettag $0x2  }
0x55: {  	s0 =	rddreg [dreg:$0x0];
	s2 =	stileid.u32  }
0x56: {  	s1 =	rddreg [dreg:$0x1];
	p0 =	sne.s32 s2, $0x0  }
0x57: {  	s3 =	rddreg [dreg:$0x2];
	[bflag:$0x3] =	sbarrier.arrive $0xFFFF;
	s2 =	simm.s32 @!p0 $0x1C01  }
0x58: {  	[timem:s3], [sflag:s2] =	dma.local @!p0 [hbm:s0], s1  }
0x59: {  	s0 =	simm.s32 @!p0 $0x1  }
0x5a: {  	_ =	swait.ge @!p0 [sflag:s0], s1  }
0x5b: {  	s1 =	ssub.s32 @!p0 $0x0, s1;
	[sflag:s0] =	ssyncset.done @!p0 $0x0  }
0x5c: {  	[sflag:s0] =	ssyncadd.s32 @!p0 s1  }
0x5d: {  	[bflag:$0x3] =	sbarrier.arrive $0xFFFF  }
0x5e: {  	_ =	shalt  }

// kernel: kernel.4.cloned.1.call-start
scs
__scs_entry_jumppad:
0x0: {  	(pc) =	sbr.rel $0x88, $3  }
0x1: {  	(tag) =	ssettag $0x0;
	lr =	simm.s32 $0x1  }
0x2: {  	[smem:$0x3F9D] =	sst lr;
	_ =	strace $0xD0000000  }
0x3: {  	_ = 	snop  }
0x4: {  	_ = 	snop  }
0x5: {  	_ = 	snop  }
0x6: {  	_ = 	snop  }
0x7: {  	_ = 	snop  }
__scs_overlays_trampoline_lowered:
0x8: {  	[smem:$0x3FAC] =	sst s0  }
0x9: {  	[smem:$0x3FAD] =	sst s1  }
0xa: {  	[smem:$0x3FAE] =	sst s2  }
0xb: {  	[smem:$0x3FAF] =	sst s3  }
0xc: {  	[smem:$0x3FB0] =	sst s4  }
0xd: {  	[smem:$0x3FB1] =	sst s5  }
0xe: {  	[smem:$0x3FB2] =	sst s6  }
0xf: {  	[smem:$0x3FB3] =	sst s7  }
0x10: {  	[smem:$0x3FB4] =	sst s8  }
0x11: {  	[smem:$0x3FB5] =	sst s9;
	s0 =	simm.s32 @!p0 $0x0  }
0x12: {  	s1 =	sld [smem:$0x3F9B];
	s0 =	simm.s32 @p0 $0x1  }
0x13: {  	[smem:$0x3FB6] =	sst s0;
	s0 =	simm.s32 @!p1 $0x0  }
0x14: {  	s2 =	sld [smem:$0x3F9A];
	s0 =	simm.s32 @p1 $0x1  }
0x15: {  	[smem:$0x3FB7] =	sst s0;
	s0 =	simm.s32 @!p2 $0x0  }
0x16: {  	s3 =	sld [smem:$0x3FDB];
	s0 =	simm.s32 @p2 $0x1  }
0x17: {  	s4 =	simm.s32 $0x1BF5;
	[smem:$0x3FB9] =	sst s0  }
0x18: {  	s0 =	sld [smem:$0x3F9C];
	_ =	swait.ge [sflag:s4], $0x0  }
0x19: {  	s7 =	sld [smem:$0x3F9D]  }
0x1a: {  	s8 =	sadd.s32 $0xFFFFE003, lr  }
0x1b: {  	s9 =	sadd.s32 $0xFFFFFEF7, lr;
	s5 =	simm.s32 $0xFFFFFFFF;
	p2 =	slt.u32 s8, $0xFFFFF086  }
0x1c: {  	p1 =	slt.u32 s9, $0xF7A;
	s5 =	simm.s32 @!p2 $0x0  }
0x1d: {  	s5 =	simm.s32 @p1 $0x1;
	p0 =	seq.s32 s7, s2  }
0x1e: {  	s7 =	smul.u32 @!p0 $0xF7A, s2;
	p2 =	seq.s32 @!p0 s5, $0x0  }
0x1f: {  	s9 =	smul.u32 $0xF7A, s1;
	s8 =	simm.s32 @!p0 $0x1BF5;
	p2 =	por !p2, p0  }
0x20: {  	[sflag:s8] =	ssyncset.s32 @!p0 $0xFFFFF086;
	s6 =	sadd.s32 @!p0 s3, s7;
	s7 =	simm.s32 @!p0 $0x108  }
0x21: {  	s3 =	sadd.s32 s3, s9;
	s6 =	sadd.s32 @!p0 $0x88, s6;
	s7 =	simm.s32 @p2 $0x1082  }
0x22: {  	[simem:s7], [sflag:s8] =	dma.local @!p0 [hbm:s6], $0xF7A  }
0x23: {  	s9 =	sor.u32 $0xD0000000, s2;
	s6 =	simm.s32 $0x108;
	_ =	swait.ge @!p0 [sflag:s8], $0x0  }
0x24: {  	s3 =	sadd.s32 $0x88, s3;
	s6 =	simm.s32 @!p1 $0x1082;
	[sflag:s4] =	ssyncset.s32 $0xFFFFF086  }
0x25: {  	[simem:s6], [sflag:s4] =	dma.local [hbm:s3], $0xF7A  }
0x26: {  	[smem:$0x3F9D] =	sst s1;
	(tag) =	ssettag s2;
	_ =	strace s9  }
0x27: {  	s1 =	sld [smem:$0x3FAD]  }
0x28: {  	s2 =	sld [smem:$0x3FAE]  }
0x29: {  	s4 =	sld [smem:$0x3FB0]  }
0x2a: {  	p0 =	seq.s32 s5, $0x0;
	s5 =	sld [smem:$0x3FB1]  }
0x2b: {  	s6 =	sld [smem:$0x3FB2]  }
0x2c: {  	s7 =	sld [smem:$0x3FB3]  }
0x2d: {  	s3 =	simm.s32 $0x108;
	s8 =	sld [smem:$0x3FB4]  }
0x2e: {  	s3 =	simm.s32 @!p0 $0x1082;
	s9 =	sld [smem:$0x3FB5]  }
0x2f: {  	lr =	sadd.s32 s0, s3;
	s0 =	sld [smem:$0x3FAC]  }
0x30: {  	s3 =	sld [smem:$0x3FAF]  }
0x31: {  	[smem:$0x3FB8] =	sst s10  }
0x32: {  	s10 =	sld [smem:$0x3FB6];
	_ =	sdelay $0x3  }
0x33: {  	p0 =	seq.s32 s10, $0x1;
	s10 =	sld [smem:$0x3FB8];
	_ =	sdelay $0x3  }
0x34: {  	[smem:$0x3FB8] =	sst s10  }
0x35: {  	s10 =	sld [smem:$0x3FB7];
	_ =	sdelay $0x3  }
0x36: {  	p1 =	seq.s32 s10, $0x1;
	s10 =	sld [smem:$0x3FB8];
	_ =	sdelay $0x3  }
0x37: {  	[smem:$0x3FB8] =	sst s10  }
0x38: {  	s10 =	sld [smem:$0x3FB9]  }
0x39: {  	_ = 	snop;
	(pc) =	sbr.ind lr, $3  }
0x3a: {  	_ = 	snop  }
0x3b: {  	_ = 	snop  }
0x3c: {  	p2 =	seq.s32 s10, $0x1;
	s10 =	sld [smem:$0x3FB8]  }
0x3d: {  	_ =	shalt  }
0x3e: {  	_ =	shalt  }
0x3f: {  	_ =	shalt  }
0x40: {  	_ =	shalt  }
0x41: {  	_ =	shalt  }
0x42: {  	_ =	shalt  }
0x43: {  	_ =	shalt  }
0x44: {  	_ =	shalt  }
0x45: {  	_ =	shalt  }
0x46: {  	_ =	shalt  }
0x47: {  	_ =	shalt  }
0x48: {  	_ =	shalt  }
0x49: {  	_ =	shalt  }
0x4a: {  	_ =	shalt  }
0x4b: {  	_ =	shalt  }
0x4c: {  	_ =	shalt  }
0x4d: {  	_ =	shalt  }
0x4e: {  	_ =	shalt  }
0x4f: {  	_ =	shalt  }
0x50: {  	_ =	shalt  }
0x51: {  	_ =	shalt  }
0x52: {  	_ =	shalt  }
0x53: {  	_ =	shalt  }
0x54: {  	_ =	shalt  }
0x55: {  	_ =	shalt  }
0x56: {  	_ =	shalt  }
0x57: {  	_ =	shalt  }
0x58: {  	_ =	shalt  }
0x59: {  	_ =	shalt  }
0x5a: {  	_ =	shalt  }
0x5b: {  	_ =	shalt  }
0x5c: {  	_ =	shalt  }
0x5d: {  	_ =	shalt  }
0x5e: {  	_ =	shalt  }
0x5f: {  	_ =	shalt  }
0x60: {  	_ =	shalt  }
0x61: {  	_ =	shalt  }
0x62: {  	_ =	shalt  }
0x63: {  	_ =	shalt  }
0x64: {  	_ =	shalt  }
0x65: {  	_ =	shalt  }
0x66: {  	_ =	shalt  }
0x67: {  	_ =	shalt  }
0x68: {  	_ =	shalt  }
0x69: {  	_ =	shalt  }
0x6a: {  	_ =	shalt  }
0x6b: {  	_ =	shalt  }
0x6c: {  	_ =	shalt  }
0x6d: {  	_ =	shalt  }
0x6e: {  	_ =	shalt  }
0x6f: {  	_ =	shalt  }
0x70: {  	_ =	shalt  }
0x71: {  	_ =	shalt  }
0x72: {  	_ =	shalt  }
0x73: {  	_ =	shalt  }
0x74: {  	_ =	shalt  }
0x75: {  	_ =	shalt  }
0x76: {  	_ =	shalt  }
0x77: {  	_ =	shalt  }
0x78: {  	_ =	shalt  }
0x79: {  	_ =	shalt  }
0x7a: {  	_ =	shalt  }
0x7b: {  	_ =	shalt  }
0x7c: {  	_ =	shalt  }
0x7d: {  	_ =	shalt  }
0x7e: {  	_ =	shalt  }
0x7f: {  	_ =	shalt  }
0x80: {  	_ =	shalt  }
0x81: {  	_ =	shalt  }
0x82: {  	_ =	shalt  }
0x83: {  	_ =	shalt  }
0x84: {  	_ =	shalt  }
0x85: {  	_ =	shalt  }
0x86: {  	_ =	shalt  }
0x87: {  	_ =	shalt  }
.Lfunc_end0:
.L_simem_size_0:
called_computation.2_lowered:
.L_overlay_start_0:
0x88: {  	s2 =	sld [smem:$0x3FD9]  }
0x89: {  	s3 =	sld [smem:$0x3FFE];
	_ =	sdelay $0x1  }
0x8a: {  	s1 =	srdreg.scid  }
0x8b: {  	s0 =	sand.u32 $0x1, s1  }
0x8c: {  	s14 =	sshll.u32 s0, $0xA;
	s2 =	sadd.s32 s3, s2  }
0x8d: {  	s2 =	sadd.s32 s2, s14  }
0x8e: {  	[smem:$0x3FC4] =	sst s2  }
0x8f: {  	_ = 	snop  }
0x90: {  	s2 =	sld [smem:$0x3FD0];
	_ =	sdelay $0x2  }
0x91: {  	s4 =	simm.s32 $0xB;
	s5 =	simm.s32 $0x10;
	s15 =	sld [smem:$0x3FC9]  }
0x92: {  	[smem:s5], [sflag:s4] =	dma.local [hbm:s2], $0x1  }
0x93: {  	_ =	swait.eq [sflag:s4], $0x1  }
0x94: {  	[sflag:s4] =	ssyncset.done $0x0  }
0x95: {  	[sflag:s4] =	ssyncadd.s32 $0xFFFFFFFF  }
0x96: {  	s16 =	sld [smem:$0x11];
	(tm) =	ssettm $0x1  }
0x97: {  	s17 =	sld [smem:$0x3FFB];
	_ =	sdelay $0x3  }
0x98: {  	_ =	strace s17  }
0x99: {  	s4 =	sld [smem:$0x3FFC];
	_ =	sdelay $0x3  }
0x9a: {  	_ =	strace s4  }
0x9b: {  	s4 =	sld [smem:$0x3FFD];
	_ =	sdelay $0x3  }
0x9c: {  	_ =	strace s4  }
0x9d: {  	_ =	strace $0x8FFFFFFF  }
0x9e: {  	s18 =	sld [smem:$0x3FDB];
	_ =	sdelay $0x1  }
0x9f: {  	s19 =	simm.s32 $_scs_section_size  }
0xa0: {  	s6 =	simm.s32 $_size__tile_overlayer_lowered;
	s7 =	simm.s32 $_tile_overlayer_lowered  }
0xa1: {  	s22 =	simm.s32 $0x1BFF;
	s21 =	sshll.u32 s7, $0x1;
	s4 =	sadd.s32 s19, s18  }
0xa2: {  	s8 =	simm.s32 $0x0;
	s20 =	sshll.u32 s6, $0x1;
	s6 =	sadd.s32 s21, s4  }
0xa3: {  	[timem:s8], [sflag:s22] =	dma.local [hbm:s6], s20  }
0xa4: {  	_ =	swait.ge [sflag:s22], s20  }
0xa5: {  	s5 =	ssub.s32 $0x0, s20;
	[sflag:s22] =	ssyncset.done $0x0  }
0xa6: {  	[sflag:s22] =	ssyncadd.s32 s5;
	_ =	sdelay $0x1  }
0xa7: {  	s23 =	simm.s32 $0x1B8B  }
0xa8: {  	_ =	swait.ge [sflag:s23], $0x1  }
0xa9: {  	[sflag:s23] =	ssyncset.done $0x0  }
0xaa: {  	s25 =	simm.s32 $0x1B8E;
	s24 =	sld [smem:$0x3FFE];
	[sflag:s23] =	ssyncadd.s32 $0xFFFFFFFF  }
0xab: {  	s26 =	simm.s32 $execute0_lowered;
	[smem:$0x3FD2] =	sst s25  }
0xac: {  	s6 =	sshll.u32 s26, $0x1;
	_ =	strace $0x8000004C;
	[dreg:$0x1] =	wrdreg $0xFFFFFFFF  }
0xad: {  	s28 =	simm.s32 $_size_execute0_lowered;
	s4 =	sadd.s32 s4, s6;
	[dreg:$0x0] =	wrdreg $0x0  }
0xae: {  	s6 =	sshll.u32 s28, $0x1;
	[dreg:$0x2] =	wrdreg s4  }
0xaf: {  	[dreg:$0x3] =	wrdreg s6  }
0xb0: {  	[dreg:$0x4] =	wrdreg $0xC0  }
0xb1: {  	_ =	task [dreg:s8], $0x5FFFF  }
0xb2: {  	[dreg:$0x1] =	wrdreg $0xFFFFFFFF  }
0xb3: {  	[dreg:$0x0] =	wrdreg $0x60  }
0xb4: {  	[dreg:$0x2] =	wrdreg s24  }
0xb5: {  	[dreg:$0x3] =	wrdreg s15  }
0xb6: {  	[dreg:$0x4] =	wrdreg s16  }
0xb7: {  	[dreg:$0x5] =	wrdreg $0xA8000  }
0xb8: {  	[dreg:$0x6] =	wrdreg $0x9  }
0xb9: {  	_ =	task.clear_ibuf [dreg:s8], $0x7FFFF;
	_ =	strace $0x9000004C  }
0xba: {  	s29 =	simm.s32 $0x9;
	_ =	strace $0x8000004E  }
0xbb: {  	_ =	swait.ge [sflag:s29], $0x1  }
0xbc: {  	[sflag:s29] =	ssyncadd.s32 $0xFFFFFFFF  }
0xbd: {  	_ =	strace $0x9000004E  }
0xbe: {  	_ =	sfence  }
0xbf: {  	s30 =	sld [smem:$0x0];
	_ =	sdelay $0x2  }
0xc0: {  	s31 =	sshll.u32 s1, $0xD;
	s1 =	sshrl.u32 s1, $0x2  }
0xc1: {  	s3 =	sand.u32 $0x4000, s31;
	s1 =	sadd.s32 s1, s30  }
0xc2: {  	s0 =	sor.u32 s3, s0;
	s1 =	sshll.u32 s1, $0x11  }
0xc3: {  	s0 =	sor.u32 s1, s0  }
0xc4: {  	s0 =	sadd.s32 $0x8F2B, s0  }
0xc5: {  	[sflag:s0] =	ssyncadd.remote.s32 $0x1  }
0xc6: {  	_ =	sfence.sel $0xFFFF  }
0xc7: {  	[dreg:$0x0] =	wrdreg $0xFFFFFFFF;
	(pc) =	sbr.abs _section_cstart, $3  }
0xc8: {  	[dreg:$0x1] =	wrdreg $0xFFFFFFFF  }
0xc9: {  	_ =	task.clear_ibuf [dreg:s8], $0x2FFFF;
	_ =	strace $0x9FFFFFFF  }
0xca: {  	(tm) =	ssettm $0x7FFFFFFF  }
0xcb: {  	_ =	shalt  }
tec
execute0_lowered:
.L_overlay_start_1:
0x0: {  	(tag) =	ssettag $0x1  }
0x1: {  	s0 =	rddreg [dreg:$0x0]  }
0x2: {  	s1 =	rddreg [dreg:$0x1]  }
0x3: {  	s3 =	rddreg [dreg:$0x3]  }
0x4: {  	s4 =	simm.s32 $0x0;
	s12 =	stileid.u32;
	s2 =	srdreg.scid  }
0x5: {  	s28 =	simm.s32 $0x40;
	s29 =	simm.s32 $0x2800;
	s30 =	simm.s32 $0x80  }
0x6: {  	s31 =	simm.s32 $0x4800;
	[smem:$0x7FF] =	sst s4;
	s5 =	smul.u32 $0x2800, s12  }
0x7: {  	s2 =	sand.u32 $0x1, s2;
	s6 =	sadd.s32 $0x28E00, s0;
	s8 =	smul.u32 $0x1400, s12  }
0x8: {  	s9 =	sadd.s32 $0x14E00, s0;
	s11 =	smul.u32 $0xA000, s12;
	s7 =	ssub.s32 $0x2, s2  }
0x9: {  	p0 =	sne.s32 s2, $0x0;
	s2 =	simm.s32 $0x6800;
	s10 =	sshrl.u32 s7, $0x1  }
0xa: {  	s0 =	sadd.s32 s5, s0;
	s26 =	sadd.s32 s6, s8;
	s11 =	sshrl.u32 s11, $0x3  }
0xb: {  	s5 =	ssub.s32 s7, s10;
	s7 =	smul.u32 $0x50000, s12;
	[dreg:$0x5] =	wrdreg s26  }
0xc: {  	s12 =	sor.u32 $0x280, s8;
	s8 =	sadd.s32 s9, s8;
	s14 =	sadd.s32 $0x500, s11  }
0xd: {  	s16 =	sadd.s32 $0x780, s11;
	[dreg:$0x6] =	wrdreg s8;
	s13 =	sadd.s32 s6, s12  }
0xe: {  	s18 =	sadd.s32 $0xA00, s11;
	s10 =	sadd.s32 s9, s12;
	[dreg:$0x7] =	wrdreg s13  }
0xf: {  	s20 =	sadd.s32 $0xC80, s11;
	s15 =	sadd.s32 s6, s14;
	[dreg:$0x8] =	wrdreg s10  }
0x10: {  	s22 =	sadd.s32 $0xF00, s11;
	s8 =	sadd.s32 s9, s14;
	[dreg:$0x9] =	wrdreg s15  }
0x11: {  	s24 =	sadd.s32 $0x1180, s11;
	s17 =	sadd.s32 s6, s16;
	[dreg:$0xa] =	wrdreg s8  }
0x12: {  	s0 =	sadd.s32 $0x3CE00, s0;
	s19 =	sadd.s32 s6, s18;
	[dreg:$0xb] =	wrdreg s17  }
0x13: {  	s11 =	simm.s32 $0x1200;
	s21 =	sadd.s32 s6, s20;
	[dreg:$0xd] =	wrdreg s19  }
0x14: {  	s23 =	sadd.s32 s6, s22;
	s6 =	sadd.s32 s6, s24;
	[dreg:$0xf] =	wrdreg s21  }
0x15: {  	s25 =	sadd.s32 s9, s24;
	s12 =	simm.s32 $0x2480;
	[dreg:$0x11] =	wrdreg s23  }
0x16: {  	s14 =	simm.s32 $0x2500;
	s10 =	sadd.s32 s9, s16;
	[dreg:$0x13] =	wrdreg s6  }
0x17: {  	s8 =	sadd.s32 s9, s18;
	[dreg:$0x14] =	wrdreg s25;
	s26 =	sshrl.u32 s7, $0x2  }
0x18: {  	s23 =	smax.u32 s5, $0x1;
	s25 =	simm.s32 $0x5;
	s16 =	simm.s32 $0x100  }
0x19: {  	s5 =	simm.s32 $0x8800;
	s7 =	simm.s32 $0x2;
	s13 =	simm.s32 $0x1280  }
0x1a: {  	s15 =	simm.s32 $0x1300;
	s17 =	simm.s32 $0x2580;
	s18 =	simm.s32 $0x1380  }
0x1b: {  	s19 =	simm.s32 $0x2600;
	s21 =	simm.s32 $0x2700;
	[dreg:$0xc] =	wrdreg s10  }
0x1c: {  	[dreg:$0xe] =	wrdreg s8;
	s10 =	sadd.s32 s9, s20;
	s8 =	sadd.s32 s9, s22  }
.Ltmp0:
0x1d: {  	s6 =	sadd.s32 s26, s3;
	[dreg:$0x10] =	wrdreg s10;
	(pc) =	sbr.rel .LBB2_1-.Ltmp0, $4  }
0x1e: {  	s9 =	simm.s32 $0x4;
	s20 =	simm.s32 $0x2680;
	[dreg:$0x12] =	wrdreg s8  }
0x1f: {  	s22 =	simm.s32 $0x2780;
	_ =	strace $0x8000004D;
	[dreg:$0x15] =	wrdreg s6  }
0x20: {  	s8 =	simm.s32 $0x3;
	s10 =	simm.s32 $0x2400;
	[dreg:$0x16] =	wrdreg s0  }
0x21: {  	s0 =	simm.s32 $0x180;
	s6 =	simm.s32 $0x1;
	[dreg:$0x17] =	wrdreg s23  }
.LBB2_21:
0x22: {  	[bflag:$0x0] =	sbarrier.arrive $0xFFFF  }
0x23: {  	[bflag:$0x0] =	sbarrier.arrive $0xFFFF  }
.LBB2_19:
0x24: {  	s4 =	sadd.s32 $0x1, s4  }
0x25: {  	p1 =	sne.s32 s4, s23  }
.Ltmp1:
0x26: {  	_ = 	snop;
	(pc) =	sbr.rel @!p1 .LBB2_20-.Ltmp1, $1  }
0x27: {  	_ =	sdelay $0x3  }
.LBB2_1:
.Ltmp2:
0x28: {  	(pc) =	sbr.rel @p0 .LBB2_21-.Ltmp2, $1  }
0x29: {  	_ =	sdelay $0x3  }
0x2a: {  	s23 =	stileid.u32  }
0x2b: {  	s26 =	rddreg [dreg:$0x15];
	s23 =	sshll.u32 s23, $0x6  }
0x2c: {  	s26 =	sshrl.u32 s26, $0x3;
	s24 =	sor.u32 $0x1C05, s23;
	s23 =	rddreg [dreg:$0x2]  }
0x2d: {  	[dreg:$0x19] =	wrdreg s26  }
0x2e: {  	[dreg:$0x18] =	wrdreg s24  }
0x2f: {  	[spmem:s26], [sflag:s24] =	dma.local [hbm:s23], $0x2800  }
0x30: {  	_ =	swait.ge [sflag:s25], $0x2800  }
0x31: {  	[sflag:s25] =	ssyncset.done $0x0  }
0x32: {  	[sflag:s25] =	ssyncadd.s32 $0xFFFFD800  }
0x33: {  	[bflag:$0x0] =	sbarrier.arrive $0xFFFF  }
0x34: {  	s23 =	simm.s32 $0x0;
	s26 =	rddreg [dreg:$0x5]  }
0x35: {  	[tilespmem:s23], [sflag:$0x5] =	stream.linear.gather [hbm4b:s26+s23], $0x1400, $0x38;
	[tilespmem:$0x1E800] =	vst v63  }
0x36: {  	_ =	swait.ge [sflag:s25], $0x1400  }
0x37: {  	[sflag:s25] =	ssyncset.done $0x0  }
0x38: {  	s26 =	simm.s32 $0x1400;
	s24 =	rddreg [dreg:$0x6];
	[sflag:s25] =	ssyncadd.s32 $0xFFFFEC00  }
0x39: {  	[tilespmem:s26], [sflag:$0x5] =	stream.linear.gather [hbm4b:s24+s23], $0x1400, $0x38;
	[tilespmem:$0x1E800] =	vst v63  }
0x3a: {  	_ =	swait.ge [sflag:s25], $0x1400  }
0x3b: {  	[sflag:s25] =	ssyncset.done $0x0  }
0x3c: {  	[sflag:s25] =	ssyncadd.s32 $0xFFFFEC00  }
0x3d: {  	[tilespmem:s29], [sflag:$0x1] =	stream.indirect.gather [hbm4b:s1+s28], $0x80, s23, s28, $0xb8;
	[tilespmem:$0x1E800] =	vst v63  }
0x3e: {  	_ = 	snop  }
0x3f: {  	[tilespmem:s31], [sflag:$0x2] =	stream.indirect.gather [hbm4b:s1+s28], $0x80, s30, s28, $0xb8;
	[tilespmem:$0x1E800] =	vst v63  }
0x40: {  	_ = 	snop  }
0x41: {  	[tilespmem:s2], [sflag:$0x3] =	stream.indirect.gather [hbm4b:s1+s28], $0x80, s16, s28, $0xb8;
	[tilespmem:$0x1E800] =	vst v63  }
0x42: {  	_ = 	snop  }
0x43: {  	[tilespmem:s5], [sflag:$0x4] =	stream.indirect.gather [hbm4b:s1+s28], $0x80, s0, s28, $0xb8;
	[tilespmem:$0x1E800] =	vst v63  }
0x44: {  	_ =	swait.ge [sflag:s6], $0x2000  }
0x45: {  	[sflag:s6] =	ssyncset.done $0x0  }
0x46: {  	s26 =	simm.s32 $0x1400;
	[sflag:s6] =	ssyncadd.s32 $0xFFFFE000  }
0x47: {  	[spmem:s3] =	stream.indirect.scatter.add.f32 [tilespmem:s29], [sflag:$0x5], $0x80, s26, s28, $0xb8;
	[tilespmem:$0x1E800] =	vst v63  }
0x48: {  	_ =	swait.ge [sflag:s25], $0x2000  }
0x49: {  	[sflag:s25] =	ssyncset.done $0x0  }
0x4a: {  	s24 =	simm.s32 $0x200;
	[sflag:s25] =	ssyncadd.s32 $0xFFFFE000  }
0x4b: {  	[tilespmem:s29], [sflag:$0x1] =	stream.indirect.gather [hbm4b:s1+s28], $0x80, s24, s28, $0xb8;
	[tilespmem:$0x1E800] =	vst v63  }
0x4c: {  	_ =	swait.ge [sflag:s7], $0x2000  }
0x4d: {  	[sflag:s7] =	ssyncset.done $0x0  }
0x4e: {  	s26 =	simm.s32 $0x1480;
	[sflag:s7] =	ssyncadd.s32 $0xFFFFE000  }
0x4f: {  	[spmem:s3] =	stream.indirect.scatter.add.f32 [tilespmem:s31], [sflag:$0x5], $0x80, s26, s28, $0xb8;
	[tilespmem:$0x1E800] =	vst v63  }
0x50: {  	_ =	swait.ge [sflag:s25], $0x2000  }
0x51: {  	[sflag:s25] =	ssyncset.done $0x0  }
0x52: {  	s24 =	simm.s32 $0x280;
	[sflag:s25] =	ssyncadd.s32 $0xFFFFE000  }
0x53: {  	[tilespmem:s31], [sflag:$0x2] =	stream.indirect.gather [hbm4b:s1+s28], $0x80, s24, s28, $0xb8;
	[tilespmem:$0x1E800] =	vst v63  }
0x54: {  	_ =	swait.ge [sflag:s8], $0x2000  }
0x55: {  	[sflag:s8] =	ssyncset.done $0x0  }
0x56: {  	s26 =	simm.s32 $0x1500;
	[sflag:s8] =	ssyncadd.s32 $0xFFFFE000  }
0x57: {  	[spmem:s3] =	stream.indirect.scatter.add.f32 [tilespmem:s2], [sflag:$0x5], $0x80, s26, s28, $0xb8;
	[tilespmem:$0x1E800] =	vst v63  }
0x58: {  	_ =	swait.ge [sflag:s25], $0x2000  }
0x59: {  	[sflag:s25] =	ssyncset.done $0x0  }
0x5a: {  	s24 =	simm.s32 $0x300;
	[sflag:s25] =	ssyncadd.s32 $0xFFFFE000  }
0x5b: {  	[tilespmem:s2], [sflag:$0x3] =	stream.indirect.gather [hbm4b:s1+s28], $0x80, s24, s28, $0xb8;
	[tilespmem:$0x1E800] =	vst v63  }
0x5c: {  	_ =	swait.ge [sflag:s9], $0x2000  }
0x5d: {  	[sflag:s9] =	ssyncset.done $0x0  }
0x5e: {  	s26 =	simm.s32 $0x1580;
	[sflag:s9] =	ssyncadd.s32 $0xFFFFE000  }
0x5f: {  	[spmem:s3] =	stream.indirect.scatter.add.f32 [tilespmem:s5], [sflag:$0x5], $0x80, s26, s28, $0xb8;
	[tilespmem:$0x1E800] =	vst v63  }
0x60: {  	_ =	swait.ge [sflag:s25], $0x2000  }
0x61: {  	[sflag:s25] =	ssyncset.done $0x0  }
0x62: {  	s23 =	simm.s32 $0x800;
	s24 =	simm.s32 $0x380;
	[sflag:s25] =	ssyncadd.s32 $0xFFFFE000  }
.LBB2_3:
0x63: {  	[tilespmem:s5], [sflag:$0x4] =	stream.indirect.gather [hbm4b:s1+s28], $0x80, s24, s28, $0xb8;
	[tilespmem:$0x1E800] =	vst v63  }
0x64: {  	s24 =	smov.u32 s23  }
0x65: {  	p1 =	sne.s32 s23, $0x3800;
	s23 =	sadd.s32 $0x800, s23;
	_ =	swait.ge [sflag:s6], $0x2000  }
0x66: {  	s24 =	sshra.s32 s24, $0x2;
	[sflag:s6] =	ssyncset.done $0x0  }
0x67: {  	s26 =	sadd.s32 $0x1400, s24;
	[sflag:s6] =	ssyncadd.s32 $0xFFFFE000  }
0x68: {  	[spmem:s3] =	stream.indirect.scatter.add.f32 [tilespmem:s29], [sflag:$0x5], $0x80, s26, s28, $0xb8;
	[tilespmem:$0x1E800] =	vst v63  }
0x69: {  	_ =	swait.ge [sflag:s25], $0x2000  }
0x6a: {  	[sflag:s25] =	ssyncset.done $0x0  }
0x6b: {  	s26 =	sadd.s32 $0x200, s24;
	[sflag:s25] =	ssyncadd.s32 $0xFFFFE000  }
0x6c: {  	[tilespmem:s29], [sflag:$0x1] =	stream.indirect.gather [hbm4b:s1+s28], $0x80, s26, s28, $0xb8;
	[tilespmem:$0x1E800] =	vst v63  }
0x6d: {  	_ =	swait.ge [sflag:s7], $0x2000  }
0x6e: {  	[sflag:s7] =	ssyncset.done $0x0  }
0x6f: {  	s26 =	sadd.s32 $0x1480, s24;
	[sflag:s7] =	ssyncadd.s32 $0xFFFFE000  }
0x70: {  	[spmem:s3] =	stream.indirect.scatter.add.f32 [tilespmem:s31], [sflag:$0x5], $0x80, s26, s28, $0xb8;
	[tilespmem:$0x1E800] =	vst v63  }
0x71: {  	_ =	swait.ge [sflag:s25], $0x2000  }
0x72: {  	[sflag:s25] =	ssyncset.done $0x0  }
0x73: {  	s26 =	sadd.s32 $0x280, s24;
	[sflag:s25] =	ssyncadd.s32 $0xFFFFE000  }
0x74: {  	[tilespmem:s31], [sflag:$0x2] =	stream.indirect.gather [hbm4b:s1+s28], $0x80, s26, s28, $0xb8;
	[tilespmem:$0x1E800] =	vst v63  }
0x75: {  	_ =	swait.ge [sflag:s8], $0x2000  }
0x76: {  	[sflag:s8] =	ssyncset.done $0x0  }
0x77: {  	s26 =	sadd.s32 $0x1500, s24;
	[sflag:s8] =	ssyncadd.s32 $0xFFFFE000  }
0x78: {  	[spmem:s3] =	stream.indirect.scatter.add.f32 [tilespmem:s2], [sflag:$0x5], $0x80, s26, s28, $0xb8;
	[tilespmem:$0x1E800] =	vst v63  }
0x79: {  	_ =	swait.ge [sflag:s25], $0x2000  }
0x7a: {  	[sflag:s25] =	ssyncset.done $0x0  }
0x7b: {  	s26 =	sadd.s32 $0x300, s24;
	[sflag:s25] =	ssyncadd.s32 $0xFFFFE000  }
0x7c: {  	[tilespmem:s2], [sflag:$0x3] =	stream.indirect.gather [hbm4b:s1+s28], $0x80, s26, s28, $0xb8;
	[tilespmem:$0x1E800] =	vst v63  }
0x7d: {  	_ =	swait.ge [sflag:s9], $0x2000  }
0x7e: {  	[sflag:s9] =	ssyncset.done $0x0  }
.Ltmp3:
0x7f: {  	s26 =	sadd.s32 $0x1580, s24;
	[sflag:s9] =	ssyncadd.s32 $0xFFFFE000;
	(pc) =	sbr.rel @p1 .LBB2_3-.Ltmp3, $4  }
0x80: {  	[spmem:s3] =	stream.indirect.scatter.add.f32 [tilespmem:s5], [sflag:$0x5], $0x80, s26, s28, $0xb8;
	[tilespmem:$0x1E800] =	vst v63  }
0x81: {  	_ =	swait.ge [sflag:s25], $0x2000  }
0x82: {  	[sflag:s25] =	ssyncset.done $0x0  }
0x83: {  	s24 =	sadd.s32 $0x380, s24;
	[sflag:s25] =	ssyncadd.s32 $0xFFFFE000  }
0x84: {  	[tilespmem:s5], [sflag:$0x4] =	stream.indirect.gather [hbm4b:s1+s28], $0x80, s24, s28, $0xb8;
	[tilespmem:$0x1E800] =	vst v63  }
0x85: {  	_ =	swait.ge [sflag:s6], $0x2000  }
0x86: {  	[sflag:s6] =	ssyncset.done $0x0  }
0x87: {  	[sflag:s6] =	ssyncadd.s32 $0xFFFFE000  }
0x88: {  	[spmem:s3] =	stream.indirect.scatter.add.f32 [tilespmem:s29], [sflag:$0x5], $0x80, s10, s28, $0xb8;
	[tilespmem:$0x1E800] =	vst v63  }
0x89: {  	_ =	swait.ge [sflag:s25], $0x2000  }
0x8a: {  	[sflag:s25] =	ssyncset.done $0x0  }
0x8b: {  	[sflag:s25] =	ssyncadd.s32 $0xFFFFE000  }
0x8c: {  	[tilespmem:s29], [sflag:$0x1] =	stream.indirect.gather [hbm4b:s1+s28], $0x80, s11, s28, $0xb8;
	[tilespmem:$0x1E800] =	vst v63  }
0x8d: {  	_ =	swait.ge [sflag:s7], $0x2000  }
0x8e: {  	[sflag:s7] =	ssyncset.done $0x0  }
0x8f: {  	[sflag:s7] =	ssyncadd.s32 $0xFFFFE000  }
0x90: {  	[spmem:s3] =	stream.indirect.scatter.add.f32 [tilespmem:s31], [sflag:$0x5], $0x80, s12, s28, $0xb8;
	[tilespmem:$0x1E800] =	vst v63  }
0x91: {  	_ =	swait.ge [sflag:s25], $0x2000  }
0x92: {  	[sflag:s25] =	ssyncset.done $0x0  }
0x93: {  	[sflag:s25] =	ssyncadd.s32 $0xFFFFE000  }
0x94: {  	[tilespmem:s31], [sflag:$0x2] =	stream.indirect.gather [hbm4b:s1+s28], $0x80, s13, s28, $0xb8;
	[tilespmem:$0x1E800] =	vst v63  }
0x95: {  	_ =	swait.ge [sflag:s8], $0x2000  }
0x96: {  	[sflag:s8] =	ssyncset.done $0x0  }
0x97: {  	[sflag:s8] =	ssyncadd.s32 $0xFFFFE000  }
0x98: {  	[spmem:s3] =	stream.indirect.scatter.add.f32 [tilespmem:s2], [sflag:$0x5], $0x80, s14, s28, $0xb8;
	[tilespmem:$0x1E800] =	vst v63  }
0x99: {  	_ =	swait.ge [sflag:s25], $0x2000  }
0x9a: {  	[sflag:s25] =	ssyncset.done $0x0  }
0x9b: {  	[sflag:s25] =	ssyncadd.s32 $0xFFFFE000  }
0x9c: {  	[tilespmem:s2], [sflag:$0x3] =	stream.indirect.gather [hbm4b:s1+s28], $0x80, s15, s28, $0xb8;
	[tilespmem:$0x1E800] =	vst v63  }
0x9d: {  	_ =	swait.ge [sflag:s9], $0x2000  }
0x9e: {  	[sflag:s9] =	ssyncset.done $0x0  }
0x9f: {  	[sflag:s9] =	ssyncadd.s32 $0xFFFFE000  }
0xa0: {  	[spmem:s3] =	stream.indirect.scatter.add.f32 [tilespmem:s5], [sflag:$0x5], $0x80, s17, s28, $0xb8;
	[tilespmem:$0x1E800] =	vst v63  }
0xa1: {  	_ =	swait.ge [sflag:s25], $0x2000  }
0xa2: {  	[sflag:s25] =	ssyncset.done $0x0  }
0xa3: {  	[sflag:s25] =	ssyncadd.s32 $0xFFFFE000  }
0xa4: {  	[tilespmem:s5], [sflag:$0x4] =	stream.indirect.gather [hbm4b:s1+s28], $0x80, s18, s28, $0xb8;
	[tilespmem:$0x1E800] =	vst v63  }
0xa5: {  	_ =	swait.ge [sflag:s6], $0x2000  }
0xa6: {  	[sflag:s6] =	ssyncset.done $0x0  }
0xa7: {  	[sflag:s6] =	ssyncadd.s32 $0xFFFFE000  }
0xa8: {  	[spmem:s3] =	stream.indirect.scatter.add.f32 [tilespmem:s29], [sflag:$0x5], $0x80, s19, s28, $0xb8;
	[tilespmem:$0x1E800] =	vst v63  }
0xa9: {  	_ =	swait.ge [sflag:s25], $0x2000  }
0xaa: {  	[sflag:s25] =	ssyncset.done $0x0  }
0xab: {  	[sflag:s25] =	ssyncadd.s32 $0xFFFFE000  }
0xac: {  	[tilespmem:s29], [sflag:$0x1] =	stream.indirect.gather [hbm4b:s1+s28], $0x80, s18, s28, $0xb8;
	[tilespmem:$0x1E800] =	vst v63  }
0xad: {  	_ =	swait.ge [sflag:s7], $0x2000  }
0xae: {  	[sflag:s7] =	ssyncset.done $0x0  }
0xaf: {  	[sflag:s7] =	ssyncadd.s32 $0xFFFFE000  }
0xb0: {  	[spmem:s3] =	stream.indirect.scatter.add.f32 [tilespmem:s31], [sflag:$0x5], $0x80, s20, s28, $0xb8;
	[tilespmem:$0x1E800] =	vst v63  }
0xb1: {  	_ =	swait.ge [sflag:s25], $0x2000  }
0xb2: {  	[sflag:s25] =	ssyncset.done $0x0  }
0xb3: {  	[sflag:s25] =	ssyncadd.s32 $0xFFFFE000  }
0xb4: {  	[tilespmem:s31], [sflag:$0x2] =	stream.indirect.gather [hbm4b:s1+s28], $0x80, s18, s28, $0xb8;
	[tilespmem:$0x1E800] =	vst v63  }
0xb5: {  	_ =	swait.ge [sflag:s8], $0x2000  }
0xb6: {  	[sflag:s8] =	ssyncset.done $0x0  }
0xb7: {  	[sflag:s8] =	ssyncadd.s32 $0xFFFFE000  }
0xb8: {  	[spmem:s3] =	stream.indirect.scatter.add.f32 [tilespmem:s2], [sflag:$0x5], $0x80, s21, s28, $0xb8;
	[tilespmem:$0x1E800] =	vst v63  }
0xb9: {  	_ =	swait.ge [sflag:s25], $0x2000  }
0xba: {  	[sflag:s25] =	ssyncset.done $0x0  }
0xbb: {  	[sflag:s25] =	ssyncadd.s32 $0xFFFFE000  }
0xbc: {  	[tilespmem:s2], [sflag:$0x3] =	stream.indirect.gather [hbm4b:s1+s28], $0x80, s18, s28, $0xb8;
	[tilespmem:$0x1E800] =	vst v63  }
0xbd: {  	_ =	swait.ge [sflag:s9], $0x2000  }
0xbe: {  	[sflag:s9] =	ssyncset.done $0x0  }
0xbf: {  	[sflag:s9] =	ssyncadd.s32 $0xFFFFE000  }
0xc0: {  	[spmem:s3] =	stream.indirect.scatter.add.f32 [tilespmem:s5], [sflag:$0x5], $0x80, s22, s28, $0xb8;
	[tilespmem:$0x1E800] =	vst v63  }
0xc1: {  	_ =	swait.ge [sflag:s25], $0x2000  }
0xc2: {  	[sflag:s25] =	ssyncset.done $0x0  }
0xc3: {  	[sflag:s25] =	ssyncadd.s32 $0xFFFFE000  }
0xc4: {  	[tilespmem:s5], [sflag:$0x4] =	stream.indirect.gather [hbm4b:s1+s28], $0x80, s18, s28, $0xb8;
	[tilespmem:$0x1E800] =	vst v63  }
0xc5: {  	_ =	swait.ge [sflag:s6], $0x2000  }
0xc6: {  	[sflag:s6] =	ssyncset.done $0x0  }
0xc7: {  	[sflag:s6] =	ssyncadd.s32 $0xFFFFE000  }
0xc8: {  	_ =	swait.ge [sflag:s7], $0x2000  }
0xc9: {  	[sflag:s7] =	ssyncset.done $0x0  }
0xca: {  	[sflag:s7] =	ssyncadd.s32 $0xFFFFE000  }
0xcb: {  	_ =	swait.ge [sflag:s8], $0x2000  }
0xcc: {  	[sflag:s8] =	ssyncset.done $0x0  }
0xcd: {  	[sflag:s8] =	ssyncadd.s32 $0xFFFFE000  }
0xce: {  	_ =	swait.ge [sflag:s9], $0x2000  }
0xcf: {  	[sflag:s9] =	ssyncset.done $0x0  }
0xd0: {  	s23 =	simm.s32 $0x0;
	s26 =	rddreg [dreg:$0x7];
	[sflag:s9] =	ssyncadd.s32 $0xFFFFE000  }
0xd1: {  	[tilespmem:s23], [sflag:$0x5] =	stream.linear.gather [hbm4b:s26+s23], $0x1400, $0x38;
	[tilespmem:$0x1E800] =	vst v63  }
0xd2: {  	_ =	swait.ge [sflag:s25], $0x1400  }
0xd3: {  	[sflag:s25] =	ssyncset.done $0x0  }
0xd4: {  	s26 =	simm.s32 $0x1400;
	s24 =	rddreg [dreg:$0x8];
	[sflag:s25] =	ssyncadd.s32 $0xFFFFEC00  }
0xd5: {  	[tilespmem:s26], [sflag:$0x5] =	stream.linear.gather [hbm4b:s24+s23], $0x1400, $0x38;
	[tilespmem:$0x1E800] =	vst v63  }
0xd6: {  	_ =	swait.ge [sflag:s25], $0x1400  }
0xd7: {  	[sflag:s25] =	ssyncset.done $0x0  }
0xd8: {  	[sflag:s25] =	ssyncadd.s32 $0xFFFFEC00  }
0xd9: {  	[tilespmem:s29], [sflag:$0x1] =	stream.indirect.gather [hbm4b:s1+s28], $0x80, s23, s28, $0xb8;
	[tilespmem:$0x1E800] =	vst v63  }
0xda: {  	_ = 	snop  }
0xdb: {  	[tilespmem:s31], [sflag:$0x2] =	stream.indirect.gather [hbm4b:s1+s28], $0x80, s30, s28, $0xb8;
	[tilespmem:$0x1E800] =	vst v63  }
0xdc: {  	_ = 	snop  }
0xdd: {  	[tilespmem:s2], [sflag:$0x3] =	stream.indirect.gather [hbm4b:s1+s28], $0x80, s16, s28, $0xb8;
	[tilespmem:$0x1E800] =	vst v63  }
0xde: {  	_ = 	snop  }
0xdf: {  	[tilespmem:s5], [sflag:$0x4] =	stream.indirect.gather [hbm4b:s1+s28], $0x80, s0, s28, $0xb8;
	[tilespmem:$0x1E800] =	vst v63  }
0xe0: {  	_ =	swait.ge [sflag:s6], $0x2000  }
0xe1: {  	[sflag:s6] =	ssyncset.done $0x0  }
0xe2: {  	s26 =	simm.s32 $0x1400;
	[sflag:s6] =	ssyncadd.s32 $0xFFFFE000  }
0xe3: {  	[spmem:s3] =	stream.indirect.scatter.add.f32 [tilespmem:s29], [sflag:$0x5], $0x80, s26, s28, $0xb8;
	[tilespmem:$0x1E800] =	vst v63  }
0xe4: {  	_ =	swait.ge [sflag:s25], $0x2000  }
0xe5: {  	[sflag:s25] =	ssyncset.done $0x0  }
0xe6: {  	s24 =	simm.s32 $0x200;
	[sflag:s25] =	ssyncadd.s32 $0xFFFFE000  }
0xe7: {  	[tilespmem:s29], [sflag:$0x1] =	stream.indirect.gather [hbm4b:s1+s28], $0x80, s24, s28, $0xb8;
	[tilespmem:$0x1E800] =	vst v63  }
0xe8: {  	_ =	swait.ge [sflag:s7], $0x2000  }
0xe9: {  	[sflag:s7] =	ssyncset.done $0x0  }
0xea: {  	s26 =	simm.s32 $0x1480;
	[sflag:s7] =	ssyncadd.s32 $0xFFFFE000  }
0xeb: {  	[spmem:s3] =	stream.indirect.scatter.add.f32 [tilespmem:s31], [sflag:$0x5], $0x80, s26, s28, $0xb8;
	[tilespmem:$0x1E800] =	vst v63  }
0xec: {  	_ =	swait.ge [sflag:s25], $0x2000  }
0xed: {  	[sflag:s25] =	ssyncset.done $0x0  }
0xee: {  	s24 =	simm.s32 $0x280;
	[sflag:s25] =	ssyncadd.s32 $0xFFFFE000  }
0xef: {  	[tilespmem:s31], [sflag:$0x2] =	stream.indirect.gather [hbm4b:s1+s28], $0x80, s24, s28, $0xb8;
	[tilespmem:$0x1E800] =	vst v63  }
0xf0: {  	_ =	swait.ge [sflag:s8], $0x2000  }
0xf1: {  	[sflag:s8] =	ssyncset.done $0x0  }
0xf2: {  	s26 =	simm.s32 $0x1500;
	[sflag:s8] =	ssyncadd.s32 $0xFFFFE000  }
0xf3: {  	[spmem:s3] =	stream.indirect.scatter.add.f32 [tilespmem:s2], [sflag:$0x5], $0x80, s26, s28, $0xb8;
	[tilespmem:$0x1E800] =	vst v63  }
0xf4: {  	_ =	swait.ge [sflag:s25], $0x2000  }
0xf5: {  	[sflag:s25] =	ssyncset.done $0x0  }
0xf6: {  	s24 =	simm.s32 $0x300;
	[sflag:s25] =	ssyncadd.s32 $0xFFFFE000  }
0xf7: {  	[tilespmem:s2], [sflag:$0x3] =	stream.indirect.gather [hbm4b:s1+s28], $0x80, s24, s28, $0xb8;
	[tilespmem:$0x1E800] =	vst v63  }
0xf8: {  	_ =	swait.ge [sflag:s9], $0x2000  }
0xf9: {  	[sflag:s9] =	ssyncset.done $0x0  }
0xfa: {  	s26 =	simm.s32 $0x1580;
	[sflag:s9] =	ssyncadd.s32 $0xFFFFE000  }
0xfb: {  	[spmem:s3] =	stream.indirect.scatter.add.f32 [tilespmem:s5], [sflag:$0x5], $0x80, s26, s28, $0xb8;
	[tilespmem:$0x1E800] =	vst v63  }
0xfc: {  	_ =	swait.ge [sflag:s25], $0x2000  }
0xfd: {  	[sflag:s25] =	ssyncset.done $0x0  }
0xfe: {  	s23 =	simm.s32 $0x800;
	s24 =	simm.s32 $0x380;
	[sflag:s25] =	ssyncadd.s32 $0xFFFFE000  }
.LBB2_5:
0xff: {  	[tilespmem:s5], [sflag:$0x4] =	stream.indirect.gather [hbm4b:s1+s28], $0x80, s24, s28, $0xb8;
	[tilespmem:$0x1E800] =	vst v63  }
0x100: {  	s24 =	smov.u32 s23  }
0x101: {  	p1 =	sne.s32 s23, $0x3800;
	s23 =	sadd.s32 $0x800, s23;
	_ =	swait.ge [sflag:s6], $0x2000  }
0x102: {  	s24 =	sshra.s32 s24, $0x2;
	[sflag:s6] =	ssyncset.done $0x0  }
0x103: {  	s26 =	sadd.s32 $0x1400, s24;
	[sflag:s6] =	ssyncadd.s32 $0xFFFFE000  }
0x104: {  	[spmem:s3] =	stream.indirect.scatter.add.f32 [tilespmem:s29], [sflag:$0x5], $0x80, s26, s28, $0xb8;
	[tilespmem:$0x1E800] =	vst v63  }
0x105: {  	_ =	swait.ge [sflag:s25], $0x2000  }
0x106: {  	[sflag:s25] =	ssyncset.done $0x0  }
0x107: {  	s26 =	sadd.s32 $0x200, s24;
	[sflag:s25] =	ssyncadd.s32 $0xFFFFE000  }
0x108: {  	[tilespmem:s29], [sflag:$0x1] =	stream.indirect.gather [hbm4b:s1+s28], $0x80, s26, s28, $0xb8;
	[tilespmem:$0x1E800] =	vst v63  }
0x109: {  	_ =	swait.ge [sflag:s7], $0x2000  }
0x10a: {  	[sflag:s7] =	ssyncset.done $0x0  }
0x10b: {  	s26 =	sadd.s32 $0x1480, s24;
	[sflag:s7] =	ssyncadd.s32 $0xFFFFE000  }
0x10c: {  	[spmem:s3] =	stream.indirect.scatter.add.f32 [tilespmem:s31], [sflag:$0x5], $0x80, s26, s28, $0xb8;
	[tilespmem:$0x1E800] =	vst v63  }
0x10d: {  	_ =	swait.ge [sflag:s25], $0x2000  }
0x10e: {  	[sflag:s25] =	ssyncset.done $0x0  }
0x10f: {  	s26 =	sadd.s32 $0x280, s24;
	[sflag:s25] =	ssyncadd.s32 $0xFFFFE000  }
0x110: {  	[tilespmem:s31], [sflag:$0x2] =	stream.indirect.gather [hbm4b:s1+s28], $0x80, s26, s28, $0xb8;
	[tilespmem:$0x1E800] =	vst v63  }
0x111: {  	_ =	swait.ge [sflag:s8], $0x2000  }
0x112: {  	[sflag:s8] =	ssyncset.done $0x0  }
0x113: {  	s26 =	sadd.s32 $0x1500, s24;
	[sflag:s8] =	ssyncadd.s32 $0xFFFFE000  }
0x114: {  	[spmem:s3] =	stream.indirect.scatter.add.f32 [tilespmem:s2], [sflag:$0x5], $0x80, s26, s28, $0xb8;
	[tilespmem:$0x1E800] =	vst v63  }
0x115: {  	_ =	swait.ge [sflag:s25], $0x2000  }
0x116: {  	[sflag:s25] =	ssyncset.done $0x0  }
0x117: {  	s26 =	sadd.s32 $0x300, s24;
	[sflag:s25] =	ssyncadd.s32 $0xFFFFE000  }
0x118: {  	[tilespmem:s2], [sflag:$0x3] =	stream.indirect.gather [hbm4b:s1+s28], $0x80, s26, s28, $0xb8;
	[tilespmem:$0x1E800] =	vst v63  }
0x119: {  	_ =	swait.ge [sflag:s9], $0x2000  }
0x11a: {  	[sflag:s9] =	ssyncset.done $0x0  }
.Ltmp4:
0x11b: {  	s26 =	sadd.s32 $0x1580, s24;
	[sflag:s9] =	ssyncadd.s32 $0xFFFFE000;
	(pc) =	sbr.rel @p1 .LBB2_5-.Ltmp4, $4  }
0x11c: {  	[spmem:s3] =	stream.indirect.scatter.add.f32 [tilespmem:s5], [sflag:$0x5], $0x80, s26, s28, $0xb8;
	[tilespmem:$0x1E800] =	vst v63  }
0x11d: {  	_ =	swait.ge [sflag:s25], $0x2000  }
0x11e: {  	[sflag:s25] =	ssyncset.done $0x0  }
0x11f: {  	s24 =	sadd.s32 $0x380, s24;
	[sflag:s25] =	ssyncadd.s32 $0xFFFFE000  }
0x120: {  	[tilespmem:s5], [sflag:$0x4] =	stream.indirect.gather [hbm4b:s1+s28], $0x80, s24, s28, $0xb8;
	[tilespmem:$0x1E800] =	vst v63  }
0x121: {  	_ =	swait.ge [sflag:s6], $0x2000  }
0x122: {  	[sflag:s6] =	ssyncset.done $0x0  }
0x123: {  	[sflag:s6] =	ssyncadd.s32 $0xFFFFE000  }
0x124: {  	[spmem:s3] =	stream.indirect.scatter.add.f32 [tilespmem:s29], [sflag:$0x5], $0x80, s10, s28, $0xb8;
	[tilespmem:$0x1E800] =	vst v63  }
0x125: {  	_ =	swait.ge [sflag:s25], $0x2000  }
0x126: {  	[sflag:s25] =	ssyncset.done $0x0  }
0x127: {  	[sflag:s25] =	ssyncadd.s32 $0xFFFFE000  }
0x128: {  	[tilespmem:s29], [sflag:$0x1] =	stream.indirect.gather [hbm4b:s1+s28], $0x80, s11, s28, $0xb8;
	[tilespmem:$0x1E800] =	vst v63  }
0x129: {  	_ =	swait.ge [sflag:s7], $0x2000  }
0x12a: {  	[sflag:s7] =	ssyncset.done $0x0  }
0x12b: {  	[sflag:s7] =	ssyncadd.s32 $0xFFFFE000  }
0x12c: {  	[spmem:s3] =	stream.indirect.scatter.add.f32 [tilespmem:s31], [sflag:$0x5], $0x80, s12, s28, $0xb8;
	[tilespmem:$0x1E800] =	vst v63  }
0x12d: {  	_ =	swait.ge [sflag:s25], $0x2000  }
0x12e: {  	[sflag:s25] =	ssyncset.done $0x0  }
0x12f: {  	[sflag:s25] =	ssyncadd.s32 $0xFFFFE000  }
0x130: {  	[tilespmem:s31], [sflag:$0x2] =	stream.indirect.gather [hbm4b:s1+s28], $0x80, s13, s28, $0xb8;
	[tilespmem:$0x1E800] =	vst v63  }
0x131: {  	_ =	swait.ge [sflag:s8], $0x2000  }
0x132: {  	[sflag:s8] =	ssyncset.done $0x0  }
0x133: {  	[sflag:s8] =	ssyncadd.s32 $0xFFFFE000  }
0x134: {  	[spmem:s3] =	stream.indirect.scatter.add.f32 [tilespmem:s2], [sflag:$0x5], $0x80, s14, s28, $0xb8;
	[tilespmem:$0x1E800] =	vst v63  }
0x135: {  	_ =	swait.ge [sflag:s25], $0x2000  }
0x136: {  	[sflag:s25] =	ssyncset.done $0x0  }
0x137: {  	[sflag:s25] =	ssyncadd.s32 $0xFFFFE000  }
0x138: {  	[tilespmem:s2], [sflag:$0x3] =	stream.indirect.gather [hbm4b:s1+s28], $0x80, s15, s28, $0xb8;
	[tilespmem:$0x1E800] =	vst v63  }
0x139: {  	_ =	swait.ge [sflag:s9], $0x2000  }
0x13a: {  	[sflag:s9] =	ssyncset.done $0x0  }
0x13b: {  	[sflag:s9] =	ssyncadd.s32 $0xFFFFE000  }
0x13c: {  	[spmem:s3] =	stream.indirect.scatter.add.f32 [tilespmem:s5], [sflag:$0x5], $0x80, s17, s28, $0xb8;
	[tilespmem:$0x1E800] =	vst v63  }
0x13d: {  	_ =	swait.ge [sflag:s25], $0x2000  }
0x13e: {  	[sflag:s25] =	ssyncset.done $0x0  }
0x13f: {  	[sflag:s25] =	ssyncadd.s32 $0xFFFFE000  }
0x140: {  	[tilespmem:s5], [sflag:$0x4] =	stream.indirect.gather [hbm4b:s1+s28], $0x80, s18, s28, $0xb8;
	[tilespmem:$0x1E800] =	vst v63  }
0x141: {  	_ =	swait.ge [sflag:s6], $0x2000  }
0x142: {  	[sflag:s6] =	ssyncset.done $0x0  }
0x143: {  	[sflag:s6] =	ssyncadd.s32 $0xFFFFE000  }
0x144: {  	[spmem:s3] =	stream.indirect.scatter.add.f32 [tilespmem:s29], [sflag:$0x5], $0x80, s19, s28, $0xb8;
	[tilespmem:$0x1E800] =	vst v63  }
0x145: {  	_ =	swait.ge [sflag:s25], $0x2000  }
0x146: {  	[sflag:s25] =	ssyncset.done $0x0  }
0x147: {  	[sflag:s25] =	ssyncadd.s32 $0xFFFFE000  }
0x148: {  	[tilespmem:s29], [sflag:$0x1] =	stream.indirect.gather [hbm4b:s1+s28], $0x80, s18, s28, $0xb8;
	[tilespmem:$0x1E800] =	vst v63  }
0x149: {  	_ =	swait.ge [sflag:s7], $0x2000  }
0x14a: {  	[sflag:s7] =	ssyncset.done $0x0  }
0x14b: {  	[sflag:s7] =	ssyncadd.s32 $0xFFFFE000  }
0x14c: {  	[spmem:s3] =	stream.indirect.scatter.add.f32 [tilespmem:s31], [sflag:$0x5], $0x80, s20, s28, $0xb8;
	[tilespmem:$0x1E800] =	vst v63  }
0x14d: {  	_ =	swait.ge [sflag:s25], $0x2000  }
0x14e: {  	[sflag:s25] =	ssyncset.done $0x0  }
0x14f: {  	[sflag:s25] =	ssyncadd.s32 $0xFFFFE000  }
0x150: {  	[tilespmem:s31], [sflag:$0x2] =	stream.indirect.gather [hbm4b:s1+s28], $0x80, s18, s28, $0xb8;
	[tilespmem:$0x1E800] =	vst v63  }
0x151: {  	_ =	swait.ge [sflag:s8], $0x2000  }
0x152: {  	[sflag:s8] =	ssyncset.done $0x0  }
0x153: {  	[sflag:s8] =	ssyncadd.s32 $0xFFFFE000  }
0x154: {  	[spmem:s3] =	stream.indirect.scatter.add.f32 [tilespmem:s2], [sflag:$0x5], $0x80, s21, s28, $0xb8;
	[tilespmem:$0x1E800] =	vst v63  }
0x155: {  	_ =	swait.ge [sflag:s25], $0x2000  }
0x156: {  	[sflag:s25] =	ssyncset.done $0x0  }
0x157: {  	[sflag:s25] =	ssyncadd.s32 $0xFFFFE000  }
0x158: {  	[tilespmem:s2], [sflag:$0x3] =	stream.indirect.gather [hbm4b:s1+s28], $0x80, s18, s28, $0xb8;
	[tilespmem:$0x1E800] =	vst v63  }
0x159: {  	_ =	swait.ge [sflag:s9], $0x2000  }
0x15a: {  	[sflag:s9] =	ssyncset.done $0x0  }
0x15b: {  	[sflag:s9] =	ssyncadd.s32 $0xFFFFE000  }
0x15c: {  	[spmem:s3] =	stream.indirect.scatter.add.f32 [tilespmem:s5], [sflag:$0x5], $0x80, s22, s28, $0xb8;
	[tilespmem:$0x1E800] =	vst v63  }
0x15d: {  	_ =	swait.ge [sflag:s25], $0x2000  }
0x15e: {  	[sflag:s25] =	ssyncset.done $0x0  }
0x15f: {  	[sflag:s25] =	ssyncadd.s32 $0xFFFFE000  }
0x160: {  	[tilespmem:s5], [sflag:$0x4] =	stream.indirect.gather [hbm4b:s1+s28], $0x80, s18, s28, $0xb8;
	[tilespmem:$0x1E800] =	vst v63  }
0x161: {  	_ =	swait.ge [sflag:s6], $0x2000  }
0x162: {  	[sflag:s6] =	ssyncset.done $0x0  }
0x163: {  	[sflag:s6] =	ssyncadd.s32 $0xFFFFE000  }
0x164: {  	_ =	swait.ge [sflag:s7], $0x2000  }
0x165: {  	[sflag:s7] =	ssyncset.done $0x0  }
0x166: {  	[sflag:s7] =	ssyncadd.s32 $0xFFFFE000  }
0x167: {  	_ =	swait.ge [sflag:s8], $0x2000  }
0x168: {  	[sflag:s8] =	ssyncset.done $0x0  }
0x169: {  	[sflag:s8] =	ssyncadd.s32 $0xFFFFE000  }
0x16a: {  	_ =	swait.ge [sflag:s9], $0x2000  }
0x16b: {  	[sflag:s9] =	ssyncset.done $0x0  }
0x16c: {  	s23 =	simm.s32 $0x0;
	s26 =	rddreg [dreg:$0x9];
	[sflag:s9] =	ssyncadd.s32 $0xFFFFE000  }
0x16d: {  	[tilespmem:s23], [sflag:$0x5] =	stream.linear.gather [hbm4b:s26+s23], $0x1400, $0x38;
	[tilespmem:$0x1E800] =	vst v63  }
0x16e: {  	_ =	swait.ge [sflag:s25], $0x1400  }
0x16f: {  	[sflag:s25] =	ssyncset.done $0x0  }
0x170: {  	s26 =	simm.s32 $0x1400;
	s24 =	rddreg [dreg:$0xa];
	[sflag:s25] =	ssyncadd.s32 $0xFFFFEC00  }
0x171: {  	[tilespmem:s26], [sflag:$0x5] =	stream.linear.gather [hbm4b:s24+s23], $0x1400, $0x38;
	[tilespmem:$0x1E800] =	vst v63  }
0x172: {  	_ =	swait.ge [sflag:s25], $0x1400  }
0x173: {  	[sflag:s25] =	ssyncset.done $0x0  }
0x174: {  	[sflag:s25] =	ssyncadd.s32 $0xFFFFEC00  }
0x175: {  	[tilespmem:s29], [sflag:$0x1] =	stream.indirect.gather [hbm4b:s1+s28], $0x80, s23, s28, $0xb8;
	[tilespmem:$0x1E800] =	vst v63  }
0x176: {  	_ = 	snop  }
0x177: {  	[tilespmem:s31], [sflag:$0x2] =	stream.indirect.gather [hbm4b:s1+s28], $0x80, s30, s28, $0xb8;
	[tilespmem:$0x1E800] =	vst v63  }
0x178: {  	_ = 	snop  }
0x179: {  	[tilespmem:s2], [sflag:$0x3] =	stream.indirect.gather [hbm4b:s1+s28], $0x80, s16, s28, $0xb8;
	[tilespmem:$0x1E800] =	vst v63  }
0x17a: {  	_ = 	snop  }
0x17b: {  	[tilespmem:s5], [sflag:$0x4] =	stream.indirect.gather [hbm4b:s1+s28], $0x80, s0, s28, $0xb8;
	[tilespmem:$0x1E800] =	vst v63  }
0x17c: {  	_ =	swait.ge [sflag:s6], $0x2000  }
0x17d: {  	[sflag:s6] =	ssyncset.done $0x0  }
0x17e: {  	s26 =	simm.s32 $0x1400;
	[sflag:s6] =	ssyncadd.s32 $0xFFFFE000  }
0x17f: {  	[spmem:s3] =	stream.indirect.scatter.add.f32 [tilespmem:s29], [sflag:$0x5], $0x80, s26, s28, $0xb8;
	[tilespmem:$0x1E800] =	vst v63  }
0x180: {  	_ =	swait.ge [sflag:s25], $0x2000  }
0x181: {  	[sflag:s25] =	ssyncset.done $0x0  }
0x182: {  	s24 =	simm.s32 $0x200;
	[sflag:s25] =	ssyncadd.s32 $0xFFFFE000  }
0x183: {  	[tilespmem:s29], [sflag:$0x1] =	stream.indirect.gather [hbm4b:s1+s28], $0x80, s24, s28, $0xb8;
	[tilespmem:$0x1E800] =	vst v63  }
0x184: {  	_ =	swait.ge [sflag:s7], $0x2000  }
0x185: {  	[sflag:s7] =	ssyncset.done $0x0  }
0x186: {  	s26 =	simm.s32 $0x1480;
	[sflag:s7] =	ssyncadd.s32 $0xFFFFE000  }
0x187: {  	[spmem:s3] =	stream.indirect.scatter.add.f32 [tilespmem:s31], [sflag:$0x5], $0x80, s26, s28, $0xb8;
	[tilespmem:$0x1E800] =	vst v63  }
0x188: {  	_ =	swait.ge [sflag:s25], $0x2000  }
0x189: {  	[sflag:s25] =	ssyncset.done $0x0  }
0x18a: {  	s24 =	simm.s32 $0x280;
	[sflag:s25] =	ssyncadd.s32 $0xFFFFE000  }
0x18b: {  	[tilespmem:s31], [sflag:$0x2] =	stream.indirect.gather [hbm4b:s1+s28], $0x80, s24, s28, $0xb8;
	[tilespmem:$0x1E800] =	vst v63  }
0x18c: {  	_ =	swait.ge [sflag:s8], $0x2000  }
0x18d: {  	[sflag:s8] =	ssyncset.done $0x0  }
0x18e: {  	s26 =	simm.s32 $0x1500;
	[sflag:s8] =	ssyncadd.s32 $0xFFFFE000  }
0x18f: {  	[spmem:s3] =	stream.indirect.scatter.add.f32 [tilespmem:s2], [sflag:$0x5], $0x80, s26, s28, $0xb8;
	[tilespmem:$0x1E800] =	vst v63  }
0x190: {  	_ =	swait.ge [sflag:s25], $0x2000  }
0x191: {  	[sflag:s25] =	ssyncset.done $0x0  }
0x192: {  	s24 =	simm.s32 $0x300;
	[sflag:s25] =	ssyncadd.s32 $0xFFFFE000  }
0x193: {  	[tilespmem:s2], [sflag:$0x3] =	stream.indirect.gather [hbm4b:s1+s28], $0x80, s24, s28, $0xb8;
	[tilespmem:$0x1E800] =	vst v63  }
0x194: {  	_ =	swait.ge [sflag:s9], $0x2000  }
0x195: {  	[sflag:s9] =	ssyncset.done $0x0  }
0x196: {  	s26 =	simm.s32 $0x1580;
	[sflag:s9] =	ssyncadd.s32 $0xFFFFE000  }
0x197: {  	[spmem:s3] =	stream.indirect.scatter.add.f32 [tilespmem:s5], [sflag:$0x5], $0x80, s26, s28, $0xb8;
	[tilespmem:$0x1E800] =	vst v63  }
0x198: {  	_ =	swait.ge [sflag:s25], $0x2000  }
0x199: {  	[sflag:s25] =	ssyncset.done $0x0  }
0x19a: {  	s23 =	simm.s32 $0x800;
	s24 =	simm.s32 $0x380;
	[sflag:s25] =	ssyncadd.s32 $0xFFFFE000  }
.LBB2_7:
0x19b: {  	[tilespmem:s5], [sflag:$0x4] =	stream.indirect.gather [hbm4b:s1+s28], $0x80, s24, s28, $0xb8;
	[tilespmem:$0x1E800] =	vst v63  }
0x19c: {  	s24 =	smov.u32 s23  }
0x19d: {  	p1 =	sne.s32 s23, $0x3800;
	s23 =	sadd.s32 $0x800, s23;
	_ =	swait.ge [sflag:s6], $0x2000  }
0x19e: {  	s24 =	sshra.s32 s24, $0x2;
	[sflag:s6] =	ssyncset.done $0x0  }
0x19f: {  	s26 =	sadd.s32 $0x1400, s24;
	[sflag:s6] =	ssyncadd.s32 $0xFFFFE000  }
0x1a0: {  	[spmem:s3] =	stream.indirect.scatter.add.f32 [tilespmem:s29], [sflag:$0x5], $0x80, s26, s28, $0xb8;
	[tilespmem:$0x1E800] =	vst v63  }
0x1a1: {  	_ =	swait.ge [sflag:s25], $0x2000  }
0x1a2: {  	[sflag:s25] =	ssyncset.done $0x0  }
0x1a3: {  	s26 =	sadd.s32 $0x200, s24;
	[sflag:s25] =	ssyncadd.s32 $0xFFFFE000  }
0x1a4: {  	[tilespmem:s29], [sflag:$0x1] =	stream.indirect.gather [hbm4b:s1+s28], $0x80, s26, s28, $0xb8;
	[tilespmem:$0x1E800] =	vst v63  }
0x1a5: {  	_ =	swait.ge [sflag:s7], $0x2000  }
0x1a6: {  	[sflag:s7] =	ssyncset.done $0x0  }
0x1a7: {  	s26 =	sadd.s32 $0x1480, s24;
	[sflag:s7] =	ssyncadd.s32 $0xFFFFE000  }
0x1a8: {  	[spmem:s3] =	stream.indirect.scatter.add.f32 [tilespmem:s31], [sflag:$0x5], $0x80, s26, s28, $0xb8;
	[tilespmem:$0x1E800] =	vst v63  }
0x1a9: {  	_ =	swait.ge [sflag:s25], $0x2000  }
0x1aa: {  	[sflag:s25] =	ssyncset.done $0x0  }
0x1ab: {  	s26 =	sadd.s32 $0x280, s24;
	[sflag:s25] =	ssyncadd.s32 $0xFFFFE000  }
0x1ac: {  	[tilespmem:s31], [sflag:$0x2] =	stream.indirect.gather [hbm4b:s1+s28], $0x80, s26, s28, $0xb8;
	[tilespmem:$0x1E800] =	vst v63  }
0x1ad: {  	_ =	swait.ge [sflag:s8], $0x2000  }
0x1ae: {  	[sflag:s8] =	ssyncset.done $0x0  }
0x1af: {  	s26 =	sadd.s32 $0x1500, s24;
	[sflag:s8] =	ssyncadd.s32 $0xFFFFE000  }
0x1b0: {  	[spmem:s3] =	stream.indirect.scatter.add.f32 [tilespmem:s2], [sflag:$0x5], $0x80, s26, s28, $0xb8;
	[tilespmem:$0x1E800] =	vst v63  }
0x1b1: {  	_ =	swait.ge [sflag:s25], $0x2000  }
0x1b2: {  	[sflag:s25] =	ssyncset.done $0x0  }
0x1b3: {  	s26 =	sadd.s32 $0x300, s24;
	[sflag:s25] =	ssyncadd.s32 $0xFFFFE000  }
0x1b4: {  	[tilespmem:s2], [sflag:$0x3] =	stream.indirect.gather [hbm4b:s1+s28], $0x80, s26, s28, $0xb8;
	[tilespmem:$0x1E800] =	vst v63  }
0x1b5: {  	_ =	swait.ge [sflag:s9], $0x2000  }
0x1b6: {  	[sflag:s9] =	ssyncset.done $0x0  }
.Ltmp5:
0x1b7: {  	s26 =	sadd.s32 $0x1580, s24;
	[sflag:s9] =	ssyncadd.s32 $0xFFFFE000;
	(pc) =	sbr.rel @p1 .LBB2_7-.Ltmp5, $4  }
0x1b8: {  	[spmem:s3] =	stream.indirect.scatter.add.f32 [tilespmem:s5], [sflag:$0x5], $0x80, s26, s28, $0xb8;
	[tilespmem:$0x1E800] =	vst v63  }
0x1b9: {  	_ =	swait.ge [sflag:s25], $0x2000  }
0x1ba: {  	[sflag:s25] =	ssyncset.done $0x0  }
0x1bb: {  	s24 =	sadd.s32 $0x380, s24;
	[sflag:s25] =	ssyncadd.s32 $0xFFFFE000  }
0x1bc: {  	[tilespmem:s5], [sflag:$0x4] =	stream.indirect.gather [hbm4b:s1+s28], $0x80, s24, s28, $0xb8;
	[tilespmem:$0x1E800] =	vst v63  }
0x1bd: {  	_ =	swait.ge [sflag:s6], $0x2000  }
0x1be: {  	[sflag:s6] =	ssyncset.done $0x0  }
0x1bf: {  	[sflag:s6] =	ssyncadd.s32 $0xFFFFE000  }
0x1c0: {  	[spmem:s3] =	stream.indirect.scatter.add.f32 [tilespmem:s29], [sflag:$0x5], $0x80, s10, s28, $0xb8;
	[tilespmem:$0x1E800] =	vst v63  }
0x1c1: {  	_ =	swait.ge [sflag:s25], $0x2000  }
0x1c2: {  	[sflag:s25] =	ssyncset.done $0x0  }
0x1c3: {  	[sflag:s25] =	ssyncadd.s32 $0xFFFFE000  }
0x1c4: {  	[tilespmem:s29], [sflag:$0x1] =	stream.indirect.gather [hbm4b:s1+s28], $0x80, s11, s28, $0xb8;
	[tilespmem:$0x1E800] =	vst v63  }
0x1c5: {  	_ =	swait.ge [sflag:s7], $0x2000  }
0x1c6: {  	[sflag:s7] =	ssyncset.done $0x0  }
0x1c7: {  	[sflag:s7] =	ssyncadd.s32 $0xFFFFE000  }
0x1c8: {  	[spmem:s3] =	stream.indirect.scatter.add.f32 [tilespmem:s31], [sflag:$0x5], $0x80, s12, s28, $0xb8;
	[tilespmem:$0x1E800] =	vst v63  }
0x1c9: {  	_ =	swait.ge [sflag:s25], $0x2000  }
0x1ca: {  	[sflag:s25] =	ssyncset.done $0x0  }
0x1cb: {  	[sflag:s25] =	ssyncadd.s32 $0xFFFFE000  }
0x1cc: {  	[tilespmem:s31], [sflag:$0x2] =	stream.indirect.gather [hbm4b:s1+s28], $0x80, s13, s28, $0xb8;
	[tilespmem:$0x1E800] =	vst v63  }
0x1cd: {  	_ =	swait.ge [sflag:s8], $0x2000  }
0x1ce: {  	[sflag:s8] =	ssyncset.done $0x0  }
0x1cf: {  	[sflag:s8] =	ssyncadd.s32 $0xFFFFE000  }
0x1d0: {  	[spmem:s3] =	stream.indirect.scatter.add.f32 [tilespmem:s2], [sflag:$0x5], $0x80, s14, s28, $0xb8;
	[tilespmem:$0x1E800] =	vst v63  }
0x1d1: {  	_ =	swait.ge [sflag:s25], $0x2000  }
0x1d2: {  	[sflag:s25] =	ssyncset.done $0x0  }
0x1d3: {  	[sflag:s25] =	ssyncadd.s32 $0xFFFFE000  }
0x1d4: {  	[tilespmem:s2], [sflag:$0x3] =	stream.indirect.gather [hbm4b:s1+s28], $0x80, s15, s28, $0xb8;
	[tilespmem:$0x1E800] =	vst v63  }
0x1d5: {  	_ =	swait.ge [sflag:s9], $0x2000  }
0x1d6: {  	[sflag:s9] =	ssyncset.done $0x0  }
0x1d7: {  	[sflag:s9] =	ssyncadd.s32 $0xFFFFE000  }
0x1d8: {  	[spmem:s3] =	stream.indirect.scatter.add.f32 [tilespmem:s5], [sflag:$0x5], $0x80, s17, s28, $0xb8;
	[tilespmem:$0x1E800] =	vst v63  }
0x1d9: {  	_ =	swait.ge [sflag:s25], $0x2000  }
0x1da: {  	[sflag:s25] =	ssyncset.done $0x0  }
0x1db: {  	[sflag:s25] =	ssyncadd.s32 $0xFFFFE000  }
0x1dc: {  	[tilespmem:s5], [sflag:$0x4] =	stream.indirect.gather [hbm4b:s1+s28], $0x80, s18, s28, $0xb8;
	[tilespmem:$0x1E800] =	vst v63  }
0x1dd: {  	_ =	swait.ge [sflag:s6], $0x2000  }
0x1de: {  	[sflag:s6] =	ssyncset.done $0x0  }
0x1df: {  	[sflag:s6] =	ssyncadd.s32 $0xFFFFE000  }
0x1e0: {  	[spmem:s3] =	stream.indirect.scatter.add.f32 [tilespmem:s29], [sflag:$0x5], $0x80, s19, s28, $0xb8;
	[tilespmem:$0x1E800] =	vst v63  }
0x1e1: {  	_ =	swait.ge [sflag:s25], $0x2000  }
0x1e2: {  	[sflag:s25] =	ssyncset.done $0x0  }
0x1e3: {  	[sflag:s25] =	ssyncadd.s32 $0xFFFFE000  }
0x1e4: {  	[tilespmem:s29], [sflag:$0x1] =	stream.indirect.gather [hbm4b:s1+s28], $0x80, s18, s28, $0xb8;
	[tilespmem:$0x1E800] =	vst v63  }
0x1e5: {  	_ =	swait.ge [sflag:s7], $0x2000  }
0x1e6: {  	[sflag:s7] =	ssyncset.done $0x0  }
0x1e7: {  	[sflag:s7] =	ssyncadd.s32 $0xFFFFE000  }
0x1e8: {  	[spmem:s3] =	stream.indirect.scatter.add.f32 [tilespmem:s31], [sflag:$0x5], $0x80, s20, s28, $0xb8;
	[tilespmem:$0x1E800] =	vst v63  }
0x1e9: {  	_ =	swait.ge [sflag:s25], $0x2000  }
0x1ea: {  	[sflag:s25] =	ssyncset.done $0x0  }
0x1eb: {  	[sflag:s25] =	ssyncadd.s32 $0xFFFFE000  }
0x1ec: {  	[tilespmem:s31], [sflag:$0x2] =	stream.indirect.gather [hbm4b:s1+s28], $0x80, s18, s28, $0xb8;
	[tilespmem:$0x1E800] =	vst v63  }
0x1ed: {  	_ =	swait.ge [sflag:s8], $0x2000  }
0x1ee: {  	[sflag:s8] =	ssyncset.done $0x0  }
0x1ef: {  	[sflag:s8] =	ssyncadd.s32 $0xFFFFE000  }
0x1f0: {  	[spmem:s3] =	stream.indirect.scatter.add.f32 [tilespmem:s2], [sflag:$0x5], $0x80, s21, s28, $0xb8;
	[tilespmem:$0x1E800] =	vst v63  }
0x1f1: {  	_ =	swait.ge [sflag:s25], $0x2000  }
0x1f2: {  	[sflag:s25] =	ssyncset.done $0x0  }
0x1f3: {  	[sflag:s25] =	ssyncadd.s32 $0xFFFFE000  }
0x1f4: {  	[tilespmem:s2], [sflag:$0x3] =	stream.indirect.gather [hbm4b:s1+s28], $0x80, s18, s28, $0xb8;
	[tilespmem:$0x1E800] =	vst v63  }
0x1f5: {  	_ =	swait.ge [sflag:s9], $0x2000  }
0x1f6: {  	[sflag:s9] =	ssyncset.done $0x0  }
0x1f7: {  	[sflag:s9] =	ssyncadd.s32 $0xFFFFE000  }
0x1f8: {  	[spmem:s3] =	stream.indirect.scatter.add.f32 [tilespmem:s5], [sflag:$0x5], $0x80, s22, s28, $0xb8;
	[tilespmem:$0x1E800] =	vst v63  }
0x1f9: {  	_ =	swait.ge [sflag:s25], $0x2000  }
0x1fa: {  	[sflag:s25] =	ssyncset.done $0x0  }
0x1fb: {  	[sflag:s25] =	ssyncadd.s32 $0xFFFFE000  }
0x1fc: {  	[tilespmem:s5], [sflag:$0x4] =	stream.indirect.gather [hbm4b:s1+s28], $0x80, s18, s28, $0xb8;
	[tilespmem:$0x1E800] =	vst v63  }
0x1fd: {  	_ =	swait.ge [sflag:s6], $0x2000  }
0x1fe: {  	[sflag:s6] =	ssyncset.done $0x0  }
0x1ff: {  	[sflag:s6] =	ssyncadd.s32 $0xFFFFE000  }
0x200: {  	_ =	swait.ge [sflag:s7], $0x2000  }
0x201: {  	[sflag:s7] =	ssyncset.done $0x0  }
0x202: {  	[sflag:s7] =	ssyncadd.s32 $0xFFFFE000  }
0x203: {  	_ =	swait.ge [sflag:s8], $0x2000  }
0x204: {  	[sflag:s8] =	ssyncset.done $0x0  }
0x205: {  	[sflag:s8] =	ssyncadd.s32 $0xFFFFE000  }
0x206: {  	_ =	swait.ge [sflag:s9], $0x2000  }
0x207: {  	[sflag:s9] =	ssyncset.done $0x0  }
0x208: {  	s23 =	simm.s32 $0x0;
	s26 =	rddreg [dreg:$0xb];
	[sflag:s9] =	ssyncadd.s32 $0xFFFFE000  }
0x209: {  	[tilespmem:s23], [sflag:$0x5] =	stream.linear.gather [hbm4b:s26+s23], $0x1400, $0x38;
	[tilespmem:$0x1E800] =	vst v63  }
0x20a: {  	_ =	swait.ge [sflag:s25], $0x1400  }
0x20b: {  	[sflag:s25] =	ssyncset.done $0x0  }
0x20c: {  	s26 =	simm.s32 $0x1400;
	s24 =	rddreg [dreg:$0xc];
	[sflag:s25] =	ssyncadd.s32 $0xFFFFEC00  }
0x20d: {  	[tilespmem:s26], [sflag:$0x5] =	stream.linear.gather [hbm4b:s24+s23], $0x1400, $0x38;
	[tilespmem:$0x1E800] =	vst v63  }
0x20e: {  	_ =	swait.ge [sflag:s25], $0x1400  }
0x20f: {  	[sflag:s25] =	ssyncset.done $0x0  }
0x210: {  	[sflag:s25] =	ssyncadd.s32 $0xFFFFEC00  }
0x211: {  	[tilespmem:s29], [sflag:$0x1] =	stream.indirect.gather [hbm4b:s1+s28], $0x80, s23, s28, $0xb8;
	[tilespmem:$0x1E800] =	vst v63  }
0x212: {  	_ = 	snop  }
0x213: {  	[tilespmem:s31], [sflag:$0x2] =	stream.indirect.gather [hbm4b:s1+s28], $0x80, s30, s28, $0xb8;
	[tilespmem:$0x1E800] =	vst v63  }
0x214: {  	_ = 	snop  }
0x215: {  	[tilespmem:s2], [sflag:$0x3] =	stream.indirect.gather [hbm4b:s1+s28], $0x80, s16, s28, $0xb8;
	[tilespmem:$0x1E800] =	vst v63  }
0x216: {  	_ = 	snop  }
0x217: {  	[tilespmem:s5], [sflag:$0x4] =	stream.indirect.gather [hbm4b:s1+s28], $0x80, s0, s28, $0xb8;
	[tilespmem:$0x1E800] =	vst v63  }
0x218: {  	_ =	swait.ge [sflag:s6], $0x2000  }
0x219: {  	[sflag:s6] =	ssyncset.done $0x0  }
0x21a: {  	s26 =	simm.s32 $0x1400;
	[sflag:s6] =	ssyncadd.s32 $0xFFFFE000  }
0x21b: {  	[spmem:s3] =	stream.indirect.scatter.add.f32 [tilespmem:s29], [sflag:$0x5], $0x80, s26, s28, $0xb8;
	[tilespmem:$0x1E800] =	vst v63  }
0x21c: {  	_ =	swait.ge [sflag:s25], $0x2000  }
0x21d: {  	[sflag:s25] =	ssyncset.done $0x0  }
0x21e: {  	s24 =	simm.s32 $0x200;
	[sflag:s25] =	ssyncadd.s32 $0xFFFFE000  }
0x21f: {  	[tilespmem:s29], [sflag:$0x1] =	stream.indirect.gather [hbm4b:s1+s28], $0x80, s24, s28, $0xb8;
	[tilespmem:$0x1E800] =	vst v63  }
0x220: {  	_ =	swait.ge [sflag:s7], $0x2000  }
0x221: {  	[sflag:s7] =	ssyncset.done $0x0  }
0x222: {  	s26 =	simm.s32 $0x1480;
	[sflag:s7] =	ssyncadd.s32 $0xFFFFE000  }
0x223: {  	[spmem:s3] =	stream.indirect.scatter.add.f32 [tilespmem:s31], [sflag:$0x5], $0x80, s26, s28, $0xb8;
	[tilespmem:$0x1E800] =	vst v63  }
0x224: {  	_ =	swait.ge [sflag:s25], $0x2000  }
0x225: {  	[sflag:s25] =	ssyncset.done $0x0  }
0x226: {  	s24 =	simm.s32 $0x280;
	[sflag:s25] =	ssyncadd.s32 $0xFFFFE000  }
0x227: {  	[tilespmem:s31], [sflag:$0x2] =	stream.indirect.gather [hbm4b:s1+s28], $0x80, s24, s28, $0xb8;
	[tilespmem:$0x1E800] =	vst v63  }
0x228: {  	_ =	swait.ge [sflag:s8], $0x2000  }
0x229: {  	[sflag:s8] =	ssyncset.done $0x0  }
0x22a: {  	s26 =	simm.s32 $0x1500;
	[sflag:s8] =	ssyncadd.s32 $0xFFFFE000  }
0x22b: {  	[spmem:s3] =	stream.indirect.scatter.add.f32 [tilespmem:s2], [sflag:$0x5], $0x80, s26, s28, $0xb8;
	[tilespmem:$0x1E800] =	vst v63  }
0x22c: {  	_ =	swait.ge [sflag:s25], $0x2000  }
0x22d: {  	[sflag:s25] =	ssyncset.done $0x0  }
0x22e: {  	s24 =	simm.s32 $0x300;
	[sflag:s25] =	ssyncadd.s32 $0xFFFFE000  }
0x22f: {  	[tilespmem:s2], [sflag:$0x3] =	stream.indirect.gather [hbm4b:s1+s28], $0x80, s24, s28, $0xb8;
	[tilespmem:$0x1E800] =	vst v63  }
0x230: {  	_ =	swait.ge [sflag:s9], $0x2000  }
0x231: {  	[sflag:s9] =	ssyncset.done $0x0  }
0x232: {  	s26 =	simm.s32 $0x1580;
	[sflag:s9] =	ssyncadd.s32 $0xFFFFE000  }
0x233: {  	[spmem:s3] =	stream.indirect.scatter.add.f32 [tilespmem:s5], [sflag:$0x5], $0x80, s26, s28, $0xb8;
	[tilespmem:$0x1E800] =	vst v63  }
0x234: {  	_ =	swait.ge [sflag:s25], $0x2000  }
0x235: {  	[sflag:s25] =	ssyncset.done $0x0  }
0x236: {  	s23 =	simm.s32 $0x800;
	s24 =	simm.s32 $0x380;
	[sflag:s25] =	ssyncadd.s32 $0xFFFFE000  }
.LBB2_9:
0x237: {  	[tilespmem:s5], [sflag:$0x4] =	stream.indirect.gather [hbm4b:s1+s28], $0x80, s24, s28, $0xb8;
	[tilespmem:$0x1E800] =	vst v63  }
0x238: {  	s24 =	smov.u32 s23  }
0x239: {  	p1 =	sne.s32 s23, $0x3800;
	s23 =	sadd.s32 $0x800, s23;
	_ =	swait.ge [sflag:s6], $0x2000  }
0x23a: {  	s24 =	sshra.s32 s24, $0x2;
	[sflag:s6] =	ssyncset.done $0x0  }
0x23b: {  	s26 =	sadd.s32 $0x1400, s24;
	[sflag:s6] =	ssyncadd.s32 $0xFFFFE000  }
0x23c: {  	[spmem:s3] =	stream.indirect.scatter.add.f32 [tilespmem:s29], [sflag:$0x5], $0x80, s26, s28, $0xb8;
	[tilespmem:$0x1E800] =	vst v63  }
0x23d: {  	_ =	swait.ge [sflag:s25], $0x2000  }
0x23e: {  	[sflag:s25] =	ssyncset.done $0x0  }
0x23f: {  	s26 =	sadd.s32 $0x200, s24;
	[sflag:s25] =	ssyncadd.s32 $0xFFFFE000  }
0x240: {  	[tilespmem:s29], [sflag:$0x1] =	stream.indirect.gather [hbm4b:s1+s28], $0x80, s26, s28, $0xb8;
	[tilespmem:$0x1E800] =	vst v63  }
0x241: {  	_ =	swait.ge [sflag:s7], $0x2000  }
0x242: {  	[sflag:s7] =	ssyncset.done $0x0  }
0x243: {  	s26 =	sadd.s32 $0x1480, s24;
	[sflag:s7] =	ssyncadd.s32 $0xFFFFE000  }
0x244: {  	[spmem:s3] =	stream.indirect.scatter.add.f32 [tilespmem:s31], [sflag:$0x5], $0x80, s26, s28, $0xb8;
	[tilespmem:$0x1E800] =	vst v63  }
0x245: {  	_ =	swait.ge [sflag:s25], $0x2000  }
0x246: {  	[sflag:s25] =	ssyncset.done $0x0  }
0x247: {  	s26 =	sadd.s32 $0x280, s24;
	[sflag:s25] =	ssyncadd.s32 $0xFFFFE000  }
0x248: {  	[tilespmem:s31], [sflag:$0x2] =	stream.indirect.gather [hbm4b:s1+s28], $0x80, s26, s28, $0xb8;
	[tilespmem:$0x1E800] =	vst v63  }
0x249: {  	_ =	swait.ge [sflag:s8], $0x2000  }
0x24a: {  	[sflag:s8] =	ssyncset.done $0x0  }
0x24b: {  	s26 =	sadd.s32 $0x1500, s24;
	[sflag:s8] =	ssyncadd.s32 $0xFFFFE000  }
0x24c: {  	[spmem:s3] =	stream.indirect.scatter.add.f32 [tilespmem:s2], [sflag:$0x5], $0x80, s26, s28, $0xb8;
	[tilespmem:$0x1E800] =	vst v63  }
0x24d: {  	_ =	swait.ge [sflag:s25], $0x2000  }
0x24e: {  	[sflag:s25] =	ssyncset.done $0x0  }
0x24f: {  	s26 =	sadd.s32 $0x300, s24;
	[sflag:s25] =	ssyncadd.s32 $0xFFFFE000  }
0x250: {  	[tilespmem:s2], [sflag:$0x3] =	stream.indirect.gather [hbm4b:s1+s28], $0x80, s26, s28, $0xb8;
	[tilespmem:$0x1E800] =	vst v63  }
0x251: {  	_ =	swait.ge [sflag:s9], $0x2000  }
0x252: {  	[sflag:s9] =	ssyncset.done $0x0  }
.Ltmp6:
0x253: {  	s26 =	sadd.s32 $0x1580, s24;
	[sflag:s9] =	ssyncadd.s32 $0xFFFFE000;
	(pc) =	sbr.rel @p1 .LBB2_9-.Ltmp6, $4  }
0x254: {  	[spmem:s3] =	stream.indirect.scatter.add.f32 [tilespmem:s5], [sflag:$0x5], $0x80, s26, s28, $0xb8;
	[tilespmem:$0x1E800] =	vst v63  }
0x255: {  	_ =	swait.ge [sflag:s25], $0x2000  }
0x256: {  	[sflag:s25] =	ssyncset.done $0x0  }
0x257: {  	s24 =	sadd.s32 $0x380, s24;
	[sflag:s25] =	ssyncadd.s32 $0xFFFFE000  }
0x258: {  	[tilespmem:s5], [sflag:$0x4] =	stream.indirect.gather [hbm4b:s1+s28], $0x80, s24, s28, $0xb8;
	[tilespmem:$0x1E800] =	vst v63  }
0x259: {  	_ =	swait.ge [sflag:s6], $0x2000  }
0x25a: {  	[sflag:s6] =	ssyncset.done $0x0  }
0x25b: {  	[sflag:s6] =	ssyncadd.s32 $0xFFFFE000  }
0x25c: {  	[spmem:s3] =	stream.indirect.scatter.add.f32 [tilespmem:s29], [sflag:$0x5], $0x80, s10, s28, $0xb8;
	[tilespmem:$0x1E800] =	vst v63  }
0x25d: {  	_ =	swait.ge [sflag:s25], $0x2000  }
0x25e: {  	[sflag:s25] =	ssyncset.done $0x0  }
0x25f: {  	[sflag:s25] =	ssyncadd.s32 $0xFFFFE000  }
0x260: {  	[tilespmem:s29], [sflag:$0x1] =	stream.indirect.gather [hbm4b:s1+s28], $0x80, s11, s28, $0xb8;
	[tilespmem:$0x1E800] =	vst v63  }
0x261: {  	_ =	swait.ge [sflag:s7], $0x2000  }
0x262: {  	[sflag:s7] =	ssyncset.done $0x0  }
0x263: {  	[sflag:s7] =	ssyncadd.s32 $0xFFFFE000  }
0x264: {  	[spmem:s3] =	stream.indirect.scatter.add.f32 [tilespmem:s31], [sflag:$0x5], $0x80, s12, s28, $0xb8;
	[tilespmem:$0x1E800] =	vst v63  }
0x265: {  	_ =	swait.ge [sflag:s25], $0x2000  }
0x266: {  	[sflag:s25] =	ssyncset.done $0x0  }
0x267: {  	[sflag:s25] =	ssyncadd.s32 $0xFFFFE000  }
0x268: {  	[tilespmem:s31], [sflag:$0x2] =	stream.indirect.gather [hbm4b:s1+s28], $0x80, s13, s28, $0xb8;
	[tilespmem:$0x1E800] =	vst v63  }
0x269: {  	_ =	swait.ge [sflag:s8], $0x2000  }
0x26a: {  	[sflag:s8] =	ssyncset.done $0x0  }
0x26b: {  	[sflag:s8] =	ssyncadd.s32 $0xFFFFE000  }
0x26c: {  	[spmem:s3] =	stream.indirect.scatter.add.f32 [tilespmem:s2], [sflag:$0x5], $0x80, s14, s28, $0xb8;
	[tilespmem:$0x1E800] =	vst v63  }
0x26d: {  	_ =	swait.ge [sflag:s25], $0x2000  }
0x26e: {  	[sflag:s25] =	ssyncset.done $0x0  }
0x26f: {  	[sflag:s25] =	ssyncadd.s32 $0xFFFFE000  }
0x270: {  	[tilespmem:s2], [sflag:$0x3] =	stream.indirect.gather [hbm4b:s1+s28], $0x80, s15, s28, $0xb8;
	[tilespmem:$0x1E800] =	vst v63  }
0x271: {  	_ =	swait.ge [sflag:s9], $0x2000  }
0x272: {  	[sflag:s9] =	ssyncset.done $0x0  }
0x273: {  	[sflag:s9] =	ssyncadd.s32 $0xFFFFE000  }
0x274: {  	[spmem:s3] =	stream.indirect.scatter.add.f32 [tilespmem:s5], [sflag:$0x5], $0x80, s17, s28, $0xb8;
	[tilespmem:$0x1E800] =	vst v63  }
0x275: {  	_ =	swait.ge [sflag:s25], $0x2000  }
0x276: {  	[sflag:s25] =	ssyncset.done $0x0  }
0x277: {  	[sflag:s25] =	ssyncadd.s32 $0xFFFFE000  }
0x278: {  	[tilespmem:s5], [sflag:$0x4] =	stream.indirect.gather [hbm4b:s1+s28], $0x80, s18, s28, $0xb8;
	[tilespmem:$0x1E800] =	vst v63  }
0x279: {  	_ =	swait.ge [sflag:s6], $0x2000  }
0x27a: {  	[sflag:s6] =	ssyncset.done $0x0  }
0x27b: {  	[sflag:s6] =	ssyncadd.s32 $0xFFFFE000  }
0x27c: {  	[spmem:s3] =	stream.indirect.scatter.add.f32 [tilespmem:s29], [sflag:$0x5], $0x80, s19, s28, $0xb8;
	[tilespmem:$0x1E800] =	vst v63  }
0x27d: {  	_ =	swait.ge [sflag:s25], $0x2000  }
0x27e: {  	[sflag:s25] =	ssyncset.done $0x0  }
0x27f: {  	[sflag:s25] =	ssyncadd.s32 $0xFFFFE000  }
0x280: {  	[tilespmem:s29], [sflag:$0x1] =	stream.indirect.gather [hbm4b:s1+s28], $0x80, s18, s28, $0xb8;
	[tilespmem:$0x1E800] =	vst v63  }
0x281: {  	_ =	swait.ge [sflag:s7], $0x2000  }
0x282: {  	[sflag:s7] =	ssyncset.done $0x0  }
0x283: {  	[sflag:s7] =	ssyncadd.s32 $0xFFFFE000  }
0x284: {  	[spmem:s3] =	stream.indirect.scatter.add.f32 [tilespmem:s31], [sflag:$0x5], $0x80, s20, s28, $0xb8;
	[tilespmem:$0x1E800] =	vst v63  }
0x285: {  	_ =	swait.ge [sflag:s25], $0x2000  }
0x286: {  	[sflag:s25] =	ssyncset.done $0x0  }
0x287: {  	[sflag:s25] =	ssyncadd.s32 $0xFFFFE000  }
0x288: {  	[tilespmem:s31], [sflag:$0x2] =	stream.indirect.gather [hbm4b:s1+s28], $0x80, s18, s28, $0xb8;
	[tilespmem:$0x1E800] =	vst v63  }
0x289: {  	_ =	swait.ge [sflag:s8], $0x2000  }
0x28a: {  	[sflag:s8] =	ssyncset.done $0x0  }
0x28b: {  	[sflag:s8] =	ssyncadd.s32 $0xFFFFE000  }
0x28c: {  	[spmem:s3] =	stream.indirect.scatter.add.f32 [tilespmem:s2], [sflag:$0x5], $0x80, s21, s28, $0xb8;
	[tilespmem:$0x1E800] =	vst v63  }
0x28d: {  	_ =	swait.ge [sflag:s25], $0x2000  }
0x28e: {  	[sflag:s25] =	ssyncset.done $0x0  }
0x28f: {  	[sflag:s25] =	ssyncadd.s32 $0xFFFFE000  }
0x290: {  	[tilespmem:s2], [sflag:$0x3] =	stream.indirect.gather [hbm4b:s1+s28], $0x80, s18, s28, $0xb8;
	[tilespmem:$0x1E800] =	vst v63  }
0x291: {  	_ =	swait.ge [sflag:s9], $0x2000  }
0x292: {  	[sflag:s9] =	ssyncset.done $0x0  }
0x293: {  	[sflag:s9] =	ssyncadd.s32 $0xFFFFE000  }
0x294: {  	[spmem:s3] =	stream.indirect.scatter.add.f32 [tilespmem:s5], [sflag:$0x5], $0x80, s22, s28, $0xb8;
	[tilespmem:$0x1E800] =	vst v63  }
0x295: {  	_ =	swait.ge [sflag:s25], $0x2000  }
0x296: {  	[sflag:s25] =	ssyncset.done $0x0  }
0x297: {  	[sflag:s25] =	ssyncadd.s32 $0xFFFFE000  }
0x298: {  	[tilespmem:s5], [sflag:$0x4] =	stream.indirect.gather [hbm4b:s1+s28], $0x80, s18, s28, $0xb8;
	[tilespmem:$0x1E800] =	vst v63  }
0x299: {  	_ =	swait.ge [sflag:s6], $0x2000  }
0x29a: {  	[sflag:s6] =	ssyncset.done $0x0  }
0x29b: {  	[sflag:s6] =	ssyncadd.s32 $0xFFFFE000  }
0x29c: {  	_ =	swait.ge [sflag:s7], $0x2000  }
0x29d: {  	[sflag:s7] =	ssyncset.done $0x0  }
0x29e: {  	[sflag:s7] =	ssyncadd.s32 $0xFFFFE000  }
0x29f: {  	_ =	swait.ge [sflag:s8], $0x2000  }
0x2a0: {  	[sflag:s8] =	ssyncset.done $0x0  }
0x2a1: {  	[sflag:s8] =	ssyncadd.s32 $0xFFFFE000  }
0x2a2: {  	_ =	swait.ge [sflag:s9], $0x2000  }
0x2a3: {  	[sflag:s9] =	ssyncset.done $0x0  }
0x2a4: {  	s23 =	simm.s32 $0x0;
	s26 =	rddreg [dreg:$0xd];
	[sflag:s9] =	ssyncadd.s32 $0xFFFFE000  }
0x2a5: {  	[tilespmem:s23], [sflag:$0x5] =	stream.linear.gather [hbm4b:s26+s23], $0x1400, $0x38;
	[tilespmem:$0x1E800] =	vst v63  }
0x2a6: {  	_ =	swait.ge [sflag:s25], $0x1400  }
0x2a7: {  	[sflag:s25] =	ssyncset.done $0x0  }
0x2a8: {  	s26 =	simm.s32 $0x1400;
	s24 =	rddreg [dreg:$0xe];
	[sflag:s25] =	ssyncadd.s32 $0xFFFFEC00  }
0x2a9: {  	[tilespmem:s26], [sflag:$0x5] =	stream.linear.gather [hbm4b:s24+s23], $0x1400, $0x38;
	[tilespmem:$0x1E800] =	vst v63  }
0x2aa: {  	_ =	swait.ge [sflag:s25], $0x1400  }
0x2ab: {  	[sflag:s25] =	ssyncset.done $0x0  }
0x2ac: {  	[sflag:s25] =	ssyncadd.s32 $0xFFFFEC00  }
0x2ad: {  	[tilespmem:s29], [sflag:$0x1] =	stream.indirect.gather [hbm4b:s1+s28], $0x80, s23, s28, $0xb8;
	[tilespmem:$0x1E800] =	vst v63  }
0x2ae: {  	_ = 	snop  }
0x2af: {  	[tilespmem:s31], [sflag:$0x2] =	stream.indirect.gather [hbm4b:s1+s28], $0x80, s30, s28, $0xb8;
	[tilespmem:$0x1E800] =	vst v63  }
0x2b0: {  	_ = 	snop  }
0x2b1: {  	[tilespmem:s2], [sflag:$0x3] =	stream.indirect.gather [hbm4b:s1+s28], $0x80, s16, s28, $0xb8;
	[tilespmem:$0x1E800] =	vst v63  }
0x2b2: {  	_ = 	snop  }
0x2b3: {  	[tilespmem:s5], [sflag:$0x4] =	stream.indirect.gather [hbm4b:s1+s28], $0x80, s0, s28, $0xb8;
	[tilespmem:$0x1E800] =	vst v63  }
0x2b4: {  	_ =	swait.ge [sflag:s6], $0x2000  }
0x2b5: {  	[sflag:s6] =	ssyncset.done $0x0  }
0x2b6: {  	s26 =	simm.s32 $0x1400;
	[sflag:s6] =	ssyncadd.s32 $0xFFFFE000  }
0x2b7: {  	[spmem:s3] =	stream.indirect.scatter.add.f32 [tilespmem:s29], [sflag:$0x5], $0x80, s26, s28, $0xb8;
	[tilespmem:$0x1E800] =	vst v63  }
0x2b8: {  	_ =	swait.ge [sflag:s25], $0x2000  }
0x2b9: {  	[sflag:s25] =	ssyncset.done $0x0  }
0x2ba: {  	s24 =	simm.s32 $0x200;
	[sflag:s25] =	ssyncadd.s32 $0xFFFFE000  }
0x2bb: {  	[tilespmem:s29], [sflag:$0x1] =	stream.indirect.gather [hbm4b:s1+s28], $0x80, s24, s28, $0xb8;
	[tilespmem:$0x1E800] =	vst v63  }
0x2bc: {  	_ =	swait.ge [sflag:s7], $0x2000  }
0x2bd: {  	[sflag:s7] =	ssyncset.done $0x0  }
0x2be: {  	s26 =	simm.s32 $0x1480;
	[sflag:s7] =	ssyncadd.s32 $0xFFFFE000  }
0x2bf: {  	[spmem:s3] =	stream.indirect.scatter.add.f32 [tilespmem:s31], [sflag:$0x5], $0x80, s26, s28, $0xb8;
	[tilespmem:$0x1E800] =	vst v63  }
0x2c0: {  	_ =	swait.ge [sflag:s25], $0x2000  }
0x2c1: {  	[sflag:s25] =	ssyncset.done $0x0  }
0x2c2: {  	s24 =	simm.s32 $0x280;
	[sflag:s25] =	ssyncadd.s32 $0xFFFFE000  }
0x2c3: {  	[tilespmem:s31], [sflag:$0x2] =	stream.indirect.gather [hbm4b:s1+s28], $0x80, s24, s28, $0xb8;
	[tilespmem:$0x1E800] =	vst v63  }
0x2c4: {  	_ =	swait.ge [sflag:s8], $0x2000  }
0x2c5: {  	[sflag:s8] =	ssyncset.done $0x0  }
0x2c6: {  	s26 =	simm.s32 $0x1500;
	[sflag:s8] =	ssyncadd.s32 $0xFFFFE000  }
0x2c7: {  	[spmem:s3] =	stream.indirect.scatter.add.f32 [tilespmem:s2], [sflag:$0x5], $0x80, s26, s28, $0xb8;
	[tilespmem:$0x1E800] =	vst v63  }
0x2c8: {  	_ =	swait.ge [sflag:s25], $0x2000  }
0x2c9: {  	[sflag:s25] =	ssyncset.done $0x0  }
0x2ca: {  	s24 =	simm.s32 $0x300;
	[sflag:s25] =	ssyncadd.s32 $0xFFFFE000  }
0x2cb: {  	[tilespmem:s2], [sflag:$0x3] =	stream.indirect.gather [hbm4b:s1+s28], $0x80, s24, s28, $0xb8;
	[tilespmem:$0x1E800] =	vst v63  }
0x2cc: {  	_ =	swait.ge [sflag:s9], $0x2000  }
0x2cd: {  	[sflag:s9] =	ssyncset.done $0x0  }
0x2ce: {  	s26 =	simm.s32 $0x1580;
	[sflag:s9] =	ssyncadd.s32 $0xFFFFE000  }
0x2cf: {  	[spmem:s3] =	stream.indirect.scatter.add.f32 [tilespmem:s5], [sflag:$0x5], $0x80, s26, s28, $0xb8;
	[tilespmem:$0x1E800] =	vst v63  }
0x2d0: {  	_ =	swait.ge [sflag:s25], $0x2000  }
0x2d1: {  	[sflag:s25] =	ssyncset.done $0x0  }
0x2d2: {  	s23 =	simm.s32 $0x800;
	s24 =	simm.s32 $0x380;
	[sflag:s25] =	ssyncadd.s32 $0xFFFFE000  }
.LBB2_11:
0x2d3: {  	[tilespmem:s5], [sflag:$0x4] =	stream.indirect.gather [hbm4b:s1+s28], $0x80, s24, s28, $0xb8;
	[tilespmem:$0x1E800] =	vst v63  }
0x2d4: {  	s24 =	smov.u32 s23  }
0x2d5: {  	p1 =	sne.s32 s23, $0x3800;
	s23 =	sadd.s32 $0x800, s23;
	_ =	swait.ge [sflag:s6], $0x2000  }
0x2d6: {  	s24 =	sshra.s32 s24, $0x2;
	[sflag:s6] =	ssyncset.done $0x0  }
0x2d7: {  	s26 =	sadd.s32 $0x1400, s24;
	[sflag:s6] =	ssyncadd.s32 $0xFFFFE000  }
0x2d8: {  	[spmem:s3] =	stream.indirect.scatter.add.f32 [tilespmem:s29], [sflag:$0x5], $0x80, s26, s28, $0xb8;
	[tilespmem:$0x1E800] =	vst v63  }
0x2d9: {  	_ =	swait.ge [sflag:s25], $0x2000  }
0x2da: {  	[sflag:s25] =	ssyncset.done $0x0  }
0x2db: {  	s26 =	sadd.s32 $0x200, s24;
	[sflag:s25] =	ssyncadd.s32 $0xFFFFE000  }
0x2dc: {  	[tilespmem:s29], [sflag:$0x1] =	stream.indirect.gather [hbm4b:s1+s28], $0x80, s26, s28, $0xb8;
	[tilespmem:$0x1E800] =	vst v63  }
0x2dd: {  	_ =	swait.ge [sflag:s7], $0x2000  }
0x2de: {  	[sflag:s7] =	ssyncset.done $0x0  }
0x2df: {  	s26 =	sadd.s32 $0x1480, s24;
	[sflag:s7] =	ssyncadd.s32 $0xFFFFE000  }
0x2e0: {  	[spmem:s3] =	stream.indirect.scatter.add.f32 [tilespmem:s31], [sflag:$0x5], $0x80, s26, s28, $0xb8;
	[tilespmem:$0x1E800] =	vst v63  }
0x2e1: {  	_ =	swait.ge [sflag:s25], $0x2000  }
0x2e2: {  	[sflag:s25] =	ssyncset.done $0x0  }
0x2e3: {  	s26 =	sadd.s32 $0x280, s24;
	[sflag:s25] =	ssyncadd.s32 $0xFFFFE000  }
0x2e4: {  	[tilespmem:s31], [sflag:$0x2] =	stream.indirect.gather [hbm4b:s1+s28], $0x80, s26, s28, $0xb8;
	[tilespmem:$0x1E800] =	vst v63  }
0x2e5: {  	_ =	swait.ge [sflag:s8], $0x2000  }
0x2e6: {  	[sflag:s8] =	ssyncset.done $0x0  }
0x2e7: {  	s26 =	sadd.s32 $0x1500, s24;
	[sflag:s8] =	ssyncadd.s32 $0xFFFFE000  }
0x2e8: {  	[spmem:s3] =	stream.indirect.scatter.add.f32 [tilespmem:s2], [sflag:$0x5], $0x80, s26, s28, $0xb8;
	[tilespmem:$0x1E800] =	vst v63  }
0x2e9: {  	_ =	swait.ge [sflag:s25], $0x2000  }
0x2ea: {  	[sflag:s25] =	ssyncset.done $0x0  }
0x2eb: {  	s26 =	sadd.s32 $0x300, s24;
	[sflag:s25] =	ssyncadd.s32 $0xFFFFE000  }
0x2ec: {  	[tilespmem:s2], [sflag:$0x3] =	stream.indirect.gather [hbm4b:s1+s28], $0x80, s26, s28, $0xb8;
	[tilespmem:$0x1E800] =	vst v63  }
0x2ed: {  	_ =	swait.ge [sflag:s9], $0x2000  }
0x2ee: {  	[sflag:s9] =	ssyncset.done $0x0  }
.Ltmp7:
0x2ef: {  	s26 =	sadd.s32 $0x1580, s24;
	[sflag:s9] =	ssyncadd.s32 $0xFFFFE000;
	(pc) =	sbr.rel @p1 .LBB2_11-.Ltmp7, $4  }
0x2f0: {  	[spmem:s3] =	stream.indirect.scatter.add.f32 [tilespmem:s5], [sflag:$0x5], $0x80, s26, s28, $0xb8;
	[tilespmem:$0x1E800] =	vst v63  }
0x2f1: {  	_ =	swait.ge [sflag:s25], $0x2000  }
0x2f2: {  	[sflag:s25] =	ssyncset.done $0x0  }
0x2f3: {  	s24 =	sadd.s32 $0x380, s24;
	[sflag:s25] =	ssyncadd.s32 $0xFFFFE000  }
0x2f4: {  	[tilespmem:s5], [sflag:$0x4] =	stream.indirect.gather [hbm4b:s1+s28], $0x80, s24, s28, $0xb8;
	[tilespmem:$0x1E800] =	vst v63  }
0x2f5: {  	_ =	swait.ge [sflag:s6], $0x2000  }
0x2f6: {  	[sflag:s6] =	ssyncset.done $0x0  }
0x2f7: {  	[sflag:s6] =	ssyncadd.s32 $0xFFFFE000  }
0x2f8: {  	[spmem:s3] =	stream.indirect.scatter.add.f32 [tilespmem:s29], [sflag:$0x5], $0x80, s10, s28, $0xb8;
	[tilespmem:$0x1E800] =	vst v63  }
0x2f9: {  	_ =	swait.ge [sflag:s25], $0x2000  }
0x2fa: {  	[sflag:s25] =	ssyncset.done $0x0  }
0x2fb: {  	[sflag:s25] =	ssyncadd.s32 $0xFFFFE000  }
0x2fc: {  	[tilespmem:s29], [sflag:$0x1] =	stream.indirect.gather [hbm4b:s1+s28], $0x80, s11, s28, $0xb8;
	[tilespmem:$0x1E800] =	vst v63  }
0x2fd: {  	_ =	swait.ge [sflag:s7], $0x2000  }
0x2fe: {  	[sflag:s7] =	ssyncset.done $0x0  }
0x2ff: {  	[sflag:s7] =	ssyncadd.s32 $0xFFFFE000  }
0x300: {  	[spmem:s3] =	stream.indirect.scatter.add.f32 [tilespmem:s31], [sflag:$0x5], $0x80, s12, s28, $0xb8;
	[tilespmem:$0x1E800] =	vst v63  }
0x301: {  	_ =	swait.ge [sflag:s25], $0x2000  }
0x302: {  	[sflag:s25] =	ssyncset.done $0x0  }
0x303: {  	[sflag:s25] =	ssyncadd.s32 $0xFFFFE000  }
0x304: {  	[tilespmem:s31], [sflag:$0x2] =	stream.indirect.gather [hbm4b:s1+s28], $0x80, s13, s28, $0xb8;
	[tilespmem:$0x1E800] =	vst v63  }
0x305: {  	_ =	swait.ge [sflag:s8], $0x2000  }
0x306: {  	[sflag:s8] =	ssyncset.done $0x0  }
0x307: {  	[sflag:s8] =	ssyncadd.s32 $0xFFFFE000  }
0x308: {  	[spmem:s3] =	stream.indirect.scatter.add.f32 [tilespmem:s2], [sflag:$0x5], $0x80, s14, s28, $0xb8;
	[tilespmem:$0x1E800] =	vst v63  }
0x309: {  	_ =	swait.ge [sflag:s25], $0x2000  }
0x30a: {  	[sflag:s25] =	ssyncset.done $0x0  }
0x30b: {  	[sflag:s25] =	ssyncadd.s32 $0xFFFFE000  }
0x30c: {  	[tilespmem:s2], [sflag:$0x3] =	stream.indirect.gather [hbm4b:s1+s28], $0x80, s15, s28, $0xb8;
	[tilespmem:$0x1E800] =	vst v63  }
0x30d: {  	_ =	swait.ge [sflag:s9], $0x2000  }
0x30e: {  	[sflag:s9] =	ssyncset.done $0x0  }
0x30f: {  	[sflag:s9] =	ssyncadd.s32 $0xFFFFE000  }
0x310: {  	[spmem:s3] =	stream.indirect.scatter.add.f32 [tilespmem:s5], [sflag:$0x5], $0x80, s17, s28, $0xb8;
	[tilespmem:$0x1E800] =	vst v63  }
0x311: {  	_ =	swait.ge [sflag:s25], $0x2000  }
0x312: {  	[sflag:s25] =	ssyncset.done $0x0  }
0x313: {  	[sflag:s25] =	ssyncadd.s32 $0xFFFFE000  }
0x314: {  	[tilespmem:s5], [sflag:$0x4] =	stream.indirect.gather [hbm4b:s1+s28], $0x80, s18, s28, $0xb8;
	[tilespmem:$0x1E800] =	vst v63  }
0x315: {  	_ =	swait.ge [sflag:s6], $0x2000  }
0x316: {  	[sflag:s6] =	ssyncset.done $0x0  }
0x317: {  	[sflag:s6] =	ssyncadd.s32 $0xFFFFE000  }
0x318: {  	[spmem:s3] =	stream.indirect.scatter.add.f32 [tilespmem:s29], [sflag:$0x5], $0x80, s19, s28, $0xb8;
	[tilespmem:$0x1E800] =	vst v63  }
0x319: {  	_ =	swait.ge [sflag:s25], $0x2000  }
0x31a: {  	[sflag:s25] =	ssyncset.done $0x0  }
0x31b: {  	[sflag:s25] =	ssyncadd.s32 $0xFFFFE000  }
0x31c: {  	[tilespmem:s29], [sflag:$0x1] =	stream.indirect.gather [hbm4b:s1+s28], $0x80, s18, s28, $0xb8;
	[tilespmem:$0x1E800] =	vst v63  }
0x31d: {  	_ =	swait.ge [sflag:s7], $0x2000  }
0x31e: {  	[sflag:s7] =	ssyncset.done $0x0  }
0x31f: {  	[sflag:s7] =	ssyncadd.s32 $0xFFFFE000  }
0x320: {  	[spmem:s3] =	stream.indirect.scatter.add.f32 [tilespmem:s31], [sflag:$0x5], $0x80, s20, s28, $0xb8;
	[tilespmem:$0x1E800] =	vst v63  }
0x321: {  	_ =	swait.ge [sflag:s25], $0x2000  }
0x322: {  	[sflag:s25] =	ssyncset.done $0x0  }
0x323: {  	[sflag:s25] =	ssyncadd.s32 $0xFFFFE000  }
0x324: {  	[tilespmem:s31], [sflag:$0x2] =	stream.indirect.gather [hbm4b:s1+s28], $0x80, s18, s28, $0xb8;
	[tilespmem:$0x1E800] =	vst v63  }
0x325: {  	_ =	swait.ge [sflag:s8], $0x2000  }
0x326: {  	[sflag:s8] =	ssyncset.done $0x0  }
0x327: {  	[sflag:s8] =	ssyncadd.s32 $0xFFFFE000  }
0x328: {  	[spmem:s3] =	stream.indirect.scatter.add.f32 [tilespmem:s2], [sflag:$0x5], $0x80, s21, s28, $0xb8;
	[tilespmem:$0x1E800] =	vst v63  }
0x329: {  	_ =	swait.ge [sflag:s25], $0x2000  }
0x32a: {  	[sflag:s25] =	ssyncset.done $0x0  }
0x32b: {  	[sflag:s25] =	ssyncadd.s32 $0xFFFFE000  }
0x32c: {  	[tilespmem:s2], [sflag:$0x3] =	stream.indirect.gather [hbm4b:s1+s28], $0x80, s18, s28, $0xb8;
	[tilespmem:$0x1E800] =	vst v63  }
0x32d: {  	_ =	swait.ge [sflag:s9], $0x2000  }
0x32e: {  	[sflag:s9] =	ssyncset.done $0x0  }
0x32f: {  	[sflag:s9] =	ssyncadd.s32 $0xFFFFE000  }
0x330: {  	[spmem:s3] =	stream.indirect.scatter.add.f32 [tilespmem:s5], [sflag:$0x5], $0x80, s22, s28, $0xb8;
	[tilespmem:$0x1E800] =	vst v63  }
0x331: {  	_ =	swait.ge [sflag:s25], $0x2000  }
0x332: {  	[sflag:s25] =	ssyncset.done $0x0  }
0x333: {  	[sflag:s25] =	ssyncadd.s32 $0xFFFFE000  }
0x334: {  	[tilespmem:s5], [sflag:$0x4] =	stream.indirect.gather [hbm4b:s1+s28], $0x80, s18, s28, $0xb8;
	[tilespmem:$0x1E800] =	vst v63  }
0x335: {  	_ =	swait.ge [sflag:s6], $0x2000  }
0x336: {  	[sflag:s6] =	ssyncset.done $0x0  }
0x337: {  	[sflag:s6] =	ssyncadd.s32 $0xFFFFE000  }
0x338: {  	_ =	swait.ge [sflag:s7], $0x2000  }
0x339: {  	[sflag:s7] =	ssyncset.done $0x0  }
0x33a: {  	[sflag:s7] =	ssyncadd.s32 $0xFFFFE000  }
0x33b: {  	_ =	swait.ge [sflag:s8], $0x2000  }
0x33c: {  	[sflag:s8] =	ssyncset.done $0x0  }
0x33d: {  	[sflag:s8] =	ssyncadd.s32 $0xFFFFE000  }
0x33e: {  	_ =	swait.ge [sflag:s9], $0x2000  }
0x33f: {  	[sflag:s9] =	ssyncset.done $0x0  }
0x340: {  	s23 =	simm.s32 $0x0;
	s26 =	rddreg [dreg:$0xf];
	[sflag:s9] =	ssyncadd.s32 $0xFFFFE000  }
0x341: {  	[tilespmem:s23], [sflag:$0x5] =	stream.linear.gather [hbm4b:s26+s23], $0x1400, $0x38;
	[tilespmem:$0x1E800] =	vst v63  }
0x342: {  	_ =	swait.ge [sflag:s25], $0x1400  }
0x343: {  	[sflag:s25] =	ssyncset.done $0x0  }
0x344: {  	s26 =	simm.s32 $0x1400;
	s24 =	rddreg [dreg:$0x10];
	[sflag:s25] =	ssyncadd.s32 $0xFFFFEC00  }
0x345: {  	[tilespmem:s26], [sflag:$0x5] =	stream.linear.gather [hbm4b:s24+s23], $0x1400, $0x38;
	[tilespmem:$0x1E800] =	vst v63  }
0x346: {  	_ =	swait.ge [sflag:s25], $0x1400  }
0x347: {  	[sflag:s25] =	ssyncset.done $0x0  }
0x348: {  	[sflag:s25] =	ssyncadd.s32 $0xFFFFEC00  }
0x349: {  	[tilespmem:s29], [sflag:$0x1] =	stream.indirect.gather [hbm4b:s1+s28], $0x80, s23, s28, $0xb8;
	[tilespmem:$0x1E800] =	vst v63  }
0x34a: {  	_ = 	snop  }
0x34b: {  	[tilespmem:s31], [sflag:$0x2] =	stream.indirect.gather [hbm4b:s1+s28], $0x80, s30, s28, $0xb8;
	[tilespmem:$0x1E800] =	vst v63  }
0x34c: {  	_ = 	snop  }
0x34d: {  	[tilespmem:s2], [sflag:$0x3] =	stream.indirect.gather [hbm4b:s1+s28], $0x80, s16, s28, $0xb8;
	[tilespmem:$0x1E800] =	vst v63  }
0x34e: {  	_ = 	snop  }
0x34f: {  	[tilespmem:s5], [sflag:$0x4] =	stream.indirect.gather [hbm4b:s1+s28], $0x80, s0, s28, $0xb8;
	[tilespmem:$0x1E800] =	vst v63  }
0x350: {  	_ =	swait.ge [sflag:s6], $0x2000  }
0x351: {  	[sflag:s6] =	ssyncset.done $0x0  }
0x352: {  	s26 =	simm.s32 $0x1400;
	[sflag:s6] =	ssyncadd.s32 $0xFFFFE000  }
0x353: {  	[spmem:s3] =	stream.indirect.scatter.add.f32 [tilespmem:s29], [sflag:$0x5], $0x80, s26, s28, $0xb8;
	[tilespmem:$0x1E800] =	vst v63  }
0x354: {  	_ =	swait.ge [sflag:s25], $0x2000  }
0x355: {  	[sflag:s25] =	ssyncset.done $0x0  }
0x356: {  	s24 =	simm.s32 $0x200;
	[sflag:s25] =	ssyncadd.s32 $0xFFFFE000  }
0x357: {  	[tilespmem:s29], [sflag:$0x1] =	stream.indirect.gather [hbm4b:s1+s28], $0x80, s24, s28, $0xb8;
	[tilespmem:$0x1E800] =	vst v63  }
0x358: {  	_ =	swait.ge [sflag:s7], $0x2000  }
0x359: {  	[sflag:s7] =	ssyncset.done $0x0  }
0x35a: {  	s26 =	simm.s32 $0x1480;
	[sflag:s7] =	ssyncadd.s32 $0xFFFFE000  }
0x35b: {  	[spmem:s3] =	stream.indirect.scatter.add.f32 [tilespmem:s31], [sflag:$0x5], $0x80, s26, s28, $0xb8;
	[tilespmem:$0x1E800] =	vst v63  }
0x35c: {  	_ =	swait.ge [sflag:s25], $0x2000  }
0x35d: {  	[sflag:s25] =	ssyncset.done $0x0  }
0x35e: {  	s24 =	simm.s32 $0x280;
	[sflag:s25] =	ssyncadd.s32 $0xFFFFE000  }
0x35f: {  	[tilespmem:s31], [sflag:$0x2] =	stream.indirect.gather [hbm4b:s1+s28], $0x80, s24, s28, $0xb8;
	[tilespmem:$0x1E800] =	vst v63  }
0x360: {  	_ =	swait.ge [sflag:s8], $0x2000  }
0x361: {  	[sflag:s8] =	ssyncset.done $0x0  }
0x362: {  	s26 =	simm.s32 $0x1500;
	[sflag:s8] =	ssyncadd.s32 $0xFFFFE000  }
0x363: {  	[spmem:s3] =	stream.indirect.scatter.add.f32 [tilespmem:s2], [sflag:$0x5], $0x80, s26, s28, $0xb8;
	[tilespmem:$0x1E800] =	vst v63  }
0x364: {  	_ =	swait.ge [sflag:s25], $0x2000  }
0x365: {  	[sflag:s25] =	ssyncset.done $0x0  }
0x366: {  	s24 =	simm.s32 $0x300;
	[sflag:s25] =	ssyncadd.s32 $0xFFFFE000  }
0x367: {  	[tilespmem:s2], [sflag:$0x3] =	stream.indirect.gather [hbm4b:s1+s28], $0x80, s24, s28, $0xb8;
	[tilespmem:$0x1E800] =	vst v63  }
0x368: {  	_ =	swait.ge [sflag:s9], $0x2000  }
0x369: {  	[sflag:s9] =	ssyncset.done $0x0  }
0x36a: {  	s26 =	simm.s32 $0x1580;
	[sflag:s9] =	ssyncadd.s32 $0xFFFFE000  }
0x36b: {  	[spmem:s3] =	stream.indirect.scatter.add.f32 [tilespmem:s5], [sflag:$0x5], $0x80, s26, s28, $0xb8;
	[tilespmem:$0x1E800] =	vst v63  }
0x36c: {  	_ =	swait.ge [sflag:s25], $0x2000  }
0x36d: {  	[sflag:s25] =	ssyncset.done $0x0  }
0x36e: {  	s23 =	simm.s32 $0x800;
	s24 =	simm.s32 $0x380;
	[sflag:s25] =	ssyncadd.s32 $0xFFFFE000  }
.LBB2_13:
0x36f: {  	[tilespmem:s5], [sflag:$0x4] =	stream.indirect.gather [hbm4b:s1+s28], $0x80, s24, s28, $0xb8;
	[tilespmem:$0x1E800] =	vst v63  }
0x370: {  	s24 =	smov.u32 s23  }
0x371: {  	p1 =	sne.s32 s23, $0x3800;
	s23 =	sadd.s32 $0x800, s23;
	_ =	swait.ge [sflag:s6], $0x2000  }
0x372: {  	s24 =	sshra.s32 s24, $0x2;
	[sflag:s6] =	ssyncset.done $0x0  }
0x373: {  	s26 =	sadd.s32 $0x1400, s24;
	[sflag:s6] =	ssyncadd.s32 $0xFFFFE000  }
0x374: {  	[spmem:s3] =	stream.indirect.scatter.add.f32 [tilespmem:s29], [sflag:$0x5], $0x80, s26, s28, $0xb8;
	[tilespmem:$0x1E800] =	vst v63  }
0x375: {  	_ =	swait.ge [sflag:s25], $0x2000  }
0x376: {  	[sflag:s25] =	ssyncset.done $0x0  }
0x377: {  	s26 =	sadd.s32 $0x200, s24;
	[sflag:s25] =	ssyncadd.s32 $0xFFFFE000  }
0x378: {  	[tilespmem:s29], [sflag:$0x1] =	stream.indirect.gather [hbm4b:s1+s28], $0x80, s26, s28, $0xb8;
	[tilespmem:$0x1E800] =	vst v63  }
0x379: {  	_ =	swait.ge [sflag:s7], $0x2000  }
0x37a: {  	[sflag:s7] =	ssyncset.done $0x0  }
0x37b: {  	s26 =	sadd.s32 $0x1480, s24;
	[sflag:s7] =	ssyncadd.s32 $0xFFFFE000  }
0x37c: {  	[spmem:s3] =	stream.indirect.scatter.add.f32 [tilespmem:s31], [sflag:$0x5], $0x80, s26, s28, $0xb8;
	[tilespmem:$0x1E800] =	vst v63  }
0x37d: {  	_ =	swait.ge [sflag:s25], $0x2000  }
0x37e: {  	[sflag:s25] =	ssyncset.done $0x0  }
0x37f: {  	s26 =	sadd.s32 $0x280, s24;
	[sflag:s25] =	ssyncadd.s32 $0xFFFFE000  }
0x380: {  	[tilespmem:s31], [sflag:$0x2] =	stream.indirect.gather [hbm4b:s1+s28], $0x80, s26, s28, $0xb8;
	[tilespmem:$0x1E800] =	vst v63  }
0x381: {  	_ =	swait.ge [sflag:s8], $0x2000  }
0x382: {  	[sflag:s8] =	ssyncset.done $0x0  }
0x383: {  	s26 =	sadd.s32 $0x1500, s24;
	[sflag:s8] =	ssyncadd.s32 $0xFFFFE000  }
0x384: {  	[spmem:s3] =	stream.indirect.scatter.add.f32 [tilespmem:s2], [sflag:$0x5], $0x80, s26, s28, $0xb8;
	[tilespmem:$0x1E800] =	vst v63  }
0x385: {  	_ =	swait.ge [sflag:s25], $0x2000  }
0x386: {  	[sflag:s25] =	ssyncset.done $0x0  }
0x387: {  	s26 =	sadd.s32 $0x300, s24;
	[sflag:s25] =	ssyncadd.s32 $0xFFFFE000  }
0x388: {  	[tilespmem:s2], [sflag:$0x3] =	stream.indirect.gather [hbm4b:s1+s28], $0x80, s26, s28, $0xb8;
	[tilespmem:$0x1E800] =	vst v63  }
0x389: {  	_ =	swait.ge [sflag:s9], $0x2000  }
0x38a: {  	[sflag:s9] =	ssyncset.done $0x0  }
.Ltmp8:
0x38b: {  	s26 =	sadd.s32 $0x1580, s24;
	[sflag:s9] =	ssyncadd.s32 $0xFFFFE000;
	(pc) =	sbr.rel @p1 .LBB2_13-.Ltmp8, $4  }
0x38c: {  	[spmem:s3] =	stream.indirect.scatter.add.f32 [tilespmem:s5], [sflag:$0x5], $0x80, s26, s28, $0xb8;
	[tilespmem:$0x1E800] =	vst v63  }
0x38d: {  	_ =	swait.ge [sflag:s25], $0x2000  }
0x38e: {  	[sflag:s25] =	ssyncset.done $0x0  }
0x38f: {  	s24 =	sadd.s32 $0x380, s24;
	[sflag:s25] =	ssyncadd.s32 $0xFFFFE000  }
0x390: {  	[tilespmem:s5], [sflag:$0x4] =	stream.indirect.gather [hbm4b:s1+s28], $0x80, s24, s28, $0xb8;
	[tilespmem:$0x1E800] =	vst v63  }
0x391: {  	_ =	swait.ge [sflag:s6], $0x2000  }
0x392: {  	[sflag:s6] =	ssyncset.done $0x0  }
0x393: {  	[sflag:s6] =	ssyncadd.s32 $0xFFFFE000  }
0x394: {  	[spmem:s3] =	stream.indirect.scatter.add.f32 [tilespmem:s29], [sflag:$0x5], $0x80, s10, s28, $0xb8;
	[tilespmem:$0x1E800] =	vst v63  }
0x395: {  	_ =	swait.ge [sflag:s25], $0x2000  }
0x396: {  	[sflag:s25] =	ssyncset.done $0x0  }
0x397: {  	[sflag:s25] =	ssyncadd.s32 $0xFFFFE000  }
0x398: {  	[tilespmem:s29], [sflag:$0x1] =	stream.indirect.gather [hbm4b:s1+s28], $0x80, s11, s28, $0xb8;
	[tilespmem:$0x1E800] =	vst v63  }
0x399: {  	_ =	swait.ge [sflag:s7], $0x2000  }
0x39a: {  	[sflag:s7] =	ssyncset.done $0x0  }
0x39b: {  	[sflag:s7] =	ssyncadd.s32 $0xFFFFE000  }
0x39c: {  	[spmem:s3] =	stream.indirect.scatter.add.f32 [tilespmem:s31], [sflag:$0x5], $0x80, s12, s28, $0xb8;
	[tilespmem:$0x1E800] =	vst v63  }
0x39d: {  	_ =	swait.ge [sflag:s25], $0x2000  }
0x39e: {  	[sflag:s25] =	ssyncset.done $0x0  }
0x39f: {  	[sflag:s25] =	ssyncadd.s32 $0xFFFFE000  }
0x3a0: {  	[tilespmem:s31], [sflag:$0x2] =	stream.indirect.gather [hbm4b:s1+s28], $0x80, s13, s28, $0xb8;
	[tilespmem:$0x1E800] =	vst v63  }
0x3a1: {  	_ =	swait.ge [sflag:s8], $0x2000  }
0x3a2: {  	[sflag:s8] =	ssyncset.done $0x0  }
0x3a3: {  	[sflag:s8] =	ssyncadd.s32 $0xFFFFE000  }
0x3a4: {  	[spmem:s3] =	stream.indirect.scatter.add.f32 [tilespmem:s2], [sflag:$0x5], $0x80, s14, s28, $0xb8;
	[tilespmem:$0x1E800] =	vst v63  }
0x3a5: {  	_ =	swait.ge [sflag:s25], $0x2000  }
0x3a6: {  	[sflag:s25] =	ssyncset.done $0x0  }
0x3a7: {  	[sflag:s25] =	ssyncadd.s32 $0xFFFFE000  }
0x3a8: {  	[tilespmem:s2], [sflag:$0x3] =	stream.indirect.gather [hbm4b:s1+s28], $0x80, s15, s28, $0xb8;
	[tilespmem:$0x1E800] =	vst v63  }
0x3a9: {  	_ =	swait.ge [sflag:s9], $0x2000  }
0x3aa: {  	[sflag:s9] =	ssyncset.done $0x0  }
0x3ab: {  	[sflag:s9] =	ssyncadd.s32 $0xFFFFE000  }
0x3ac: {  	[spmem:s3] =	stream.indirect.scatter.add.f32 [tilespmem:s5], [sflag:$0x5], $0x80, s17, s28, $0xb8;
	[tilespmem:$0x1E800] =	vst v63  }
0x3ad: {  	_ =	swait.ge [sflag:s25], $0x2000  }
0x3ae: {  	[sflag:s25] =	ssyncset.done $0x0  }
0x3af: {  	[sflag:s25] =	ssyncadd.s32 $0xFFFFE000  }
0x3b0: {  	[tilespmem:s5], [sflag:$0x4] =	stream.indirect.gather [hbm4b:s1+s28], $0x80, s18, s28, $0xb8;
	[tilespmem:$0x1E800] =	vst v63  }
0x3b1: {  	_ =	swait.ge [sflag:s6], $0x2000  }
0x3b2: {  	[sflag:s6] =	ssyncset.done $0x0  }
0x3b3: {  	[sflag:s6] =	ssyncadd.s32 $0xFFFFE000  }
0x3b4: {  	[spmem:s3] =	stream.indirect.scatter.add.f32 [tilespmem:s29], [sflag:$0x5], $0x80, s19, s28, $0xb8;
	[tilespmem:$0x1E800] =	vst v63  }
0x3b5: {  	_ =	swait.ge [sflag:s25], $0x2000  }
0x3b6: {  	[sflag:s25] =	ssyncset.done $0x0  }
0x3b7: {  	[sflag:s25] =	ssyncadd.s32 $0xFFFFE000  }
0x3b8: {  	[tilespmem:s29], [sflag:$0x1] =	stream.indirect.gather [hbm4b:s1+s28], $0x80, s18, s28, $0xb8;
	[tilespmem:$0x1E800] =	vst v63  }
0x3b9: {  	_ =	swait.ge [sflag:s7], $0x2000  }
0x3ba: {  	[sflag:s7] =	ssyncset.done $0x0  }
0x3bb: {  	[sflag:s7] =	ssyncadd.s32 $0xFFFFE000  }
0x3bc: {  	[spmem:s3] =	stream.indirect.scatter.add.f32 [tilespmem:s31], [sflag:$0x5], $0x80, s20, s28, $0xb8;
	[tilespmem:$0x1E800] =	vst v63  }
0x3bd: {  	_ =	swait.ge [sflag:s25], $0x2000  }
0x3be: {  	[sflag:s25] =	ssyncset.done $0x0  }
0x3bf: {  	[sflag:s25] =	ssyncadd.s32 $0xFFFFE000  }
0x3c0: {  	[tilespmem:s31], [sflag:$0x2] =	stream.indirect.gather [hbm4b:s1+s28], $0x80, s18, s28, $0xb8;
	[tilespmem:$0x1E800] =	vst v63  }
0x3c1: {  	_ =	swait.ge [sflag:s8], $0x2000  }
0x3c2: {  	[sflag:s8] =	ssyncset.done $0x0  }
0x3c3: {  	[sflag:s8] =	ssyncadd.s32 $0xFFFFE000  }
0x3c4: {  	[spmem:s3] =	stream.indirect.scatter.add.f32 [tilespmem:s2], [sflag:$0x5], $0x80, s21, s28, $0xb8;
	[tilespmem:$0x1E800] =	vst v63  }
0x3c5: {  	_ =	swait.ge [sflag:s25], $0x2000  }
0x3c6: {  	[sflag:s25] =	ssyncset.done $0x0  }
0x3c7: {  	[sflag:s25] =	ssyncadd.s32 $0xFFFFE000  }
0x3c8: {  	[tilespmem:s2], [sflag:$0x3] =	stream.indirect.gather [hbm4b:s1+s28], $0x80, s18, s28, $0xb8;
	[tilespmem:$0x1E800] =	vst v63  }
0x3c9: {  	_ =	swait.ge [sflag:s9], $0x2000  }
0x3ca: {  	[sflag:s9] =	ssyncset.done $0x0  }
0x3cb: {  	[sflag:s9] =	ssyncadd.s32 $0xFFFFE000  }
0x3cc: {  	[spmem:s3] =	stream.indirect.scatter.add.f32 [tilespmem:s5], [sflag:$0x5], $0x80, s22, s28, $0xb8;
	[tilespmem:$0x1E800] =	vst v63  }
0x3cd: {  	_ =	swait.ge [sflag:s25], $0x2000  }
0x3ce: {  	[sflag:s25] =	ssyncset.done $0x0  }
0x3cf: {  	[sflag:s25] =	ssyncadd.s32 $0xFFFFE000  }
0x3d0: {  	[tilespmem:s5], [sflag:$0x4] =	stream.indirect.gather [hbm4b:s1+s28], $0x80, s18, s28, $0xb8;
	[tilespmem:$0x1E800] =	vst v63  }
0x3d1: {  	_ =	swait.ge [sflag:s6], $0x2000  }
0x3d2: {  	[sflag:s6] =	ssyncset.done $0x0  }
0x3d3: {  	[sflag:s6] =	ssyncadd.s32 $0xFFFFE000  }
0x3d4: {  	_ =	swait.ge [sflag:s7], $0x2000  }
0x3d5: {  	[sflag:s7] =	ssyncset.done $0x0  }
0x3d6: {  	[sflag:s7] =	ssyncadd.s32 $0xFFFFE000  }
0x3d7: {  	_ =	swait.ge [sflag:s8], $0x2000  }
0x3d8: {  	[sflag:s8] =	ssyncset.done $0x0  }
0x3d9: {  	[sflag:s8] =	ssyncadd.s32 $0xFFFFE000  }
0x3da: {  	_ =	swait.ge [sflag:s9], $0x2000  }
0x3db: {  	[sflag:s9] =	ssyncset.done $0x0  }
0x3dc: {  	s23 =	simm.s32 $0x0;
	s26 =	rddreg [dreg:$0x11];
	[sflag:s9] =	ssyncadd.s32 $0xFFFFE000  }
0x3dd: {  	[tilespmem:s23], [sflag:$0x5] =	stream.linear.gather [hbm4b:s26+s23], $0x1400, $0x38;
	[tilespmem:$0x1E800] =	vst v63  }
0x3de: {  	_ =	swait.ge [sflag:s25], $0x1400  }
0x3df: {  	[sflag:s25] =	ssyncset.done $0x0  }
0x3e0: {  	s26 =	simm.s32 $0x1400;
	s24 =	rddreg [dreg:$0x12];
	[sflag:s25] =	ssyncadd.s32 $0xFFFFEC00  }
0x3e1: {  	[tilespmem:s26], [sflag:$0x5] =	stream.linear.gather [hbm4b:s24+s23], $0x1400, $0x38;
	[tilespmem:$0x1E800] =	vst v63  }
0x3e2: {  	_ =	swait.ge [sflag:s25], $0x1400  }
0x3e3: {  	[sflag:s25] =	ssyncset.done $0x0  }
0x3e4: {  	[sflag:s25] =	ssyncadd.s32 $0xFFFFEC00  }
0x3e5: {  	[tilespmem:s29], [sflag:$0x1] =	stream.indirect.gather [hbm4b:s1+s28], $0x80, s23, s28, $0xb8;
	[tilespmem:$0x1E800] =	vst v63  }
0x3e6: {  	_ = 	snop  }
0x3e7: {  	[tilespmem:s31], [sflag:$0x2] =	stream.indirect.gather [hbm4b:s1+s28], $0x80, s30, s28, $0xb8;
	[tilespmem:$0x1E800] =	vst v63  }
0x3e8: {  	_ = 	snop  }
0x3e9: {  	[tilespmem:s2], [sflag:$0x3] =	stream.indirect.gather [hbm4b:s1+s28], $0x80, s16, s28, $0xb8;
	[tilespmem:$0x1E800] =	vst v63  }
0x3ea: {  	_ = 	snop  }
0x3eb: {  	[tilespmem:s5], [sflag:$0x4] =	stream.indirect.gather [hbm4b:s1+s28], $0x80, s0, s28, $0xb8;
	[tilespmem:$0x1E800] =	vst v63  }
0x3ec: {  	_ =	swait.ge [sflag:s6], $0x2000  }
0x3ed: {  	[sflag:s6] =	ssyncset.done $0x0  }
0x3ee: {  	s26 =	simm.s32 $0x1400;
	[sflag:s6] =	ssyncadd.s32 $0xFFFFE000  }
0x3ef: {  	[spmem:s3] =	stream.indirect.scatter.add.f32 [tilespmem:s29], [sflag:$0x5], $0x80, s26, s28, $0xb8;
	[tilespmem:$0x1E800] =	vst v63  }
0x3f0: {  	_ =	swait.ge [sflag:s25], $0x2000  }
0x3f1: {  	[sflag:s25] =	ssyncset.done $0x0  }
0x3f2: {  	s24 =	simm.s32 $0x200;
	[sflag:s25] =	ssyncadd.s32 $0xFFFFE000  }
0x3f3: {  	[tilespmem:s29], [sflag:$0x1] =	stream.indirect.gather [hbm4b:s1+s28], $0x80, s24, s28, $0xb8;
	[tilespmem:$0x1E800] =	vst v63  }
0x3f4: {  	_ =	swait.ge [sflag:s7], $0x2000  }
0x3f5: {  	[sflag:s7] =	ssyncset.done $0x0  }
0x3f6: {  	s26 =	simm.s32 $0x1480;
	[sflag:s7] =	ssyncadd.s32 $0xFFFFE000  }
0x3f7: {  	[spmem:s3] =	stream.indirect.scatter.add.f32 [tilespmem:s31], [sflag:$0x5], $0x80, s26, s28, $0xb8;
	[tilespmem:$0x1E800] =	vst v63  }
0x3f8: {  	_ =	swait.ge [sflag:s25], $0x2000  }
0x3f9: {  	[sflag:s25] =	ssyncset.done $0x0  }
0x3fa: {  	s24 =	simm.s32 $0x280;
	[sflag:s25] =	ssyncadd.s32 $0xFFFFE000  }
0x3fb: {  	[tilespmem:s31], [sflag:$0x2] =	stream.indirect.gather [hbm4b:s1+s28], $0x80, s24, s28, $0xb8;
	[tilespmem:$0x1E800] =	vst v63  }
0x3fc: {  	_ =	swait.ge [sflag:s8], $0x2000  }
0x3fd: {  	[sflag:s8] =	ssyncset.done $0x0  }
0x3fe: {  	s26 =	simm.s32 $0x1500;
	[sflag:s8] =	ssyncadd.s32 $0xFFFFE000  }
0x3ff: {  	[spmem:s3] =	stream.indirect.scatter.add.f32 [tilespmem:s2], [sflag:$0x5], $0x80, s26, s28, $0xb8;
	[tilespmem:$0x1E800] =	vst v63  }
0x400: {  	_ =	swait.ge [sflag:s25], $0x2000  }
0x401: {  	[sflag:s25] =	ssyncset.done $0x0  }
0x402: {  	s24 =	simm.s32 $0x300;
	[sflag:s25] =	ssyncadd.s32 $0xFFFFE000  }
0x403: {  	[tilespmem:s2], [sflag:$0x3] =	stream.indirect.gather [hbm4b:s1+s28], $0x80, s24, s28, $0xb8;
	[tilespmem:$0x1E800] =	vst v63  }
0x404: {  	_ =	swait.ge [sflag:s9], $0x2000  }
0x405: {  	[sflag:s9] =	ssyncset.done $0x0  }
0x406: {  	s26 =	simm.s32 $0x1580;
	[sflag:s9] =	ssyncadd.s32 $0xFFFFE000  }
0x407: {  	[spmem:s3] =	stream.indirect.scatter.add.f32 [tilespmem:s5], [sflag:$0x5], $0x80, s26, s28, $0xb8;
	[tilespmem:$0x1E800] =	vst v63  }
0x408: {  	_ =	swait.ge [sflag:s25], $0x2000  }
0x409: {  	[sflag:s25] =	ssyncset.done $0x0  }
0x40a: {  	s23 =	simm.s32 $0x800;
	s24 =	simm.s32 $0x380;
	[sflag:s25] =	ssyncadd.s32 $0xFFFFE000  }
.LBB2_15:
0x40b: {  	[tilespmem:s5], [sflag:$0x4] =	stream.indirect.gather [hbm4b:s1+s28], $0x80, s24, s28, $0xb8;
	[tilespmem:$0x1E800] =	vst v63  }
0x40c: {  	s24 =	smov.u32 s23  }
0x40d: {  	p1 =	sne.s32 s23, $0x3800;
	s23 =	sadd.s32 $0x800, s23;
	_ =	swait.ge [sflag:s6], $0x2000  }
0x40e: {  	s24 =	sshra.s32 s24, $0x2;
	[sflag:s6] =	ssyncset.done $0x0  }
0x40f: {  	s26 =	sadd.s32 $0x1400, s24;
	[sflag:s6] =	ssyncadd.s32 $0xFFFFE000  }
0x410: {  	[spmem:s3] =	stream.indirect.scatter.add.f32 [tilespmem:s29], [sflag:$0x5], $0x80, s26, s28, $0xb8;
	[tilespmem:$0x1E800] =	vst v63  }
0x411: {  	_ =	swait.ge [sflag:s25], $0x2000  }
0x412: {  	[sflag:s25] =	ssyncset.done $0x0  }
0x413: {  	s26 =	sadd.s32 $0x200, s24;
	[sflag:s25] =	ssyncadd.s32 $0xFFFFE000  }
0x414: {  	[tilespmem:s29], [sflag:$0x1] =	stream.indirect.gather [hbm4b:s1+s28], $0x80, s26, s28, $0xb8;
	[tilespmem:$0x1E800] =	vst v63  }
0x415: {  	_ =	swait.ge [sflag:s7], $0x2000  }
0x416: {  	[sflag:s7] =	ssyncset.done $0x0  }
0x417: {  	s26 =	sadd.s32 $0x1480, s24;
	[sflag:s7] =	ssyncadd.s32 $0xFFFFE000  }
0x418: {  	[spmem:s3] =	stream.indirect.scatter.add.f32 [tilespmem:s31], [sflag:$0x5], $0x80, s26, s28, $0xb8;
	[tilespmem:$0x1E800] =	vst v63  }
0x419: {  	_ =	swait.ge [sflag:s25], $0x2000  }
0x41a: {  	[sflag:s25] =	ssyncset.done $0x0  }
0x41b: {  	s26 =	sadd.s32 $0x280, s24;
	[sflag:s25] =	ssyncadd.s32 $0xFFFFE000  }
0x41c: {  	[tilespmem:s31], [sflag:$0x2] =	stream.indirect.gather [hbm4b:s1+s28], $0x80, s26, s28, $0xb8;
	[tilespmem:$0x1E800] =	vst v63  }
0x41d: {  	_ =	swait.ge [sflag:s8], $0x2000  }
0x41e: {  	[sflag:s8] =	ssyncset.done $0x0  }
0x41f: {  	s26 =	sadd.s32 $0x1500, s24;
	[sflag:s8] =	ssyncadd.s32 $0xFFFFE000  }
0x420: {  	[spmem:s3] =	stream.indirect.scatter.add.f32 [tilespmem:s2], [sflag:$0x5], $0x80, s26, s28, $0xb8;
	[tilespmem:$0x1E800] =	vst v63  }
0x421: {  	_ =	swait.ge [sflag:s25], $0x2000  }
0x422: {  	[sflag:s25] =	ssyncset.done $0x0  }
0x423: {  	s26 =	sadd.s32 $0x300, s24;
	[sflag:s25] =	ssyncadd.s32 $0xFFFFE000  }
0x424: {  	[tilespmem:s2], [sflag:$0x3] =	stream.indirect.gather [hbm4b:s1+s28], $0x80, s26, s28, $0xb8;
	[tilespmem:$0x1E800] =	vst v63  }
0x425: {  	_ =	swait.ge [sflag:s9], $0x2000  }
0x426: {  	[sflag:s9] =	ssyncset.done $0x0  }
.Ltmp9:
0x427: {  	s26 =	sadd.s32 $0x1580, s24;
	[sflag:s9] =	ssyncadd.s32 $0xFFFFE000;
	(pc) =	sbr.rel @p1 .LBB2_15-.Ltmp9, $4  }
0x428: {  	[spmem:s3] =	stream.indirect.scatter.add.f32 [tilespmem:s5], [sflag:$0x5], $0x80, s26, s28, $0xb8;
	[tilespmem:$0x1E800] =	vst v63  }
0x429: {  	_ =	swait.ge [sflag:s25], $0x2000  }
0x42a: {  	[sflag:s25] =	ssyncset.done $0x0  }
0x42b: {  	s24 =	sadd.s32 $0x380, s24;
	[sflag:s25] =	ssyncadd.s32 $0xFFFFE000  }
0x42c: {  	[tilespmem:s5], [sflag:$0x4] =	stream.indirect.gather [hbm4b:s1+s28], $0x80, s24, s28, $0xb8;
	[tilespmem:$0x1E800] =	vst v63  }
0x42d: {  	_ =	swait.ge [sflag:s6], $0x2000  }
0x42e: {  	[sflag:s6] =	ssyncset.done $0x0  }
0x42f: {  	[sflag:s6] =	ssyncadd.s32 $0xFFFFE000  }
0x430: {  	[spmem:s3] =	stream.indirect.scatter.add.f32 [tilespmem:s29], [sflag:$0x5], $0x80, s10, s28, $0xb8;
	[tilespmem:$0x1E800] =	vst v63  }
0x431: {  	_ =	swait.ge [sflag:s25], $0x2000  }
0x432: {  	[sflag:s25] =	ssyncset.done $0x0  }
0x433: {  	[sflag:s25] =	ssyncadd.s32 $0xFFFFE000  }
0x434: {  	[tilespmem:s29], [sflag:$0x1] =	stream.indirect.gather [hbm4b:s1+s28], $0x80, s11, s28, $0xb8;
	[tilespmem:$0x1E800] =	vst v63  }
0x435: {  	_ =	swait.ge [sflag:s7], $0x2000  }
0x436: {  	[sflag:s7] =	ssyncset.done $0x0  }
0x437: {  	[sflag:s7] =	ssyncadd.s32 $0xFFFFE000  }
0x438: {  	[spmem:s3] =	stream.indirect.scatter.add.f32 [tilespmem:s31], [sflag:$0x5], $0x80, s12, s28, $0xb8;
	[tilespmem:$0x1E800] =	vst v63  }
0x439: {  	_ =	swait.ge [sflag:s25], $0x2000  }
0x43a: {  	[sflag:s25] =	ssyncset.done $0x0  }
0x43b: {  	[sflag:s25] =	ssyncadd.s32 $0xFFFFE000  }
0x43c: {  	[tilespmem:s31], [sflag:$0x2] =	stream.indirect.gather [hbm4b:s1+s28], $0x80, s13, s28, $0xb8;
	[tilespmem:$0x1E800] =	vst v63  }
0x43d: {  	_ =	swait.ge [sflag:s8], $0x2000  }
0x43e: {  	[sflag:s8] =	ssyncset.done $0x0  }
0x43f: {  	[sflag:s8] =	ssyncadd.s32 $0xFFFFE000  }
0x440: {  	[spmem:s3] =	stream.indirect.scatter.add.f32 [tilespmem:s2], [sflag:$0x5], $0x80, s14, s28, $0xb8;
	[tilespmem:$0x1E800] =	vst v63  }
0x441: {  	_ =	swait.ge [sflag:s25], $0x2000  }
0x442: {  	[sflag:s25] =	ssyncset.done $0x0  }
0x443: {  	[sflag:s25] =	ssyncadd.s32 $0xFFFFE000  }
0x444: {  	[tilespmem:s2], [sflag:$0x3] =	stream.indirect.gather [hbm4b:s1+s28], $0x80, s15, s28, $0xb8;
	[tilespmem:$0x1E800] =	vst v63  }
0x445: {  	_ =	swait.ge [sflag:s9], $0x2000  }
0x446: {  	[sflag:s9] =	ssyncset.done $0x0  }
0x447: {  	[sflag:s9] =	ssyncadd.s32 $0xFFFFE000  }
0x448: {  	[spmem:s3] =	stream.indirect.scatter.add.f32 [tilespmem:s5], [sflag:$0x5], $0x80, s17, s28, $0xb8;
	[tilespmem:$0x1E800] =	vst v63  }
0x449: {  	_ =	swait.ge [sflag:s25], $0x2000  }
0x44a: {  	[sflag:s25] =	ssyncset.done $0x0  }
0x44b: {  	[sflag:s25] =	ssyncadd.s32 $0xFFFFE000  }
0x44c: {  	[tilespmem:s5], [sflag:$0x4] =	stream.indirect.gather [hbm4b:s1+s28], $0x80, s18, s28, $0xb8;
	[tilespmem:$0x1E800] =	vst v63  }
0x44d: {  	_ =	swait.ge [sflag:s6], $0x2000  }
0x44e: {  	[sflag:s6] =	ssyncset.done $0x0  }
0x44f: {  	[sflag:s6] =	ssyncadd.s32 $0xFFFFE000  }
0x450: {  	[spmem:s3] =	stream.indirect.scatter.add.f32 [tilespmem:s29], [sflag:$0x5], $0x80, s19, s28, $0xb8;
	[tilespmem:$0x1E800] =	vst v63  }
0x451: {  	_ =	swait.ge [sflag:s25], $0x2000  }
0x452: {  	[sflag:s25] =	ssyncset.done $0x0  }
0x453: {  	[sflag:s25] =	ssyncadd.s32 $0xFFFFE000  }
0x454: {  	[tilespmem:s29], [sflag:$0x1] =	stream.indirect.gather [hbm4b:s1+s28], $0x80, s18, s28, $0xb8;
	[tilespmem:$0x1E800] =	vst v63  }
0x455: {  	_ =	swait.ge [sflag:s7], $0x2000  }
0x456: {  	[sflag:s7] =	ssyncset.done $0x0  }
0x457: {  	[sflag:s7] =	ssyncadd.s32 $0xFFFFE000  }
0x458: {  	[spmem:s3] =	stream.indirect.scatter.add.f32 [tilespmem:s31], [sflag:$0x5], $0x80, s20, s28, $0xb8;
	[tilespmem:$0x1E800] =	vst v63  }
0x459: {  	_ =	swait.ge [sflag:s25], $0x2000  }
0x45a: {  	[sflag:s25] =	ssyncset.done $0x0  }
0x45b: {  	[sflag:s25] =	ssyncadd.s32 $0xFFFFE000  }
0x45c: {  	[tilespmem:s31], [sflag:$0x2] =	stream.indirect.gather [hbm4b:s1+s28], $0x80, s18, s28, $0xb8;
	[tilespmem:$0x1E800] =	vst v63  }
0x45d: {  	_ =	swait.ge [sflag:s8], $0x2000  }
0x45e: {  	[sflag:s8] =	ssyncset.done $0x0  }
0x45f: {  	[sflag:s8] =	ssyncadd.s32 $0xFFFFE000  }
0x460: {  	[spmem:s3] =	stream.indirect.scatter.add.f32 [tilespmem:s2], [sflag:$0x5], $0x80, s21, s28, $0xb8;
	[tilespmem:$0x1E800] =	vst v63  }
0x461: {  	_ =	swait.ge [sflag:s25], $0x2000  }
0x462: {  	[sflag:s25] =	ssyncset.done $0x0  }
0x463: {  	[sflag:s25] =	ssyncadd.s32 $0xFFFFE000  }
0x464: {  	[tilespmem:s2], [sflag:$0x3] =	stream.indirect.gather [hbm4b:s1+s28], $0x80, s18, s28, $0xb8;
	[tilespmem:$0x1E800] =	vst v63  }
0x465: {  	_ =	swait.ge [sflag:s9], $0x2000  }
0x466: {  	[sflag:s9] =	ssyncset.done $0x0  }
0x467: {  	[sflag:s9] =	ssyncadd.s32 $0xFFFFE000  }
0x468: {  	[spmem:s3] =	stream.indirect.scatter.add.f32 [tilespmem:s5], [sflag:$0x5], $0x80, s22, s28, $0xb8;
	[tilespmem:$0x1E800] =	vst v63  }
0x469: {  	_ =	swait.ge [sflag:s25], $0x2000  }
0x46a: {  	[sflag:s25] =	ssyncset.done $0x0  }
0x46b: {  	[sflag:s25] =	ssyncadd.s32 $0xFFFFE000  }
0x46c: {  	[tilespmem:s5], [sflag:$0x4] =	stream.indirect.gather [hbm4b:s1+s28], $0x80, s18, s28, $0xb8;
	[tilespmem:$0x1E800] =	vst v63  }
0x46d: {  	_ =	swait.ge [sflag:s6], $0x2000  }
0x46e: {  	[sflag:s6] =	ssyncset.done $0x0  }
0x46f: {  	[sflag:s6] =	ssyncadd.s32 $0xFFFFE000  }
0x470: {  	_ =	swait.ge [sflag:s7], $0x2000  }
0x471: {  	[sflag:s7] =	ssyncset.done $0x0  }
0x472: {  	[sflag:s7] =	ssyncadd.s32 $0xFFFFE000  }
0x473: {  	_ =	swait.ge [sflag:s8], $0x2000  }
0x474: {  	[sflag:s8] =	ssyncset.done $0x0  }
0x475: {  	[sflag:s8] =	ssyncadd.s32 $0xFFFFE000  }
0x476: {  	_ =	swait.ge [sflag:s9], $0x2000  }
0x477: {  	[sflag:s9] =	ssyncset.done $0x0  }
0x478: {  	s23 =	simm.s32 $0x0;
	s26 =	rddreg [dreg:$0x13];
	[sflag:s9] =	ssyncadd.s32 $0xFFFFE000  }
0x479: {  	[tilespmem:s23], [sflag:$0x5] =	stream.linear.gather [hbm4b:s26+s23], $0x1400, $0x38;
	[tilespmem:$0x1E800] =	vst v63  }
0x47a: {  	_ =	swait.ge [sflag:s25], $0x1400  }
0x47b: {  	[sflag:s25] =	ssyncset.done $0x0  }
0x47c: {  	s26 =	simm.s32 $0x1400;
	s24 =	rddreg [dreg:$0x14];
	[sflag:s25] =	ssyncadd.s32 $0xFFFFEC00  }
0x47d: {  	[tilespmem:s26], [sflag:$0x5] =	stream.linear.gather [hbm4b:s24+s23], $0x1400, $0x38;
	[tilespmem:$0x1E800] =	vst v63  }
0x47e: {  	_ =	swait.ge [sflag:s25], $0x1400  }
0x47f: {  	[sflag:s25] =	ssyncset.done $0x0  }
0x480: {  	[sflag:s25] =	ssyncadd.s32 $0xFFFFEC00  }
0x481: {  	[tilespmem:s29], [sflag:$0x1] =	stream.indirect.gather [hbm4b:s1+s28], $0x80, s23, s28, $0xb8;
	[tilespmem:$0x1E800] =	vst v63  }
0x482: {  	_ = 	snop  }
0x483: {  	[tilespmem:s31], [sflag:$0x2] =	stream.indirect.gather [hbm4b:s1+s28], $0x80, s30, s28, $0xb8;
	[tilespmem:$0x1E800] =	vst v63  }
0x484: {  	_ = 	snop  }
0x485: {  	[tilespmem:s2], [sflag:$0x3] =	stream.indirect.gather [hbm4b:s1+s28], $0x80, s16, s28, $0xb8;
	[tilespmem:$0x1E800] =	vst v63  }
0x486: {  	_ = 	snop  }
0x487: {  	[tilespmem:s5], [sflag:$0x4] =	stream.indirect.gather [hbm4b:s1+s28], $0x80, s0, s28, $0xb8;
	[tilespmem:$0x1E800] =	vst v63  }
0x488: {  	_ =	swait.ge [sflag:s6], $0x2000  }
0x489: {  	[sflag:s6] =	ssyncset.done $0x0  }
0x48a: {  	s26 =	simm.s32 $0x1400;
	[sflag:s6] =	ssyncadd.s32 $0xFFFFE000  }
0x48b: {  	[spmem:s3] =	stream.indirect.scatter.add.f32 [tilespmem:s29], [sflag:$0x5], $0x80, s26, s28, $0xb8;
	[tilespmem:$0x1E800] =	vst v63  }
0x48c: {  	_ =	swait.ge [sflag:s25], $0x2000  }
0x48d: {  	[sflag:s25] =	ssyncset.done $0x0  }
0x48e: {  	s24 =	simm.s32 $0x200;
	[sflag:s25] =	ssyncadd.s32 $0xFFFFE000  }
0x48f: {  	[tilespmem:s29], [sflag:$0x1] =	stream.indirect.gather [hbm4b:s1+s28], $0x80, s24, s28, $0xb8;
	[tilespmem:$0x1E800] =	vst v63  }
0x490: {  	_ =	swait.ge [sflag:s7], $0x2000  }
0x491: {  	[sflag:s7] =	ssyncset.done $0x0  }
0x492: {  	s26 =	simm.s32 $0x1480;
	[sflag:s7] =	ssyncadd.s32 $0xFFFFE000  }
0x493: {  	[spmem:s3] =	stream.indirect.scatter.add.f32 [tilespmem:s31], [sflag:$0x5], $0x80, s26, s28, $0xb8;
	[tilespmem:$0x1E800] =	vst v63  }
0x494: {  	_ =	swait.ge [sflag:s25], $0x2000  }
0x495: {  	[sflag:s25] =	ssyncset.done $0x0  }
0x496: {  	s24 =	simm.s32 $0x280;
	[sflag:s25] =	ssyncadd.s32 $0xFFFFE000  }
0x497: {  	[tilespmem:s31], [sflag:$0x2] =	stream.indirect.gather [hbm4b:s1+s28], $0x80, s24, s28, $0xb8;
	[tilespmem:$0x1E800] =	vst v63  }
0x498: {  	_ =	swait.ge [sflag:s8], $0x2000  }
0x499: {  	[sflag:s8] =	ssyncset.done $0x0  }
0x49a: {  	s26 =	simm.s32 $0x1500;
	[sflag:s8] =	ssyncadd.s32 $0xFFFFE000  }
0x49b: {  	[spmem:s3] =	stream.indirect.scatter.add.f32 [tilespmem:s2], [sflag:$0x5], $0x80, s26, s28, $0xb8;
	[tilespmem:$0x1E800] =	vst v63  }
0x49c: {  	_ =	swait.ge [sflag:s25], $0x2000  }
0x49d: {  	[sflag:s25] =	ssyncset.done $0x0  }
0x49e: {  	s24 =	simm.s32 $0x300;
	[sflag:s25] =	ssyncadd.s32 $0xFFFFE000  }
0x49f: {  	[tilespmem:s2], [sflag:$0x3] =	stream.indirect.gather [hbm4b:s1+s28], $0x80, s24, s28, $0xb8;
	[tilespmem:$0x1E800] =	vst v63  }
0x4a0: {  	_ =	swait.ge [sflag:s9], $0x2000  }
0x4a1: {  	[sflag:s9] =	ssyncset.done $0x0  }
0x4a2: {  	s26 =	simm.s32 $0x1580;
	[sflag:s9] =	ssyncadd.s32 $0xFFFFE000  }
0x4a3: {  	[spmem:s3] =	stream.indirect.scatter.add.f32 [tilespmem:s5], [sflag:$0x5], $0x80, s26, s28, $0xb8;
	[tilespmem:$0x1E800] =	vst v63  }
0x4a4: {  	_ =	swait.ge [sflag:s25], $0x2000  }
0x4a5: {  	[sflag:s25] =	ssyncset.done $0x0  }
0x4a6: {  	s23 =	simm.s32 $0x800;
	s24 =	simm.s32 $0x380;
	[sflag:s25] =	ssyncadd.s32 $0xFFFFE000  }
.LBB2_17:
0x4a7: {  	[tilespmem:s5], [sflag:$0x4] =	stream.indirect.gather [hbm4b:s1+s28], $0x80, s24, s28, $0xb8;
	[tilespmem:$0x1E800] =	vst v63  }
0x4a8: {  	s24 =	smov.u32 s23  }
0x4a9: {  	p1 =	seq.s32 s23, $0x3800;
	s23 =	sadd.s32 $0x800, s23;
	_ =	swait.ge [sflag:s6], $0x2000  }
0x4aa: {  	s24 =	sshra.s32 s24, $0x2;
	[sflag:s6] =	ssyncset.done $0x0  }
0x4ab: {  	s26 =	sadd.s32 $0x1400, s24;
	[sflag:s6] =	ssyncadd.s32 $0xFFFFE000  }
0x4ac: {  	[spmem:s3] =	stream.indirect.scatter.add.f32 [tilespmem:s29], [sflag:$0x5], $0x80, s26, s28, $0xb8;
	[tilespmem:$0x1E800] =	vst v63  }
0x4ad: {  	_ =	swait.ge [sflag:s25], $0x2000  }
0x4ae: {  	[sflag:s25] =	ssyncset.done $0x0  }
0x4af: {  	s26 =	sadd.s32 $0x200, s24;
	[sflag:s25] =	ssyncadd.s32 $0xFFFFE000  }
0x4b0: {  	[tilespmem:s29], [sflag:$0x1] =	stream.indirect.gather [hbm4b:s1+s28], $0x80, s26, s28, $0xb8;
	[tilespmem:$0x1E800] =	vst v63  }
0x4b1: {  	_ =	swait.ge [sflag:s7], $0x2000  }
0x4b2: {  	[sflag:s7] =	ssyncset.done $0x0  }
0x4b3: {  	s26 =	sadd.s32 $0x1480, s24;
	[sflag:s7] =	ssyncadd.s32 $0xFFFFE000  }
0x4b4: {  	[spmem:s3] =	stream.indirect.scatter.add.f32 [tilespmem:s31], [sflag:$0x5], $0x80, s26, s28, $0xb8;
	[tilespmem:$0x1E800] =	vst v63  }
0x4b5: {  	_ =	swait.ge [sflag:s25], $0x2000  }
0x4b6: {  	[sflag:s25] =	ssyncset.done $0x0  }
0x4b7: {  	s26 =	sadd.s32 $0x280, s24;
	[sflag:s25] =	ssyncadd.s32 $0xFFFFE000  }
0x4b8: {  	[tilespmem:s31], [sflag:$0x2] =	stream.indirect.gather [hbm4b:s1+s28], $0x80, s26, s28, $0xb8;
	[tilespmem:$0x1E800] =	vst v63  }
0x4b9: {  	_ =	swait.ge [sflag:s8], $0x2000  }
0x4ba: {  	[sflag:s8] =	ssyncset.done $0x0  }
0x4bb: {  	s26 =	sadd.s32 $0x1500, s24;
	[sflag:s8] =	ssyncadd.s32 $0xFFFFE000  }
0x4bc: {  	[spmem:s3] =	stream.indirect.scatter.add.f32 [tilespmem:s2], [sflag:$0x5], $0x80, s26, s28, $0xb8;
	[tilespmem:$0x1E800] =	vst v63  }
0x4bd: {  	_ =	swait.ge [sflag:s25], $0x2000  }
0x4be: {  	[sflag:s25] =	ssyncset.done $0x0  }
0x4bf: {  	s26 =	sadd.s32 $0x300, s24;
	[sflag:s25] =	ssyncadd.s32 $0xFFFFE000  }
0x4c0: {  	[tilespmem:s2], [sflag:$0x3] =	stream.indirect.gather [hbm4b:s1+s28], $0x80, s26, s28, $0xb8;
	[tilespmem:$0x1E800] =	vst v63  }
0x4c1: {  	_ =	swait.ge [sflag:s9], $0x2000  }
0x4c2: {  	[sflag:s9] =	ssyncset.done $0x0  }
.Ltmp10:
0x4c3: {  	s26 =	sadd.s32 $0x1580, s24;
	[sflag:s9] =	ssyncadd.s32 $0xFFFFE000;
	(pc) =	sbr.rel @!p1 .LBB2_17-.Ltmp10, $4  }
0x4c4: {  	[spmem:s3] =	stream.indirect.scatter.add.f32 [tilespmem:s5], [sflag:$0x5], $0x80, s26, s28, $0xb8;
	[tilespmem:$0x1E800] =	vst v63  }
0x4c5: {  	_ =	swait.ge [sflag:s25], $0x2000  }
0x4c6: {  	[sflag:s25] =	ssyncset.done $0x0  }
0x4c7: {  	s24 =	sadd.s32 $0x380, s24;
	[sflag:s25] =	ssyncadd.s32 $0xFFFFE000  }
0x4c8: {  	[tilespmem:s5], [sflag:$0x4] =	stream.indirect.gather [hbm4b:s1+s28], $0x80, s24, s28, $0xb8;
	[tilespmem:$0x1E800] =	vst v63  }
0x4c9: {  	_ =	swait.ge [sflag:s6], $0x2000  }
0x4ca: {  	[sflag:s6] =	ssyncset.done $0x0  }
0x4cb: {  	[sflag:s6] =	ssyncadd.s32 $0xFFFFE000  }
0x4cc: {  	[spmem:s3] =	stream.indirect.scatter.add.f32 [tilespmem:s29], [sflag:$0x5], $0x80, s10, s28, $0xb8;
	[tilespmem:$0x1E800] =	vst v63  }
0x4cd: {  	_ =	swait.ge [sflag:s25], $0x2000  }
0x4ce: {  	[sflag:s25] =	ssyncset.done $0x0  }
0x4cf: {  	[sflag:s25] =	ssyncadd.s32 $0xFFFFE000  }
0x4d0: {  	[tilespmem:s29], [sflag:$0x1] =	stream.indirect.gather [hbm4b:s1+s28], $0x80, s11, s28, $0xb8;
	[tilespmem:$0x1E800] =	vst v63  }
0x4d1: {  	_ =	swait.ge [sflag:s7], $0x2000  }
0x4d2: {  	[sflag:s7] =	ssyncset.done $0x0  }
0x4d3: {  	[sflag:s7] =	ssyncadd.s32 $0xFFFFE000  }
0x4d4: {  	[spmem:s3] =	stream.indirect.scatter.add.f32 [tilespmem:s31], [sflag:$0x5], $0x80, s12, s28, $0xb8;
	[tilespmem:$0x1E800] =	vst v63  }
0x4d5: {  	_ =	swait.ge [sflag:s25], $0x2000  }
0x4d6: {  	[sflag:s25] =	ssyncset.done $0x0  }
0x4d7: {  	[sflag:s25] =	ssyncadd.s32 $0xFFFFE000  }
0x4d8: {  	[tilespmem:s31], [sflag:$0x2] =	stream.indirect.gather [hbm4b:s1+s28], $0x80, s13, s28, $0xb8;
	[tilespmem:$0x1E800] =	vst v63  }
0x4d9: {  	_ =	swait.ge [sflag:s8], $0x2000  }
0x4da: {  	[sflag:s8] =	ssyncset.done $0x0  }
0x4db: {  	[sflag:s8] =	ssyncadd.s32 $0xFFFFE000  }
0x4dc: {  	[spmem:s3] =	stream.indirect.scatter.add.f32 [tilespmem:s2], [sflag:$0x5], $0x80, s14, s28, $0xb8;
	[tilespmem:$0x1E800] =	vst v63  }
0x4dd: {  	_ =	swait.ge [sflag:s25], $0x2000  }
0x4de: {  	[sflag:s25] =	ssyncset.done $0x0  }
0x4df: {  	[sflag:s25] =	ssyncadd.s32 $0xFFFFE000  }
0x4e0: {  	[tilespmem:s2], [sflag:$0x3] =	stream.indirect.gather [hbm4b:s1+s28], $0x80, s15, s28, $0xb8;
	[tilespmem:$0x1E800] =	vst v63  }
0x4e1: {  	_ =	swait.ge [sflag:s9], $0x2000  }
0x4e2: {  	[sflag:s9] =	ssyncset.done $0x0  }
0x4e3: {  	[sflag:s9] =	ssyncadd.s32 $0xFFFFE000  }
0x4e4: {  	[spmem:s3] =	stream.indirect.scatter.add.f32 [tilespmem:s5], [sflag:$0x5], $0x80, s17, s28, $0xb8;
	[tilespmem:$0x1E800] =	vst v63  }
0x4e5: {  	_ =	swait.ge [sflag:s25], $0x2000  }
0x4e6: {  	[sflag:s25] =	ssyncset.done $0x0  }
0x4e7: {  	[sflag:s25] =	ssyncadd.s32 $0xFFFFE000  }
0x4e8: {  	[tilespmem:s5], [sflag:$0x4] =	stream.indirect.gather [hbm4b:s1+s28], $0x80, s18, s28, $0xb8;
	[tilespmem:$0x1E800] =	vst v63  }
0x4e9: {  	_ =	swait.ge [sflag:s6], $0x2000  }
0x4ea: {  	[sflag:s6] =	ssyncset.done $0x0  }
0x4eb: {  	[sflag:s6] =	ssyncadd.s32 $0xFFFFE000  }
0x4ec: {  	[spmem:s3] =	stream.indirect.scatter.add.f32 [tilespmem:s29], [sflag:$0x5], $0x80, s19, s28, $0xb8;
	[tilespmem:$0x1E800] =	vst v63  }
0x4ed: {  	_ =	swait.ge [sflag:s25], $0x2000  }
0x4ee: {  	[sflag:s25] =	ssyncset.done $0x0  }
0x4ef: {  	[sflag:s25] =	ssyncadd.s32 $0xFFFFE000  }
0x4f0: {  	[tilespmem:s29], [sflag:$0x1] =	stream.indirect.gather [hbm4b:s1+s28], $0x80, s18, s28, $0xb8;
	[tilespmem:$0x1E800] =	vst v63  }
0x4f1: {  	_ =	swait.ge [sflag:s7], $0x2000  }
0x4f2: {  	[sflag:s7] =	ssyncset.done $0x0  }
0x4f3: {  	[sflag:s7] =	ssyncadd.s32 $0xFFFFE000  }
0x4f4: {  	[spmem:s3] =	stream.indirect.scatter.add.f32 [tilespmem:s31], [sflag:$0x5], $0x80, s20, s28, $0xb8;
	[tilespmem:$0x1E800] =	vst v63  }
0x4f5: {  	_ =	swait.ge [sflag:s25], $0x2000  }
0x4f6: {  	[sflag:s25] =	ssyncset.done $0x0  }
0x4f7: {  	[sflag:s25] =	ssyncadd.s32 $0xFFFFE000  }
0x4f8: {  	[tilespmem:s31], [sflag:$0x2] =	stream.indirect.gather [hbm4b:s1+s28], $0x80, s18, s28, $0xb8;
	[tilespmem:$0x1E800] =	vst v63  }
0x4f9: {  	_ =	swait.ge [sflag:s8], $0x2000  }
0x4fa: {  	[sflag:s8] =	ssyncset.done $0x0  }
0x4fb: {  	[sflag:s8] =	ssyncadd.s32 $0xFFFFE000  }
0x4fc: {  	[spmem:s3] =	stream.indirect.scatter.add.f32 [tilespmem:s2], [sflag:$0x5], $0x80, s21, s28, $0xb8;
	[tilespmem:$0x1E800] =	vst v63  }
0x4fd: {  	_ =	swait.ge [sflag:s25], $0x2000  }
0x4fe: {  	[sflag:s25] =	ssyncset.done $0x0  }
0x4ff: {  	[sflag:s25] =	ssyncadd.s32 $0xFFFFE000  }
0x500: {  	[tilespmem:s2], [sflag:$0x3] =	stream.indirect.gather [hbm4b:s1+s28], $0x80, s18, s28, $0xb8;
	[tilespmem:$0x1E800] =	vst v63  }
0x501: {  	_ =	swait.ge [sflag:s9], $0x2000  }
0x502: {  	[sflag:s9] =	ssyncset.done $0x0  }
0x503: {  	[sflag:s9] =	ssyncadd.s32 $0xFFFFE000  }
0x504: {  	[spmem:s3] =	stream.indirect.scatter.add.f32 [tilespmem:s5], [sflag:$0x5], $0x80, s22, s28, $0xb8;
	[tilespmem:$0x1E800] =	vst v63  }
0x505: {  	_ =	swait.ge [sflag:s25], $0x2000  }
0x506: {  	[sflag:s25] =	ssyncset.done $0x0  }
0x507: {  	[sflag:s25] =	ssyncadd.s32 $0xFFFFE000  }
0x508: {  	[tilespmem:s5], [sflag:$0x4] =	stream.indirect.gather [hbm4b:s1+s28], $0x80, s18, s28, $0xb8;
	[tilespmem:$0x1E800] =	vst v63  }
0x509: {  	_ =	swait.ge [sflag:s6], $0x2000  }
0x50a: {  	[sflag:s6] =	ssyncset.done $0x0  }
0x50b: {  	[sflag:s6] =	ssyncadd.s32 $0xFFFFE000  }
0x50c: {  	_ =	swait.ge [sflag:s7], $0x2000  }
0x50d: {  	[sflag:s7] =	ssyncset.done $0x0  }
0x50e: {  	[sflag:s7] =	ssyncadd.s32 $0xFFFFE000  }
0x50f: {  	_ =	swait.ge [sflag:s8], $0x2000  }
0x510: {  	[sflag:s8] =	ssyncset.done $0x0  }
0x511: {  	[sflag:s8] =	ssyncadd.s32 $0xFFFFE000  }
0x512: {  	_ =	swait.ge [sflag:s9], $0x2000  }
0x513: {  	[sflag:s9] =	ssyncset.done $0x0  }
0x514: {  	[sflag:s9] =	ssyncadd.s32 $0xFFFFE000  }
0x515: {  	[bflag:$0x0] =	sbarrier.arrive $0xFFFF  }
0x516: {  	s23 =	rddreg [dreg:$0x16]  }
0x517: {  	s24 =	rddreg [dreg:$0x18]  }
.Ltmp11:
0x518: {  	s26 =	rddreg [dreg:$0x19];
	(pc) =	sbr.rel .LBB2_19-.Ltmp11, $4  }
0x519: {  	[hbm:s23], [sflag:s24] =	dma.local [spmem:s26], $0x2800  }
0x51a: {  	_ =	swait.ge [sflag:s25], $0x2800  }
0x51b: {  	[sflag:s25] =	ssyncset.done $0x0  }
0x51c: {  	s23 =	rddreg [dreg:$0x17];
	[sflag:s25] =	ssyncadd.s32 $0xFFFFD800  }
.LBB2_20:
0x51d: {  	_ =	sfence.sel $0x180000  }
0x51e: {  	[bflag:$0x0] =	sbarrier.arrive $0xFFFF  }
0x51f: {  	_ =	strace $0x9000004D  }
0x520: {  	s0 =	stileid.u32;
	[bflag:$0x2] =	sbarrier.arrive $0xFFFF  }
0x521: {  	p0 =	sne.s32 s0, $0x0;
	s0 =	rddreg [dreg:$0x4]  }
0x522: {  	s0 =	sadd.s32 @!p0 $0x100000, s0  }
0x523: {  	[sflag:s0] =	ssyncadd.tile.s32 @!p0 $0x1;
	_ =	shalt  }
.Lfunc_end2:
_tile_overlayer_lowered:
.L_overlay_start_2:
0x524: {  	(tag) =	ssettag $0x2  }
0x525: {  	s0 =	rddreg [dreg:$0x0];
	s2 =	stileid.u32  }
0x526: {  	s1 =	rddreg [dreg:$0x1];
	p0 =	sne.s32 s2, $0x0  }
0x527: {  	s3 =	rddreg [dreg:$0x2];
	[bflag:$0x3] =	sbarrier.arrive $0xFFFF;
	s2 =	simm.s32 @!p0 $0x1C05  }
0x528: {  	[timem:s3], [sflag:s2] =	dma.local @!p0 [hbm:s0], s1  }
0x529: {  	s0 =	simm.s32 @!p0 $0x5  }
0x52a: {  	_ =	swait.ge @!p0 [sflag:s0], s1  }
0x52b: {  	s1 =	ssub.s32 @!p0 $0x0, s1;
	[sflag:s0] =	ssyncset.done @!p0 $0x0  }
0x52c: {  	[sflag:s0] =	ssyncadd.s32 @!p0 s1  }
0x52d: {  	[bflag:$0x3] =	sbarrier.arrive $0xFFFF  }
0x52e: {  	_ =	shalt  }

</sc_bundles>
